<compile_context>
chip_gen: v7x
topology: tpu7x:2x2x1
jax: 0.10.2.dev20260603
libtpu: 0.0.44.dev20260713+nightly
codegen_flags: <defaults>
</compile_context>

<pallas_src>
import functools

import jax
import jax.numpy as jnp
from jax import lax
from jax.experimental import pallas as pl
from jax.experimental.pallas import tpu as pltpu
from jax.experimental.pallas import tpu_sc as plsc

RADIUS2 = 0.2 * 0.2
NSMP = 32
L = 16
NW = 32


@functools.lru_cache(maxsize=None)
def _make_fused(B, N, S, C):
    NB = NW // B
    SQ = S // NB
    NCH = N // L
    BPC = B // 2
    CPT = (B * C) // NW
    CH = 128
    NQC = S // CH
    OC = C + 3
    mesh = plsc.VectorSubcoreMesh(core_axis_name="c", subcore_axis_name="s")

    @functools.partial(
        pl.kernel,
        out_type=jax.ShapeDtypeStruct((B, OC, NSMP, S), jnp.float32),
        mesh=mesh,
        compiler_params=pltpu.CompilerParams(needs_layout_passes=False,
                                             use_tc_tiling_on_sc=True),
        scratch_types=[
            pltpu.VMEM((3 * SQ,), jnp.float32),
            pltpu.VMEM((256,), jnp.int32),
            pltpu.VMEM((NSMP, CH), jnp.int32),
            pltpu.VMEM_SHARED((BPC * NB, NSMP, SQ), jnp.int32),
            pltpu.SemaphoreType.DMA,
            pltpu.SemaphoreType.DMA,
        ],
    )
    def fused(xyz_hbm, q_hbm, feat_hbm, out_hbm, qrs, idxbuf, idxc, idx_sh,
              sem0, sem1):
        wid = lax.axis_index("c") * 16 + lax.axis_index("s")

        b = wid // NB
        q0 = (wid % NB) * SQ
        lb = b % BPC

        def phase_a(pts, stage, idx_out, gx_out):
            iota = lax.broadcasted_iota(jnp.int32, (L,), 0)
            zeros16 = jnp.zeros((L,), jnp.int32)
            pltpu.sync_copy(xyz_hbm.at[pl.ds(b * N * 3, N * 3)], stage)
            pltpu.sync_copy(q_hbm.at[pl.ds((b * S + q0) * 3, SQ * 3)],
                            qrs)
            iota3 = iota * 3

            def tr(g, carry):
                for c in range(3):
                    v = plsc.load_gather(stage, [iota3 + (g * (3 * L) + c)])
                    pts[pl.ds(c * N + g * L, L)] = v
                return carry

            lax.fori_loop(0, N // L, tr, 0)

            def per_query(s, carry):
                idxbuf[pl.ds(0, L)] = zeros16
                qx = plsc.load_gather(qrs, [jnp.full((L,), 3 * s, jnp.int32)])
                qy = plsc.load_gather(qrs,
                                      [jnp.full((L,), 3 * s + 1, jnp.int32)])
                qz = plsc.load_gather(qrs,
                                      [jnp.full((L,), 3 * s + 2, jnp.int32)])

                def cond(cr):
                    ch, cnt = cr
                    return jnp.logical_and(cnt < NSMP, ch < NCH // 8)

                def body(cr):
                    ch, cnt = cr
                    i0 = ch * (8 * L)
                    coords = [(pts[pl.ds(i0 + h * L, L)],
                               pts[pl.ds(N + i0 + h * L, L)],
                               pts[pl.ds(2 * N + i0 + h * L, L)])
                              for h in range(8)]
                    ms = []
                    for vx, vy, vz in coords:
                        dx = vx - qx
                        dy = vy - qy
                        dz = vz - qz
                        ms.append(dx * dx + dy * dy + dz * dz < RADIUS2)
                    pcs = [plsc.all_reduce_population_count(m) for m in ms]
                    cnt1 = cnt
                    for h, m in enumerate(ms):
                        plsc.store_compressed(idxbuf.at[pl.ds(cnt1, L)],
                                              iota + (i0 + h * L), mask=m)
                        cnt1 = cnt1 + pcs[h][0]
                    return ch + 1, cnt1

                _, cnt = lax.while_loop(cond, body,
                                        (jnp.int32(0), jnp.int32(0)))

                first = plsc.load_gather(idxbuf, [zeros16])
                sel0 = jnp.where(iota < cnt, idxbuf[pl.ds(0, L)], first)
                sel1 = jnp.where(iota + L < cnt, idxbuf[pl.ds(L, L)], first)
                fs = jnp.full((L,), s, jnp.int32)
                plsc.store_scatter(idx_out, [iota, fs], sel0)
                plsc.store_scatter(idx_out, [iota + L, fs], sel1)
                for ci, qv in enumerate((qx, qy, qz)):
                    fc = jnp.full((L,), ci, jnp.int32)
                    g0 = plsc.load_gather(pts, [sel0 + ci * N]) - qv
                    g1 = plsc.load_gather(pts, [sel1 + ci * N]) - qv
                    plsc.store_scatter(gx_out, [fc, iota, fs], g0)
                    plsc.store_scatter(gx_out, [fc, iota + L, fs], g1)
                return carry

            lax.fori_loop(0, SQ, per_query, 0)
            pltpu.sync_copy(idx_out, idx_sh.at[lb * NB + (wid % NB)])
            for c in range(3):
                pltpu.sync_copy(gx_out.at[c],
                                out_hbm.at[b, c, :, pl.ds(q0, SQ)])

        pl.run_scoped(
            phase_a,
            pltpu.VMEM((3 * N,), jnp.float32),
            pltpu.VMEM((3 * N,), jnp.float32),
            pltpu.VMEM((NSMP, SQ), jnp.int32),
            pltpu.VMEM((3, NSMP, SQ), jnp.float32),
        )

        plsc.subcore_barrier()

        u0 = wid * CPT
        b2 = u0 // C
        c0 = u0 % C
        lb2 = b2 % BPC

        HS = NSMP // 2

        def phase_b(feats, outb0, outb1):
            pltpu.sync_copy(feat_hbm.at[pl.ds((b2 * C + c0) * N, CPT * N)],
                            feats)
            cpb = SQ // CH
            outbs = (outb0, outb1)
            sems = (sem0, sem1)

            def load_idx(qc):
                pltpu.sync_copy(
                    idx_sh.at[lb2 * NB + qc // cpb, :,
                              pl.ds((qc % cpb) * CH, CH)],
                    idxc)

            def gather_half(h, buf):
                def per_slot(k, c2):
                    for g in range(CH // L):
                        ids = idxc[h * HS + k, pl.ds(g * L, L)]
                        for j in range(CPT):
                            buf[j, k, pl.ds(g * L, L)] = plsc.load_gather(
                                feats.at[pl.ds(j * N, N)], [ids])
                    return c2

                lax.fori_loop(0, HS, per_slot, 0)

            def out_dst(qc, h):
                return out_hbm.at[b2, pl.ds(3 + c0, CPT),
                                  pl.ds(h * HS, HS), pl.ds(qc * CH, CH)]

            load_idx(0)
            for h in range(2):
                gather_half(h, outbs[h])
                pltpu.async_copy(outbs[h], out_dst(0, h), sems[h])

            def per_chunk(qc, carry):
                load_idx(qc)
                for h in range(2):
                    pltpu.make_async_copy(outbs[h], out_dst(qc - 1, h),
                                          sems[h]).wait()
                    gather_half(h, outbs[h])
                    pltpu.async_copy(outbs[h], out_dst(qc, h), sems[h])
                return carry

            lax.fori_loop(1, NQC, per_chunk, 0)
            for h in range(2):
                pltpu.make_async_copy(outbs[h], out_dst(NQC - 1, h),
                                      sems[h]).wait()

        pl.run_scoped(
            phase_b,
            pltpu.VMEM((CPT * N,), jnp.float32),
            pltpu.VMEM((CPT, HS, CH), jnp.float32),
            pltpu.VMEM((CPT, HS, CH), jnp.float32),
        )

    return fused


def kernel(xyz, new_xyz, features):
    B, N, _ = xyz.shape
    S = new_xyz.shape[1]
    C = features.shape[1]
    out_t = _make_fused(B, N, S, C)(xyz.reshape(-1), new_xyz.reshape(-1),
                                    features.reshape(-1))
    return jnp.swapaxes(out_t, 2, 3)

# --- scband reference (transcript-rebuilt; emitter-appended) ---
"""Pipeline reference for scband-query-and-group-81844896792773 (READ-ONLY COPY).

The authoritative reference and input builder live on the scoring server;
editing this copy changes nothing except your own understanding.
"""

import jax, jax.numpy as jnp
import numpy as np

RADIUS = 0.2
NSAMPLE = 32


def setup_inputs(seed: int = 0) -> dict:
    key = jax.random.key(seed)
    k1, k2, k3 = jax.random.split(key, 3)
    xyz = jax.random.uniform(k1, (4, 8192, 3), dtype=jnp.float32)
    new_xyz = jax.random.uniform(k2, (4, 2048, 3), dtype=jnp.float32)
    features = jax.random.normal(k3, (4, 64, 8192), dtype=jnp.float32)
    return {"xyz": xyz, "new_xyz": new_xyz, "features": features}


def ball_query(xyz, new_xyz, radius, nsample):
    # xyz: (B, N, 3), new_xyz: (B, S, 3) -> idx: (B, S, nsample) int32
    B, N, _ = xyz.shape
    diff = new_xyz[:, :, None, :] - xyz[:, None, :, :]
    dist2 = jnp.sum(diff * diff, axis=-1)  # (B, S, N)
    mask = dist2 < (radius * radius)
    # candidate = point index if inside ball, else sentinel N (sorts last)
    cand = jnp.where(mask, jnp.arange(N, dtype=jnp.int32)[None, None, :], jnp.int32(N))
    sorted_idx = jnp.sort(cand, axis=-1)[:, :, :nsample]  # first nsample in-ball points by index order
    first = sorted_idx[:, :, 0:1]
    # pad missing slots with the first found index (CUDA ball_query semantics)
    idx = jnp.where(sorted_idx < N, sorted_idx, jnp.broadcast_to(first, sorted_idx.shape))
    # if no point in ball at all, fall back to index 0
    idx = jnp.where(idx >= N, 0, idx)
    return idx.astype(jnp.int32)


def reference(xyz, new_xyz, features):
    B = xyz.shape[0]
    idx = ball_query(xyz, new_xyz, RADIUS, NSAMPLE)  # (B, S, ns)
    bidx = jnp.arange(B)[:, None, None]
    # group xyz coordinates: gather -> (B, S, ns, 3) -> (B, 3, S, ns)
    grouped_xyz = xyz[bidx, idx]
    grouped_xyz = jnp.transpose(grouped_xyz, (0, 3, 1, 2))
    grouped_xyz = grouped_xyz - jnp.transpose(new_xyz, (0, 2, 1))[..., None]
    # group features: (B, C, N) -> (B, N, C) gather -> (B, S, ns, C) -> (B, C, S, ns)
    features_t = jnp.transpose(features, (0, 2, 1))
    grouped_features = features_t[bidx, idx]
    grouped_features = jnp.transpose(grouped_features, (0, 3, 1, 2))
    # use_xyz=True: concat along channel dim -> (B, 3+C, S, ns)
    new_features = jnp.concatenate([grouped_xyz, grouped_features], axis=1)
    return new_features

if __name__ == "__main__":
    import jax
    _d = setup_inputs()
    print(jax.jit(kernel)(*tuple(_d.values())))

</pallas_src>

<mosaic_0001>
#map = affine_map<(d0, d1) -> (0)>
#map1 = affine_map<(d0, d1) -> (0, 0, 0, 0)>
module attributes {stable_mosaic.version = 14 : i64} {
  func.func @fused(%arg0: i32, %arg1: i32, %arg2: memref<98304xf32, #tpu.memory_space<hbm>>, %arg3: memref<24576xf32, #tpu.memory_space<hbm>>, %arg4: memref<2097152xf32, #tpu.memory_space<hbm>>, %arg5: memref<4x67x32x2048xf32, #tpu.memory_space<hbm>>, %arg6: memref<768xf32, #tpu.memory_space<vmem>>, %arg7: memref<256xi32, #tpu.memory_space<vmem>>, %arg8: memref<32x128xi32, #tpu.memory_space<vmem>>, %arg9: memref<16x32x256xi32, #tpu.memory_space<vmem_shared>>, %arg10: memref<!tpu.dma_semaphore, #tpu.memory_space<semaphore_mem>>, %arg11: memref<!tpu.dma_semaphore, #tpu.memory_space<semaphore_mem>>) attributes {dimension_semantics = [#tpu.dimension_semantics<core_parallel>, #tpu.dimension_semantics<subcore_parallel>], iteration_bounds = array<i64: 2, 16>, scalar_prefetch = 0 : i64, scratch_operands = 6 : i64, tpu.core_type = #tpu.core_type<sc_vector_subcore>, window_params = [{transform_indices = #map}, {transform_indices = #map}, {transform_indices = #map}, {transform_indices = #map1}]} {
    %mul3A = arith.constant 16 : i32
    %mul3A_0 = arith.muli %arg0, %mul3A : i32
    %add3A = arith.addi %mul3A_0, %arg1 : i32
    %jit3A = arith.constant 8 : i32
    %div3A = arith.divsi %add3A, %jit3A : i32
    %sign3A = arith.constant 0 : i32
    %sign3A_1 = arith.cmpi sgt, %add3A, %sign3A : i32
    %sign3A_2 = arith.extui %sign3A_1 : i1 to i32
    %sign3A_3 = arith.constant 0 : i32
    %sign3A_4 = arith.cmpi slt, %add3A, %sign3A_3 : i32
    %sign3A_5 = arith.extui %sign3A_4 : i1 to i32
    %sign3A_6 = arith.subi %sign3A_2, %sign3A_5 : i32
    %sign3A_7 = arith.constant 0 : i32
    %sign3A_8 = arith.cmpi sgt, %jit3A, %sign3A_7 : i32
    %sign3A_9 = arith.extui %sign3A_8 : i1 to i32
    %sign3A_10 = arith.constant 0 : i32
    %sign3A_11 = arith.cmpi slt, %jit3A, %sign3A_10 : i32
    %sign3A_12 = arith.extui %sign3A_11 : i1 to i32
    %sign3A_13 = arith.subi %sign3A_9, %sign3A_12 : i32
    %ne3A = arith.cmpi ne, %sign3A_6, %sign3A_13 : i32
    %rem3A = arith.remsi %add3A, %jit3A : i32
    %ne3A_14 = arith.constant 0 : i32
    %ne3A_15 = arith.cmpi ne, %rem3A, %ne3A_14 : i32
    %and3A = arith.andi %ne3A, %ne3A_15 : i1
    %sub3A = arith.constant 1 : i32
    %sub3A_16 = arith.subi %div3A, %sub3A : i32
    %select_n3A = arith.select %and3A, %sub3A_16, %div3A : i32
    %jit3A_17 = arith.constant 8 : i32
    %eq3A = arith.constant 0 : i32
    %eq3A_18 = arith.cmpi eq, %jit3A_17, %eq3A : i32
    %jit3A_19 = arith.constant 1 : i32
    %select_n3A_20 = arith.select %eq3A_18, %jit3A_19, %jit3A_17 : i32
    %rem3A_21 = arith.remsi %add3A, %select_n3A_20 : i32
    %ne3A_22 = arith.constant 0 : i32
    %ne3A_23 = arith.cmpi ne, %rem3A_21, %ne3A_22 : i32
    %lt3A = arith.constant 0 : i32
    %lt3A_24 = arith.cmpi slt, %rem3A_21, %lt3A : i32
    %lt3A_25 = arith.constant 0 : i32
    %lt3A_26 = arith.cmpi slt, %select_n3A_20, %lt3A_25 : i32
    %ne3A_27 = arith.xori %lt3A_24, %lt3A_26 : i1
    %and3A_28 = arith.andi %ne3A_27, %ne3A_23 : i1
    %add3A_29 = arith.addi %rem3A_21, %select_n3A_20 : i32
    %select_n3A_30 = arith.select %and3A_28, %add3A_29, %rem3A_21 : i32
    %mul3A_31 = arith.constant 256 : i32
    %mul3A_32 = arith.muli %select_n3A_30, %mul3A_31 : i32
    %jit3A_33 = arith.constant 2 : i32
    %eq3A_34 = arith.constant 0 : i32
    %eq3A_35 = arith.cmpi eq, %jit3A_33, %eq3A_34 : i32
    %jit3A_36 = arith.constant 1 : i32
    %select_n3A_37 = arith.select %eq3A_35, %jit3A_36, %jit3A_33 : i32
    %rem3A_38 = arith.remsi %select_n3A, %select_n3A_37 : i32
    %ne3A_39 = arith.constant 0 : i32
    %ne3A_40 = arith.cmpi ne, %rem3A_38, %ne3A_39 : i32
    %lt3A_41 = arith.constant 0 : i32
    %lt3A_42 = arith.cmpi slt, %rem3A_38, %lt3A_41 : i32
    %lt3A_43 = arith.constant 0 : i32
    %lt3A_44 = arith.cmpi slt, %select_n3A_37, %lt3A_43 : i32
    %ne3A_45 = arith.xori %lt3A_42, %lt3A_44 : i1
    %and3A_46 = arith.andi %ne3A_45, %ne3A_40 : i1
    %add3A_47 = arith.addi %rem3A_38, %select_n3A_37 : i32
    %select_n3A_48 = arith.select %and3A_46, %add3A_47, %rem3A_38 : i32
    "tpu.region"() ({
      %run_scoped3A = memref.alloca() : memref<24576xf32, #tpu.memory_space<vmem>>
      %run_scoped3A_107 = memref.alloca() : memref<24576xf32, #tpu.memory_space<vmem>>
      %run_scoped3A_108 = memref.alloca() : memref<32x256xi32, #tpu.memory_space<vmem>>
      %run_scoped3A_109 = memref.alloca() : memref<3x32x256xf32, #tpu.memory_space<vmem>>
      %iota3A = tpu.iota {dimensions = array<i32: 0>} : vector<16xi32>
      %broadcast_in_dim3A = arith.constant 0 : i32
      %broadcast_in_dim3A_110 = vector.broadcast %broadcast_in_dim3A : i32 to vector<16xi32>
      %mul3A_111 = arith.constant 8192 : i32
      %mul3A_112 = arith.muli %select_n3A, %mul3A_111 : i32
      %mul3A_113 = arith.constant 3 : i32
      %mul3A_114 = arith.muli %mul3A_112, %mul3A_113 : i32
      "tpu.region"() ({
        %run_scoped3A_159 = tpu.sem_alloc : memref<!tpu.dma_semaphore, #tpu.memory_space<semaphore_mem>>
        %dma_start3A = tpu.memref_slice %arg2[%mul3A_114] : memref<98304xf32, #tpu.memory_space<hbm>> -> memref<24576xf32, #tpu.memory_space<hbm>>
        %dma_start3A_160 = tpu.memref_slice %arg2[%mul3A_114] : memref<98304xf32, #tpu.memory_space<hbm>> -> memref<24576xf32, #tpu.memory_space<hbm>>
        tpu.enqueue_dma source(%dma_start3A_160 : memref<24576xf32, #tpu.memory_space<hbm>>) target(%run_scoped3A_107 : memref<24576xf32, #tpu.memory_space<vmem>>) target_semaphore(%run_scoped3A_159 : memref<!tpu.dma_semaphore, #tpu.memory_space<semaphore_mem>>)
        %dma_wait3A = tpu.memref_slice %arg2[%mul3A_114] : memref<98304xf32, #tpu.memory_space<hbm>> -> memref<24576xf32, #tpu.memory_space<hbm>>
        %dma_wait3A_161 = tpu.memref_slice %arg2[%mul3A_114] : memref<98304xf32, #tpu.memory_space<hbm>> -> memref<24576xf32, #tpu.memory_space<hbm>>
        tpu.wait_dma2 semaphore(%run_scoped3A_159 : memref<!tpu.dma_semaphore, #tpu.memory_space<semaphore_mem>>) src(%dma_wait3A_161 : memref<24576xf32, #tpu.memory_space<hbm>>) dst(%run_scoped3A_107 : memref<24576xf32, #tpu.memory_space<vmem>>)
        tpu.yield
      }) : () -> ()
      %mul3A_115 = arith.constant 2048 : i32
      %mul3A_116 = arith.muli %select_n3A, %mul3A_115 : i32
      %add3A_117 = arith.addi %mul3A_116, %mul3A_32 : i32
      %mul3A_118 = arith.constant 3 : i32
      %mul3A_119 = arith.muli %add3A_117, %mul3A_118 : i32
      "tpu.region"() ({
        %run_scoped3A_159 = tpu.sem_alloc : memref<!tpu.dma_semaphore, #tpu.memory_space<semaphore_mem>>
        %dma_start3A = tpu.memref_slice %arg3[%mul3A_119] : memref<24576xf32, #tpu.memory_space<hbm>> -> memref<768xf32, #tpu.memory_space<hbm>>
        %dma_start3A_160 = tpu.memref_slice %arg3[%mul3A_119] : memref<24576xf32, #tpu.memory_space<hbm>> -> memref<768xf32, #tpu.memory_space<hbm>>
        tpu.enqueue_dma source(%dma_start3A_160 : memref<768xf32, #tpu.memory_space<hbm>>) target(%arg6 : memref<768xf32, #tpu.memory_space<vmem>>) target_semaphore(%run_scoped3A_159 : memref<!tpu.dma_semaphore, #tpu.memory_space<semaphore_mem>>)
        %dma_wait3A = tpu.memref_slice %arg3[%mul3A_119] : memref<24576xf32, #tpu.memory_space<hbm>> -> memref<768xf32, #tpu.memory_space<hbm>>
        %dma_wait3A_161 = tpu.memref_slice %arg3[%mul3A_119] : memref<24576xf32, #tpu.memory_space<hbm>> -> memref<768xf32, #tpu.memory_space<hbm>>
        tpu.wait_dma2 semaphore(%run_scoped3A_159 : memref<!tpu.dma_semaphore, #tpu.memory_space<semaphore_mem>>) src(%dma_wait3A_161 : memref<768xf32, #tpu.memory_space<hbm>>) dst(%arg6 : memref<768xf32, #tpu.memory_space<vmem>>)
        tpu.yield
      }) : () -> ()
      %mul3A_120 = arith.constant 3 : i32
      %mul3A_121 = vector.broadcast %mul3A_120 : i32 to vector<16xi32>
      %mul3A_122 = arith.muli %iota3A, %mul3A_121 : vector<16xi32>
      %scan3A = arith.constant 0 : i32
      %scan3A_123 = arith.constant 0 : i32
      %scan3A_124 = arith.constant 512 : i32
      %scan3A_125 = arith.addi %scan3A_123, %scan3A_124 : i32
      %scan3A_126 = arith.constant 1 : i32
      scf.for %scan3A_159 = %scan3A_123 to %scan3A_125 step %scan3A_126  : i32 {
        %mul3A_160 = arith.constant 48 : i32
        %mul3A_161 = arith.muli %scan3A_159, %mul3A_160 : i32
        %add3A_162 = arith.constant 0 : i32
        %add3A_163 = arith.addi %mul3A_161, %add3A_162 : i32
        %add3A_164 = vector.broadcast %add3A_163 : i32 to vector<16xi32>
        %add3A_165 = arith.addi %mul3A_122, %add3A_164 : vector<16xi32>
        %gather3A = tpu.vector_load_idx %run_scoped3A_107[%add3A_165] : memref<24576xf32, #tpu.memory_space<vmem>>[vector<16xi32>], vector<16xf32>,
        %mul3A_166 = arith.constant 16 : i32
        %mul3A_167 = arith.muli %scan3A_159, %mul3A_166 : i32
        %add3A_168 = arith.constant 0 : i32
        %add3A_169 = arith.addi %add3A_168, %mul3A_167 : i32
        %swap3A = arith.index_cast %add3A_169 : i32 to index
        %swap3A_170 = tpu.vector_load %run_scoped3A[%swap3A] {strides = array<i32>} : memref<24576xf32, #tpu.memory_space<vmem>>, vector<16xf32>,
        tpu.vector_store %run_scoped3A[%swap3A], %gather3A {strides = array<i32>} : memref<24576xf32, #tpu.memory_space<vmem>>, vector<16xf32>,
        %mul3A_171 = arith.constant 48 : i32
        %mul3A_172 = arith.muli %scan3A_159, %mul3A_171 : i32
        %add3A_173 = arith.constant 1 : i32
        %add3A_174 = arith.addi %mul3A_172, %add3A_173 : i32
        %add3A_175 = vector.broadcast %add3A_174 : i32 to vector<16xi32>
        %add3A_176 = arith.addi %mul3A_122, %add3A_175 : vector<16xi32>
        %gather3A_177 = tpu.vector_load_idx %run_scoped3A_107[%add3A_176] : memref<24576xf32, #tpu.memory_space<vmem>>[vector<16xi32>], vector<16xf32>,
        %mul3A_178 = arith.constant 16 : i32
        %mul3A_179 = arith.muli %scan3A_159, %mul3A_178 : i32
        %add3A_180 = arith.constant 8192 : i32
        %add3A_181 = arith.addi %add3A_180, %mul3A_179 : i32
        %swap3A_182 = arith.index_cast %add3A_181 : i32 to index
        %swap3A_183 = tpu.vector_load %run_scoped3A[%swap3A_182] {strides = array<i32>} : memref<24576xf32, #tpu.memory_space<vmem>>, vector<16xf32>,
        tpu.vector_store %run_scoped3A[%swap3A_182], %gather3A_177 {strides = array<i32>} : memref<24576xf32, #tpu.memory_space<vmem>>, vector<16xf32>,
        %mul3A_184 = arith.constant 48 : i32
        %mul3A_185 = arith.muli %scan3A_159, %mul3A_184 : i32
        %add3A_186 = arith.constant 2 : i32
        %add3A_187 = arith.addi %mul3A_185, %add3A_186 : i32
        %add3A_188 = vector.broadcast %add3A_187 : i32 to vector<16xi32>
        %add3A_189 = arith.addi %mul3A_122, %add3A_188 : vector<16xi32>
        %gather3A_190 = tpu.vector_load_idx %run_scoped3A_107[%add3A_189] : memref<24576xf32, #tpu.memory_space<vmem>>[vector<16xi32>], vector<16xf32>,
        %mul3A_191 = arith.constant 16 : i32
        %mul3A_192 = arith.muli %scan3A_159, %mul3A_191 : i32
        %add3A_193 = arith.constant 16384 : i32
        %add3A_194 = arith.addi %add3A_193, %mul3A_192 : i32
        %swap3A_195 = arith.index_cast %add3A_194 : i32 to index
        %swap3A_196 = tpu.vector_load %run_scoped3A[%swap3A_195] {strides = array<i32>} : memref<24576xf32, #tpu.memory_space<vmem>>, vector<16xf32>,
        tpu.vector_store %run_scoped3A[%swap3A_195], %gather3A_190 {strides = array<i32>} : memref<24576xf32, #tpu.memory_space<vmem>>, vector<16xf32>,
      }
      %scan3A_127 = arith.constant 512 : i32
      %scan3A_128 = arith.constant 0 : i32
      %scan3A_129 = arith.constant 0 : i32
      %scan3A_130 = arith.constant 256 : i32
      %scan3A_131 = arith.addi %scan3A_129, %scan3A_130 : i32
      %scan3A_132 = arith.constant 1 : i32
      scf.for %scan3A_159 = %scan3A_129 to %scan3A_131 step %scan3A_132  : i32 {
        %swap3A = arith.constant 0 : index
        %swap3A_160 = tpu.vector_load %arg7[%swap3A] {strides = array<i32>} : memref<256xi32, #tpu.memory_space<vmem>>, vector<16xi32>,
        tpu.vector_store %arg7[%swap3A], %broadcast_in_dim3A_110 {strides = array<i32>} : memref<256xi32, #tpu.memory_space<vmem>>, vector<16xi32>,
        %mul3A_161 = arith.constant 3 : i32
        %mul3A_162 = arith.muli %mul3A_161, %scan3A_159 : i32
        %broadcast_in_dim3A_163 = vector.broadcast %mul3A_162 : i32 to vector<16xi32>
        %gather3A = tpu.vector_load_idx %arg6[%broadcast_in_dim3A_163] : memref<768xf32, #tpu.memory_space<vmem>>[vector<16xi32>], vector<16xf32>,
        %mul3A_164 = arith.constant 3 : i32
        %mul3A_165 = arith.muli %mul3A_164, %scan3A_159 : i32
        %add3A_166 = arith.constant 1 : i32
        %add3A_167 = arith.addi %mul3A_165, %add3A_166 : i32
        %broadcast_in_dim3A_168 = vector.broadcast %add3A_167 : i32 to vector<16xi32>
        %gather3A_169 = tpu.vector_load_idx %arg6[%broadcast_in_dim3A_168] : memref<768xf32, #tpu.memory_space<vmem>>[vector<16xi32>], vector<16xf32>,
        %mul3A_170 = arith.constant 3 : i32
        %mul3A_171 = arith.muli %mul3A_170, %scan3A_159 : i32
        %add3A_172 = arith.constant 2 : i32
        %add3A_173 = arith.addi %mul3A_171, %add3A_172 : i32
        %broadcast_in_dim3A_174 = vector.broadcast %add3A_173 : i32 to vector<16xi32>
        %gather3A_175 = tpu.vector_load_idx %arg6[%broadcast_in_dim3A_174] : memref<768xf32, #tpu.memory_space<vmem>>[vector<16xi32>], vector<16xf32>,
        %while3A = arith.constant 0 : i32
        %while3A_176 = arith.constant 0 : i32
        %while3A_177:2 = scf.while (%while3A_240 = %while3A, %while3A_241 = %while3A_176) : (i32, i32) -> (i32, i32) {
          %lt3A_242 = arith.constant 32 : i32
          %lt3A_243 = arith.cmpi slt, %while3A_241, %lt3A_242 : i32
          %lt3A_244 = arith.constant 64 : i32
          %lt3A_245 = arith.cmpi slt, %while3A_240, %lt3A_244 : i32
          %and3A_246 = arith.andi %lt3A_243, %lt3A_245 : i1
          scf.condition(%and3A_246) %while3A_240, %while3A_241 : i32, i32
        } do {
        ^bb0(%while3A_240: i32, %while3A_241: i32):
          %mul3A_242 = arith.constant 128 : i32
          %mul3A_243 = arith.muli %while3A_240, %mul3A_242 : i32
          %add3A_244 = arith.constant 0 : i32
          %add3A_245 = arith.addi %mul3A_243, %add3A_244 : i32
          %get3A_246 = arith.index_cast %add3A_245 : i32 to index
          %get3A_247 = tpu.vector_load %run_scoped3A[%get3A_246] {strides = array<i32>} : memref<24576xf32, #tpu.memory_space<vmem>>, vector<16xf32>,
          %add3A_248 = arith.constant 8192 : i32
          %add3A_249 = arith.addi %add3A_248, %mul3A_243 : i32
          %add3A_250 = arith.constant 0 : i32
          %add3A_251 = arith.addi %add3A_249, %add3A_250 : i32
          %get3A_252 = arith.index_cast %add3A_251 : i32 to index
          %get3A_253 = tpu.vector_load %run_scoped3A[%get3A_252] {strides = array<i32>} : memref<24576xf32, #tpu.memory_space<vmem>>, vector<16xf32>,
          %add3A_254 = arith.constant 16384 : i32
          %add3A_255 = arith.addi %add3A_254, %mul3A_243 : i32
          %add3A_256 = arith.constant 0 : i32
          %add3A_257 = arith.addi %add3A_255, %add3A_256 : i32
          %get3A_258 = arith.index_cast %add3A_257 : i32 to index
          %get3A_259 = tpu.vector_load %run_scoped3A[%get3A_258] {strides = array<i32>} : memref<24576xf32, #tpu.memory_space<vmem>>, vector<16xf32>,
          %add3A_260 = arith.constant 16 : i32
          %add3A_261 = arith.addi %mul3A_243, %add3A_260 : i32
          %get3A_262 = arith.index_cast %add3A_261 : i32 to index
          %get3A_263 = tpu.vector_load %run_scoped3A[%get3A_262] {strides = array<i32>} : memref<24576xf32, #tpu.memory_space<vmem>>, vector<16xf32>,
          %add3A_264 = arith.constant 8192 : i32
          %add3A_265 = arith.addi %add3A_264, %mul3A_243 : i32
          %add3A_266 = arith.constant 16 : i32
          %add3A_267 = arith.addi %add3A_265, %add3A_266 : i32
          %get3A_268 = arith.index_cast %add3A_267 : i32 to index
          %get3A_269 = tpu.vector_load %run_scoped3A[%get3A_268] {strides = array<i32>} : memref<24576xf32, #tpu.memory_space<vmem>>, vector<16xf32>,
          %add3A_270 = arith.constant 16384 : i32
          %add3A_271 = arith.addi %add3A_270, %mul3A_243 : i32
          %add3A_272 = arith.constant 16 : i32
          %add3A_273 = arith.addi %add3A_271, %add3A_272 : i32
          %get3A_274 = arith.index_cast %add3A_273 : i32 to index
          %get3A_275 = tpu.vector_load %run_scoped3A[%get3A_274] {strides = array<i32>} : memref<24576xf32, #tpu.memory_space<vmem>>, vector<16xf32>,
          %add3A_276 = arith.constant 32 : i32
          %add3A_277 = arith.addi %mul3A_243, %add3A_276 : i32
          %get3A_278 = arith.index_cast %add3A_277 : i32 to index
          %get3A_279 = tpu.vector_load %run_scoped3A[%get3A_278] {strides = array<i32>} : memref<24576xf32, #tpu.memory_space<vmem>>, vector<16xf32>,
          %add3A_280 = arith.constant 8192 : i32
          %add3A_281 = arith.addi %add3A_280, %mul3A_243 : i32
          %add3A_282 = arith.constant 32 : i32
          %add3A_283 = arith.addi %add3A_281, %add3A_282 : i32
          %get3A_284 = arith.index_cast %add3A_283 : i32 to index
          %get3A_285 = tpu.vector_load %run_scoped3A[%get3A_284] {strides = array<i32>} : memref<24576xf32, #tpu.memory_space<vmem>>, vector<16xf32>,
          %add3A_286 = arith.constant 16384 : i32
          %add3A_287 = arith.addi %add3A_286, %mul3A_243 : i32
          %add3A_288 = arith.constant 32 : i32
          %add3A_289 = arith.addi %add3A_287, %add3A_288 : i32
          %get3A_290 = arith.index_cast %add3A_289 : i32 to index
          %get3A_291 = tpu.vector_load %run_scoped3A[%get3A_290] {strides = array<i32>} : memref<24576xf32, #tpu.memory_space<vmem>>, vector<16xf32>,
          %add3A_292 = arith.constant 48 : i32
          %add3A_293 = arith.addi %mul3A_243, %add3A_292 : i32
          %get3A_294 = arith.index_cast %add3A_293 : i32 to index
          %get3A_295 = tpu.vector_load %run_scoped3A[%get3A_294] {strides = array<i32>} : memref<24576xf32, #tpu.memory_space<vmem>>, vector<16xf32>,
          %add3A_296 = arith.constant 8192 : i32
          %add3A_297 = arith.addi %add3A_296, %mul3A_243 : i32
          %add3A_298 = arith.constant 48 : i32
          %add3A_299 = arith.addi %add3A_297, %add3A_298 : i32
          %get3A_300 = arith.index_cast %add3A_299 : i32 to index
          %get3A_301 = tpu.vector_load %run_scoped3A[%get3A_300] {strides = array<i32>} : memref<24576xf32, #tpu.memory_space<vmem>>, vector<16xf32>,
          %add3A_302 = arith.constant 16384 : i32
          %add3A_303 = arith.addi %add3A_302, %mul3A_243 : i32
          %add3A_304 = arith.constant 48 : i32
          %add3A_305 = arith.addi %add3A_303, %add3A_304 : i32
          %get3A_306 = arith.index_cast %add3A_305 : i32 to index
          %get3A_307 = tpu.vector_load %run_scoped3A[%get3A_306] {strides = array<i32>} : memref<24576xf32, #tpu.memory_space<vmem>>, vector<16xf32>,
          %add3A_308 = arith.constant 64 : i32
          %add3A_309 = arith.addi %mul3A_243, %add3A_308 : i32
          %get3A_310 = arith.index_cast %add3A_309 : i32 to index
          %get3A_311 = tpu.vector_load %run_scoped3A[%get3A_310] {strides = array<i32>} : memref<24576xf32, #tpu.memory_space<vmem>>, vector<16xf32>,
          %add3A_312 = arith.constant 8192 : i32
          %add3A_313 = arith.addi %add3A_312, %mul3A_243 : i32
          %add3A_314 = arith.constant 64 : i32
          %add3A_315 = arith.addi %add3A_313, %add3A_314 : i32
          %get3A_316 = arith.index_cast %add3A_315 : i32 to index
          %get3A_317 = tpu.vector_load %run_scoped3A[%get3A_316] {strides = array<i32>} : memref<24576xf32, #tpu.memory_space<vmem>>, vector<16xf32>,
          %add3A_318 = arith.constant 16384 : i32
          %add3A_319 = arith.addi %add3A_318, %mul3A_243 : i32
          %add3A_320 = arith.constant 64 : i32
          %add3A_321 = arith.addi %add3A_319, %add3A_320 : i32
          %get3A_322 = arith.index_cast %add3A_321 : i32 to index
          %get3A_323 = tpu.vector_load %run_scoped3A[%get3A_322] {strides = array<i32>} : memref<24576xf32, #tpu.memory_space<vmem>>, vector<16xf32>,
          %add3A_324 = arith.constant 80 : i32
          %add3A_325 = arith.addi %mul3A_243, %add3A_324 : i32
          %get3A_326 = arith.index_cast %add3A_325 : i32 to index
          %get3A_327 = tpu.vector_load %run_scoped3A[%get3A_326] {strides = array<i32>} : memref<24576xf32, #tpu.memory_space<vmem>>, vector<16xf32>,
          %add3A_328 = arith.constant 8192 : i32
          %add3A_329 = arith.addi %add3A_328, %mul3A_243 : i32
          %add3A_330 = arith.constant 80 : i32
          %add3A_331 = arith.addi %add3A_329, %add3A_330 : i32
          %get3A_332 = arith.index_cast %add3A_331 : i32 to index
          %get3A_333 = tpu.vector_load %run_scoped3A[%get3A_332] {strides = array<i32>} : memref<24576xf32, #tpu.memory_space<vmem>>, vector<16xf32>,
          %add3A_334 = arith.constant 16384 : i32
          %add3A_335 = arith.addi %add3A_334, %mul3A_243 : i32
          %add3A_336 = arith.constant 80 : i32
          %add3A_337 = arith.addi %add3A_335, %add3A_336 : i32
          %get3A_338 = arith.index_cast %add3A_337 : i32 to index
          %get3A_339 = tpu.vector_load %run_scoped3A[%get3A_338] {strides = array<i32>} : memref<24576xf32, #tpu.memory_space<vmem>>, vector<16xf32>,
          %add3A_340 = arith.constant 96 : i32
          %add3A_341 = arith.addi %mul3A_243, %add3A_340 : i32
          %get3A_342 = arith.index_cast %add3A_341 : i32 to index
          %get3A_343 = tpu.vector_load %run_scoped3A[%get3A_342] {strides = array<i32>} : memref<24576xf32, #tpu.memory_space<vmem>>, vector<16xf32>,
          %add3A_344 = arith.constant 8192 : i32
          %add3A_345 = arith.addi %add3A_344, %mul3A_243 : i32
          %add3A_346 = arith.constant 96 : i32
          %add3A_347 = arith.addi %add3A_345, %add3A_346 : i32
          %get3A_348 = arith.index_cast %add3A_347 : i32 to index
          %get3A_349 = tpu.vector_load %run_scoped3A[%get3A_348] {strides = array<i32>} : memref<24576xf32, #tpu.memory_space<vmem>>, vector<16xf32>,
          %add3A_350 = arith.constant 16384 : i32
          %add3A_351 = arith.addi %add3A_350, %mul3A_243 : i32
          %add3A_352 = arith.constant 96 : i32
          %add3A_353 = arith.addi %add3A_351, %add3A_352 : i32
          %get3A_354 = arith.index_cast %add3A_353 : i32 to index
          %get3A_355 = tpu.vector_load %run_scoped3A[%get3A_354] {strides = array<i32>} : memref<24576xf32, #tpu.memory_space<vmem>>, vector<16xf32>,
          %add3A_356 = arith.constant 112 : i32
          %add3A_357 = arith.addi %mul3A_243, %add3A_356 : i32
          %get3A_358 = arith.index_cast %add3A_357 : i32 to index
          %get3A_359 = tpu.vector_load %run_scoped3A[%get3A_358] {strides = array<i32>} : memref<24576xf32, #tpu.memory_space<vmem>>, vector<16xf32>,
          %add3A_360 = arith.constant 8192 : i32
          %add3A_361 = arith.addi %add3A_360, %mul3A_243 : i32
          %add3A_362 = arith.constant 112 : i32
          %add3A_363 = arith.addi %add3A_361, %add3A_362 : i32
          %get3A_364 = arith.index_cast %add3A_363 : i32 to index
          %get3A_365 = tpu.vector_load %run_scoped3A[%get3A_364] {strides = array<i32>} : memref<24576xf32, #tpu.memory_space<vmem>>, vector<16xf32>,
          %add3A_366 = arith.constant 16384 : i32
          %add3A_367 = arith.addi %add3A_366, %mul3A_243 : i32
          %add3A_368 = arith.constant 112 : i32
          %add3A_369 = arith.addi %add3A_367, %add3A_368 : i32
          %get3A_370 = arith.index_cast %add3A_369 : i32 to index
          %get3A_371 = tpu.vector_load %run_scoped3A[%get3A_370] {strides = array<i32>} : memref<24576xf32, #tpu.memory_space<vmem>>, vector<16xf32>,
          %sub3A_372 = arith.subf %get3A_247, %gather3A : vector<16xf32>
          %sub3A_373 = arith.subf %get3A_253, %gather3A_169 : vector<16xf32>
          %sub3A_374 = arith.subf %get3A_259, %gather3A_175 : vector<16xf32>
          %mul3A_375 = arith.mulf %sub3A_372, %sub3A_372 : vector<16xf32>
          %mul3A_376 = arith.mulf %sub3A_373, %sub3A_373 : vector<16xf32>
          %add3A_377 = arith.addf %mul3A_375, %mul3A_376 : vector<16xf32>
          %mul3A_378 = arith.mulf %sub3A_374, %sub3A_374 : vector<16xf32>
          %add3A_379 = arith.addf %add3A_377, %mul3A_378 : vector<16xf32>
          %lt3A_380 = arith.constant 4.000000e-02 : f32
          %lt3A_381 = vector.broadcast %lt3A_380 : f32 to vector<16xf32>
          %lt3A_382 = arith.cmpf olt, %add3A_379, %lt3A_381 : vector<16xf32>
          %sub3A_383 = arith.subf %get3A_263, %gather3A : vector<16xf32>
          %sub3A_384 = arith.subf %get3A_269, %gather3A_169 : vector<16xf32>
          %sub3A_385 = arith.subf %get3A_275, %gather3A_175 : vector<16xf32>
          %mul3A_386 = arith.mulf %sub3A_383, %sub3A_383 : vector<16xf32>
          %mul3A_387 = arith.mulf %sub3A_384, %sub3A_384 : vector<16xf32>
          %add3A_388 = arith.addf %mul3A_386, %mul3A_387 : vector<16xf32>
          %mul3A_389 = arith.mulf %sub3A_385, %sub3A_385 : vector<16xf32>
          %add3A_390 = arith.addf %add3A_388, %mul3A_389 : vector<16xf32>
          %lt3A_391 = arith.constant 4.000000e-02 : f32
          %lt3A_392 = vector.broadcast %lt3A_391 : f32 to vector<16xf32>
          %lt3A_393 = arith.cmpf olt, %add3A_390, %lt3A_392 : vector<16xf32>
          %sub3A_394 = arith.subf %get3A_279, %gather3A : vector<16xf32>
          %sub3A_395 = arith.subf %get3A_285, %gather3A_169 : vector<16xf32>
          %sub3A_396 = arith.subf %get3A_291, %gather3A_175 : vector<16xf32>
          %mul3A_397 = arith.mulf %sub3A_394, %sub3A_394 : vector<16xf32>
          %mul3A_398 = arith.mulf %sub3A_395, %sub3A_395 : vector<16xf32>
          %add3A_399 = arith.addf %mul3A_397, %mul3A_398 : vector<16xf32>
          %mul3A_400 = arith.mulf %sub3A_396, %sub3A_396 : vector<16xf32>
          %add3A_401 = arith.addf %add3A_399, %mul3A_400 : vector<16xf32>
          %lt3A_402 = arith.constant 4.000000e-02 : f32
          %lt3A_403 = vector.broadcast %lt3A_402 : f32 to vector<16xf32>
          %lt3A_404 = arith.cmpf olt, %add3A_401, %lt3A_403 : vector<16xf32>
          %sub3A_405 = arith.subf %get3A_295, %gather3A : vector<16xf32>
          %sub3A_406 = arith.subf %get3A_301, %gather3A_169 : vector<16xf32>
          %sub3A_407 = arith.subf %get3A_307, %gather3A_175 : vector<16xf32>
          %mul3A_408 = arith.mulf %sub3A_405, %sub3A_405 : vector<16xf32>
          %mul3A_409 = arith.mulf %sub3A_406, %sub3A_406 : vector<16xf32>
          %add3A_410 = arith.addf %mul3A_408, %mul3A_409 : vector<16xf32>
          %mul3A_411 = arith.mulf %sub3A_407, %sub3A_407 : vector<16xf32>
          %add3A_412 = arith.addf %add3A_410, %mul3A_411 : vector<16xf32>
          %lt3A_413 = arith.constant 4.000000e-02 : f32
          %lt3A_414 = vector.broadcast %lt3A_413 : f32 to vector<16xf32>
          %lt3A_415 = arith.cmpf olt, %add3A_412, %lt3A_414 : vector<16xf32>
          %sub3A_416 = arith.subf %get3A_311, %gather3A : vector<16xf32>
          %sub3A_417 = arith.subf %get3A_317, %gather3A_169 : vector<16xf32>
          %sub3A_418 = arith.subf %get3A_323, %gather3A_175 : vector<16xf32>
          %mul3A_419 = arith.mulf %sub3A_416, %sub3A_416 : vector<16xf32>
          %mul3A_420 = arith.mulf %sub3A_417, %sub3A_417 : vector<16xf32>
          %add3A_421 = arith.addf %mul3A_419, %mul3A_420 : vector<16xf32>
          %mul3A_422 = arith.mulf %sub3A_418, %sub3A_418 : vector<16xf32>
          %add3A_423 = arith.addf %add3A_421, %mul3A_422 : vector<16xf32>
          %lt3A_424 = arith.constant 4.000000e-02 : f32
          %lt3A_425 = vector.broadcast %lt3A_424 : f32 to vector<16xf32>
          %lt3A_426 = arith.cmpf olt, %add3A_423, %lt3A_425 : vector<16xf32>
          %sub3A_427 = arith.subf %get3A_327, %gather3A : vector<16xf32>
          %sub3A_428 = arith.subf %get3A_333, %gather3A_169 : vector<16xf32>
          %sub3A_429 = arith.subf %get3A_339, %gather3A_175 : vector<16xf32>
          %mul3A_430 = arith.mulf %sub3A_427, %sub3A_427 : vector<16xf32>
          %mul3A_431 = arith.mulf %sub3A_428, %sub3A_428 : vector<16xf32>
          %add3A_432 = arith.addf %mul3A_430, %mul3A_431 : vector<16xf32>
          %mul3A_433 = arith.mulf %sub3A_429, %sub3A_429 : vector<16xf32>
          %add3A_434 = arith.addf %add3A_432, %mul3A_433 : vector<16xf32>
          %lt3A_435 = arith.constant 4.000000e-02 : f32
          %lt3A_436 = vector.broadcast %lt3A_435 : f32 to vector<16xf32>
          %lt3A_437 = arith.cmpf olt, %add3A_434, %lt3A_436 : vector<16xf32>
          %sub3A_438 = arith.subf %get3A_343, %gather3A : vector<16xf32>
          %sub3A_439 = arith.subf %get3A_349, %gather3A_169 : vector<16xf32>
          %sub3A_440 = arith.subf %get3A_355, %gather3A_175 : vector<16xf32>
          %mul3A_441 = arith.mulf %sub3A_438, %sub3A_438 : vector<16xf32>
          %mul3A_442 = arith.mulf %sub3A_439, %sub3A_439 : vector<16xf32>
          %add3A_443 = arith.addf %mul3A_441, %mul3A_442 : vector<16xf32>
          %mul3A_444 = arith.mulf %sub3A_440, %sub3A_440 : vector<16xf32>
          %add3A_445 = arith.addf %add3A_443, %mul3A_444 : vector<16xf32>
          %lt3A_446 = arith.constant 4.000000e-02 : f32
          %lt3A_447 = vector.broadcast %lt3A_446 : f32 to vector<16xf32>
          %lt3A_448 = arith.cmpf olt, %add3A_445, %lt3A_447 : vector<16xf32>
          %sub3A_449 = arith.subf %get3A_359, %gather3A : vector<16xf32>
          %sub3A_450 = arith.subf %get3A_365, %gather3A_169 : vector<16xf32>
          %sub3A_451 = arith.subf %get3A_371, %gather3A_175 : vector<16xf32>
          %mul3A_452 = arith.mulf %sub3A_449, %sub3A_449 : vector<16xf32>
          %mul3A_453 = arith.mulf %sub3A_450, %sub3A_450 : vector<16xf32>
          %add3A_454 = arith.addf %mul3A_452, %mul3A_453 : vector<16xf32>
          %mul3A_455 = arith.mulf %sub3A_451, %sub3A_451 : vector<16xf32>
          %add3A_456 = arith.addf %add3A_454, %mul3A_455 : vector<16xf32>
          %lt3A_457 = arith.constant 4.000000e-02 : f32
          %lt3A_458 = vector.broadcast %lt3A_457 : f32 to vector<16xf32>
          %lt3A_459 = arith.cmpf olt, %add3A_456, %lt3A_458 : vector<16xf32>
          %all_reduce_population_count3A = tpu.all_reduce %lt3A_382 {dim = 0 : i64, kind = #tpu.reduction_kind<sum>} : vector<16xi1> -> vector<16xi32>
          %all_reduce_population_count3A_460 = tpu.all_reduce %lt3A_393 {dim = 0 : i64, kind = #tpu.reduction_kind<sum>} : vector<16xi1> -> vector<16xi32>
          %all_reduce_population_count3A_461 = tpu.all_reduce %lt3A_404 {dim = 0 : i64, kind = #tpu.reduction_kind<sum>} : vector<16xi1> -> vector<16xi32>
          %all_reduce_population_count3A_462 = tpu.all_reduce %lt3A_415 {dim = 0 : i64, kind = #tpu.reduction_kind<sum>} : vector<16xi1> -> vector<16xi32>
          %all_reduce_population_count3A_463 = tpu.all_reduce %lt3A_426 {dim = 0 : i64, kind = #tpu.reduction_kind<sum>} : vector<16xi1> -> vector<16xi32>
          %all_reduce_population_count3A_464 = tpu.all_reduce %lt3A_437 {dim = 0 : i64, kind = #tpu.reduction_kind<sum>} : vector<16xi1> -> vector<16xi32>
          %all_reduce_population_count3A_465 = tpu.all_reduce %lt3A_448 {dim = 0 : i64, kind = #tpu.reduction_kind<sum>} : vector<16xi1> -> vector<16xi32>
          %all_reduce_population_count3A_466 = tpu.all_reduce %lt3A_459 {dim = 0 : i64, kind = #tpu.reduction_kind<sum>} : vector<16xi1> -> vector<16xi32>
          %add3A_467 = arith.constant 0 : i32
          %add3A_468 = arith.addi %mul3A_243, %add3A_467 : i32
          %add3A_469 = vector.broadcast %add3A_468 : i32 to vector<16xi32>
          %add3A_470 = arith.addi %iota3A, %add3A_469 : vector<16xi32>
          %swap3A_471 = arith.index_cast %while3A_241 : i32 to index
          %swap3A_472 = tpu.vector_load %arg7[%swap3A_471] masked %lt3A_382 {strides = array<i32>} : memref<256xi32, #tpu.memory_space<vmem>>, vector<16xi32>, vector<16xi1>
          tpu.vector_store %arg7[%swap3A_471], %add3A_470 masked %lt3A_382 {strides = array<i32>} : memref<256xi32, #tpu.memory_space<vmem>>, vector<16xi32>, vector<16xi1>
          %slice3A = vector.extract_strided_slice %all_reduce_population_count3A {offsets = [0], sizes = [1], strides = [1]} : vector<16xi32> to vector<1xi32>
          %squeeze3A = vector.extract %slice3A[0] : i32 from vector<1xi32>
          %add3A_473 = arith.addi %while3A_241, %squeeze3A : i32
          %add3A_474 = arith.constant 16 : i32
          %add3A_475 = arith.addi %mul3A_243, %add3A_474 : i32
          %add3A_476 = vector.broadcast %add3A_475 : i32 to vector<16xi32>
          %add3A_477 = arith.addi %iota3A, %add3A_476 : vector<16xi32>
          %swap3A_478 = arith.index_cast %add3A_473 : i32 to index
          %swap3A_479 = tpu.vector_load %arg7[%swap3A_478] masked %lt3A_393 {strides = array<i32>} : memref<256xi32, #tpu.memory_space<vmem>>, vector<16xi32>, vector<16xi1>
          tpu.vector_store %arg7[%swap3A_478], %add3A_477 masked %lt3A_393 {strides = array<i32>} : memref<256xi32, #tpu.memory_space<vmem>>, vector<16xi32>, vector<16xi1>
          %slice3A_480 = vector.extract_strided_slice %all_reduce_population_count3A_460 {offsets = [0], sizes = [1], strides = [1]} : vector<16xi32> to vector<1xi32>
          %squeeze3A_481 = vector.extract %slice3A_480[0] : i32 from vector<1xi32>
          %add3A_482 = arith.addi %add3A_473, %squeeze3A_481 : i32
          %add3A_483 = arith.constant 32 : i32
          %add3A_484 = arith.addi %mul3A_243, %add3A_483 : i32
          %add3A_485 = vector.broadcast %add3A_484 : i32 to vector<16xi32>
          %add3A_486 = arith.addi %iota3A, %add3A_485 : vector<16xi32>
          %swap3A_487 = arith.index_cast %add3A_482 : i32 to index
          %swap3A_488 = tpu.vector_load %arg7[%swap3A_487] masked %lt3A_404 {strides = array<i32>} : memref<256xi32, #tpu.memory_space<vmem>>, vector<16xi32>, vector<16xi1>
          tpu.vector_store %arg7[%swap3A_487], %add3A_486 masked %lt3A_404 {strides = array<i32>} : memref<256xi32, #tpu.memory_space<vmem>>, vector<16xi32>, vector<16xi1>
          %slice3A_489 = vector.extract_strided_slice %all_reduce_population_count3A_461 {offsets = [0], sizes = [1], strides = [1]} : vector<16xi32> to vector<1xi32>
          %squeeze3A_490 = vector.extract %slice3A_489[0] : i32 from vector<1xi32>
          %add3A_491 = arith.addi %add3A_482, %squeeze3A_490 : i32
          %add3A_492 = arith.constant 48 : i32
          %add3A_493 = arith.addi %mul3A_243, %add3A_492 : i32
          %add3A_494 = vector.broadcast %add3A_493 : i32 to vector<16xi32>
          %add3A_495 = arith.addi %iota3A, %add3A_494 : vector<16xi32>
          %swap3A_496 = arith.index_cast %add3A_491 : i32 to index
          %swap3A_497 = tpu.vector_load %arg7[%swap3A_496] masked %lt3A_415 {strides = array<i32>} : memref<256xi32, #tpu.memory_space<vmem>>, vector<16xi32>, vector<16xi1>
          tpu.vector_store %arg7[%swap3A_496], %add3A_495 masked %lt3A_415 {strides = array<i32>} : memref<256xi32, #tpu.memory_space<vmem>>, vector<16xi32>, vector<16xi1>
          %slice3A_498 = vector.extract_strided_slice %all_reduce_population_count3A_462 {offsets = [0], sizes = [1], strides = [1]} : vector<16xi32> to vector<1xi32>
          %squeeze3A_499 = vector.extract %slice3A_498[0] : i32 from vector<1xi32>
          %add3A_500 = arith.addi %add3A_491, %squeeze3A_499 : i32
          %add3A_501 = arith.constant 64 : i32
          %add3A_502 = arith.addi %mul3A_243, %add3A_501 : i32
          %add3A_503 = vector.broadcast %add3A_502 : i32 to vector<16xi32>
          %add3A_504 = arith.addi %iota3A, %add3A_503 : vector<16xi32>
          %swap3A_505 = arith.index_cast %add3A_500 : i32 to index
          %swap3A_506 = tpu.vector_load %arg7[%swap3A_505] masked %lt3A_426 {strides = array<i32>} : memref<256xi32, #tpu.memory_space<vmem>>, vector<16xi32>, vector<16xi1>
          tpu.vector_store %arg7[%swap3A_505], %add3A_504 masked %lt3A_426 {strides = array<i32>} : memref<256xi32, #tpu.memory_space<vmem>>, vector<16xi32>, vector<16xi1>
          %slice3A_507 = vector.extract_strided_slice %all_reduce_population_count3A_463 {offsets = [0], sizes = [1], strides = [1]} : vector<16xi32> to vector<1xi32>
          %squeeze3A_508 = vector.extract %slice3A_507[0] : i32 from vector<1xi32>
          %add3A_509 = arith.addi %add3A_500, %squeeze3A_508 : i32
          %add3A_510 = arith.constant 80 : i32
          %add3A_511 = arith.addi %mul3A_243, %add3A_510 : i32
          %add3A_512 = vector.broadcast %add3A_511 : i32 to vector<16xi32>
          %add3A_513 = arith.addi %iota3A, %add3A_512 : vector<16xi32>
          %swap3A_514 = arith.index_cast %add3A_509 : i32 to index
          %swap3A_515 = tpu.vector_load %arg7[%swap3A_514] masked %lt3A_437 {strides = array<i32>} : memref<256xi32, #tpu.memory_space<vmem>>, vector<16xi32>, vector<16xi1>
          tpu.vector_store %arg7[%swap3A_514], %add3A_513 masked %lt3A_437 {strides = array<i32>} : memref<256xi32, #tpu.memory_space<vmem>>, vector<16xi32>, vector<16xi1>
          %slice3A_516 = vector.extract_strided_slice %all_reduce_population_count3A_464 {offsets = [0], sizes = [1], strides = [1]} : vector<16xi32> to vector<1xi32>
          %squeeze3A_517 = vector.extract %slice3A_516[0] : i32 from vector<1xi32>
          %add3A_518 = arith.addi %add3A_509, %squeeze3A_517 : i32
          %add3A_519 = arith.constant 96 : i32
          %add3A_520 = arith.addi %mul3A_243, %add3A_519 : i32
          %add3A_521 = vector.broadcast %add3A_520 : i32 to vector<16xi32>
          %add3A_522 = arith.addi %iota3A, %add3A_521 : vector<16xi32>
          %swap3A_523 = arith.index_cast %add3A_518 : i32 to index
          %swap3A_524 = tpu.vector_load %arg7[%swap3A_523] masked %lt3A_448 {strides = array<i32>} : memref<256xi32, #tpu.memory_space<vmem>>, vector<16xi32>, vector<16xi1>
          tpu.vector_store %arg7[%swap3A_523], %add3A_522 masked %lt3A_448 {strides = array<i32>} : memref<256xi32, #tpu.memory_space<vmem>>, vector<16xi32>, vector<16xi1>
          %slice3A_525 = vector.extract_strided_slice %all_reduce_population_count3A_465 {offsets = [0], sizes = [1], strides = [1]} : vector<16xi32> to vector<1xi32>
          %squeeze3A_526 = vector.extract %slice3A_525[0] : i32 from vector<1xi32>
          %add3A_527 = arith.addi %add3A_518, %squeeze3A_526 : i32
          %add3A_528 = arith.constant 112 : i32
          %add3A_529 = arith.addi %mul3A_243, %add3A_528 : i32
          %add3A_530 = vector.broadcast %add3A_529 : i32 to vector<16xi32>
          %add3A_531 = arith.addi %iota3A, %add3A_530 : vector<16xi32>
          %swap3A_532 = arith.index_cast %add3A_527 : i32 to index
          %swap3A_533 = tpu.vector_load %arg7[%swap3A_532] masked %lt3A_459 {strides = array<i32>} : memref<256xi32, #tpu.memory_space<vmem>>, vector<16xi32>, vector<16xi1>
          tpu.vector_store %arg7[%swap3A_532], %add3A_531 masked %lt3A_459 {strides = array<i32>} : memref<256xi32, #tpu.memory_space<vmem>>, vector<16xi32>, vector<16xi1>
          %slice3A_534 = vector.extract_strided_slice %all_reduce_population_count3A_466 {offsets = [0], sizes = [1], strides = [1]} : vector<16xi32> to vector<1xi32>
          %squeeze3A_535 = vector.extract %slice3A_534[0] : i32 from vector<1xi32>
          %add3A_536 = arith.addi %add3A_527, %squeeze3A_535 : i32
          %add3A_537 = arith.constant 1 : i32
          %add3A_538 = arith.addi %while3A_240, %add3A_537 : i32
          scf.yield %add3A_538, %add3A_536 : i32, i32
        }
        %gather3A_178 = tpu.vector_load_idx %arg7[%broadcast_in_dim3A_110] : memref<256xi32, #tpu.memory_space<vmem>>[vector<16xi32>], vector<16xi32>,
        %lt3A_179 = vector.broadcast %while3A_177#1 : i32 to vector<16xi32>
        %lt3A_180 = arith.cmpi slt, %iota3A, %lt3A_179 : vector<16xi32>
        %get3A = arith.constant 0 : index
        %get3A_181 = tpu.vector_load %arg7[%get3A] {strides = array<i32>} : memref<256xi32, #tpu.memory_space<vmem>>, vector<16xi32>,
        %select_n3A_182 = arith.select %lt3A_180, %get3A_181, %gather3A_178 : vector<16xi1>, vector<16xi32>
        %add3A_183 = arith.constant 16 : i32
        %add3A_184 = vector.broadcast %add3A_183 : i32 to vector<16xi32>
        %add3A_185 = arith.addi %iota3A, %add3A_184 : vector<16xi32>
        %lt3A_186 = vector.broadcast %while3A_177#1 : i32 to vector<16xi32>
        %lt3A_187 = arith.cmpi slt, %add3A_185, %lt3A_186 : vector<16xi32>
        %get3A_188 = arith.constant 16 : index
        %get3A_189 = tpu.vector_load %arg7[%get3A_188] {strides = array<i32>} : memref<256xi32, #tpu.memory_space<vmem>>, vector<16xi32>,
        %select_n3A_190 = arith.select %lt3A_187, %get3A_189, %gather3A_178 : vector<16xi1>, vector<16xi32>
        %broadcast_in_dim3A_191 = vector.broadcast %scan3A_159 : i32 to vector<16xi32>
        tpu.vector_store_idx %run_scoped3A_108[%iota3A, %broadcast_in_dim3A_191], %select_n3A_182 : memref<32x256xi32, #tpu.memory_space<vmem>>[vector<16xi32>, vector<16xi32>], vector<16xi32>,
        %add3A_192 = arith.constant 16 : i32
        %add3A_193 = vector.broadcast %add3A_192 : i32 to vector<16xi32>
        %add3A_194 = arith.addi %iota3A, %add3A_193 : vector<16xi32>
        tpu.vector_store_idx %run_scoped3A_108[%add3A_194, %broadcast_in_dim3A_191], %select_n3A_190 : memref<32x256xi32, #tpu.memory_space<vmem>>[vector<16xi32>, vector<16xi32>], vector<16xi32>,
        %broadcast_in_dim3A_195 = arith.constant 0 : i32
        %broadcast_in_dim3A_196 = vector.broadcast %broadcast_in_dim3A_195 : i32 to vector<16xi32>
        %add3A_197 = arith.constant 0 : i32
        %add3A_198 = vector.broadcast %add3A_197 : i32 to vector<16xi32>
        %add3A_199 = arith.addi %select_n3A_182, %add3A_198 : vector<16xi32>
        %gather3A_200 = tpu.vector_load_idx %run_scoped3A[%add3A_199] : memref<24576xf32, #tpu.memory_space<vmem>>[vector<16xi32>], vector<16xf32>,
        %sub3A_201 = arith.subf %gather3A_200, %gather3A : vector<16xf32>
        %add3A_202 = arith.constant 0 : i32
        %add3A_203 = vector.broadcast %add3A_202 : i32 to vector<16xi32>
        %add3A_204 = arith.addi %select_n3A_190, %add3A_203 : vector<16xi32>
        %gather3A_205 = tpu.vector_load_idx %run_scoped3A[%add3A_204] : memref<24576xf32, #tpu.memory_space<vmem>>[vector<16xi32>], vector<16xf32>,
        %sub3A_206 = arith.subf %gather3A_205, %gather3A : vector<16xf32>
        tpu.vector_store_idx %run_scoped3A_109[%broadcast_in_dim3A_196, %iota3A, %broadcast_in_dim3A_191], %sub3A_201 : memref<3x32x256xf32, #tpu.memory_space<vmem>>[vector<16xi32>, vector<16xi32>, vector<16xi32>], vector<16xf32>,
        %add3A_207 = arith.constant 16 : i32
        %add3A_208 = vector.broadcast %add3A_207 : i32 to vector<16xi32>
        %add3A_209 = arith.addi %iota3A, %add3A_208 : vector<16xi32>
        tpu.vector_store_idx %run_scoped3A_109[%broadcast_in_dim3A_196, %add3A_209, %broadcast_in_dim3A_191], %sub3A_206 : memref<3x32x256xf32, #tpu.memory_space<vmem>>[vector<16xi32>, vector<16xi32>, vector<16xi32>], vector<16xf32>,
        %broadcast_in_dim3A_210 = arith.constant 1 : i32
        %broadcast_in_dim3A_211 = vector.broadcast %broadcast_in_dim3A_210 : i32 to vector<16xi32>
        %add3A_212 = arith.constant 8192 : i32
        %add3A_213 = vector.broadcast %add3A_212 : i32 to vector<16xi32>
        %add3A_214 = arith.addi %select_n3A_182, %add3A_213 : vector<16xi32>
        %gather3A_215 = tpu.vector_load_idx %run_scoped3A[%add3A_214] : memref<24576xf32, #tpu.memory_space<vmem>>[vector<16xi32>], vector<16xf32>,
        %sub3A_216 = arith.subf %gather3A_215, %gather3A_169 : vector<16xf32>
        %add3A_217 = arith.constant 8192 : i32
        %add3A_218 = vector.broadcast %add3A_217 : i32 to vector<16xi32>
        %add3A_219 = arith.addi %select_n3A_190, %add3A_218 : vector<16xi32>
        %gather3A_220 = tpu.vector_load_idx %run_scoped3A[%add3A_219] : memref<24576xf32, #tpu.memory_space<vmem>>[vector<16xi32>], vector<16xf32>,
        %sub3A_221 = arith.subf %gather3A_220, %gather3A_169 : vector<16xf32>
        tpu.vector_store_idx %run_scoped3A_109[%broadcast_in_dim3A_211, %iota3A, %broadcast_in_dim3A_191], %sub3A_216 : memref<3x32x256xf32, #tpu.memory_space<vmem>>[vector<16xi32>, vector<16xi32>, vector<16xi32>], vector<16xf32>,
        %add3A_222 = arith.constant 16 : i32
        %add3A_223 = vector.broadcast %add3A_222 : i32 to vector<16xi32>
        %add3A_224 = arith.addi %iota3A, %add3A_223 : vector<16xi32>
        tpu.vector_store_idx %run_scoped3A_109[%broadcast_in_dim3A_211, %add3A_224, %broadcast_in_dim3A_191], %sub3A_221 : memref<3x32x256xf32, #tpu.memory_space<vmem>>[vector<16xi32>, vector<16xi32>, vector<16xi32>], vector<16xf32>,
        %broadcast_in_dim3A_225 = arith.constant 2 : i32
        %broadcast_in_dim3A_226 = vector.broadcast %broadcast_in_dim3A_225 : i32 to vector<16xi32>
        %add3A_227 = arith.constant 16384 : i32
        %add3A_228 = vector.broadcast %add3A_227 : i32 to vector<16xi32>
        %add3A_229 = arith.addi %select_n3A_182, %add3A_228 : vector<16xi32>
        %gather3A_230 = tpu.vector_load_idx %run_scoped3A[%add3A_229] : memref<24576xf32, #tpu.memory_space<vmem>>[vector<16xi32>], vector<16xf32>,
        %sub3A_231 = arith.subf %gather3A_230, %gather3A_175 : vector<16xf32>
        %add3A_232 = arith.constant 16384 : i32
        %add3A_233 = vector.broadcast %add3A_232 : i32 to vector<16xi32>
        %add3A_234 = arith.addi %select_n3A_190, %add3A_233 : vector<16xi32>
        %gather3A_235 = tpu.vector_load_idx %run_scoped3A[%add3A_234] : memref<24576xf32, #tpu.memory_space<vmem>>[vector<16xi32>], vector<16xf32>,
        %sub3A_236 = arith.subf %gather3A_235, %gather3A_175 : vector<16xf32>
        tpu.vector_store_idx %run_scoped3A_109[%broadcast_in_dim3A_226, %iota3A, %broadcast_in_dim3A_191], %sub3A_231 : memref<3x32x256xf32, #tpu.memory_space<vmem>>[vector<16xi32>, vector<16xi32>, vector<16xi32>], vector<16xf32>,
        %add3A_237 = arith.constant 16 : i32
        %add3A_238 = vector.broadcast %add3A_237 : i32 to vector<16xi32>
        %add3A_239 = arith.addi %iota3A, %add3A_238 : vector<16xi32>
        tpu.vector_store_idx %run_scoped3A_109[%broadcast_in_dim3A_226, %add3A_239, %broadcast_in_dim3A_191], %sub3A_236 : memref<3x32x256xf32, #tpu.memory_space<vmem>>[vector<16xi32>, vector<16xi32>, vector<16xi32>], vector<16xf32>,
      }
      %scan3A_133 = arith.constant 256 : i32
      %mul3A_134 = arith.constant 8 : i32
      %mul3A_135 = arith.muli %select_n3A_48, %mul3A_134 : i32
      %jit3A_136 = arith.constant 8 : i32
      %eq3A_137 = arith.constant 0 : i32
      %eq3A_138 = arith.cmpi eq, %jit3A_136, %eq3A_137 : i32
      %jit3A_139 = arith.constant 1 : i32
      %select_n3A_140 = arith.select %eq3A_138, %jit3A_139, %jit3A_136 : i32
      %rem3A_141 = arith.remsi %add3A, %select_n3A_140 : i32
      %ne3A_142 = arith.constant 0 : i32
      %ne3A_143 = arith.cmpi ne, %rem3A_141, %ne3A_142 : i32
      %lt3A_144 = arith.constant 0 : i32
      %lt3A_145 = arith.cmpi slt, %rem3A_141, %lt3A_144 : i32
      %lt3A_146 = arith.constant 0 : i32
      %lt3A_147 = arith.cmpi slt, %select_n3A_140, %lt3A_146 : i32
      %ne3A_148 = arith.xori %lt3A_145, %lt3A_147 : i1
      %and3A_149 = arith.andi %ne3A_148, %ne3A_143 : i1
      %add3A_150 = arith.addi %rem3A_141, %select_n3A_140 : i32
      %select_n3A_151 = arith.select %and3A_149, %add3A_150, %rem3A_141 : i32
      %add3A_152 = arith.addi %mul3A_135, %select_n3A_151 : i32
      "tpu.region"() ({
        %run_scoped3A_159 = tpu.sem_alloc : memref<!tpu.dma_semaphore, #tpu.memory_space<semaphore_mem>>
        %dma_start3A = arith.constant 0 : i32
        %dma_start3A_160 = arith.constant 0 : i32
        %dma_start3A_161 = tpu.memref_slice %arg9[%add3A_152, %dma_start3A, %dma_start3A_160] : memref<16x32x256xi32, #tpu.memory_space<vmem_shared>> -> memref<1x32x256xi32, #tpu.memory_space<vmem_shared>>
        %dma_start3A_162 = tpu.memref_squeeze %dma_start3A_161 : memref<1x32x256xi32, #tpu.memory_space<vmem_shared>> -> memref<32x256xi32, #tpu.memory_space<vmem_shared>>
        %dma_start3A_163 = arith.constant 0 : i32
        %dma_start3A_164 = arith.constant 0 : i32
        %dma_start3A_165 = tpu.memref_slice %arg9[%add3A_152, %dma_start3A_163, %dma_start3A_164] : memref<16x32x256xi32, #tpu.memory_space<vmem_shared>> -> memref<1x32x256xi32, #tpu.memory_space<vmem_shared>>
        %dma_start3A_166 = tpu.memref_squeeze %dma_start3A_165 : memref<1x32x256xi32, #tpu.memory_space<vmem_shared>> -> memref<32x256xi32, #tpu.memory_space<vmem_shared>>
        tpu.enqueue_dma source(%run_scoped3A_108 : memref<32x256xi32, #tpu.memory_space<vmem>>) target(%dma_start3A_166 : memref<32x256xi32, #tpu.memory_space<vmem_shared>>) target_semaphore(%run_scoped3A_159 : memref<!tpu.dma_semaphore, #tpu.memory_space<semaphore_mem>>)
        %dma_wait3A = arith.constant 0 : i32
        %dma_wait3A_167 = arith.constant 0 : i32
        %dma_wait3A_168 = tpu.memref_slice %arg9[%add3A_152, %dma_wait3A, %dma_wait3A_167] : memref<16x32x256xi32, #tpu.memory_space<vmem_shared>> -> memref<1x32x256xi32, #tpu.memory_space<vmem_shared>>
        %dma_wait3A_169 = tpu.memref_squeeze %dma_wait3A_168 : memref<1x32x256xi32, #tpu.memory_space<vmem_shared>> -> memref<32x256xi32, #tpu.memory_space<vmem_shared>>
        %dma_wait3A_170 = arith.constant 0 : i32
        %dma_wait3A_171 = arith.constant 0 : i32
        %dma_wait3A_172 = tpu.memref_slice %arg9[%add3A_152, %dma_wait3A_170, %dma_wait3A_171] : memref<16x32x256xi32, #tpu.memory_space<vmem_shared>> -> memref<1x32x256xi32, #tpu.memory_space<vmem_shared>>
        %dma_wait3A_173 = tpu.memref_squeeze %dma_wait3A_172 : memref<1x32x256xi32, #tpu.memory_space<vmem_shared>> -> memref<32x256xi32, #tpu.memory_space<vmem_shared>>
        tpu.wait_dma2 semaphore(%run_scoped3A_159 : memref<!tpu.dma_semaphore, #tpu.memory_space<semaphore_mem>>) src(%run_scoped3A_108 : memref<32x256xi32, #tpu.memory_space<vmem>>) dst(%dma_wait3A_173 : memref<32x256xi32, #tpu.memory_space<vmem_shared>>)
        tpu.yield
      }) : () -> ()
      %run_scoped3A_153 = arith.constant 0 : i32
      %run_scoped3A_154 = arith.constant 0 : i32
      "tpu.region"() ({
        %run_scoped3A_159 = tpu.sem_alloc : memref<!tpu.dma_semaphore, #tpu.memory_space<semaphore_mem>>
        %dma_start3A = arith.constant 0 : i32
        %dma_start3A_160 = arith.constant 0 : i32
        %dma_start3A_161 = tpu.memref_slice %run_scoped3A_109[%run_scoped3A_153, %dma_start3A, %dma_start3A_160] : memref<3x32x256xf32, #tpu.memory_space<vmem>> -> memref<1x32x256xf32, #tpu.memory_space<vmem>>
        %dma_start3A_162 = tpu.memref_squeeze %dma_start3A_161 : memref<1x32x256xf32, #tpu.memory_space<vmem>> -> memref<32x256xf32, #tpu.memory_space<vmem>>
        %dma_start3A_163 = arith.constant 0 : i32
        %dma_start3A_164 = tpu.memref_slice %arg5[%select_n3A, %run_scoped3A_154, %dma_start3A_163, %mul3A_32] : memref<4x67x32x2048xf32, #tpu.memory_space<hbm>> -> memref<1x1x32x256xf32, #tpu.memory_space<hbm>>
        %dma_start3A_165 = tpu.memref_squeeze %dma_start3A_164 : memref<1x1x32x256xf32, #tpu.memory_space<hbm>> -> memref<32x256xf32, #tpu.memory_space<hbm>>
        %dma_start3A_166 = arith.constant 0 : i32
        %dma_start3A_167 = tpu.memref_slice %arg5[%select_n3A, %run_scoped3A_154, %dma_start3A_166, %mul3A_32] : memref<4x67x32x2048xf32, #tpu.memory_space<hbm>> -> memref<1x1x32x256xf32, #tpu.memory_space<hbm>>
        %dma_start3A_168 = tpu.memref_squeeze %dma_start3A_167 : memref<1x1x32x256xf32, #tpu.memory_space<hbm>> -> memref<32x256xf32, #tpu.memory_space<hbm>>
        %dma_start3A_169 = arith.constant 0 : i32
        %dma_start3A_170 = arith.constant 0 : i32
        %dma_start3A_171 = tpu.memref_slice %run_scoped3A_109[%run_scoped3A_153, %dma_start3A_169, %dma_start3A_170] : memref<3x32x256xf32, #tpu.memory_space<vmem>> -> memref<1x32x256xf32, #tpu.memory_space<vmem>>
        %dma_start3A_172 = tpu.memref_squeeze %dma_start3A_171 : memref<1x32x256xf32, #tpu.memory_space<vmem>> -> memref<32x256xf32, #tpu.memory_space<vmem>>
        tpu.enqueue_dma source(%dma_start3A_172 : memref<32x256xf32, #tpu.memory_space<vmem>>) target(%dma_start3A_168 : memref<32x256xf32, #tpu.memory_space<hbm>>) target_semaphore(%run_scoped3A_159 : memref<!tpu.dma_semaphore, #tpu.memory_space<semaphore_mem>>)
        %dma_wait3A = arith.constant 0 : i32
        %dma_wait3A_173 = arith.constant 0 : i32
        %dma_wait3A_174 = tpu.memref_slice %run_scoped3A_109[%run_scoped3A_153, %dma_wait3A, %dma_wait3A_173] : memref<3x32x256xf32, #tpu.memory_space<vmem>> -> memref<1x32x256xf32, #tpu.memory_space<vmem>>
        %dma_wait3A_175 = tpu.memref_squeeze %dma_wait3A_174 : memref<1x32x256xf32, #tpu.memory_space<vmem>> -> memref<32x256xf32, #tpu.memory_space<vmem>>
        %dma_wait3A_176 = arith.constant 0 : i32
        %dma_wait3A_177 = tpu.memref_slice %arg5[%select_n3A, %run_scoped3A_154, %dma_wait3A_176, %mul3A_32] : memref<4x67x32x2048xf32, #tpu.memory_space<hbm>> -> memref<1x1x32x256xf32, #tpu.memory_space<hbm>>
        %dma_wait3A_178 = tpu.memref_squeeze %dma_wait3A_177 : memref<1x1x32x256xf32, #tpu.memory_space<hbm>> -> memref<32x256xf32, #tpu.memory_space<hbm>>
        %dma_wait3A_179 = arith.constant 0 : i32
        %dma_wait3A_180 = tpu.memref_slice %arg5[%select_n3A, %run_scoped3A_154, %dma_wait3A_179, %mul3A_32] : memref<4x67x32x2048xf32, #tpu.memory_space<hbm>> -> memref<1x1x32x256xf32, #tpu.memory_space<hbm>>
        %dma_wait3A_181 = tpu.memref_squeeze %dma_wait3A_180 : memref<1x1x32x256xf32, #tpu.memory_space<hbm>> -> memref<32x256xf32, #tpu.memory_space<hbm>>
        %dma_wait3A_182 = arith.constant 0 : i32
        %dma_wait3A_183 = arith.constant 0 : i32
        %dma_wait3A_184 = tpu.memref_slice %run_scoped3A_109[%run_scoped3A_153, %dma_wait3A_182, %dma_wait3A_183] : memref<3x32x256xf32, #tpu.memory_space<vmem>> -> memref<1x32x256xf32, #tpu.memory_space<vmem>>
        %dma_wait3A_185 = tpu.memref_squeeze %dma_wait3A_184 : memref<1x32x256xf32, #tpu.memory_space<vmem>> -> memref<32x256xf32, #tpu.memory_space<vmem>>
        tpu.wait_dma2 semaphore(%run_scoped3A_159 : memref<!tpu.dma_semaphore, #tpu.memory_space<semaphore_mem>>) src(%dma_wait3A_185 : memref<32x256xf32, #tpu.memory_space<vmem>>) dst(%dma_wait3A_181 : memref<32x256xf32, #tpu.memory_space<hbm>>)
        tpu.yield
      }) : () -> ()
      %run_scoped3A_155 = arith.constant 1 : i32
      %run_scoped3A_156 = arith.constant 1 : i32
      "tpu.region"() ({
        %run_scoped3A_159 = tpu.sem_alloc : memref<!tpu.dma_semaphore, #tpu.memory_space<semaphore_mem>>
        %dma_start3A = arith.constant 0 : i32
        %dma_start3A_160 = arith.constant 0 : i32
        %dma_start3A_161 = tpu.memref_slice %run_scoped3A_109[%run_scoped3A_155, %dma_start3A, %dma_start3A_160] : memref<3x32x256xf32, #tpu.memory_space<vmem>> -> memref<1x32x256xf32, #tpu.memory_space<vmem>>
        %dma_start3A_162 = tpu.memref_squeeze %dma_start3A_161 : memref<1x32x256xf32, #tpu.memory_space<vmem>> -> memref<32x256xf32, #tpu.memory_space<vmem>>
        %dma_start3A_163 = arith.constant 0 : i32
        %dma_start3A_164 = tpu.memref_slice %arg5[%select_n3A, %run_scoped3A_156, %dma_start3A_163, %mul3A_32] : memref<4x67x32x2048xf32, #tpu.memory_space<hbm>> -> memref<1x1x32x256xf32, #tpu.memory_space<hbm>>
        %dma_start3A_165 = tpu.memref_squeeze %dma_start3A_164 : memref<1x1x32x256xf32, #tpu.memory_space<hbm>> -> memref<32x256xf32, #tpu.memory_space<hbm>>
        %dma_start3A_166 = arith.constant 0 : i32
        %dma_start3A_167 = tpu.memref_slice %arg5[%select_n3A, %run_scoped3A_156, %dma_start3A_166, %mul3A_32] : memref<4x67x32x2048xf32, #tpu.memory_space<hbm>> -> memref<1x1x32x256xf32, #tpu.memory_space<hbm>>
        %dma_start3A_168 = tpu.memref_squeeze %dma_start3A_167 : memref<1x1x32x256xf32, #tpu.memory_space<hbm>> -> memref<32x256xf32, #tpu.memory_space<hbm>>
        %dma_start3A_169 = arith.constant 0 : i32
        %dma_start3A_170 = arith.constant 0 : i32
        %dma_start3A_171 = tpu.memref_slice %run_scoped3A_109[%run_scoped3A_155, %dma_start3A_169, %dma_start3A_170] : memref<3x32x256xf32, #tpu.memory_space<vmem>> -> memref<1x32x256xf32, #tpu.memory_space<vmem>>
        %dma_start3A_172 = tpu.memref_squeeze %dma_start3A_171 : memref<1x32x256xf32, #tpu.memory_space<vmem>> -> memref<32x256xf32, #tpu.memory_space<vmem>>
        tpu.enqueue_dma source(%dma_start3A_172 : memref<32x256xf32, #tpu.memory_space<vmem>>) target(%dma_start3A_168 : memref<32x256xf32, #tpu.memory_space<hbm>>) target_semaphore(%run_scoped3A_159 : memref<!tpu.dma_semaphore, #tpu.memory_space<semaphore_mem>>)
        %dma_wait3A = arith.constant 0 : i32
        %dma_wait3A_173 = arith.constant 0 : i32
        %dma_wait3A_174 = tpu.memref_slice %run_scoped3A_109[%run_scoped3A_155, %dma_wait3A, %dma_wait3A_173] : memref<3x32x256xf32, #tpu.memory_space<vmem>> -> memref<1x32x256xf32, #tpu.memory_space<vmem>>
        %dma_wait3A_175 = tpu.memref_squeeze %dma_wait3A_174 : memref<1x32x256xf32, #tpu.memory_space<vmem>> -> memref<32x256xf32, #tpu.memory_space<vmem>>
        %dma_wait3A_176 = arith.constant 0 : i32
        %dma_wait3A_177 = tpu.memref_slice %arg5[%select_n3A, %run_scoped3A_156, %dma_wait3A_176, %mul3A_32] : memref<4x67x32x2048xf32, #tpu.memory_space<hbm>> -> memref<1x1x32x256xf32, #tpu.memory_space<hbm>>
        %dma_wait3A_178 = tpu.memref_squeeze %dma_wait3A_177 : memref<1x1x32x256xf32, #tpu.memory_space<hbm>> -> memref<32x256xf32, #tpu.memory_space<hbm>>
        %dma_wait3A_179 = arith.constant 0 : i32
        %dma_wait3A_180 = tpu.memref_slice %arg5[%select_n3A, %run_scoped3A_156, %dma_wait3A_179, %mul3A_32] : memref<4x67x32x2048xf32, #tpu.memory_space<hbm>> -> memref<1x1x32x256xf32, #tpu.memory_space<hbm>>
        %dma_wait3A_181 = tpu.memref_squeeze %dma_wait3A_180 : memref<1x1x32x256xf32, #tpu.memory_space<hbm>> -> memref<32x256xf32, #tpu.memory_space<hbm>>
        %dma_wait3A_182 = arith.constant 0 : i32
        %dma_wait3A_183 = arith.constant 0 : i32
        %dma_wait3A_184 = tpu.memref_slice %run_scoped3A_109[%run_scoped3A_155, %dma_wait3A_182, %dma_wait3A_183] : memref<3x32x256xf32, #tpu.memory_space<vmem>> -> memref<1x32x256xf32, #tpu.memory_space<vmem>>
        %dma_wait3A_185 = tpu.memref_squeeze %dma_wait3A_184 : memref<1x32x256xf32, #tpu.memory_space<vmem>> -> memref<32x256xf32, #tpu.memory_space<vmem>>
        tpu.wait_dma2 semaphore(%run_scoped3A_159 : memref<!tpu.dma_semaphore, #tpu.memory_space<semaphore_mem>>) src(%dma_wait3A_185 : memref<32x256xf32, #tpu.memory_space<vmem>>) dst(%dma_wait3A_181 : memref<32x256xf32, #tpu.memory_space<hbm>>)
        tpu.yield
      }) : () -> ()
      %run_scoped3A_157 = arith.constant 2 : i32
      %run_scoped3A_158 = arith.constant 2 : i32
      "tpu.region"() ({
        %run_scoped3A_159 = tpu.sem_alloc : memref<!tpu.dma_semaphore, #tpu.memory_space<semaphore_mem>>
        %dma_start3A = arith.constant 0 : i32
        %dma_start3A_160 = arith.constant 0 : i32
        %dma_start3A_161 = tpu.memref_slice %run_scoped3A_109[%run_scoped3A_157, %dma_start3A, %dma_start3A_160] : memref<3x32x256xf32, #tpu.memory_space<vmem>> -> memref<1x32x256xf32, #tpu.memory_space<vmem>>
        %dma_start3A_162 = tpu.memref_squeeze %dma_start3A_161 : memref<1x32x256xf32, #tpu.memory_space<vmem>> -> memref<32x256xf32, #tpu.memory_space<vmem>>
        %dma_start3A_163 = arith.constant 0 : i32
        %dma_start3A_164 = tpu.memref_slice %arg5[%select_n3A, %run_scoped3A_158, %dma_start3A_163, %mul3A_32] : memref<4x67x32x2048xf32, #tpu.memory_space<hbm>> -> memref<1x1x32x256xf32, #tpu.memory_space<hbm>>
        %dma_start3A_165 = tpu.memref_squeeze %dma_start3A_164 : memref<1x1x32x256xf32, #tpu.memory_space<hbm>> -> memref<32x256xf32, #tpu.memory_space<hbm>>
        %dma_start3A_166 = arith.constant 0 : i32
        %dma_start3A_167 = tpu.memref_slice %arg5[%select_n3A, %run_scoped3A_158, %dma_start3A_166, %mul3A_32] : memref<4x67x32x2048xf32, #tpu.memory_space<hbm>> -> memref<1x1x32x256xf32, #tpu.memory_space<hbm>>
        %dma_start3A_168 = tpu.memref_squeeze %dma_start3A_167 : memref<1x1x32x256xf32, #tpu.memory_space<hbm>> -> memref<32x256xf32, #tpu.memory_space<hbm>>
        %dma_start3A_169 = arith.constant 0 : i32
        %dma_start3A_170 = arith.constant 0 : i32
        %dma_start3A_171 = tpu.memref_slice %run_scoped3A_109[%run_scoped3A_157, %dma_start3A_169, %dma_start3A_170] : memref<3x32x256xf32, #tpu.memory_space<vmem>> -> memref<1x32x256xf32, #tpu.memory_space<vmem>>
        %dma_start3A_172 = tpu.memref_squeeze %dma_start3A_171 : memref<1x32x256xf32, #tpu.memory_space<vmem>> -> memref<32x256xf32, #tpu.memory_space<vmem>>
        tpu.enqueue_dma source(%dma_start3A_172 : memref<32x256xf32, #tpu.memory_space<vmem>>) target(%dma_start3A_168 : memref<32x256xf32, #tpu.memory_space<hbm>>) target_semaphore(%run_scoped3A_159 : memref<!tpu.dma_semaphore, #tpu.memory_space<semaphore_mem>>)
        %dma_wait3A = arith.constant 0 : i32
        %dma_wait3A_173 = arith.constant 0 : i32
        %dma_wait3A_174 = tpu.memref_slice %run_scoped3A_109[%run_scoped3A_157, %dma_wait3A, %dma_wait3A_173] : memref<3x32x256xf32, #tpu.memory_space<vmem>> -> memref<1x32x256xf32, #tpu.memory_space<vmem>>
        %dma_wait3A_175 = tpu.memref_squeeze %dma_wait3A_174 : memref<1x32x256xf32, #tpu.memory_space<vmem>> -> memref<32x256xf32, #tpu.memory_space<vmem>>
        %dma_wait3A_176 = arith.constant 0 : i32
        %dma_wait3A_177 = tpu.memref_slice %arg5[%select_n3A, %run_scoped3A_158, %dma_wait3A_176, %mul3A_32] : memref<4x67x32x2048xf32, #tpu.memory_space<hbm>> -> memref<1x1x32x256xf32, #tpu.memory_space<hbm>>
        %dma_wait3A_178 = tpu.memref_squeeze %dma_wait3A_177 : memref<1x1x32x256xf32, #tpu.memory_space<hbm>> -> memref<32x256xf32, #tpu.memory_space<hbm>>
        %dma_wait3A_179 = arith.constant 0 : i32
        %dma_wait3A_180 = tpu.memref_slice %arg5[%select_n3A, %run_scoped3A_158, %dma_wait3A_179, %mul3A_32] : memref<4x67x32x2048xf32, #tpu.memory_space<hbm>> -> memref<1x1x32x256xf32, #tpu.memory_space<hbm>>
        %dma_wait3A_181 = tpu.memref_squeeze %dma_wait3A_180 : memref<1x1x32x256xf32, #tpu.memory_space<hbm>> -> memref<32x256xf32, #tpu.memory_space<hbm>>
        %dma_wait3A_182 = arith.constant 0 : i32
        %dma_wait3A_183 = arith.constant 0 : i32
        %dma_wait3A_184 = tpu.memref_slice %run_scoped3A_109[%run_scoped3A_157, %dma_wait3A_182, %dma_wait3A_183] : memref<3x32x256xf32, #tpu.memory_space<vmem>> -> memref<1x32x256xf32, #tpu.memory_space<vmem>>
        %dma_wait3A_185 = tpu.memref_squeeze %dma_wait3A_184 : memref<1x32x256xf32, #tpu.memory_space<vmem>> -> memref<32x256xf32, #tpu.memory_space<vmem>>
        tpu.wait_dma2 semaphore(%run_scoped3A_159 : memref<!tpu.dma_semaphore, #tpu.memory_space<semaphore_mem>>) src(%dma_wait3A_185 : memref<32x256xf32, #tpu.memory_space<vmem>>) dst(%dma_wait3A_181 : memref<32x256xf32, #tpu.memory_space<hbm>>)
        tpu.yield
      }) : () -> ()
      tpu.yield
    }) : () -> ()
    %barrier3A = arith.constant 0 : index
    tpu.barrier barrier_id(%barrier3A)
    %mul3A_49 = arith.constant 8 : i32
    %mul3A_50 = arith.muli %add3A, %mul3A_49 : i32
    %jit3A_51 = arith.constant 64 : i32
    %div3A_52 = arith.divsi %mul3A_50, %jit3A_51 : i32
    %sign3A_53 = arith.constant 0 : i32
    %sign3A_54 = arith.cmpi sgt, %mul3A_50, %sign3A_53 : i32
    %sign3A_55 = arith.extui %sign3A_54 : i1 to i32
    %sign3A_56 = arith.constant 0 : i32
    %sign3A_57 = arith.cmpi slt, %mul3A_50, %sign3A_56 : i32
    %sign3A_58 = arith.extui %sign3A_57 : i1 to i32
    %sign3A_59 = arith.subi %sign3A_55, %sign3A_58 : i32
    %sign3A_60 = arith.constant 0 : i32
    %sign3A_61 = arith.cmpi sgt, %jit3A_51, %sign3A_60 : i32
    %sign3A_62 = arith.extui %sign3A_61 : i1 to i32
    %sign3A_63 = arith.constant 0 : i32
    %sign3A_64 = arith.cmpi slt, %jit3A_51, %sign3A_63 : i32
    %sign3A_65 = arith.extui %sign3A_64 : i1 to i32
    %sign3A_66 = arith.subi %sign3A_62, %sign3A_65 : i32
    %ne3A_67 = arith.cmpi ne, %sign3A_59, %sign3A_66 : i32
    %rem3A_68 = arith.remsi %mul3A_50, %jit3A_51 : i32
    %ne3A_69 = arith.constant 0 : i32
    %ne3A_70 = arith.cmpi ne, %rem3A_68, %ne3A_69 : i32
    %and3A_71 = arith.andi %ne3A_67, %ne3A_70 : i1
    %sub3A_72 = arith.constant 1 : i32
    %sub3A_73 = arith.subi %div3A_52, %sub3A_72 : i32
    %select_n3A_74 = arith.select %and3A_71, %sub3A_73, %div3A_52 : i32
    %jit3A_75 = arith.constant 64 : i32
    %eq3A_76 = arith.constant 0 : i32
    %eq3A_77 = arith.cmpi eq, %jit3A_75, %eq3A_76 : i32
    %jit3A_78 = arith.constant 1 : i32
    %select_n3A_79 = arith.select %eq3A_77, %jit3A_78, %jit3A_75 : i32
    %rem3A_80 = arith.remsi %mul3A_50, %select_n3A_79 : i32
    %ne3A_81 = arith.constant 0 : i32
    %ne3A_82 = arith.cmpi ne, %rem3A_80, %ne3A_81 : i32
    %lt3A_83 = arith.constant 0 : i32
    %lt3A_84 = arith.cmpi slt, %rem3A_80, %lt3A_83 : i32
    %lt3A_85 = arith.constant 0 : i32
    %lt3A_86 = arith.cmpi slt, %select_n3A_79, %lt3A_85 : i32
    %ne3A_87 = arith.xori %lt3A_84, %lt3A_86 : i1
    %and3A_88 = arith.andi %ne3A_87, %ne3A_82 : i1
    %add3A_89 = arith.addi %rem3A_80, %select_n3A_79 : i32
    %select_n3A_90 = arith.select %and3A_88, %add3A_89, %rem3A_80 : i32
    %jit3A_91 = arith.constant 2 : i32
    %eq3A_92 = arith.constant 0 : i32
    %eq3A_93 = arith.cmpi eq, %jit3A_91, %eq3A_92 : i32
    %jit3A_94 = arith.constant 1 : i32
    %select_n3A_95 = arith.select %eq3A_93, %jit3A_94, %jit3A_91 : i32
    %rem3A_96 = arith.remsi %select_n3A_74, %select_n3A_95 : i32
    %ne3A_97 = arith.constant 0 : i32
    %ne3A_98 = arith.cmpi ne, %rem3A_96, %ne3A_97 : i32
    %lt3A_99 = arith.constant 0 : i32
    %lt3A_100 = arith.cmpi slt, %rem3A_96, %lt3A_99 : i32
    %lt3A_101 = arith.constant 0 : i32
    %lt3A_102 = arith.cmpi slt, %select_n3A_95, %lt3A_101 : i32
    %ne3A_103 = arith.xori %lt3A_100, %lt3A_102 : i1
    %and3A_104 = arith.andi %ne3A_103, %ne3A_98 : i1
    %add3A_105 = arith.addi %rem3A_96, %select_n3A_95 : i32
    %select_n3A_106 = arith.select %and3A_104, %add3A_105, %rem3A_96 : i32
    "tpu.region"() ({
      %run_scoped3A = memref.alloca() : memref<65536xf32, #tpu.memory_space<vmem>>
      %run_scoped3A_107 = memref.alloca() : memref<8x16x128xf32, #tpu.memory_space<vmem>>
      %run_scoped3A_108 = memref.alloca() : memref<8x16x128xf32, #tpu.memory_space<vmem>>
      %mul3A_109 = arith.constant 64 : i32
      %mul3A_110 = arith.muli %select_n3A_74, %mul3A_109 : i32
      %add3A_111 = arith.addi %mul3A_110, %select_n3A_90 : i32
      %mul3A_112 = arith.constant 8192 : i32
      %mul3A_113 = arith.muli %add3A_111, %mul3A_112 : i32
      "tpu.region"() ({
        %run_scoped3A_173 = tpu.sem_alloc : memref<!tpu.dma_semaphore, #tpu.memory_space<semaphore_mem>>
        %dma_start3A_174 = tpu.memref_slice %arg4[%mul3A_113] : memref<2097152xf32, #tpu.memory_space<hbm>> -> memref<65536xf32, #tpu.memory_space<hbm>>
        %dma_start3A_175 = tpu.memref_slice %arg4[%mul3A_113] : memref<2097152xf32, #tpu.memory_space<hbm>> -> memref<65536xf32, #tpu.memory_space<hbm>>
        tpu.enqueue_dma source(%dma_start3A_175 : memref<65536xf32, #tpu.memory_space<hbm>>) target(%run_scoped3A : memref<65536xf32, #tpu.memory_space<vmem>>) target_semaphore(%run_scoped3A_173 : memref<!tpu.dma_semaphore, #tpu.memory_space<semaphore_mem>>)
        %dma_wait3A_176 = tpu.memref_slice %arg4[%mul3A_113] : memref<2097152xf32, #tpu.memory_space<hbm>> -> memref<65536xf32, #tpu.memory_space<hbm>>
        %dma_wait3A_177 = tpu.memref_slice %arg4[%mul3A_113] : memref<2097152xf32, #tpu.memory_space<hbm>> -> memref<65536xf32, #tpu.memory_space<hbm>>
        tpu.wait_dma2 semaphore(%run_scoped3A_173 : memref<!tpu.dma_semaphore, #tpu.memory_space<semaphore_mem>>) src(%dma_wait3A_177 : memref<65536xf32, #tpu.memory_space<hbm>>) dst(%run_scoped3A : memref<65536xf32, #tpu.memory_space<vmem>>)
        tpu.yield
      }) : () -> ()
      %mul3A_114 = arith.constant 8 : i32
      %mul3A_115 = arith.muli %select_n3A_106, %mul3A_114 : i32
      %add3A_116 = arith.constant 0 : i32
      %add3A_117 = arith.addi %mul3A_115, %add3A_116 : i32
      "tpu.region"() ({
        %run_scoped3A_173 = tpu.sem_alloc : memref<!tpu.dma_semaphore, #tpu.memory_space<semaphore_mem>>
        %dma_start3A_174 = arith.constant 0 : i32
        %dma_start3A_175 = arith.constant 0 : i32
        %dma_start3A_176 = tpu.memref_slice %arg9[%add3A_117, %dma_start3A_174, %dma_start3A_175] : memref<16x32x256xi32, #tpu.memory_space<vmem_shared>> -> memref<1x32x128xi32, #tpu.memory_space<vmem_shared>>
        %dma_start3A_177 = tpu.memref_squeeze %dma_start3A_176 : memref<1x32x128xi32, #tpu.memory_space<vmem_shared>> -> memref<32x128xi32, #tpu.memory_space<vmem_shared>>
        %dma_start3A_178 = arith.constant 0 : i32
        %dma_start3A_179 = arith.constant 0 : i32
        %dma_start3A_180 = tpu.memref_slice %arg9[%add3A_117, %dma_start3A_178, %dma_start3A_179] : memref<16x32x256xi32, #tpu.memory_space<vmem_shared>> -> memref<1x32x128xi32, #tpu.memory_space<vmem_shared>>
        %dma_start3A_181 = tpu.memref_squeeze %dma_start3A_180 : memref<1x32x128xi32, #tpu.memory_space<vmem_shared>> -> memref<32x128xi32, #tpu.memory_space<vmem_shared>>
        tpu.enqueue_dma source(%dma_start3A_181 : memref<32x128xi32, #tpu.memory_space<vmem_shared>>) target(%arg8 : memref<32x128xi32, #tpu.memory_space<vmem>>) target_semaphore(%run_scoped3A_173 : memref<!tpu.dma_semaphore, #tpu.memory_space<semaphore_mem>>)
        %dma_wait3A_182 = arith.constant 0 : i32
        %dma_wait3A_183 = arith.constant 0 : i32
        %dma_wait3A_184 = tpu.memref_slice %arg9[%add3A_117, %dma_wait3A_182, %dma_wait3A_183] : memref<16x32x256xi32, #tpu.memory_space<vmem_shared>> -> memref<1x32x128xi32, #tpu.memory_space<vmem_shared>>
        %dma_wait3A_185 = tpu.memref_squeeze %dma_wait3A_184 : memref<1x32x128xi32, #tpu.memory_space<vmem_shared>> -> memref<32x128xi32, #tpu.memory_space<vmem_shared>>
        %dma_wait3A_186 = arith.constant 0 : i32
        %dma_wait3A_187 = arith.constant 0 : i32
        %dma_wait3A_188 = tpu.memref_slice %arg9[%add3A_117, %dma_wait3A_186, %dma_wait3A_187] : memref<16x32x256xi32, #tpu.memory_space<vmem_shared>> -> memref<1x32x128xi32, #tpu.memory_space<vmem_shared>>
        %dma_wait3A_189 = tpu.memref_squeeze %dma_wait3A_188 : memref<1x32x128xi32, #tpu.memory_space<vmem_shared>> -> memref<32x128xi32, #tpu.memory_space<vmem_shared>>
        tpu.wait_dma2 semaphore(%run_scoped3A_173 : memref<!tpu.dma_semaphore, #tpu.memory_space<semaphore_mem>>) src(%dma_wait3A_189 : memref<32x128xi32, #tpu.memory_space<vmem_shared>>) dst(%arg8 : memref<32x128xi32, #tpu.memory_space<vmem>>)
        tpu.yield
      }) : () -> ()
      %scan3A = arith.constant 0 : i32
      %scan3A_118 = arith.constant 0 : i32
      %scan3A_119 = arith.constant 16 : i32
      %scan3A_120 = arith.addi %scan3A_118, %scan3A_119 : i32
      %scan3A_121 = arith.constant 1 : i32
      scf.for %scan3A_173 = %scan3A_118 to %scan3A_120 step %scan3A_121  : i32 {
        %add3A_174 = arith.constant 0 : i32
        %add3A_175 = arith.addi %add3A_174, %scan3A_173 : i32
        %get3A = arith.index_cast %add3A_175 : i32 to index
        %get3A_176 = arith.constant 0 : index
        %get3A_177 = tpu.vector_load %arg8[%get3A, %get3A_176] {strides = array<i32>} : memref<32x128xi32, #tpu.memory_space<vmem>>, vector<16xi32>,
        %gather3A = arith.constant 0 : i32
        %gather3A_178 = tpu.memref_slice %run_scoped3A[%gather3A] : memref<65536xf32, #tpu.memory_space<vmem>> -> memref<8192xf32, #tpu.memory_space<vmem>>
        %gather3A_179 = tpu.vector_load_idx %gather3A_178[%get3A_177] : memref<8192xf32, #tpu.memory_space<vmem>>[vector<16xi32>], vector<16xf32>,
        %swap3A = arith.constant 0 : i32
        %swap3A_180 = arith.index_cast %swap3A : i32 to index
        %swap3A_181 = arith.index_cast %scan3A_173 : i32 to index
        %swap3A_182 = arith.constant 0 : index
        %swap3A_183 = tpu.vector_load %run_scoped3A_107[%swap3A_180, %swap3A_181, %swap3A_182] {strides = array<i32>} : memref<8x16x128xf32, #tpu.memory_space<vmem>>, vector<16xf32>,
        tpu.vector_store %run_scoped3A_107[%swap3A_180, %swap3A_181, %swap3A_182], %gather3A_179 {strides = array<i32>} : memref<8x16x128xf32, #tpu.memory_space<vmem>>, vector<16xf32>,
        %gather3A_184 = arith.constant 8192 : i32
        %gather3A_185 = tpu.memref_slice %run_scoped3A[%gather3A_184] : memref<65536xf32, #tpu.memory_space<vmem>> -> memref<8192xf32, #tpu.memory_space<vmem>>
        %gather3A_186 = tpu.vector_load_idx %gather3A_185[%get3A_177] : memref<8192xf32, #tpu.memory_space<vmem>>[vector<16xi32>], vector<16xf32>,
        %swap3A_187 = arith.constant 1 : i32
        %swap3A_188 = arith.index_cast %swap3A_187 : i32 to index
        %swap3A_189 = arith.index_cast %scan3A_173 : i32 to index
        %swap3A_190 = arith.constant 0 : index
        %swap3A_191 = tpu.vector_load %run_scoped3A_107[%swap3A_188, %swap3A_189, %swap3A_190] {strides = array<i32>} : memref<8x16x128xf32, #tpu.memory_space<vmem>>, vector<16xf32>,
        tpu.vector_store %run_scoped3A_107[%swap3A_188, %swap3A_189, %swap3A_190], %gather3A_186 {strides = array<i32>} : memref<8x16x128xf32, #tpu.memory_space<vmem>>, vector<16xf32>,
        %gather3A_192 = arith.constant 16384 : i32
        %gather3A_193 = tpu.memref_slice %run_scoped3A[%gather3A_192] : memref<65536xf32, #tpu.memory_space<vmem>> -> memref<8192xf32, #tpu.memory_space<vmem>>
        %gather3A_194 = tpu.vector_load_idx %gather3A_193[%get3A_177] : memref<8192xf32, #tpu.memory_space<vmem>>[vector<16xi32>], vector<16xf32>,
        %swap3A_195 = arith.constant 2 : i32
        %swap3A_196 = arith.index_cast %swap3A_195 : i32 to index
        %swap3A_197 = arith.index_cast %scan3A_173 : i32 to index
        %swap3A_198 = arith.constant 0 : index
        %swap3A_199 = tpu.vector_load %run_scoped3A_107[%swap3A_196, %swap3A_197, %swap3A_198] {strides = array<i32>} : memref<8x16x128xf32, #tpu.memory_space<vmem>>, vector<16xf32>,
        tpu.vector_store %run_scoped3A_107[%swap3A_196, %swap3A_197, %swap3A_198], %gather3A_194 {strides = array<i32>} : memref<8x16x128xf32, #tpu.memory_space<vmem>>, vector<16xf32>,
        %gather3A_200 = arith.constant 24576 : i32
        %gather3A_201 = tpu.memref_slice %run_scoped3A[%gather3A_200] : memref<65536xf32, #tpu.memory_space<vmem>> -> memref<8192xf32, #tpu.memory_space<vmem>>
        %gather3A_202 = tpu.vector_load_idx %gather3A_201[%get3A_177] : memref<8192xf32, #tpu.memory_space<vmem>>[vector<16xi32>], vector<16xf32>,
        %swap3A_203 = arith.constant 3 : i32
        %swap3A_204 = arith.index_cast %swap3A_203 : i32 to index
        %swap3A_205 = arith.index_cast %scan3A_173 : i32 to index
        %swap3A_206 = arith.constant 0 : index
        %swap3A_207 = tpu.vector_load %run_scoped3A_107[%swap3A_204, %swap3A_205, %swap3A_206] {strides = array<i32>} : memref<8x16x128xf32, #tpu.memory_space<vmem>>, vector<16xf32>,
        tpu.vector_store %run_scoped3A_107[%swap3A_204, %swap3A_205, %swap3A_206], %gather3A_202 {strides = array<i32>} : memref<8x16x128xf32, #tpu.memory_space<vmem>>, vector<16xf32>,
        %gather3A_208 = arith.constant 32768 : i32
        %gather3A_209 = tpu.memref_slice %run_scoped3A[%gather3A_208] : memref<65536xf32, #tpu.memory_space<vmem>> -> memref<8192xf32, #tpu.memory_space<vmem>>
        %gather3A_210 = tpu.vector_load_idx %gather3A_209[%get3A_177] : memref<8192xf32, #tpu.memory_space<vmem>>[vector<16xi32>], vector<16xf32>,
        %swap3A_211 = arith.constant 4 : i32
        %swap3A_212 = arith.index_cast %swap3A_211 : i32 to index
        %swap3A_213 = arith.index_cast %scan3A_173 : i32 to index
        %swap3A_214 = arith.constant 0 : index
        %swap3A_215 = tpu.vector_load %run_scoped3A_107[%swap3A_212, %swap3A_213, %swap3A_214] {strides = array<i32>} : memref<8x16x128xf32, #tpu.memory_space<vmem>>, vector<16xf32>,
        tpu.vector_store %run_scoped3A_107[%swap3A_212, %swap3A_213, %swap3A_214], %gather3A_210 {strides = array<i32>} : memref<8x16x128xf32, #tpu.memory_space<vmem>>, vector<16xf32>,
        %gather3A_216 = arith.constant 40960 : i32
        %gather3A_217 = tpu.memref_slice %run_scoped3A[%gather3A_216] : memref<65536xf32, #tpu.memory_space<vmem>> -> memref<8192xf32, #tpu.memory_space<vmem>>
        %gather3A_218 = tpu.vector_load_idx %gather3A_217[%get3A_177] : memref<8192xf32, #tpu.memory_space<vmem>>[vector<16xi32>], vector<16xf32>,
        %swap3A_219 = arith.constant 5 : i32
        %swap3A_220 = arith.index_cast %swap3A_219 : i32 to index
        %swap3A_221 = arith.index_cast %scan3A_173 : i32 to index
        %swap3A_222 = arith.constant 0 : index
        %swap3A_223 = tpu.vector_load %run_scoped3A_107[%swap3A_220, %swap3A_221, %swap3A_222] {strides = array<i32>} : memref<8x16x128xf32, #tpu.memory_space<vmem>>, vector<16xf32>,
        tpu.vector_store %run_scoped3A_107[%swap3A_220, %swap3A_221, %swap3A_222], %gather3A_218 {strides = array<i32>} : memref<8x16x128xf32, #tpu.memory_space<vmem>>, vector<16xf32>,
        %gather3A_224 = arith.constant 49152 : i32
        %gather3A_225 = tpu.memref_slice %run_scoped3A[%gather3A_224] : memref<65536xf32, #tpu.memory_space<vmem>> -> memref<8192xf32, #tpu.memory_space<vmem>>
        %gather3A_226 = tpu.vector_load_idx %gather3A_225[%get3A_177] : memref<8192xf32, #tpu.memory_space<vmem>>[vector<16xi32>], vector<16xf32>,
        %swap3A_227 = arith.constant 6 : i32
        %swap3A_228 = arith.index_cast %swap3A_227 : i32 to index
        %swap3A_229 = arith.index_cast %scan3A_173 : i32 to index
        %swap3A_230 = arith.constant 0 : index
        %swap3A_231 = tpu.vector_load %run_scoped3A_107[%swap3A_228, %swap3A_229, %swap3A_230] {strides = array<i32>} : memref<8x16x128xf32, #tpu.memory_space<vmem>>, vector<16xf32>,
        tpu.vector_store %run_scoped3A_107[%swap3A_228, %swap3A_229, %swap3A_230], %gather3A_226 {strides = array<i32>} : memref<8x16x128xf32, #tpu.memory_space<vmem>>, vector<16xf32>,
        %gather3A_232 = arith.constant 57344 : i32
        %gather3A_233 = tpu.memref_slice %run_scoped3A[%gather3A_232] : memref<65536xf32, #tpu.memory_space<vmem>> -> memref<8192xf32, #tpu.memory_space<vmem>>
        %gather3A_234 = tpu.vector_load_idx %gather3A_233[%get3A_177] : memref<8192xf32, #tpu.memory_space<vmem>>[vector<16xi32>], vector<16xf32>,
        %swap3A_235 = arith.constant 7 : i32
        %swap3A_236 = arith.index_cast %swap3A_235 : i32 to index
        %swap3A_237 = arith.index_cast %scan3A_173 : i32 to index
        %swap3A_238 = arith.constant 0 : index
        %swap3A_239 = tpu.vector_load %run_scoped3A_107[%swap3A_236, %swap3A_237, %swap3A_238] {strides = array<i32>} : memref<8x16x128xf32, #tpu.memory_space<vmem>>, vector<16xf32>,
        tpu.vector_store %run_scoped3A_107[%swap3A_236, %swap3A_237, %swap3A_238], %gather3A_234 {strides = array<i32>} : memref<8x16x128xf32, #tpu.memory_space<vmem>>, vector<16xf32>,
        %add3A_240 = arith.constant 0 : i32
        %add3A_241 = arith.addi %add3A_240, %scan3A_173 : i32
        %get3A_242 = arith.index_cast %add3A_241 : i32 to index
        %get3A_243 = arith.constant 16 : index
        %get3A_244 = tpu.vector_load %arg8[%get3A_242, %get3A_243] {strides = array<i32>} : memref<32x128xi32, #tpu.memory_space<vmem>>, vector<16xi32>,
        %gather3A_245 = arith.constant 0 : i32
        %gather3A_246 = tpu.memref_slice %run_scoped3A[%gather3A_245] : memref<65536xf32, #tpu.memory_space<vmem>> -> memref<8192xf32, #tpu.memory_space<vmem>>
        %gather3A_247 = tpu.vector_load_idx %gather3A_246[%get3A_244] : memref<8192xf32, #tpu.memory_space<vmem>>[vector<16xi32>], vector<16xf32>,
        %swap3A_248 = arith.constant 0 : i32
        %swap3A_249 = arith.index_cast %swap3A_248 : i32 to index
        %swap3A_250 = arith.index_cast %scan3A_173 : i32 to index
        %swap3A_251 = arith.constant 16 : index
        %swap3A_252 = tpu.vector_load %run_scoped3A_107[%swap3A_249, %swap3A_250, %swap3A_251] {strides = array<i32>} : memref<8x16x128xf32, #tpu.memory_space<vmem>>, vector<16xf32>,
        tpu.vector_store %run_scoped3A_107[%swap3A_249, %swap3A_250, %swap3A_251], %gather3A_247 {strides = array<i32>} : memref<8x16x128xf32, #tpu.memory_space<vmem>>, vector<16xf32>,
        %gather3A_253 = arith.constant 8192 : i32
        %gather3A_254 = tpu.memref_slice %run_scoped3A[%gather3A_253] : memref<65536xf32, #tpu.memory_space<vmem>> -> memref<8192xf32, #tpu.memory_space<vmem>>
        %gather3A_255 = tpu.vector_load_idx %gather3A_254[%get3A_244] : memref<8192xf32, #tpu.memory_space<vmem>>[vector<16xi32>], vector<16xf32>,
        %swap3A_256 = arith.constant 1 : i32
        %swap3A_257 = arith.index_cast %swap3A_256 : i32 to index
        %swap3A_258 = arith.index_cast %scan3A_173 : i32 to index
        %swap3A_259 = arith.constant 16 : index
        %swap3A_260 = tpu.vector_load %run_scoped3A_107[%swap3A_257, %swap3A_258, %swap3A_259] {strides = array<i32>} : memref<8x16x128xf32, #tpu.memory_space<vmem>>, vector<16xf32>,
        tpu.vector_store %run_scoped3A_107[%swap3A_257, %swap3A_258, %swap3A_259], %gather3A_255 {strides = array<i32>} : memref<8x16x128xf32, #tpu.memory_space<vmem>>, vector<16xf32>,
        %gather3A_261 = arith.constant 16384 : i32
        %gather3A_262 = tpu.memref_slice %run_scoped3A[%gather3A_261] : memref<65536xf32, #tpu.memory_space<vmem>> -> memref<8192xf32, #tpu.memory_space<vmem>>
        %gather3A_263 = tpu.vector_load_idx %gather3A_262[%get3A_244] : memref<8192xf32, #tpu.memory_space<vmem>>[vector<16xi32>], vector<16xf32>,
        %swap3A_264 = arith.constant 2 : i32
        %swap3A_265 = arith.index_cast %swap3A_264 : i32 to index
        %swap3A_266 = arith.index_cast %scan3A_173 : i32 to index
        %swap3A_267 = arith.constant 16 : index
        %swap3A_268 = tpu.vector_load %run_scoped3A_107[%swap3A_265, %swap3A_266, %swap3A_267] {strides = array<i32>} : memref<8x16x128xf32, #tpu.memory_space<vmem>>, vector<16xf32>,
        tpu.vector_store %run_scoped3A_107[%swap3A_265, %swap3A_266, %swap3A_267], %gather3A_263 {strides = array<i32>} : memref<8x16x128xf32, #tpu.memory_space<vmem>>, vector<16xf32>,
        %gather3A_269 = arith.constant 24576 : i32
        %gather3A_270 = tpu.memref_slice %run_scoped3A[%gather3A_269] : memref<65536xf32, #tpu.memory_space<vmem>> -> memref<8192xf32, #tpu.memory_space<vmem>>
        %gather3A_271 = tpu.vector_load_idx %gather3A_270[%get3A_244] : memref<8192xf32, #tpu.memory_space<vmem>>[vector<16xi32>], vector<16xf32>,
        %swap3A_272 = arith.constant 3 : i32
        %swap3A_273 = arith.index_cast %swap3A_272 : i32 to index
        %swap3A_274 = arith.index_cast %scan3A_173 : i32 to index
        %swap3A_275 = arith.constant 16 : index
        %swap3A_276 = tpu.vector_load %run_scoped3A_107[%swap3A_273, %swap3A_274, %swap3A_275] {strides = array<i32>} : memref<8x16x128xf32, #tpu.memory_space<vmem>>, vector<16xf32>,
        tpu.vector_store %run_scoped3A_107[%swap3A_273, %swap3A_274, %swap3A_275], %gather3A_271 {strides = array<i32>} : memref<8x16x128xf32, #tpu.memory_space<vmem>>, vector<16xf32>,
        %gather3A_277 = arith.constant 32768 : i32
        %gather3A_278 = tpu.memref_slice %run_scoped3A[%gather3A_277] : memref<65536xf32, #tpu.memory_space<vmem>> -> memref<8192xf32, #tpu.memory_space<vmem>>
        %gather3A_279 = tpu.vector_load_idx %gather3A_278[%get3A_244] : memref<8192xf32, #tpu.memory_space<vmem>>[vector<16xi32>], vector<16xf32>,
        %swap3A_280 = arith.constant 4 : i32
        %swap3A_281 = arith.index_cast %swap3A_280 : i32 to index
        %swap3A_282 = arith.index_cast %scan3A_173 : i32 to index
        %swap3A_283 = arith.constant 16 : index
        %swap3A_284 = tpu.vector_load %run_scoped3A_107[%swap3A_281, %swap3A_282, %swap3A_283] {strides = array<i32>} : memref<8x16x128xf32, #tpu.memory_space<vmem>>, vector<16xf32>,
        tpu.vector_store %run_scoped3A_107[%swap3A_281, %swap3A_282, %swap3A_283], %gather3A_279 {strides = array<i32>} : memref<8x16x128xf32, #tpu.memory_space<vmem>>, vector<16xf32>,
        %gather3A_285 = arith.constant 40960 : i32
        %gather3A_286 = tpu.memref_slice %run_scoped3A[%gather3A_285] : memref<65536xf32, #tpu.memory_space<vmem>> -> memref<8192xf32, #tpu.memory_space<vmem>>
        %gather3A_287 = tpu.vector_load_idx %gather3A_286[%get3A_244] : memref<8192xf32, #tpu.memory_space<vmem>>[vector<16xi32>], vector<16xf32>,
        %swap3A_288 = arith.constant 5 : i32
        %swap3A_289 = arith.index_cast %swap3A_288 : i32 to index
        %swap3A_290 = arith.index_cast %scan3A_173 : i32 to index
        %swap3A_291 = arith.constant 16 : index
        %swap3A_292 = tpu.vector_load %run_scoped3A_107[%swap3A_289, %swap3A_290, %swap3A_291] {strides = array<i32>} : memref<8x16x128xf32, #tpu.memory_space<vmem>>, vector<16xf32>,
        tpu.vector_store %run_scoped3A_107[%swap3A_289, %swap3A_290, %swap3A_291], %gather3A_287 {strides = array<i32>} : memref<8x16x128xf32, #tpu.memory_space<vmem>>, vector<16xf32>,
        %gather3A_293 = arith.constant 49152 : i32
        %gather3A_294 = tpu.memref_slice %run_scoped3A[%gather3A_293] : memref<65536xf32, #tpu.memory_space<vmem>> -> memref<8192xf32, #tpu.memory_space<vmem>>
        %gather3A_295 = tpu.vector_load_idx %gather3A_294[%get3A_244] : memref<8192xf32, #tpu.memory_space<vmem>>[vector<16xi32>], vector<16xf32>,
        %swap3A_296 = arith.constant 6 : i32
        %swap3A_297 = arith.index_cast %swap3A_296 : i32 to index
        %swap3A_298 = arith.index_cast %scan3A_173 : i32 to index
        %swap3A_299 = arith.constant 16 : index
        %swap3A_300 = tpu.vector_load %run_scoped3A_107[%swap3A_297, %swap3A_298, %swap3A_299] {strides = array<i32>} : memref<8x16x128xf32, #tpu.memory_space<vmem>>, vector<16xf32>,
        tpu.vector_store %run_scoped3A_107[%swap3A_297, %swap3A_298, %swap3A_299], %gather3A_295 {strides = array<i32>} : memref<8x16x128xf32, #tpu.memory_space<vmem>>, vector<16xf32>,
        %gather3A_301 = arith.constant 57344 : i32
        %gather3A_302 = tpu.memref_slice %run_scoped3A[%gather3A_301] : memref<65536xf32, #tpu.memory_space<vmem>> -> memref<8192xf32, #tpu.memory_space<vmem>>
        %gather3A_303 = tpu.vector_load_idx %gather3A_302[%get3A_244] : memref<8192xf32, #tpu.memory_space<vmem>>[vector<16xi32>], vector<16xf32>,
        %swap3A_304 = arith.constant 7 : i32
        %swap3A_305 = arith.index_cast %swap3A_304 : i32 to index
        %swap3A_306 = arith.index_cast %scan3A_173 : i32 to index
        %swap3A_307 = arith.constant 16 : index
        %swap3A_308 = tpu.vector_load %run_scoped3A_107[%swap3A_305, %swap3A_306, %swap3A_307] {strides = array<i32>} : memref<8x16x128xf32, #tpu.memory_space<vmem>>, vector<16xf32>,
        tpu.vector_store %run_scoped3A_107[%swap3A_305, %swap3A_306, %swap3A_307], %gather3A_303 {strides = array<i32>} : memref<8x16x128xf32, #tpu.memory_space<vmem>>, vector<16xf32>,
        %add3A_309 = arith.constant 0 : i32
        %add3A_310 = arith.addi %add3A_309, %scan3A_173 : i32
        %get3A_311 = arith.index_cast %add3A_310 : i32 to index
        %get3A_312 = arith.constant 32 : index
        %get3A_313 = tpu.vector_load %arg8[%get3A_311, %get3A_312] {strides = array<i32>} : memref<32x128xi32, #tpu.memory_space<vmem>>, vector<16xi32>,
        %gather3A_314 = arith.constant 0 : i32
        %gather3A_315 = tpu.memref_slice %run_scoped3A[%gather3A_314] : memref<65536xf32, #tpu.memory_space<vmem>> -> memref<8192xf32, #tpu.memory_space<vmem>>
        %gather3A_316 = tpu.vector_load_idx %gather3A_315[%get3A_313] : memref<8192xf32, #tpu.memory_space<vmem>>[vector<16xi32>], vector<16xf32>,
        %swap3A_317 = arith.constant 0 : i32
        %swap3A_318 = arith.index_cast %swap3A_317 : i32 to index
        %swap3A_319 = arith.index_cast %scan3A_173 : i32 to index
        %swap3A_320 = arith.constant 32 : index
        %swap3A_321 = tpu.vector_load %run_scoped3A_107[%swap3A_318, %swap3A_319, %swap3A_320] {strides = array<i32>} : memref<8x16x128xf32, #tpu.memory_space<vmem>>, vector<16xf32>,
        tpu.vector_store %run_scoped3A_107[%swap3A_318, %swap3A_319, %swap3A_320], %gather3A_316 {strides = array<i32>} : memref<8x16x128xf32, #tpu.memory_space<vmem>>, vector<16xf32>,
        %gather3A_322 = arith.constant 8192 : i32
        %gather3A_323 = tpu.memref_slice %run_scoped3A[%gather3A_322] : memref<65536xf32, #tpu.memory_space<vmem>> -> memref<8192xf32, #tpu.memory_space<vmem>>
        %gather3A_324 = tpu.vector_load_idx %gather3A_323[%get3A_313] : memref<8192xf32, #tpu.memory_space<vmem>>[vector<16xi32>], vector<16xf32>,
        %swap3A_325 = arith.constant 1 : i32
        %swap3A_326 = arith.index_cast %swap3A_325 : i32 to index
        %swap3A_327 = arith.index_cast %scan3A_173 : i32 to index
        %swap3A_328 = arith.constant 32 : index
        %swap3A_329 = tpu.vector_load %run_scoped3A_107[%swap3A_326, %swap3A_327, %swap3A_328] {strides = array<i32>} : memref<8x16x128xf32, #tpu.memory_space<vmem>>, vector<16xf32>,
        tpu.vector_store %run_scoped3A_107[%swap3A_326, %swap3A_327, %swap3A_328], %gather3A_324 {strides = array<i32>} : memref<8x16x128xf32, #tpu.memory_space<vmem>>, vector<16xf32>,
        %gather3A_330 = arith.constant 16384 : i32
        %gather3A_331 = tpu.memref_slice %run_scoped3A[%gather3A_330] : memref<65536xf32, #tpu.memory_space<vmem>> -> memref<8192xf32, #tpu.memory_space<vmem>>
        %gather3A_332 = tpu.vector_load_idx %gather3A_331[%get3A_313] : memref<8192xf32, #tpu.memory_space<vmem>>[vector<16xi32>], vector<16xf32>,
        %swap3A_333 = arith.constant 2 : i32
        %swap3A_334 = arith.index_cast %swap3A_333 : i32 to index
        %swap3A_335 = arith.index_cast %scan3A_173 : i32 to index
        %swap3A_336 = arith.constant 32 : index
        %swap3A_337 = tpu.vector_load %run_scoped3A_107[%swap3A_334, %swap3A_335, %swap3A_336] {strides = array<i32>} : memref<8x16x128xf32, #tpu.memory_space<vmem>>, vector<16xf32>,
        tpu.vector_store %run_scoped3A_107[%swap3A_334, %swap3A_335, %swap3A_336], %gather3A_332 {strides = array<i32>} : memref<8x16x128xf32, #tpu.memory_space<vmem>>, vector<16xf32>,
        %gather3A_338 = arith.constant 24576 : i32
        %gather3A_339 = tpu.memref_slice %run_scoped3A[%gather3A_338] : memref<65536xf32, #tpu.memory_space<vmem>> -> memref<8192xf32, #tpu.memory_space<vmem>>
        %gather3A_340 = tpu.vector_load_idx %gather3A_339[%get3A_313] : memref<8192xf32, #tpu.memory_space<vmem>>[vector<16xi32>], vector<16xf32>,
        %swap3A_341 = arith.constant 3 : i32
        %swap3A_342 = arith.index_cast %swap3A_341 : i32 to index
        %swap3A_343 = arith.index_cast %scan3A_173 : i32 to index
        %swap3A_344 = arith.constant 32 : index
        %swap3A_345 = tpu.vector_load %run_scoped3A_107[%swap3A_342, %swap3A_343, %swap3A_344] {strides = array<i32>} : memref<8x16x128xf32, #tpu.memory_space<vmem>>, vector<16xf32>,
        tpu.vector_store %run_scoped3A_107[%swap3A_342, %swap3A_343, %swap3A_344], %gather3A_340 {strides = array<i32>} : memref<8x16x128xf32, #tpu.memory_space<vmem>>, vector<16xf32>,
        %gather3A_346 = arith.constant 32768 : i32
        %gather3A_347 = tpu.memref_slice %run_scoped3A[%gather3A_346] : memref<65536xf32, #tpu.memory_space<vmem>> -> memref<8192xf32, #tpu.memory_space<vmem>>
        %gather3A_348 = tpu.vector_load_idx %gather3A_347[%get3A_313] : memref<8192xf32, #tpu.memory_space<vmem>>[vector<16xi32>], vector<16xf32>,
        %swap3A_349 = arith.constant 4 : i32
        %swap3A_350 = arith.index_cast %swap3A_349 : i32 to index
        %swap3A_351 = arith.index_cast %scan3A_173 : i32 to index
        %swap3A_352 = arith.constant 32 : index
        %swap3A_353 = tpu.vector_load %run_scoped3A_107[%swap3A_350, %swap3A_351, %swap3A_352] {strides = array<i32>} : memref<8x16x128xf32, #tpu.memory_space<vmem>>, vector<16xf32>,
        tpu.vector_store %run_scoped3A_107[%swap3A_350, %swap3A_351, %swap3A_352], %gather3A_348 {strides = array<i32>} : memref<8x16x128xf32, #tpu.memory_space<vmem>>, vector<16xf32>,
        %gather3A_354 = arith.constant 40960 : i32
        %gather3A_355 = tpu.memref_slice %run_scoped3A[%gather3A_354] : memref<65536xf32, #tpu.memory_space<vmem>> -> memref<8192xf32, #tpu.memory_space<vmem>>
        %gather3A_356 = tpu.vector_load_idx %gather3A_355[%get3A_313] : memref<8192xf32, #tpu.memory_space<vmem>>[vector<16xi32>], vector<16xf32>,
        %swap3A_357 = arith.constant 5 : i32
        %swap3A_358 = arith.index_cast %swap3A_357 : i32 to index
        %swap3A_359 = arith.index_cast %scan3A_173 : i32 to index
        %swap3A_360 = arith.constant 32 : index
        %swap3A_361 = tpu.vector_load %run_scoped3A_107[%swap3A_358, %swap3A_359, %swap3A_360] {strides = array<i32>} : memref<8x16x128xf32, #tpu.memory_space<vmem>>, vector<16xf32>,
        tpu.vector_store %run_scoped3A_107[%swap3A_358, %swap3A_359, %swap3A_360], %gather3A_356 {strides = array<i32>} : memref<8x16x128xf32, #tpu.memory_space<vmem>>, vector<16xf32>,
        %gather3A_362 = arith.constant 49152 : i32
        %gather3A_363 = tpu.memref_slice %run_scoped3A[%gather3A_362] : memref<65536xf32, #tpu.memory_space<vmem>> -> memref<8192xf32, #tpu.memory_space<vmem>>
        %gather3A_364 = tpu.vector_load_idx %gather3A_363[%get3A_313] : memref<8192xf32, #tpu.memory_space<vmem>>[vector<16xi32>], vector<16xf32>,
        %swap3A_365 = arith.constant 6 : i32
        %swap3A_366 = arith.index_cast %swap3A_365 : i32 to index
        %swap3A_367 = arith.index_cast %scan3A_173 : i32 to index
        %swap3A_368 = arith.constant 32 : index
        %swap3A_369 = tpu.vector_load %run_scoped3A_107[%swap3A_366, %swap3A_367, %swap3A_368] {strides = array<i32>} : memref<8x16x128xf32, #tpu.memory_space<vmem>>, vector<16xf32>,
        tpu.vector_store %run_scoped3A_107[%swap3A_366, %swap3A_367, %swap3A_368], %gather3A_364 {strides = array<i32>} : memref<8x16x128xf32, #tpu.memory_space<vmem>>, vector<16xf32>,
        %gather3A_370 = arith.constant 57344 : i32
        %gather3A_371 = tpu.memref_slice %run_scoped3A[%gather3A_370] : memref<65536xf32, #tpu.memory_space<vmem>> -> memref<8192xf32, #tpu.memory_space<vmem>>
        %gather3A_372 = tpu.vector_load_idx %gather3A_371[%get3A_313] : memref<8192xf32, #tpu.memory_space<vmem>>[vector<16xi32>], vector<16xf32>,
        %swap3A_373 = arith.constant 7 : i32
        %swap3A_374 = arith.index_cast %swap3A_373 : i32 to index
        %swap3A_375 = arith.index_cast %scan3A_173 : i32 to index
        %swap3A_376 = arith.constant 32 : index
        %swap3A_377 = tpu.vector_load %run_scoped3A_107[%swap3A_374, %swap3A_375, %swap3A_376] {strides = array<i32>} : memref<8x16x128xf32, #tpu.memory_space<vmem>>, vector<16xf32>,
        tpu.vector_store %run_scoped3A_107[%swap3A_374, %swap3A_375, %swap3A_376], %gather3A_372 {strides = array<i32>} : memref<8x16x128xf32, #tpu.memory_space<vmem>>, vector<16xf32>,
        %add3A_378 = arith.constant 0 : i32
        %add3A_379 = arith.addi %add3A_378, %scan3A_173 : i32
        %get3A_380 = arith.index_cast %add3A_379 : i32 to index
        %get3A_381 = arith.constant 48 : index
        %get3A_382 = tpu.vector_load %arg8[%get3A_380, %get3A_381] {strides = array<i32>} : memref<32x128xi32, #tpu.memory_space<vmem>>, vector<16xi32>,
        %gather3A_383 = arith.constant 0 : i32
        %gather3A_384 = tpu.memref_slice %run_scoped3A[%gather3A_383] : memref<65536xf32, #tpu.memory_space<vmem>> -> memref<8192xf32, #tpu.memory_space<vmem>>
        %gather3A_385 = tpu.vector_load_idx %gather3A_384[%get3A_382] : memref<8192xf32, #tpu.memory_space<vmem>>[vector<16xi32>], vector<16xf32>,
        %swap3A_386 = arith.constant 0 : i32
        %swap3A_387 = arith.index_cast %swap3A_386 : i32 to index
        %swap3A_388 = arith.index_cast %scan3A_173 : i32 to index
        %swap3A_389 = arith.constant 48 : index
        %swap3A_390 = tpu.vector_load %run_scoped3A_107[%swap3A_387, %swap3A_388, %swap3A_389] {strides = array<i32>} : memref<8x16x128xf32, #tpu.memory_space<vmem>>, vector<16xf32>,
        tpu.vector_store %run_scoped3A_107[%swap3A_387, %swap3A_388, %swap3A_389], %gather3A_385 {strides = array<i32>} : memref<8x16x128xf32, #tpu.memory_space<vmem>>, vector<16xf32>,
        %gather3A_391 = arith.constant 8192 : i32
        %gather3A_392 = tpu.memref_slice %run_scoped3A[%gather3A_391] : memref<65536xf32, #tpu.memory_space<vmem>> -> memref<8192xf32, #tpu.memory_space<vmem>>
        %gather3A_393 = tpu.vector_load_idx %gather3A_392[%get3A_382] : memref<8192xf32, #tpu.memory_space<vmem>>[vector<16xi32>], vector<16xf32>,
        %swap3A_394 = arith.constant 1 : i32
        %swap3A_395 = arith.index_cast %swap3A_394 : i32 to index
        %swap3A_396 = arith.index_cast %scan3A_173 : i32 to index
        %swap3A_397 = arith.constant 48 : index
        %swap3A_398 = tpu.vector_load %run_scoped3A_107[%swap3A_395, %swap3A_396, %swap3A_397] {strides = array<i32>} : memref<8x16x128xf32, #tpu.memory_space<vmem>>, vector<16xf32>,
        tpu.vector_store %run_scoped3A_107[%swap3A_395, %swap3A_396, %swap3A_397], %gather3A_393 {strides = array<i32>} : memref<8x16x128xf32, #tpu.memory_space<vmem>>, vector<16xf32>,
        %gather3A_399 = arith.constant 16384 : i32
        %gather3A_400 = tpu.memref_slice %run_scoped3A[%gather3A_399] : memref<65536xf32, #tpu.memory_space<vmem>> -> memref<8192xf32, #tpu.memory_space<vmem>>
        %gather3A_401 = tpu.vector_load_idx %gather3A_400[%get3A_382] : memref<8192xf32, #tpu.memory_space<vmem>>[vector<16xi32>], vector<16xf32>,
        %swap3A_402 = arith.constant 2 : i32
        %swap3A_403 = arith.index_cast %swap3A_402 : i32 to index
        %swap3A_404 = arith.index_cast %scan3A_173 : i32 to index
        %swap3A_405 = arith.constant 48 : index
        %swap3A_406 = tpu.vector_load %run_scoped3A_107[%swap3A_403, %swap3A_404, %swap3A_405] {strides = array<i32>} : memref<8x16x128xf32, #tpu.memory_space<vmem>>, vector<16xf32>,
        tpu.vector_store %run_scoped3A_107[%swap3A_403, %swap3A_404, %swap3A_405], %gather3A_401 {strides = array<i32>} : memref<8x16x128xf32, #tpu.memory_space<vmem>>, vector<16xf32>,
        %gather3A_407 = arith.constant 24576 : i32
        %gather3A_408 = tpu.memref_slice %run_scoped3A[%gather3A_407] : memref<65536xf32, #tpu.memory_space<vmem>> -> memref<8192xf32, #tpu.memory_space<vmem>>
        %gather3A_409 = tpu.vector_load_idx %gather3A_408[%get3A_382] : memref<8192xf32, #tpu.memory_space<vmem>>[vector<16xi32>], vector<16xf32>,
        %swap3A_410 = arith.constant 3 : i32
        %swap3A_411 = arith.index_cast %swap3A_410 : i32 to index
        %swap3A_412 = arith.index_cast %scan3A_173 : i32 to index
        %swap3A_413 = arith.constant 48 : index
        %swap3A_414 = tpu.vector_load %run_scoped3A_107[%swap3A_411, %swap3A_412, %swap3A_413] {strides = array<i32>} : memref<8x16x128xf32, #tpu.memory_space<vmem>>, vector<16xf32>,
        tpu.vector_store %run_scoped3A_107[%swap3A_411, %swap3A_412, %swap3A_413], %gather3A_409 {strides = array<i32>} : memref<8x16x128xf32, #tpu.memory_space<vmem>>, vector<16xf32>,
        %gather3A_415 = arith.constant 32768 : i32
        %gather3A_416 = tpu.memref_slice %run_scoped3A[%gather3A_415] : memref<65536xf32, #tpu.memory_space<vmem>> -> memref<8192xf32, #tpu.memory_space<vmem>>
        %gather3A_417 = tpu.vector_load_idx %gather3A_416[%get3A_382] : memref<8192xf32, #tpu.memory_space<vmem>>[vector<16xi32>], vector<16xf32>,
        %swap3A_418 = arith.constant 4 : i32
        %swap3A_419 = arith.index_cast %swap3A_418 : i32 to index
        %swap3A_420 = arith.index_cast %scan3A_173 : i32 to index
        %swap3A_421 = arith.constant 48 : index
        %swap3A_422 = tpu.vector_load %run_scoped3A_107[%swap3A_419, %swap3A_420, %swap3A_421] {strides = array<i32>} : memref<8x16x128xf32, #tpu.memory_space<vmem>>, vector<16xf32>,
        tpu.vector_store %run_scoped3A_107[%swap3A_419, %swap3A_420, %swap3A_421], %gather3A_417 {strides = array<i32>} : memref<8x16x128xf32, #tpu.memory_space<vmem>>, vector<16xf32>,
        %gather3A_423 = arith.constant 40960 : i32
        %gather3A_424 = tpu.memref_slice %run_scoped3A[%gather3A_423] : memref<65536xf32, #tpu.memory_space<vmem>> -> memref<8192xf32, #tpu.memory_space<vmem>>
        %gather3A_425 = tpu.vector_load_idx %gather3A_424[%get3A_382] : memref<8192xf32, #tpu.memory_space<vmem>>[vector<16xi32>], vector<16xf32>,
        %swap3A_426 = arith.constant 5 : i32
        %swap3A_427 = arith.index_cast %swap3A_426 : i32 to index
        %swap3A_428 = arith.index_cast %scan3A_173 : i32 to index
        %swap3A_429 = arith.constant 48 : index
        %swap3A_430 = tpu.vector_load %run_scoped3A_107[%swap3A_427, %swap3A_428, %swap3A_429] {strides = array<i32>} : memref<8x16x128xf32, #tpu.memory_space<vmem>>, vector<16xf32>,
        tpu.vector_store %run_scoped3A_107[%swap3A_427, %swap3A_428, %swap3A_429], %gather3A_425 {strides = array<i32>} : memref<8x16x128xf32, #tpu.memory_space<vmem>>, vector<16xf32>,
        %gather3A_431 = arith.constant 49152 : i32
        %gather3A_432 = tpu.memref_slice %run_scoped3A[%gather3A_431] : memref<65536xf32, #tpu.memory_space<vmem>> -> memref<8192xf32, #tpu.memory_space<vmem>>
        %gather3A_433 = tpu.vector_load_idx %gather3A_432[%get3A_382] : memref<8192xf32, #tpu.memory_space<vmem>>[vector<16xi32>], vector<16xf32>,
        %swap3A_434 = arith.constant 6 : i32
        %swap3A_435 = arith.index_cast %swap3A_434 : i32 to index
        %swap3A_436 = arith.index_cast %scan3A_173 : i32 to index
        %swap3A_437 = arith.constant 48 : index
        %swap3A_438 = tpu.vector_load %run_scoped3A_107[%swap3A_435, %swap3A_436, %swap3A_437] {strides = array<i32>} : memref<8x16x128xf32, #tpu.memory_space<vmem>>, vector<16xf32>,
        tpu.vector_store %run_scoped3A_107[%swap3A_435, %swap3A_436, %swap3A_437], %gather3A_433 {strides = array<i32>} : memref<8x16x128xf32, #tpu.memory_space<vmem>>, vector<16xf32>,
        %gather3A_439 = arith.constant 57344 : i32
        %gather3A_440 = tpu.memref_slice %run_scoped3A[%gather3A_439] : memref<65536xf32, #tpu.memory_space<vmem>> -> memref<8192xf32, #tpu.memory_space<vmem>>
        %gather3A_441 = tpu.vector_load_idx %gather3A_440[%get3A_382] : memref<8192xf32, #tpu.memory_space<vmem>>[vector<16xi32>], vector<16xf32>,
        %swap3A_442 = arith.constant 7 : i32
        %swap3A_443 = arith.index_cast %swap3A_442 : i32 to index
        %swap3A_444 = arith.index_cast %scan3A_173 : i32 to index
        %swap3A_445 = arith.constant 48 : index
        %swap3A_446 = tpu.vector_load %run_scoped3A_107[%swap3A_443, %swap3A_444, %swap3A_445] {strides = array<i32>} : memref<8x16x128xf32, #tpu.memory_space<vmem>>, vector<16xf32>,
        tpu.vector_store %run_scoped3A_107[%swap3A_443, %swap3A_444, %swap3A_445], %gather3A_441 {strides = array<i32>} : memref<8x16x128xf32, #tpu.memory_space<vmem>>, vector<16xf32>,
        %add3A_447 = arith.constant 0 : i32
        %add3A_448 = arith.addi %add3A_447, %scan3A_173 : i32
        %get3A_449 = arith.index_cast %add3A_448 : i32 to index
        %get3A_450 = arith.constant 64 : index
        %get3A_451 = tpu.vector_load %arg8[%get3A_449, %get3A_450] {strides = array<i32>} : memref<32x128xi32, #tpu.memory_space<vmem>>, vector<16xi32>,
        %gather3A_452 = arith.constant 0 : i32
        %gather3A_453 = tpu.memref_slice %run_scoped3A[%gather3A_452] : memref<65536xf32, #tpu.memory_space<vmem>> -> memref<8192xf32, #tpu.memory_space<vmem>>
        %gather3A_454 = tpu.vector_load_idx %gather3A_453[%get3A_451] : memref<8192xf32, #tpu.memory_space<vmem>>[vector<16xi32>], vector<16xf32>,
        %swap3A_455 = arith.constant 0 : i32
        %swap3A_456 = arith.index_cast %swap3A_455 : i32 to index
        %swap3A_457 = arith.index_cast %scan3A_173 : i32 to index
        %swap3A_458 = arith.constant 64 : index
        %swap3A_459 = tpu.vector_load %run_scoped3A_107[%swap3A_456, %swap3A_457, %swap3A_458] {strides = array<i32>} : memref<8x16x128xf32, #tpu.memory_space<vmem>>, vector<16xf32>,
        tpu.vector_store %run_scoped3A_107[%swap3A_456, %swap3A_457, %swap3A_458], %gather3A_454 {strides = array<i32>} : memref<8x16x128xf32, #tpu.memory_space<vmem>>, vector<16xf32>,
        %gather3A_460 = arith.constant 8192 : i32
        %gather3A_461 = tpu.memref_slice %run_scoped3A[%gather3A_460] : memref<65536xf32, #tpu.memory_space<vmem>> -> memref<8192xf32, #tpu.memory_space<vmem>>
        %gather3A_462 = tpu.vector_load_idx %gather3A_461[%get3A_451] : memref<8192xf32, #tpu.memory_space<vmem>>[vector<16xi32>], vector<16xf32>,
        %swap3A_463 = arith.constant 1 : i32
        %swap3A_464 = arith.index_cast %swap3A_463 : i32 to index
        %swap3A_465 = arith.index_cast %scan3A_173 : i32 to index
        %swap3A_466 = arith.constant 64 : index
        %swap3A_467 = tpu.vector_load %run_scoped3A_107[%swap3A_464, %swap3A_465, %swap3A_466] {strides = array<i32>} : memref<8x16x128xf32, #tpu.memory_space<vmem>>, vector<16xf32>,
        tpu.vector_store %run_scoped3A_107[%swap3A_464, %swap3A_465, %swap3A_466], %gather3A_462 {strides = array<i32>} : memref<8x16x128xf32, #tpu.memory_space<vmem>>, vector<16xf32>,
        %gather3A_468 = arith.constant 16384 : i32
        %gather3A_469 = tpu.memref_slice %run_scoped3A[%gather3A_468] : memref<65536xf32, #tpu.memory_space<vmem>> -> memref<8192xf32, #tpu.memory_space<vmem>>
        %gather3A_470 = tpu.vector_load_idx %gather3A_469[%get3A_451] : memref<8192xf32, #tpu.memory_space<vmem>>[vector<16xi32>], vector<16xf32>,
        %swap3A_471 = arith.constant 2 : i32
        %swap3A_472 = arith.index_cast %swap3A_471 : i32 to index
        %swap3A_473 = arith.index_cast %scan3A_173 : i32 to index
        %swap3A_474 = arith.constant 64 : index
        %swap3A_475 = tpu.vector_load %run_scoped3A_107[%swap3A_472, %swap3A_473, %swap3A_474] {strides = array<i32>} : memref<8x16x128xf32, #tpu.memory_space<vmem>>, vector<16xf32>,
        tpu.vector_store %run_scoped3A_107[%swap3A_472, %swap3A_473, %swap3A_474], %gather3A_470 {strides = array<i32>} : memref<8x16x128xf32, #tpu.memory_space<vmem>>, vector<16xf32>,
        %gather3A_476 = arith.constant 24576 : i32
        %gather3A_477 = tpu.memref_slice %run_scoped3A[%gather3A_476] : memref<65536xf32, #tpu.memory_space<vmem>> -> memref<8192xf32, #tpu.memory_space<vmem>>
        %gather3A_478 = tpu.vector_load_idx %gather3A_477[%get3A_451] : memref<8192xf32, #tpu.memory_space<vmem>>[vector<16xi32>], vector<16xf32>,
        %swap3A_479 = arith.constant 3 : i32
        %swap3A_480 = arith.index_cast %swap3A_479 : i32 to index
        %swap3A_481 = arith.index_cast %scan3A_173 : i32 to index
        %swap3A_482 = arith.constant 64 : index
        %swap3A_483 = tpu.vector_load %run_scoped3A_107[%swap3A_480, %swap3A_481, %swap3A_482] {strides = array<i32>} : memref<8x16x128xf32, #tpu.memory_space<vmem>>, vector<16xf32>,
        tpu.vector_store %run_scoped3A_107[%swap3A_480, %swap3A_481, %swap3A_482], %gather3A_478 {strides = array<i32>} : memref<8x16x128xf32, #tpu.memory_space<vmem>>, vector<16xf32>,
        %gather3A_484 = arith.constant 32768 : i32
        %gather3A_485 = tpu.memref_slice %run_scoped3A[%gather3A_484] : memref<65536xf32, #tpu.memory_space<vmem>> -> memref<8192xf32, #tpu.memory_space<vmem>>
        %gather3A_486 = tpu.vector_load_idx %gather3A_485[%get3A_451] : memref<8192xf32, #tpu.memory_space<vmem>>[vector<16xi32>], vector<16xf32>,
        %swap3A_487 = arith.constant 4 : i32
        %swap3A_488 = arith.index_cast %swap3A_487 : i32 to index
        %swap3A_489 = arith.index_cast %scan3A_173 : i32 to index
        %swap3A_490 = arith.constant 64 : index
        %swap3A_491 = tpu.vector_load %run_scoped3A_107[%swap3A_488, %swap3A_489, %swap3A_490] {strides = array<i32>} : memref<8x16x128xf32, #tpu.memory_space<vmem>>, vector<16xf32>,
        tpu.vector_store %run_scoped3A_107[%swap3A_488, %swap3A_489, %swap3A_490], %gather3A_486 {strides = array<i32>} : memref<8x16x128xf32, #tpu.memory_space<vmem>>, vector<16xf32>,
        %gather3A_492 = arith.constant 40960 : i32
        %gather3A_493 = tpu.memref_slice %run_scoped3A[%gather3A_492] : memref<65536xf32, #tpu.memory_space<vmem>> -> memref<8192xf32, #tpu.memory_space<vmem>>
        %gather3A_494 = tpu.vector_load_idx %gather3A_493[%get3A_451] : memref<8192xf32, #tpu.memory_space<vmem>>[vector<16xi32>], vector<16xf32>,
        %swap3A_495 = arith.constant 5 : i32
        %swap3A_496 = arith.index_cast %swap3A_495 : i32 to index
        %swap3A_497 = arith.index_cast %scan3A_173 : i32 to index
        %swap3A_498 = arith.constant 64 : index
        %swap3A_499 = tpu.vector_load %run_scoped3A_107[%swap3A_496, %swap3A_497, %swap3A_498] {strides = array<i32>} : memref<8x16x128xf32, #tpu.memory_space<vmem>>, vector<16xf32>,
        tpu.vector_store %run_scoped3A_107[%swap3A_496, %swap3A_497, %swap3A_498], %gather3A_494 {strides = array<i32>} : memref<8x16x128xf32, #tpu.memory_space<vmem>>, vector<16xf32>,
        %gather3A_500 = arith.constant 49152 : i32
        %gather3A_501 = tpu.memref_slice %run_scoped3A[%gather3A_500] : memref<65536xf32, #tpu.memory_space<vmem>> -> memref<8192xf32, #tpu.memory_space<vmem>>
        %gather3A_502 = tpu.vector_load_idx %gather3A_501[%get3A_451] : memref<8192xf32, #tpu.memory_space<vmem>>[vector<16xi32>], vector<16xf32>,
        %swap3A_503 = arith.constant 6 : i32
        %swap3A_504 = arith.index_cast %swap3A_503 : i32 to index
        %swap3A_505 = arith.index_cast %scan3A_173 : i32 to index
        %swap3A_506 = arith.constant 64 : index
        %swap3A_507 = tpu.vector_load %run_scoped3A_107[%swap3A_504, %swap3A_505, %swap3A_506] {strides = array<i32>} : memref<8x16x128xf32, #tpu.memory_space<vmem>>, vector<16xf32>,
        tpu.vector_store %run_scoped3A_107[%swap3A_504, %swap3A_505, %swap3A_506], %gather3A_502 {strides = array<i32>} : memref<8x16x128xf32, #tpu.memory_space<vmem>>, vector<16xf32>,
        %gather3A_508 = arith.constant 57344 : i32
        %gather3A_509 = tpu.memref_slice %run_scoped3A[%gather3A_508] : memref<65536xf32, #tpu.memory_space<vmem>> -> memref<8192xf32, #tpu.memory_space<vmem>>
        %gather3A_510 = tpu.vector_load_idx %gather3A_509[%get3A_451] : memref<8192xf32, #tpu.memory_space<vmem>>[vector<16xi32>], vector<16xf32>,
        %swap3A_511 = arith.constant 7 : i32
        %swap3A_512 = arith.index_cast %swap3A_511 : i32 to index
        %swap3A_513 = arith.index_cast %scan3A_173 : i32 to index
        %swap3A_514 = arith.constant 64 : index
        %swap3A_515 = tpu.vector_load %run_scoped3A_107[%swap3A_512, %swap3A_513, %swap3A_514] {strides = array<i32>} : memref<8x16x128xf32, #tpu.memory_space<vmem>>, vector<16xf32>,
        tpu.vector_store %run_scoped3A_107[%swap3A_512, %swap3A_513, %swap3A_514], %gather3A_510 {strides = array<i32>} : memref<8x16x128xf32, #tpu.memory_space<vmem>>, vector<16xf32>,
        %add3A_516 = arith.constant 0 : i32
        %add3A_517 = arith.addi %add3A_516, %scan3A_173 : i32
        %get3A_518 = arith.index_cast %add3A_517 : i32 to index
        %get3A_519 = arith.constant 80 : index
        %get3A_520 = tpu.vector_load %arg8[%get3A_518, %get3A_519] {strides = array<i32>} : memref<32x128xi32, #tpu.memory_space<vmem>>, vector<16xi32>,
        %gather3A_521 = arith.constant 0 : i32
        %gather3A_522 = tpu.memref_slice %run_scoped3A[%gather3A_521] : memref<65536xf32, #tpu.memory_space<vmem>> -> memref<8192xf32, #tpu.memory_space<vmem>>
        %gather3A_523 = tpu.vector_load_idx %gather3A_522[%get3A_520] : memref<8192xf32, #tpu.memory_space<vmem>>[vector<16xi32>], vector<16xf32>,
        %swap3A_524 = arith.constant 0 : i32
        %swap3A_525 = arith.index_cast %swap3A_524 : i32 to index
        %swap3A_526 = arith.index_cast %scan3A_173 : i32 to index
        %swap3A_527 = arith.constant 80 : index
        %swap3A_528 = tpu.vector_load %run_scoped3A_107[%swap3A_525, %swap3A_526, %swap3A_527] {strides = array<i32>} : memref<8x16x128xf32, #tpu.memory_space<vmem>>, vector<16xf32>,
        tpu.vector_store %run_scoped3A_107[%swap3A_525, %swap3A_526, %swap3A_527], %gather3A_523 {strides = array<i32>} : memref<8x16x128xf32, #tpu.memory_space<vmem>>, vector<16xf32>,
        %gather3A_529 = arith.constant 8192 : i32
        %gather3A_530 = tpu.memref_slice %run_scoped3A[%gather3A_529] : memref<65536xf32, #tpu.memory_space<vmem>> -> memref<8192xf32, #tpu.memory_space<vmem>>
        %gather3A_531 = tpu.vector_load_idx %gather3A_530[%get3A_520] : memref<8192xf32, #tpu.memory_space<vmem>>[vector<16xi32>], vector<16xf32>,
        %swap3A_532 = arith.constant 1 : i32
        %swap3A_533 = arith.index_cast %swap3A_532 : i32 to index
        %swap3A_534 = arith.index_cast %scan3A_173 : i32 to index
        %swap3A_535 = arith.constant 80 : index
        %swap3A_536 = tpu.vector_load %run_scoped3A_107[%swap3A_533, %swap3A_534, %swap3A_535] {strides = array<i32>} : memref<8x16x128xf32, #tpu.memory_space<vmem>>, vector<16xf32>,
        tpu.vector_store %run_scoped3A_107[%swap3A_533, %swap3A_534, %swap3A_535], %gather3A_531 {strides = array<i32>} : memref<8x16x128xf32, #tpu.memory_space<vmem>>, vector<16xf32>,
        %gather3A_537 = arith.constant 16384 : i32
        %gather3A_538 = tpu.memref_slice %run_scoped3A[%gather3A_537] : memref<65536xf32, #tpu.memory_space<vmem>> -> memref<8192xf32, #tpu.memory_space<vmem>>
        %gather3A_539 = tpu.vector_load_idx %gather3A_538[%get3A_520] : memref<8192xf32, #tpu.memory_space<vmem>>[vector<16xi32>], vector<16xf32>,
        %swap3A_540 = arith.constant 2 : i32
        %swap3A_541 = arith.index_cast %swap3A_540 : i32 to index
        %swap3A_542 = arith.index_cast %scan3A_173 : i32 to index
        %swap3A_543 = arith.constant 80 : index
        %swap3A_544 = tpu.vector_load %run_scoped3A_107[%swap3A_541, %swap3A_542, %swap3A_543] {strides = array<i32>} : memref<8x16x128xf32, #tpu.memory_space<vmem>>, vector<16xf32>,
        tpu.vector_store %run_scoped3A_107[%swap3A_541, %swap3A_542, %swap3A_543], %gather3A_539 {strides = array<i32>} : memref<8x16x128xf32, #tpu.memory_space<vmem>>, vector<16xf32>,
        %gather3A_545 = arith.constant 24576 : i32
        %gather3A_546 = tpu.memref_slice %run_scoped3A[%gather3A_545] : memref<65536xf32, #tpu.memory_space<vmem>> -> memref<8192xf32, #tpu.memory_space<vmem>>
        %gather3A_547 = tpu.vector_load_idx %gather3A_546[%get3A_520] : memref<8192xf32, #tpu.memory_space<vmem>>[vector<16xi32>], vector<16xf32>,
        %swap3A_548 = arith.constant 3 : i32
        %swap3A_549 = arith.index_cast %swap3A_548 : i32 to index
        %swap3A_550 = arith.index_cast %scan3A_173 : i32 to index
        %swap3A_551 = arith.constant 80 : index
        %swap3A_552 = tpu.vector_load %run_scoped3A_107[%swap3A_549, %swap3A_550, %swap3A_551] {strides = array<i32>} : memref<8x16x128xf32, #tpu.memory_space<vmem>>, vector<16xf32>,
        tpu.vector_store %run_scoped3A_107[%swap3A_549, %swap3A_550, %swap3A_551], %gather3A_547 {strides = array<i32>} : memref<8x16x128xf32, #tpu.memory_space<vmem>>, vector<16xf32>,
        %gather3A_553 = arith.constant 32768 : i32
        %gather3A_554 = tpu.memref_slice %run_scoped3A[%gather3A_553] : memref<65536xf32, #tpu.memory_space<vmem>> -> memref<8192xf32, #tpu.memory_space<vmem>>
        %gather3A_555 = tpu.vector_load_idx %gather3A_554[%get3A_520] : memref<8192xf32, #tpu.memory_space<vmem>>[vector<16xi32>], vector<16xf32>,
        %swap3A_556 = arith.constant 4 : i32
        %swap3A_557 = arith.index_cast %swap3A_556 : i32 to index
        %swap3A_558 = arith.index_cast %scan3A_173 : i32 to index
        %swap3A_559 = arith.constant 80 : index
        %swap3A_560 = tpu.vector_load %run_scoped3A_107[%swap3A_557, %swap3A_558, %swap3A_559] {strides = array<i32>} : memref<8x16x128xf32, #tpu.memory_space<vmem>>, vector<16xf32>,
        tpu.vector_store %run_scoped3A_107[%swap3A_557, %swap3A_558, %swap3A_559], %gather3A_555 {strides = array<i32>} : memref<8x16x128xf32, #tpu.memory_space<vmem>>, vector<16xf32>,
        %gather3A_561 = arith.constant 40960 : i32
        %gather3A_562 = tpu.memref_slice %run_scoped3A[%gather3A_561] : memref<65536xf32, #tpu.memory_space<vmem>> -> memref<8192xf32, #tpu.memory_space<vmem>>
        %gather3A_563 = tpu.vector_load_idx %gather3A_562[%get3A_520] : memref<8192xf32, #tpu.memory_space<vmem>>[vector<16xi32>], vector<16xf32>,
        %swap3A_564 = arith.constant 5 : i32
        %swap3A_565 = arith.index_cast %swap3A_564 : i32 to index
        %swap3A_566 = arith.index_cast %scan3A_173 : i32 to index
        %swap3A_567 = arith.constant 80 : index
        %swap3A_568 = tpu.vector_load %run_scoped3A_107[%swap3A_565, %swap3A_566, %swap3A_567] {strides = array<i32>} : memref<8x16x128xf32, #tpu.memory_space<vmem>>, vector<16xf32>,
        tpu.vector_store %run_scoped3A_107[%swap3A_565, %swap3A_566, %swap3A_567], %gather3A_563 {strides = array<i32>} : memref<8x16x128xf32, #tpu.memory_space<vmem>>, vector<16xf32>,
        %gather3A_569 = arith.constant 49152 : i32
        %gather3A_570 = tpu.memref_slice %run_scoped3A[%gather3A_569] : memref<65536xf32, #tpu.memory_space<vmem>> -> memref<8192xf32, #tpu.memory_space<vmem>>
        %gather3A_571 = tpu.vector_load_idx %gather3A_570[%get3A_520] : memref<8192xf32, #tpu.memory_space<vmem>>[vector<16xi32>], vector<16xf32>,
        %swap3A_572 = arith.constant 6 : i32
        %swap3A_573 = arith.index_cast %swap3A_572 : i32 to index
        %swap3A_574 = arith.index_cast %scan3A_173 : i32 to index
        %swap3A_575 = arith.constant 80 : index
        %swap3A_576 = tpu.vector_load %run_scoped3A_107[%swap3A_573, %swap3A_574, %swap3A_575] {strides = array<i32>} : memref<8x16x128xf32, #tpu.memory_space<vmem>>, vector<16xf32>,
        tpu.vector_store %run_scoped3A_107[%swap3A_573, %swap3A_574, %swap3A_575], %gather3A_571 {strides = array<i32>} : memref<8x16x128xf32, #tpu.memory_space<vmem>>, vector<16xf32>,
        %gather3A_577 = arith.constant 57344 : i32
        %gather3A_578 = tpu.memref_slice %run_scoped3A[%gather3A_577] : memref<65536xf32, #tpu.memory_space<vmem>> -> memref<8192xf32, #tpu.memory_space<vmem>>
        %gather3A_579 = tpu.vector_load_idx %gather3A_578[%get3A_520] : memref<8192xf32, #tpu.memory_space<vmem>>[vector<16xi32>], vector<16xf32>,
        %swap3A_580 = arith.constant 7 : i32
        %swap3A_581 = arith.index_cast %swap3A_580 : i32 to index
        %swap3A_582 = arith.index_cast %scan3A_173 : i32 to index
        %swap3A_583 = arith.constant 80 : index
        %swap3A_584 = tpu.vector_load %run_scoped3A_107[%swap3A_581, %swap3A_582, %swap3A_583] {strides = array<i32>} : memref<8x16x128xf32, #tpu.memory_space<vmem>>, vector<16xf32>,
        tpu.vector_store %run_scoped3A_107[%swap3A_581, %swap3A_582, %swap3A_583], %gather3A_579 {strides = array<i32>} : memref<8x16x128xf32, #tpu.memory_space<vmem>>, vector<16xf32>,
        %add3A_585 = arith.constant 0 : i32
        %add3A_586 = arith.addi %add3A_585, %scan3A_173 : i32
        %get3A_587 = arith.index_cast %add3A_586 : i32 to index
        %get3A_588 = arith.constant 96 : index
        %get3A_589 = tpu.vector_load %arg8[%get3A_587, %get3A_588] {strides = array<i32>} : memref<32x128xi32, #tpu.memory_space<vmem>>, vector<16xi32>,
        %gather3A_590 = arith.constant 0 : i32
        %gather3A_591 = tpu.memref_slice %run_scoped3A[%gather3A_590] : memref<65536xf32, #tpu.memory_space<vmem>> -> memref<8192xf32, #tpu.memory_space<vmem>>
        %gather3A_592 = tpu.vector_load_idx %gather3A_591[%get3A_589] : memref<8192xf32, #tpu.memory_space<vmem>>[vector<16xi32>], vector<16xf32>,
        %swap3A_593 = arith.constant 0 : i32
        %swap3A_594 = arith.index_cast %swap3A_593 : i32 to index
        %swap3A_595 = arith.index_cast %scan3A_173 : i32 to index
        %swap3A_596 = arith.constant 96 : index
        %swap3A_597 = tpu.vector_load %run_scoped3A_107[%swap3A_594, %swap3A_595, %swap3A_596] {strides = array<i32>} : memref<8x16x128xf32, #tpu.memory_space<vmem>>, vector<16xf32>,
        tpu.vector_store %run_scoped3A_107[%swap3A_594, %swap3A_595, %swap3A_596], %gather3A_592 {strides = array<i32>} : memref<8x16x128xf32, #tpu.memory_space<vmem>>, vector<16xf32>,
        %gather3A_598 = arith.constant 8192 : i32
        %gather3A_599 = tpu.memref_slice %run_scoped3A[%gather3A_598] : memref<65536xf32, #tpu.memory_space<vmem>> -> memref<8192xf32, #tpu.memory_space<vmem>>
        %gather3A_600 = tpu.vector_load_idx %gather3A_599[%get3A_589] : memref<8192xf32, #tpu.memory_space<vmem>>[vector<16xi32>], vector<16xf32>,
        %swap3A_601 = arith.constant 1 : i32
        %swap3A_602 = arith.index_cast %swap3A_601 : i32 to index
        %swap3A_603 = arith.index_cast %scan3A_173 : i32 to index
        %swap3A_604 = arith.constant 96 : index
        %swap3A_605 = tpu.vector_load %run_scoped3A_107[%swap3A_602, %swap3A_603, %swap3A_604] {strides = array<i32>} : memref<8x16x128xf32, #tpu.memory_space<vmem>>, vector<16xf32>,
        tpu.vector_store %run_scoped3A_107[%swap3A_602, %swap3A_603, %swap3A_604], %gather3A_600 {strides = array<i32>} : memref<8x16x128xf32, #tpu.memory_space<vmem>>, vector<16xf32>,
        %gather3A_606 = arith.constant 16384 : i32
        %gather3A_607 = tpu.memref_slice %run_scoped3A[%gather3A_606] : memref<65536xf32, #tpu.memory_space<vmem>> -> memref<8192xf32, #tpu.memory_space<vmem>>
        %gather3A_608 = tpu.vector_load_idx %gather3A_607[%get3A_589] : memref<8192xf32, #tpu.memory_space<vmem>>[vector<16xi32>], vector<16xf32>,
        %swap3A_609 = arith.constant 2 : i32
        %swap3A_610 = arith.index_cast %swap3A_609 : i32 to index
        %swap3A_611 = arith.index_cast %scan3A_173 : i32 to index
        %swap3A_612 = arith.constant 96 : index
        %swap3A_613 = tpu.vector_load %run_scoped3A_107[%swap3A_610, %swap3A_611, %swap3A_612] {strides = array<i32>} : memref<8x16x128xf32, #tpu.memory_space<vmem>>, vector<16xf32>,
        tpu.vector_store %run_scoped3A_107[%swap3A_610, %swap3A_611, %swap3A_612], %gather3A_608 {strides = array<i32>} : memref<8x16x128xf32, #tpu.memory_space<vmem>>, vector<16xf32>,
        %gather3A_614 = arith.constant 24576 : i32
        %gather3A_615 = tpu.memref_slice %run_scoped3A[%gather3A_614] : memref<65536xf32, #tpu.memory_space<vmem>> -> memref<8192xf32, #tpu.memory_space<vmem>>
        %gather3A_616 = tpu.vector_load_idx %gather3A_615[%get3A_589] : memref<8192xf32, #tpu.memory_space<vmem>>[vector<16xi32>], vector<16xf32>,
        %swap3A_617 = arith.constant 3 : i32
        %swap3A_618 = arith.index_cast %swap3A_617 : i32 to index
        %swap3A_619 = arith.index_cast %scan3A_173 : i32 to index
        %swap3A_620 = arith.constant 96 : index
        %swap3A_621 = tpu.vector_load %run_scoped3A_107[%swap3A_618, %swap3A_619, %swap3A_620] {strides = array<i32>} : memref<8x16x128xf32, #tpu.memory_space<vmem>>, vector<16xf32>,
        tpu.vector_store %run_scoped3A_107[%swap3A_618, %swap3A_619, %swap3A_620], %gather3A_616 {strides = array<i32>} : memref<8x16x128xf32, #tpu.memory_space<vmem>>, vector<16xf32>,
        %gather3A_622 = arith.constant 32768 : i32
        %gather3A_623 = tpu.memref_slice %run_scoped3A[%gather3A_622] : memref<65536xf32, #tpu.memory_space<vmem>> -> memref<8192xf32, #tpu.memory_space<vmem>>
        %gather3A_624 = tpu.vector_load_idx %gather3A_623[%get3A_589] : memref<8192xf32, #tpu.memory_space<vmem>>[vector<16xi32>], vector<16xf32>,
        %swap3A_625 = arith.constant 4 : i32
        %swap3A_626 = arith.index_cast %swap3A_625 : i32 to index
        %swap3A_627 = arith.index_cast %scan3A_173 : i32 to index
        %swap3A_628 = arith.constant 96 : index
        %swap3A_629 = tpu.vector_load %run_scoped3A_107[%swap3A_626, %swap3A_627, %swap3A_628] {strides = array<i32>} : memref<8x16x128xf32, #tpu.memory_space<vmem>>, vector<16xf32>,
        tpu.vector_store %run_scoped3A_107[%swap3A_626, %swap3A_627, %swap3A_628], %gather3A_624 {strides = array<i32>} : memref<8x16x128xf32, #tpu.memory_space<vmem>>, vector<16xf32>,
        %gather3A_630 = arith.constant 40960 : i32
        %gather3A_631 = tpu.memref_slice %run_scoped3A[%gather3A_630] : memref<65536xf32, #tpu.memory_space<vmem>> -> memref<8192xf32, #tpu.memory_space<vmem>>
        %gather3A_632 = tpu.vector_load_idx %gather3A_631[%get3A_589] : memref<8192xf32, #tpu.memory_space<vmem>>[vector<16xi32>], vector<16xf32>,
        %swap3A_633 = arith.constant 5 : i32
        %swap3A_634 = arith.index_cast %swap3A_633 : i32 to index
        %swap3A_635 = arith.index_cast %scan3A_173 : i32 to index
        %swap3A_636 = arith.constant 96 : index
        %swap3A_637 = tpu.vector_load %run_scoped3A_107[%swap3A_634, %swap3A_635, %swap3A_636] {strides = array<i32>} : memref<8x16x128xf32, #tpu.memory_space<vmem>>, vector<16xf32>,
        tpu.vector_store %run_scoped3A_107[%swap3A_634, %swap3A_635, %swap3A_636], %gather3A_632 {strides = array<i32>} : memref<8x16x128xf32, #tpu.memory_space<vmem>>, vector<16xf32>,
        %gather3A_638 = arith.constant 49152 : i32
        %gather3A_639 = tpu.memref_slice %run_scoped3A[%gather3A_638] : memref<65536xf32, #tpu.memory_space<vmem>> -> memref<8192xf32, #tpu.memory_space<vmem>>
        %gather3A_640 = tpu.vector_load_idx %gather3A_639[%get3A_589] : memref<8192xf32, #tpu.memory_space<vmem>>[vector<16xi32>], vector<16xf32>,
        %swap3A_641 = arith.constant 6 : i32
        %swap3A_642 = arith.index_cast %swap3A_641 : i32 to index
        %swap3A_643 = arith.index_cast %scan3A_173 : i32 to index
        %swap3A_644 = arith.constant 96 : index
        %swap3A_645 = tpu.vector_load %run_scoped3A_107[%swap3A_642, %swap3A_643, %swap3A_644] {strides = array<i32>} : memref<8x16x128xf32, #tpu.memory_space<vmem>>, vector<16xf32>,
        tpu.vector_store %run_scoped3A_107[%swap3A_642, %swap3A_643, %swap3A_644], %gather3A_640 {strides = array<i32>} : memref<8x16x128xf32, #tpu.memory_space<vmem>>, vector<16xf32>,
        %gather3A_646 = arith.constant 57344 : i32
        %gather3A_647 = tpu.memref_slice %run_scoped3A[%gather3A_646] : memref<65536xf32, #tpu.memory_space<vmem>> -> memref<8192xf32, #tpu.memory_space<vmem>>
        %gather3A_648 = tpu.vector_load_idx %gather3A_647[%get3A_589] : memref<8192xf32, #tpu.memory_space<vmem>>[vector<16xi32>], vector<16xf32>,
        %swap3A_649 = arith.constant 7 : i32
        %swap3A_650 = arith.index_cast %swap3A_649 : i32 to index
        %swap3A_651 = arith.index_cast %scan3A_173 : i32 to index
        %swap3A_652 = arith.constant 96 : index
        %swap3A_653 = tpu.vector_load %run_scoped3A_107[%swap3A_650, %swap3A_651, %swap3A_652] {strides = array<i32>} : memref<8x16x128xf32, #tpu.memory_space<vmem>>, vector<16xf32>,
        tpu.vector_store %run_scoped3A_107[%swap3A_650, %swap3A_651, %swap3A_652], %gather3A_648 {strides = array<i32>} : memref<8x16x128xf32, #tpu.memory_space<vmem>>, vector<16xf32>,
        %add3A_654 = arith.constant 0 : i32
        %add3A_655 = arith.addi %add3A_654, %scan3A_173 : i32
        %get3A_656 = arith.index_cast %add3A_655 : i32 to index
        %get3A_657 = arith.constant 112 : index
        %get3A_658 = tpu.vector_load %arg8[%get3A_656, %get3A_657] {strides = array<i32>} : memref<32x128xi32, #tpu.memory_space<vmem>>, vector<16xi32>,
        %gather3A_659 = arith.constant 0 : i32
        %gather3A_660 = tpu.memref_slice %run_scoped3A[%gather3A_659] : memref<65536xf32, #tpu.memory_space<vmem>> -> memref<8192xf32, #tpu.memory_space<vmem>>
        %gather3A_661 = tpu.vector_load_idx %gather3A_660[%get3A_658] : memref<8192xf32, #tpu.memory_space<vmem>>[vector<16xi32>], vector<16xf32>,
        %swap3A_662 = arith.constant 0 : i32
        %swap3A_663 = arith.index_cast %swap3A_662 : i32 to index
        %swap3A_664 = arith.index_cast %scan3A_173 : i32 to index
        %swap3A_665 = arith.constant 112 : index
        %swap3A_666 = tpu.vector_load %run_scoped3A_107[%swap3A_663, %swap3A_664, %swap3A_665] {strides = array<i32>} : memref<8x16x128xf32, #tpu.memory_space<vmem>>, vector<16xf32>,
        tpu.vector_store %run_scoped3A_107[%swap3A_663, %swap3A_664, %swap3A_665], %gather3A_661 {strides = array<i32>} : memref<8x16x128xf32, #tpu.memory_space<vmem>>, vector<16xf32>,
        %gather3A_667 = arith.constant 8192 : i32
        %gather3A_668 = tpu.memref_slice %run_scoped3A[%gather3A_667] : memref<65536xf32, #tpu.memory_space<vmem>> -> memref<8192xf32, #tpu.memory_space<vmem>>
        %gather3A_669 = tpu.vector_load_idx %gather3A_668[%get3A_658] : memref<8192xf32, #tpu.memory_space<vmem>>[vector<16xi32>], vector<16xf32>,
        %swap3A_670 = arith.constant 1 : i32
        %swap3A_671 = arith.index_cast %swap3A_670 : i32 to index
        %swap3A_672 = arith.index_cast %scan3A_173 : i32 to index
        %swap3A_673 = arith.constant 112 : index
        %swap3A_674 = tpu.vector_load %run_scoped3A_107[%swap3A_671, %swap3A_672, %swap3A_673] {strides = array<i32>} : memref<8x16x128xf32, #tpu.memory_space<vmem>>, vector<16xf32>,
        tpu.vector_store %run_scoped3A_107[%swap3A_671, %swap3A_672, %swap3A_673], %gather3A_669 {strides = array<i32>} : memref<8x16x128xf32, #tpu.memory_space<vmem>>, vector<16xf32>,
        %gather3A_675 = arith.constant 16384 : i32
        %gather3A_676 = tpu.memref_slice %run_scoped3A[%gather3A_675] : memref<65536xf32, #tpu.memory_space<vmem>> -> memref<8192xf32, #tpu.memory_space<vmem>>
        %gather3A_677 = tpu.vector_load_idx %gather3A_676[%get3A_658] : memref<8192xf32, #tpu.memory_space<vmem>>[vector<16xi32>], vector<16xf32>,
        %swap3A_678 = arith.constant 2 : i32
        %swap3A_679 = arith.index_cast %swap3A_678 : i32 to index
        %swap3A_680 = arith.index_cast %scan3A_173 : i32 to index
        %swap3A_681 = arith.constant 112 : index
        %swap3A_682 = tpu.vector_load %run_scoped3A_107[%swap3A_679, %swap3A_680, %swap3A_681] {strides = array<i32>} : memref<8x16x128xf32, #tpu.memory_space<vmem>>, vector<16xf32>,
        tpu.vector_store %run_scoped3A_107[%swap3A_679, %swap3A_680, %swap3A_681], %gather3A_677 {strides = array<i32>} : memref<8x16x128xf32, #tpu.memory_space<vmem>>, vector<16xf32>,
        %gather3A_683 = arith.constant 24576 : i32
        %gather3A_684 = tpu.memref_slice %run_scoped3A[%gather3A_683] : memref<65536xf32, #tpu.memory_space<vmem>> -> memref<8192xf32, #tpu.memory_space<vmem>>
        %gather3A_685 = tpu.vector_load_idx %gather3A_684[%get3A_658] : memref<8192xf32, #tpu.memory_space<vmem>>[vector<16xi32>], vector<16xf32>,
        %swap3A_686 = arith.constant 3 : i32
        %swap3A_687 = arith.index_cast %swap3A_686 : i32 to index
        %swap3A_688 = arith.index_cast %scan3A_173 : i32 to index
        %swap3A_689 = arith.constant 112 : index
        %swap3A_690 = tpu.vector_load %run_scoped3A_107[%swap3A_687, %swap3A_688, %swap3A_689] {strides = array<i32>} : memref<8x16x128xf32, #tpu.memory_space<vmem>>, vector<16xf32>,
        tpu.vector_store %run_scoped3A_107[%swap3A_687, %swap3A_688, %swap3A_689], %gather3A_685 {strides = array<i32>} : memref<8x16x128xf32, #tpu.memory_space<vmem>>, vector<16xf32>,
        %gather3A_691 = arith.constant 32768 : i32
        %gather3A_692 = tpu.memref_slice %run_scoped3A[%gather3A_691] : memref<65536xf32, #tpu.memory_space<vmem>> -> memref<8192xf32, #tpu.memory_space<vmem>>
        %gather3A_693 = tpu.vector_load_idx %gather3A_692[%get3A_658] : memref<8192xf32, #tpu.memory_space<vmem>>[vector<16xi32>], vector<16xf32>,
        %swap3A_694 = arith.constant 4 : i32
        %swap3A_695 = arith.index_cast %swap3A_694 : i32 to index
        %swap3A_696 = arith.index_cast %scan3A_173 : i32 to index
        %swap3A_697 = arith.constant 112 : index
        %swap3A_698 = tpu.vector_load %run_scoped3A_107[%swap3A_695, %swap3A_696, %swap3A_697] {strides = array<i32>} : memref<8x16x128xf32, #tpu.memory_space<vmem>>, vector<16xf32>,
        tpu.vector_store %run_scoped3A_107[%swap3A_695, %swap3A_696, %swap3A_697], %gather3A_693 {strides = array<i32>} : memref<8x16x128xf32, #tpu.memory_space<vmem>>, vector<16xf32>,
        %gather3A_699 = arith.constant 40960 : i32
        %gather3A_700 = tpu.memref_slice %run_scoped3A[%gather3A_699] : memref<65536xf32, #tpu.memory_space<vmem>> -> memref<8192xf32, #tpu.memory_space<vmem>>
        %gather3A_701 = tpu.vector_load_idx %gather3A_700[%get3A_658] : memref<8192xf32, #tpu.memory_space<vmem>>[vector<16xi32>], vector<16xf32>,
        %swap3A_702 = arith.constant 5 : i32
        %swap3A_703 = arith.index_cast %swap3A_702 : i32 to index
        %swap3A_704 = arith.index_cast %scan3A_173 : i32 to index
        %swap3A_705 = arith.constant 112 : index
        %swap3A_706 = tpu.vector_load %run_scoped3A_107[%swap3A_703, %swap3A_704, %swap3A_705] {strides = array<i32>} : memref<8x16x128xf32, #tpu.memory_space<vmem>>, vector<16xf32>,
        tpu.vector_store %run_scoped3A_107[%swap3A_703, %swap3A_704, %swap3A_705], %gather3A_701 {strides = array<i32>} : memref<8x16x128xf32, #tpu.memory_space<vmem>>, vector<16xf32>,
        %gather3A_707 = arith.constant 49152 : i32
        %gather3A_708 = tpu.memref_slice %run_scoped3A[%gather3A_707] : memref<65536xf32, #tpu.memory_space<vmem>> -> memref<8192xf32, #tpu.memory_space<vmem>>
        %gather3A_709 = tpu.vector_load_idx %gather3A_708[%get3A_658] : memref<8192xf32, #tpu.memory_space<vmem>>[vector<16xi32>], vector<16xf32>,
        %swap3A_710 = arith.constant 6 : i32
        %swap3A_711 = arith.index_cast %swap3A_710 : i32 to index
        %swap3A_712 = arith.index_cast %scan3A_173 : i32 to index
        %swap3A_713 = arith.constant 112 : index
        %swap3A_714 = tpu.vector_load %run_scoped3A_107[%swap3A_711, %swap3A_712, %swap3A_713] {strides = array<i32>} : memref<8x16x128xf32, #tpu.memory_space<vmem>>, vector<16xf32>,
        tpu.vector_store %run_scoped3A_107[%swap3A_711, %swap3A_712, %swap3A_713], %gather3A_709 {strides = array<i32>} : memref<8x16x128xf32, #tpu.memory_space<vmem>>, vector<16xf32>,
        %gather3A_715 = arith.constant 57344 : i32
        %gather3A_716 = tpu.memref_slice %run_scoped3A[%gather3A_715] : memref<65536xf32, #tpu.memory_space<vmem>> -> memref<8192xf32, #tpu.memory_space<vmem>>
        %gather3A_717 = tpu.vector_load_idx %gather3A_716[%get3A_658] : memref<8192xf32, #tpu.memory_space<vmem>>[vector<16xi32>], vector<16xf32>,
        %swap3A_718 = arith.constant 7 : i32
        %swap3A_719 = arith.index_cast %swap3A_718 : i32 to index
        %swap3A_720 = arith.index_cast %scan3A_173 : i32 to index
        %swap3A_721 = arith.constant 112 : index
        %swap3A_722 = tpu.vector_load %run_scoped3A_107[%swap3A_719, %swap3A_720, %swap3A_721] {strides = array<i32>} : memref<8x16x128xf32, #tpu.memory_space<vmem>>, vector<16xf32>,
        tpu.vector_store %run_scoped3A_107[%swap3A_719, %swap3A_720, %swap3A_721], %gather3A_717 {strides = array<i32>} : memref<8x16x128xf32, #tpu.memory_space<vmem>>, vector<16xf32>,
      }
      %scan3A_122 = arith.constant 16 : i32
      %add3A_123 = arith.constant 3 : i32
      %add3A_124 = arith.addi %add3A_123, %select_n3A_90 : i32
      %dma_start3A = arith.constant 0 : i32
      %dma_start3A_125 = arith.constant 0 : i32
      %dma_start3A_126 = tpu.memref_slice %arg5[%select_n3A_74, %add3A_124, %dma_start3A, %dma_start3A_125] : memref<4x67x32x2048xf32, #tpu.memory_space<hbm>> -> memref<1x8x16x128xf32, #tpu.memory_space<hbm>>
      %dma_start3A_127 = tpu.memref_squeeze %dma_start3A_126 : memref<1x8x16x128xf32, #tpu.memory_space<hbm>> -> memref<8x16x128xf32, #tpu.memory_space<hbm>>
      %dma_start3A_128 = arith.constant 0 : i32
      %dma_start3A_129 = arith.constant 0 : i32
      %dma_start3A_130 = tpu.memref_slice %arg5[%select_n3A_74, %add3A_124, %dma_start3A_128, %dma_start3A_129] : memref<4x67x32x2048xf32, #tpu.memory_space<hbm>> -> memref<1x8x16x128xf32, #tpu.memory_space<hbm>>
      %dma_start3A_131 = tpu.memref_squeeze %dma_start3A_130 : memref<1x8x16x128xf32, #tpu.memory_space<hbm>> -> memref<8x16x128xf32, #tpu.memory_space<hbm>>
      tpu.enqueue_dma source(%run_scoped3A_107 : memref<8x16x128xf32, #tpu.memory_space<vmem>>) target(%dma_start3A_131 : memref<8x16x128xf32, #tpu.memory_space<hbm>>) target_semaphore(%arg10 : memref<!tpu.dma_semaphore, #tpu.memory_space<semaphore_mem>>)
      %scan3A_132 = arith.constant 0 : i32
      %scan3A_133 = arith.constant 0 : i32
      %scan3A_134 = arith.constant 16 : i32
      %scan3A_135 = arith.addi %scan3A_133, %scan3A_134 : i32
      %scan3A_136 = arith.constant 1 : i32
      scf.for %scan3A_173 = %scan3A_133 to %scan3A_135 step %scan3A_136  : i32 {
        %add3A_174 = arith.constant 16 : i32
        %add3A_175 = arith.addi %add3A_174, %scan3A_173 : i32
        %get3A = arith.index_cast %add3A_175 : i32 to index
        %get3A_176 = arith.constant 0 : index
        %get3A_177 = tpu.vector_load %arg8[%get3A, %get3A_176] {strides = array<i32>} : memref<32x128xi32, #tpu.memory_space<vmem>>, vector<16xi32>,
        %gather3A = arith.constant 0 : i32
        %gather3A_178 = tpu.memref_slice %run_scoped3A[%gather3A] : memref<65536xf32, #tpu.memory_space<vmem>> -> memref<8192xf32, #tpu.memory_space<vmem>>
        %gather3A_179 = tpu.vector_load_idx %gather3A_178[%get3A_177] : memref<8192xf32, #tpu.memory_space<vmem>>[vector<16xi32>], vector<16xf32>,
        %swap3A = arith.constant 0 : i32
        %swap3A_180 = arith.index_cast %swap3A : i32 to index
        %swap3A_181 = arith.index_cast %scan3A_173 : i32 to index
        %swap3A_182 = arith.constant 0 : index
        %swap3A_183 = tpu.vector_load %run_scoped3A_108[%swap3A_180, %swap3A_181, %swap3A_182] {strides = array<i32>} : memref<8x16x128xf32, #tpu.memory_space<vmem>>, vector<16xf32>,
        tpu.vector_store %run_scoped3A_108[%swap3A_180, %swap3A_181, %swap3A_182], %gather3A_179 {strides = array<i32>} : memref<8x16x128xf32, #tpu.memory_space<vmem>>, vector<16xf32>,
        %gather3A_184 = arith.constant 8192 : i32
        %gather3A_185 = tpu.memref_slice %run_scoped3A[%gather3A_184] : memref<65536xf32, #tpu.memory_space<vmem>> -> memref<8192xf32, #tpu.memory_space<vmem>>
        %gather3A_186 = tpu.vector_load_idx %gather3A_185[%get3A_177] : memref<8192xf32, #tpu.memory_space<vmem>>[vector<16xi32>], vector<16xf32>,
        %swap3A_187 = arith.constant 1 : i32
        %swap3A_188 = arith.index_cast %swap3A_187 : i32 to index
        %swap3A_189 = arith.index_cast %scan3A_173 : i32 to index
        %swap3A_190 = arith.constant 0 : index
        %swap3A_191 = tpu.vector_load %run_scoped3A_108[%swap3A_188, %swap3A_189, %swap3A_190] {strides = array<i32>} : memref<8x16x128xf32, #tpu.memory_space<vmem>>, vector<16xf32>,
        tpu.vector_store %run_scoped3A_108[%swap3A_188, %swap3A_189, %swap3A_190], %gather3A_186 {strides = array<i32>} : memref<8x16x128xf32, #tpu.memory_space<vmem>>, vector<16xf32>,
        %gather3A_192 = arith.constant 16384 : i32
        %gather3A_193 = tpu.memref_slice %run_scoped3A[%gather3A_192] : memref<65536xf32, #tpu.memory_space<vmem>> -> memref<8192xf32, #tpu.memory_space<vmem>>
        %gather3A_194 = tpu.vector_load_idx %gather3A_193[%get3A_177] : memref<8192xf32, #tpu.memory_space<vmem>>[vector<16xi32>], vector<16xf32>,
        %swap3A_195 = arith.constant 2 : i32
        %swap3A_196 = arith.index_cast %swap3A_195 : i32 to index
        %swap3A_197 = arith.index_cast %scan3A_173 : i32 to index
        %swap3A_198 = arith.constant 0 : index
        %swap3A_199 = tpu.vector_load %run_scoped3A_108[%swap3A_196, %swap3A_197, %swap3A_198] {strides = array<i32>} : memref<8x16x128xf32, #tpu.memory_space<vmem>>, vector<16xf32>,
        tpu.vector_store %run_scoped3A_108[%swap3A_196, %swap3A_197, %swap3A_198], %gather3A_194 {strides = array<i32>} : memref<8x16x128xf32, #tpu.memory_space<vmem>>, vector<16xf32>,
        %gather3A_200 = arith.constant 24576 : i32
        %gather3A_201 = tpu.memref_slice %run_scoped3A[%gather3A_200] : memref<65536xf32, #tpu.memory_space<vmem>> -> memref<8192xf32, #tpu.memory_space<vmem>>
        %gather3A_202 = tpu.vector_load_idx %gather3A_201[%get3A_177] : memref<8192xf32, #tpu.memory_space<vmem>>[vector<16xi32>], vector<16xf32>,
        %swap3A_203 = arith.constant 3 : i32
        %swap3A_204 = arith.index_cast %swap3A_203 : i32 to index
        %swap3A_205 = arith.index_cast %scan3A_173 : i32 to index
        %swap3A_206 = arith.constant 0 : index
        %swap3A_207 = tpu.vector_load %run_scoped3A_108[%swap3A_204, %swap3A_205, %swap3A_206] {strides = array<i32>} : memref<8x16x128xf32, #tpu.memory_space<vmem>>, vector<16xf32>,
        tpu.vector_store %run_scoped3A_108[%swap3A_204, %swap3A_205, %swap3A_206], %gather3A_202 {strides = array<i32>} : memref<8x16x128xf32, #tpu.memory_space<vmem>>, vector<16xf32>,
        %gather3A_208 = arith.constant 32768 : i32
        %gather3A_209 = tpu.memref_slice %run_scoped3A[%gather3A_208] : memref<65536xf32, #tpu.memory_space<vmem>> -> memref<8192xf32, #tpu.memory_space<vmem>>
        %gather3A_210 = tpu.vector_load_idx %gather3A_209[%get3A_177] : memref<8192xf32, #tpu.memory_space<vmem>>[vector<16xi32>], vector<16xf32>,
        %swap3A_211 = arith.constant 4 : i32
        %swap3A_212 = arith.index_cast %swap3A_211 : i32 to index
        %swap3A_213 = arith.index_cast %scan3A_173 : i32 to index
        %swap3A_214 = arith.constant 0 : index
        %swap3A_215 = tpu.vector_load %run_scoped3A_108[%swap3A_212, %swap3A_213, %swap3A_214] {strides = array<i32>} : memref<8x16x128xf32, #tpu.memory_space<vmem>>, vector<16xf32>,
        tpu.vector_store %run_scoped3A_108[%swap3A_212, %swap3A_213, %swap3A_214], %gather3A_210 {strides = array<i32>} : memref<8x16x128xf32, #tpu.memory_space<vmem>>, vector<16xf32>,
        %gather3A_216 = arith.constant 40960 : i32
        %gather3A_217 = tpu.memref_slice %run_scoped3A[%gather3A_216] : memref<65536xf32, #tpu.memory_space<vmem>> -> memref<8192xf32, #tpu.memory_space<vmem>>
        %gather3A_218 = tpu.vector_load_idx %gather3A_217[%get3A_177] : memref<8192xf32, #tpu.memory_space<vmem>>[vector<16xi32>], vector<16xf32>,
        %swap3A_219 = arith.constant 5 : i32
        %swap3A_220 = arith.index_cast %swap3A_219 : i32 to index
        %swap3A_221 = arith.index_cast %scan3A_173 : i32 to index
        %swap3A_222 = arith.constant 0 : index
        %swap3A_223 = tpu.vector_load %run_scoped3A_108[%swap3A_220, %swap3A_221, %swap3A_222] {strides = array<i32>} : memref<8x16x128xf32, #tpu.memory_space<vmem>>, vector<16xf32>,
        tpu.vector_store %run_scoped3A_108[%swap3A_220, %swap3A_221, %swap3A_222], %gather3A_218 {strides = array<i32>} : memref<8x16x128xf32, #tpu.memory_space<vmem>>, vector<16xf32>,
        %gather3A_224 = arith.constant 49152 : i32
        %gather3A_225 = tpu.memref_slice %run_scoped3A[%gather3A_224] : memref<65536xf32, #tpu.memory_space<vmem>> -> memref<8192xf32, #tpu.memory_space<vmem>>
        %gather3A_226 = tpu.vector_load_idx %gather3A_225[%get3A_177] : memref<8192xf32, #tpu.memory_space<vmem>>[vector<16xi32>], vector<16xf32>,
        %swap3A_227 = arith.constant 6 : i32
        %swap3A_228 = arith.index_cast %swap3A_227 : i32 to index
        %swap3A_229 = arith.index_cast %scan3A_173 : i32 to index
        %swap3A_230 = arith.constant 0 : index
        %swap3A_231 = tpu.vector_load %run_scoped3A_108[%swap3A_228, %swap3A_229, %swap3A_230] {strides = array<i32>} : memref<8x16x128xf32, #tpu.memory_space<vmem>>, vector<16xf32>,
        tpu.vector_store %run_scoped3A_108[%swap3A_228, %swap3A_229, %swap3A_230], %gather3A_226 {strides = array<i32>} : memref<8x16x128xf32, #tpu.memory_space<vmem>>, vector<16xf32>,
        %gather3A_232 = arith.constant 57344 : i32
        %gather3A_233 = tpu.memref_slice %run_scoped3A[%gather3A_232] : memref<65536xf32, #tpu.memory_space<vmem>> -> memref<8192xf32, #tpu.memory_space<vmem>>
        %gather3A_234 = tpu.vector_load_idx %gather3A_233[%get3A_177] : memref<8192xf32, #tpu.memory_space<vmem>>[vector<16xi32>], vector<16xf32>,
        %swap3A_235 = arith.constant 7 : i32
        %swap3A_236 = arith.index_cast %swap3A_235 : i32 to index
        %swap3A_237 = arith.index_cast %scan3A_173 : i32 to index
        %swap3A_238 = arith.constant 0 : index
        %swap3A_239 = tpu.vector_load %run_scoped3A_108[%swap3A_236, %swap3A_237, %swap3A_238] {strides = array<i32>} : memref<8x16x128xf32, #tpu.memory_space<vmem>>, vector<16xf32>,
        tpu.vector_store %run_scoped3A_108[%swap3A_236, %swap3A_237, %swap3A_238], %gather3A_234 {strides = array<i32>} : memref<8x16x128xf32, #tpu.memory_space<vmem>>, vector<16xf32>,
        %add3A_240 = arith.constant 16 : i32
        %add3A_241 = arith.addi %add3A_240, %scan3A_173 : i32
        %get3A_242 = arith.index_cast %add3A_241 : i32 to index
        %get3A_243 = arith.constant 16 : index
        %get3A_244 = tpu.vector_load %arg8[%get3A_242, %get3A_243] {strides = array<i32>} : memref<32x128xi32, #tpu.memory_space<vmem>>, vector<16xi32>,
        %gather3A_245 = arith.constant 0 : i32
        %gather3A_246 = tpu.memref_slice %run_scoped3A[%gather3A_245] : memref<65536xf32, #tpu.memory_space<vmem>> -> memref<8192xf32, #tpu.memory_space<vmem>>
        %gather3A_247 = tpu.vector_load_idx %gather3A_246[%get3A_244] : memref<8192xf32, #tpu.memory_space<vmem>>[vector<16xi32>], vector<16xf32>,
        %swap3A_248 = arith.constant 0 : i32
        %swap3A_249 = arith.index_cast %swap3A_248 : i32 to index
        %swap3A_250 = arith.index_cast %scan3A_173 : i32 to index
        %swap3A_251 = arith.constant 16 : index
        %swap3A_252 = tpu.vector_load %run_scoped3A_108[%swap3A_249, %swap3A_250, %swap3A_251] {strides = array<i32>} : memref<8x16x128xf32, #tpu.memory_space<vmem>>, vector<16xf32>,
        tpu.vector_store %run_scoped3A_108[%swap3A_249, %swap3A_250, %swap3A_251], %gather3A_247 {strides = array<i32>} : memref<8x16x128xf32, #tpu.memory_space<vmem>>, vector<16xf32>,
        %gather3A_253 = arith.constant 8192 : i32
        %gather3A_254 = tpu.memref_slice %run_scoped3A[%gather3A_253] : memref<65536xf32, #tpu.memory_space<vmem>> -> memref<8192xf32, #tpu.memory_space<vmem>>
        %gather3A_255 = tpu.vector_load_idx %gather3A_254[%get3A_244] : memref<8192xf32, #tpu.memory_space<vmem>>[vector<16xi32>], vector<16xf32>,
        %swap3A_256 = arith.constant 1 : i32
        %swap3A_257 = arith.index_cast %swap3A_256 : i32 to index
        %swap3A_258 = arith.index_cast %scan3A_173 : i32 to index
        %swap3A_259 = arith.constant 16 : index
        %swap3A_260 = tpu.vector_load %run_scoped3A_108[%swap3A_257, %swap3A_258, %swap3A_259] {strides = array<i32>} : memref<8x16x128xf32, #tpu.memory_space<vmem>>, vector<16xf32>,
        tpu.vector_store %run_scoped3A_108[%swap3A_257, %swap3A_258, %swap3A_259], %gather3A_255 {strides = array<i32>} : memref<8x16x128xf32, #tpu.memory_space<vmem>>, vector<16xf32>,
        %gather3A_261 = arith.constant 16384 : i32
        %gather3A_262 = tpu.memref_slice %run_scoped3A[%gather3A_261] : memref<65536xf32, #tpu.memory_space<vmem>> -> memref<8192xf32, #tpu.memory_space<vmem>>
        %gather3A_263 = tpu.vector_load_idx %gather3A_262[%get3A_244] : memref<8192xf32, #tpu.memory_space<vmem>>[vector<16xi32>], vector<16xf32>,
        %swap3A_264 = arith.constant 2 : i32
        %swap3A_265 = arith.index_cast %swap3A_264 : i32 to index
        %swap3A_266 = arith.index_cast %scan3A_173 : i32 to index
        %swap3A_267 = arith.constant 16 : index
        %swap3A_268 = tpu.vector_load %run_scoped3A_108[%swap3A_265, %swap3A_266, %swap3A_267] {strides = array<i32>} : memref<8x16x128xf32, #tpu.memory_space<vmem>>, vector<16xf32>,
        tpu.vector_store %run_scoped3A_108[%swap3A_265, %swap3A_266, %swap3A_267], %gather3A_263 {strides = array<i32>} : memref<8x16x128xf32, #tpu.memory_space<vmem>>, vector<16xf32>,
        %gather3A_269 = arith.constant 24576 : i32
        %gather3A_270 = tpu.memref_slice %run_scoped3A[%gather3A_269] : memref<65536xf32, #tpu.memory_space<vmem>> -> memref<8192xf32, #tpu.memory_space<vmem>>
        %gather3A_271 = tpu.vector_load_idx %gather3A_270[%get3A_244] : memref<8192xf32, #tpu.memory_space<vmem>>[vector<16xi32>], vector<16xf32>,
        %swap3A_272 = arith.constant 3 : i32
        %swap3A_273 = arith.index_cast %swap3A_272 : i32 to index
        %swap3A_274 = arith.index_cast %scan3A_173 : i32 to index
        %swap3A_275 = arith.constant 16 : index
        %swap3A_276 = tpu.vector_load %run_scoped3A_108[%swap3A_273, %swap3A_274, %swap3A_275] {strides = array<i32>} : memref<8x16x128xf32, #tpu.memory_space<vmem>>, vector<16xf32>,
        tpu.vector_store %run_scoped3A_108[%swap3A_273, %swap3A_274, %swap3A_275], %gather3A_271 {strides = array<i32>} : memref<8x16x128xf32, #tpu.memory_space<vmem>>, vector<16xf32>,
        %gather3A_277 = arith.constant 32768 : i32
        %gather3A_278 = tpu.memref_slice %run_scoped3A[%gather3A_277] : memref<65536xf32, #tpu.memory_space<vmem>> -> memref<8192xf32, #tpu.memory_space<vmem>>
        %gather3A_279 = tpu.vector_load_idx %gather3A_278[%get3A_244] : memref<8192xf32, #tpu.memory_space<vmem>>[vector<16xi32>], vector<16xf32>,
        %swap3A_280 = arith.constant 4 : i32
        %swap3A_281 = arith.index_cast %swap3A_280 : i32 to index
        %swap3A_282 = arith.index_cast %scan3A_173 : i32 to index
        %swap3A_283 = arith.constant 16 : index
        %swap3A_284 = tpu.vector_load %run_scoped3A_108[%swap3A_281, %swap3A_282, %swap3A_283] {strides = array<i32>} : memref<8x16x128xf32, #tpu.memory_space<vmem>>, vector<16xf32>,
        tpu.vector_store %run_scoped3A_108[%swap3A_281, %swap3A_282, %swap3A_283], %gather3A_279 {strides = array<i32>} : memref<8x16x128xf32, #tpu.memory_space<vmem>>, vector<16xf32>,
        %gather3A_285 = arith.constant 40960 : i32
        %gather3A_286 = tpu.memref_slice %run_scoped3A[%gather3A_285] : memref<65536xf32, #tpu.memory_space<vmem>> -> memref<8192xf32, #tpu.memory_space<vmem>>
        %gather3A_287 = tpu.vector_load_idx %gather3A_286[%get3A_244] : memref<8192xf32, #tpu.memory_space<vmem>>[vector<16xi32>], vector<16xf32>,
        %swap3A_288 = arith.constant 5 : i32
        %swap3A_289 = arith.index_cast %swap3A_288 : i32 to index
        %swap3A_290 = arith.index_cast %scan3A_173 : i32 to index
        %swap3A_291 = arith.constant 16 : index
        %swap3A_292 = tpu.vector_load %run_scoped3A_108[%swap3A_289, %swap3A_290, %swap3A_291] {strides = array<i32>} : memref<8x16x128xf32, #tpu.memory_space<vmem>>, vector<16xf32>,
        tpu.vector_store %run_scoped3A_108[%swap3A_289, %swap3A_290, %swap3A_291], %gather3A_287 {strides = array<i32>} : memref<8x16x128xf32, #tpu.memory_space<vmem>>, vector<16xf32>,
        %gather3A_293 = arith.constant 49152 : i32
        %gather3A_294 = tpu.memref_slice %run_scoped3A[%gather3A_293] : memref<65536xf32, #tpu.memory_space<vmem>> -> memref<8192xf32, #tpu.memory_space<vmem>>
        %gather3A_295 = tpu.vector_load_idx %gather3A_294[%get3A_244] : memref<8192xf32, #tpu.memory_space<vmem>>[vector<16xi32>], vector<16xf32>,
        %swap3A_296 = arith.constant 6 : i32
        %swap3A_297 = arith.index_cast %swap3A_296 : i32 to index
        %swap3A_298 = arith.index_cast %scan3A_173 : i32 to index
        %swap3A_299 = arith.constant 16 : index
        %swap3A_300 = tpu.vector_load %run_scoped3A_108[%swap3A_297, %swap3A_298, %swap3A_299] {strides = array<i32>} : memref<8x16x128xf32, #tpu.memory_space<vmem>>, vector<16xf32>,
        tpu.vector_store %run_scoped3A_108[%swap3A_297, %swap3A_298, %swap3A_299], %gather3A_295 {strides = array<i32>} : memref<8x16x128xf32, #tpu.memory_space<vmem>>, vector<16xf32>,
        %gather3A_301 = arith.constant 57344 : i32
        %gather3A_302 = tpu.memref_slice %run_scoped3A[%gather3A_301] : memref<65536xf32, #tpu.memory_space<vmem>> -> memref<8192xf32, #tpu.memory_space<vmem>>
        %gather3A_303 = tpu.vector_load_idx %gather3A_302[%get3A_244] : memref<8192xf32, #tpu.memory_space<vmem>>[vector<16xi32>], vector<16xf32>,
        %swap3A_304 = arith.constant 7 : i32
        %swap3A_305 = arith.index_cast %swap3A_304 : i32 to index
        %swap3A_306 = arith.index_cast %scan3A_173 : i32 to index
        %swap3A_307 = arith.constant 16 : index
        %swap3A_308 = tpu.vector_load %run_scoped3A_108[%swap3A_305, %swap3A_306, %swap3A_307] {strides = array<i32>} : memref<8x16x128xf32, #tpu.memory_space<vmem>>, vector<16xf32>,
        tpu.vector_store %run_scoped3A_108[%swap3A_305, %swap3A_306, %swap3A_307], %gather3A_303 {strides = array<i32>} : memref<8x16x128xf32, #tpu.memory_space<vmem>>, vector<16xf32>,
        %add3A_309 = arith.constant 16 : i32
        %add3A_310 = arith.addi %add3A_309, %scan3A_173 : i32
        %get3A_311 = arith.index_cast %add3A_310 : i32 to index
        %get3A_312 = arith.constant 32 : index
        %get3A_313 = tpu.vector_load %arg8[%get3A_311, %get3A_312] {strides = array<i32>} : memref<32x128xi32, #tpu.memory_space<vmem>>, vector<16xi32>,
        %gather3A_314 = arith.constant 0 : i32
        %gather3A_315 = tpu.memref_slice %run_scoped3A[%gather3A_314] : memref<65536xf32, #tpu.memory_space<vmem>> -> memref<8192xf32, #tpu.memory_space<vmem>>
        %gather3A_316 = tpu.vector_load_idx %gather3A_315[%get3A_313] : memref<8192xf32, #tpu.memory_space<vmem>>[vector<16xi32>], vector<16xf32>,
        %swap3A_317 = arith.constant 0 : i32
        %swap3A_318 = arith.index_cast %swap3A_317 : i32 to index
        %swap3A_319 = arith.index_cast %scan3A_173 : i32 to index
        %swap3A_320 = arith.constant 32 : index
        %swap3A_321 = tpu.vector_load %run_scoped3A_108[%swap3A_318, %swap3A_319, %swap3A_320] {strides = array<i32>} : memref<8x16x128xf32, #tpu.memory_space<vmem>>, vector<16xf32>,
        tpu.vector_store %run_scoped3A_108[%swap3A_318, %swap3A_319, %swap3A_320], %gather3A_316 {strides = array<i32>} : memref<8x16x128xf32, #tpu.memory_space<vmem>>, vector<16xf32>,
        %gather3A_322 = arith.constant 8192 : i32
        %gather3A_323 = tpu.memref_slice %run_scoped3A[%gather3A_322] : memref<65536xf32, #tpu.memory_space<vmem>> -> memref<8192xf32, #tpu.memory_space<vmem>>
        %gather3A_324 = tpu.vector_load_idx %gather3A_323[%get3A_313] : memref<8192xf32, #tpu.memory_space<vmem>>[vector<16xi32>], vector<16xf32>,
        %swap3A_325 = arith.constant 1 : i32
        %swap3A_326 = arith.index_cast %swap3A_325 : i32 to index
        %swap3A_327 = arith.index_cast %scan3A_173 : i32 to index
        %swap3A_328 = arith.constant 32 : index
        %swap3A_329 = tpu.vector_load %run_scoped3A_108[%swap3A_326, %swap3A_327, %swap3A_328] {strides = array<i32>} : memref<8x16x128xf32, #tpu.memory_space<vmem>>, vector<16xf32>,
        tpu.vector_store %run_scoped3A_108[%swap3A_326, %swap3A_327, %swap3A_328], %gather3A_324 {strides = array<i32>} : memref<8x16x128xf32, #tpu.memory_space<vmem>>, vector<16xf32>,
        %gather3A_330 = arith.constant 16384 : i32
        %gather3A_331 = tpu.memref_slice %run_scoped3A[%gather3A_330] : memref<65536xf32, #tpu.memory_space<vmem>> -> memref<8192xf32, #tpu.memory_space<vmem>>
        %gather3A_332 = tpu.vector_load_idx %gather3A_331[%get3A_313] : memref<8192xf32, #tpu.memory_space<vmem>>[vector<16xi32>], vector<16xf32>,
        %swap3A_333 = arith.constant 2 : i32
        %swap3A_334 = arith.index_cast %swap3A_333 : i32 to index
        %swap3A_335 = arith.index_cast %scan3A_173 : i32 to index
        %swap3A_336 = arith.constant 32 : index
        %swap3A_337 = tpu.vector_load %run_scoped3A_108[%swap3A_334, %swap3A_335, %swap3A_336] {strides = array<i32>} : memref<8x16x128xf32, #tpu.memory_space<vmem>>, vector<16xf32>,
        tpu.vector_store %run_scoped3A_108[%swap3A_334, %swap3A_335, %swap3A_336], %gather3A_332 {strides = array<i32>} : memref<8x16x128xf32, #tpu.memory_space<vmem>>, vector<16xf32>,
        %gather3A_338 = arith.constant 24576 : i32
        %gather3A_339 = tpu.memref_slice %run_scoped3A[%gather3A_338] : memref<65536xf32, #tpu.memory_space<vmem>> -> memref<8192xf32, #tpu.memory_space<vmem>>
        %gather3A_340 = tpu.vector_load_idx %gather3A_339[%get3A_313] : memref<8192xf32, #tpu.memory_space<vmem>>[vector<16xi32>], vector<16xf32>,
        %swap3A_341 = arith.constant 3 : i32
        %swap3A_342 = arith.index_cast %swap3A_341 : i32 to index
        %swap3A_343 = arith.index_cast %scan3A_173 : i32 to index
        %swap3A_344 = arith.constant 32 : index
        %swap3A_345 = tpu.vector_load %run_scoped3A_108[%swap3A_342, %swap3A_343, %swap3A_344] {strides = array<i32>} : memref<8x16x128xf32, #tpu.memory_space<vmem>>, vector<16xf32>,
        tpu.vector_store %run_scoped3A_108[%swap3A_342, %swap3A_343, %swap3A_344], %gather3A_340 {strides = array<i32>} : memref<8x16x128xf32, #tpu.memory_space<vmem>>, vector<16xf32>,
        %gather3A_346 = arith.constant 32768 : i32
        %gather3A_347 = tpu.memref_slice %run_scoped3A[%gather3A_346] : memref<65536xf32, #tpu.memory_space<vmem>> -> memref<8192xf32, #tpu.memory_space<vmem>>
        %gather3A_348 = tpu.vector_load_idx %gather3A_347[%get3A_313] : memref<8192xf32, #tpu.memory_space<vmem>>[vector<16xi32>], vector<16xf32>,
        %swap3A_349 = arith.constant 4 : i32
        %swap3A_350 = arith.index_cast %swap3A_349 : i32 to index
        %swap3A_351 = arith.index_cast %scan3A_173 : i32 to index
        %swap3A_352 = arith.constant 32 : index
        %swap3A_353 = tpu.vector_load %run_scoped3A_108[%swap3A_350, %swap3A_351, %swap3A_352] {strides = array<i32>} : memref<8x16x128xf32, #tpu.memory_space<vmem>>, vector<16xf32>,
        tpu.vector_store %run_scoped3A_108[%swap3A_350, %swap3A_351, %swap3A_352], %gather3A_348 {strides = array<i32>} : memref<8x16x128xf32, #tpu.memory_space<vmem>>, vector<16xf32>,
        %gather3A_354 = arith.constant 40960 : i32
        %gather3A_355 = tpu.memref_slice %run_scoped3A[%gather3A_354] : memref<65536xf32, #tpu.memory_space<vmem>> -> memref<8192xf32, #tpu.memory_space<vmem>>
        %gather3A_356 = tpu.vector_load_idx %gather3A_355[%get3A_313] : memref<8192xf32, #tpu.memory_space<vmem>>[vector<16xi32>], vector<16xf32>,
        %swap3A_357 = arith.constant 5 : i32
        %swap3A_358 = arith.index_cast %swap3A_357 : i32 to index
        %swap3A_359 = arith.index_cast %scan3A_173 : i32 to index
        %swap3A_360 = arith.constant 32 : index
        %swap3A_361 = tpu.vector_load %run_scoped3A_108[%swap3A_358, %swap3A_359, %swap3A_360] {strides = array<i32>} : memref<8x16x128xf32, #tpu.memory_space<vmem>>, vector<16xf32>,
        tpu.vector_store %run_scoped3A_108[%swap3A_358, %swap3A_359, %swap3A_360], %gather3A_356 {strides = array<i32>} : memref<8x16x128xf32, #tpu.memory_space<vmem>>, vector<16xf32>,
        %gather3A_362 = arith.constant 49152 : i32
        %gather3A_363 = tpu.memref_slice %run_scoped3A[%gather3A_362] : memref<65536xf32, #tpu.memory_space<vmem>> -> memref<8192xf32, #tpu.memory_space<vmem>>
        %gather3A_364 = tpu.vector_load_idx %gather3A_363[%get3A_313] : memref<8192xf32, #tpu.memory_space<vmem>>[vector<16xi32>], vector<16xf32>,
        %swap3A_365 = arith.constant 6 : i32
        %swap3A_366 = arith.index_cast %swap3A_365 : i32 to index
        %swap3A_367 = arith.index_cast %scan3A_173 : i32 to index
        %swap3A_368 = arith.constant 32 : index
        %swap3A_369 = tpu.vector_load %run_scoped3A_108[%swap3A_366, %swap3A_367, %swap3A_368] {strides = array<i32>} : memref<8x16x128xf32, #tpu.memory_space<vmem>>, vector<16xf32>,
        tpu.vector_store %run_scoped3A_108[%swap3A_366, %swap3A_367, %swap3A_368], %gather3A_364 {strides = array<i32>} : memref<8x16x128xf32, #tpu.memory_space<vmem>>, vector<16xf32>,
        %gather3A_370 = arith.constant 57344 : i32
        %gather3A_371 = tpu.memref_slice %run_scoped3A[%gather3A_370] : memref<65536xf32, #tpu.memory_space<vmem>> -> memref<8192xf32, #tpu.memory_space<vmem>>
        %gather3A_372 = tpu.vector_load_idx %gather3A_371[%get3A_313] : memref<8192xf32, #tpu.memory_space<vmem>>[vector<16xi32>], vector<16xf32>,
        %swap3A_373 = arith.constant 7 : i32
        %swap3A_374 = arith.index_cast %swap3A_373 : i32 to index
        %swap3A_375 = arith.index_cast %scan3A_173 : i32 to index
        %swap3A_376 = arith.constant 32 : index
        %swap3A_377 = tpu.vector_load %run_scoped3A_108[%swap3A_374, %swap3A_375, %swap3A_376] {strides = array<i32>} : memref<8x16x128xf32, #tpu.memory_space<vmem>>, vector<16xf32>,
        tpu.vector_store %run_scoped3A_108[%swap3A_374, %swap3A_375, %swap3A_376], %gather3A_372 {strides = array<i32>} : memref<8x16x128xf32, #tpu.memory_space<vmem>>, vector<16xf32>,
        %add3A_378 = arith.constant 16 : i32
        %add3A_379 = arith.addi %add3A_378, %scan3A_173 : i32
        %get3A_380 = arith.index_cast %add3A_379 : i32 to index
        %get3A_381 = arith.constant 48 : index
        %get3A_382 = tpu.vector_load %arg8[%get3A_380, %get3A_381] {strides = array<i32>} : memref<32x128xi32, #tpu.memory_space<vmem>>, vector<16xi32>,
        %gather3A_383 = arith.constant 0 : i32
        %gather3A_384 = tpu.memref_slice %run_scoped3A[%gather3A_383] : memref<65536xf32, #tpu.memory_space<vmem>> -> memref<8192xf32, #tpu.memory_space<vmem>>
        %gather3A_385 = tpu.vector_load_idx %gather3A_384[%get3A_382] : memref<8192xf32, #tpu.memory_space<vmem>>[vector<16xi32>], vector<16xf32>,
        %swap3A_386 = arith.constant 0 : i32
        %swap3A_387 = arith.index_cast %swap3A_386 : i32 to index
        %swap3A_388 = arith.index_cast %scan3A_173 : i32 to index
        %swap3A_389 = arith.constant 48 : index
        %swap3A_390 = tpu.vector_load %run_scoped3A_108[%swap3A_387, %swap3A_388, %swap3A_389] {strides = array<i32>} : memref<8x16x128xf32, #tpu.memory_space<vmem>>, vector<16xf32>,
        tpu.vector_store %run_scoped3A_108[%swap3A_387, %swap3A_388, %swap3A_389], %gather3A_385 {strides = array<i32>} : memref<8x16x128xf32, #tpu.memory_space<vmem>>, vector<16xf32>,
        %gather3A_391 = arith.constant 8192 : i32
        %gather3A_392 = tpu.memref_slice %run_scoped3A[%gather3A_391] : memref<65536xf32, #tpu.memory_space<vmem>> -> memref<8192xf32, #tpu.memory_space<vmem>>
        %gather3A_393 = tpu.vector_load_idx %gather3A_392[%get3A_382] : memref<8192xf32, #tpu.memory_space<vmem>>[vector<16xi32>], vector<16xf32>,
        %swap3A_394 = arith.constant 1 : i32
        %swap3A_395 = arith.index_cast %swap3A_394 : i32 to index
        %swap3A_396 = arith.index_cast %scan3A_173 : i32 to index
        %swap3A_397 = arith.constant 48 : index
        %swap3A_398 = tpu.vector_load %run_scoped3A_108[%swap3A_395, %swap3A_396, %swap3A_397] {strides = array<i32>} : memref<8x16x128xf32, #tpu.memory_space<vmem>>, vector<16xf32>,
        tpu.vector_store %run_scoped3A_108[%swap3A_395, %swap3A_396, %swap3A_397], %gather3A_393 {strides = array<i32>} : memref<8x16x128xf32, #tpu.memory_space<vmem>>, vector<16xf32>,
        %gather3A_399 = arith.constant 16384 : i32
        %gather3A_400 = tpu.memref_slice %run_scoped3A[%gather3A_399] : memref<65536xf32, #tpu.memory_space<vmem>> -> memref<8192xf32, #tpu.memory_space<vmem>>
        %gather3A_401 = tpu.vector_load_idx %gather3A_400[%get3A_382] : memref<8192xf32, #tpu.memory_space<vmem>>[vector<16xi32>], vector<16xf32>,
        %swap3A_402 = arith.constant 2 : i32
        %swap3A_403 = arith.index_cast %swap3A_402 : i32 to index
        %swap3A_404 = arith.index_cast %scan3A_173 : i32 to index
        %swap3A_405 = arith.constant 48 : index
        %swap3A_406 = tpu.vector_load %run_scoped3A_108[%swap3A_403, %swap3A_404, %swap3A_405] {strides = array<i32>} : memref<8x16x128xf32, #tpu.memory_space<vmem>>, vector<16xf32>,
        tpu.vector_store %run_scoped3A_108[%swap3A_403, %swap3A_404, %swap3A_405], %gather3A_401 {strides = array<i32>} : memref<8x16x128xf32, #tpu.memory_space<vmem>>, vector<16xf32>,
        %gather3A_407 = arith.constant 24576 : i32
        %gather3A_408 = tpu.memref_slice %run_scoped3A[%gather3A_407] : memref<65536xf32, #tpu.memory_space<vmem>> -> memref<8192xf32, #tpu.memory_space<vmem>>
        %gather3A_409 = tpu.vector_load_idx %gather3A_408[%get3A_382] : memref<8192xf32, #tpu.memory_space<vmem>>[vector<16xi32>], vector<16xf32>,
        %swap3A_410 = arith.constant 3 : i32
        %swap3A_411 = arith.index_cast %swap3A_410 : i32 to index
        %swap3A_412 = arith.index_cast %scan3A_173 : i32 to index
        %swap3A_413 = arith.constant 48 : index
        %swap3A_414 = tpu.vector_load %run_scoped3A_108[%swap3A_411, %swap3A_412, %swap3A_413] {strides = array<i32>} : memref<8x16x128xf32, #tpu.memory_space<vmem>>, vector<16xf32>,
        tpu.vector_store %run_scoped3A_108[%swap3A_411, %swap3A_412, %swap3A_413], %gather3A_409 {strides = array<i32>} : memref<8x16x128xf32, #tpu.memory_space<vmem>>, vector<16xf32>,
        %gather3A_415 = arith.constant 32768 : i32
        %gather3A_416 = tpu.memref_slice %run_scoped3A[%gather3A_415] : memref<65536xf32, #tpu.memory_space<vmem>> -> memref<8192xf32, #tpu.memory_space<vmem>>
        %gather3A_417 = tpu.vector_load_idx %gather3A_416[%get3A_382] : memref<8192xf32, #tpu.memory_space<vmem>>[vector<16xi32>], vector<16xf32>,
        %swap3A_418 = arith.constant 4 : i32
        %swap3A_419 = arith.index_cast %swap3A_418 : i32 to index
        %swap3A_420 = arith.index_cast %scan3A_173 : i32 to index
        %swap3A_421 = arith.constant 48 : index
        %swap3A_422 = tpu.vector_load %run_scoped3A_108[%swap3A_419, %swap3A_420, %swap3A_421] {strides = array<i32>} : memref<8x16x128xf32, #tpu.memory_space<vmem>>, vector<16xf32>,
        tpu.vector_store %run_scoped3A_108[%swap3A_419, %swap3A_420, %swap3A_421], %gather3A_417 {strides = array<i32>} : memref<8x16x128xf32, #tpu.memory_space<vmem>>, vector<16xf32>,
        %gather3A_423 = arith.constant 40960 : i32
        %gather3A_424 = tpu.memref_slice %run_scoped3A[%gather3A_423] : memref<65536xf32, #tpu.memory_space<vmem>> -> memref<8192xf32, #tpu.memory_space<vmem>>
        %gather3A_425 = tpu.vector_load_idx %gather3A_424[%get3A_382] : memref<8192xf32, #tpu.memory_space<vmem>>[vector<16xi32>], vector<16xf32>,
        %swap3A_426 = arith.constant 5 : i32
        %swap3A_427 = arith.index_cast %swap3A_426 : i32 to index
        %swap3A_428 = arith.index_cast %scan3A_173 : i32 to index
        %swap3A_429 = arith.constant 48 : index
        %swap3A_430 = tpu.vector_load %run_scoped3A_108[%swap3A_427, %swap3A_428, %swap3A_429] {strides = array<i32>} : memref<8x16x128xf32, #tpu.memory_space<vmem>>, vector<16xf32>,
        tpu.vector_store %run_scoped3A_108[%swap3A_427, %swap3A_428, %swap3A_429], %gather3A_425 {strides = array<i32>} : memref<8x16x128xf32, #tpu.memory_space<vmem>>, vector<16xf32>,
        %gather3A_431 = arith.constant 49152 : i32
        %gather3A_432 = tpu.memref_slice %run_scoped3A[%gather3A_431] : memref<65536xf32, #tpu.memory_space<vmem>> -> memref<8192xf32, #tpu.memory_space<vmem>>
        %gather3A_433 = tpu.vector_load_idx %gather3A_432[%get3A_382] : memref<8192xf32, #tpu.memory_space<vmem>>[vector<16xi32>], vector<16xf32>,
        %swap3A_434 = arith.constant 6 : i32
        %swap3A_435 = arith.index_cast %swap3A_434 : i32 to index
        %swap3A_436 = arith.index_cast %scan3A_173 : i32 to index
        %swap3A_437 = arith.constant 48 : index
        %swap3A_438 = tpu.vector_load %run_scoped3A_108[%swap3A_435, %swap3A_436, %swap3A_437] {strides = array<i32>} : memref<8x16x128xf32, #tpu.memory_space<vmem>>, vector<16xf32>,
        tpu.vector_store %run_scoped3A_108[%swap3A_435, %swap3A_436, %swap3A_437], %gather3A_433 {strides = array<i32>} : memref<8x16x128xf32, #tpu.memory_space<vmem>>, vector<16xf32>,
        %gather3A_439 = arith.constant 57344 : i32
        %gather3A_440 = tpu.memref_slice %run_scoped3A[%gather3A_439] : memref<65536xf32, #tpu.memory_space<vmem>> -> memref<8192xf32, #tpu.memory_space<vmem>>
        %gather3A_441 = tpu.vector_load_idx %gather3A_440[%get3A_382] : memref<8192xf32, #tpu.memory_space<vmem>>[vector<16xi32>], vector<16xf32>,
        %swap3A_442 = arith.constant 7 : i32
        %swap3A_443 = arith.index_cast %swap3A_442 : i32 to index
        %swap3A_444 = arith.index_cast %scan3A_173 : i32 to index
        %swap3A_445 = arith.constant 48 : index
        %swap3A_446 = tpu.vector_load %run_scoped3A_108[%swap3A_443, %swap3A_444, %swap3A_445] {strides = array<i32>} : memref<8x16x128xf32, #tpu.memory_space<vmem>>, vector<16xf32>,
        tpu.vector_store %run_scoped3A_108[%swap3A_443, %swap3A_444, %swap3A_445], %gather3A_441 {strides = array<i32>} : memref<8x16x128xf32, #tpu.memory_space<vmem>>, vector<16xf32>,
        %add3A_447 = arith.constant 16 : i32
        %add3A_448 = arith.addi %add3A_447, %scan3A_173 : i32
        %get3A_449 = arith.index_cast %add3A_448 : i32 to index
        %get3A_450 = arith.constant 64 : index
        %get3A_451 = tpu.vector_load %arg8[%get3A_449, %get3A_450] {strides = array<i32>} : memref<32x128xi32, #tpu.memory_space<vmem>>, vector<16xi32>,
        %gather3A_452 = arith.constant 0 : i32
        %gather3A_453 = tpu.memref_slice %run_scoped3A[%gather3A_452] : memref<65536xf32, #tpu.memory_space<vmem>> -> memref<8192xf32, #tpu.memory_space<vmem>>
        %gather3A_454 = tpu.vector_load_idx %gather3A_453[%get3A_451] : memref<8192xf32, #tpu.memory_space<vmem>>[vector<16xi32>], vector<16xf32>,
        %swap3A_455 = arith.constant 0 : i32
        %swap3A_456 = arith.index_cast %swap3A_455 : i32 to index
        %swap3A_457 = arith.index_cast %scan3A_173 : i32 to index
        %swap3A_458 = arith.constant 64 : index
        %swap3A_459 = tpu.vector_load %run_scoped3A_108[%swap3A_456, %swap3A_457, %swap3A_458] {strides = array<i32>} : memref<8x16x128xf32, #tpu.memory_space<vmem>>, vector<16xf32>,
        tpu.vector_store %run_scoped3A_108[%swap3A_456, %swap3A_457, %swap3A_458], %gather3A_454 {strides = array<i32>} : memref<8x16x128xf32, #tpu.memory_space<vmem>>, vector<16xf32>,
        %gather3A_460 = arith.constant 8192 : i32
        %gather3A_461 = tpu.memref_slice %run_scoped3A[%gather3A_460] : memref<65536xf32, #tpu.memory_space<vmem>> -> memref<8192xf32, #tpu.memory_space<vmem>>
        %gather3A_462 = tpu.vector_load_idx %gather3A_461[%get3A_451] : memref<8192xf32, #tpu.memory_space<vmem>>[vector<16xi32>], vector<16xf32>,
        %swap3A_463 = arith.constant 1 : i32
        %swap3A_464 = arith.index_cast %swap3A_463 : i32 to index
        %swap3A_465 = arith.index_cast %scan3A_173 : i32 to index
        %swap3A_466 = arith.constant 64 : index
        %swap3A_467 = tpu.vector_load %run_scoped3A_108[%swap3A_464, %swap3A_465, %swap3A_466] {strides = array<i32>} : memref<8x16x128xf32, #tpu.memory_space<vmem>>, vector<16xf32>,
        tpu.vector_store %run_scoped3A_108[%swap3A_464, %swap3A_465, %swap3A_466], %gather3A_462 {strides = array<i32>} : memref<8x16x128xf32, #tpu.memory_space<vmem>>, vector<16xf32>,
        %gather3A_468 = arith.constant 16384 : i32
        %gather3A_469 = tpu.memref_slice %run_scoped3A[%gather3A_468] : memref<65536xf32, #tpu.memory_space<vmem>> -> memref<8192xf32, #tpu.memory_space<vmem>>
        %gather3A_470 = tpu.vector_load_idx %gather3A_469[%get3A_451] : memref<8192xf32, #tpu.memory_space<vmem>>[vector<16xi32>], vector<16xf32>,
        %swap3A_471 = arith.constant 2 : i32
        %swap3A_472 = arith.index_cast %swap3A_471 : i32 to index
        %swap3A_473 = arith.index_cast %scan3A_173 : i32 to index
        %swap3A_474 = arith.constant 64 : index
        %swap3A_475 = tpu.vector_load %run_scoped3A_108[%swap3A_472, %swap3A_473, %swap3A_474] {strides = array<i32>} : memref<8x16x128xf32, #tpu.memory_space<vmem>>, vector<16xf32>,
        tpu.vector_store %run_scoped3A_108[%swap3A_472, %swap3A_473, %swap3A_474], %gather3A_470 {strides = array<i32>} : memref<8x16x128xf32, #tpu.memory_space<vmem>>, vector<16xf32>,
        %gather3A_476 = arith.constant 24576 : i32
        %gather3A_477 = tpu.memref_slice %run_scoped3A[%gather3A_476] : memref<65536xf32, #tpu.memory_space<vmem>> -> memref<8192xf32, #tpu.memory_space<vmem>>
        %gather3A_478 = tpu.vector_load_idx %gather3A_477[%get3A_451] : memref<8192xf32, #tpu.memory_space<vmem>>[vector<16xi32>], vector<16xf32>,
        %swap3A_479 = arith.constant 3 : i32
        %swap3A_480 = arith.index_cast %swap3A_479 : i32 to index
        %swap3A_481 = arith.index_cast %scan3A_173 : i32 to index
        %swap3A_482 = arith.constant 64 : index
        %swap3A_483 = tpu.vector_load %run_scoped3A_108[%swap3A_480, %swap3A_481, %swap3A_482] {strides = array<i32>} : memref<8x16x128xf32, #tpu.memory_space<vmem>>, vector<16xf32>,
        tpu.vector_store %run_scoped3A_108[%swap3A_480, %swap3A_481, %swap3A_482], %gather3A_478 {strides = array<i32>} : memref<8x16x128xf32, #tpu.memory_space<vmem>>, vector<16xf32>,
        %gather3A_484 = arith.constant 32768 : i32
        %gather3A_485 = tpu.memref_slice %run_scoped3A[%gather3A_484] : memref<65536xf32, #tpu.memory_space<vmem>> -> memref<8192xf32, #tpu.memory_space<vmem>>
        %gather3A_486 = tpu.vector_load_idx %gather3A_485[%get3A_451] : memref<8192xf32, #tpu.memory_space<vmem>>[vector<16xi32>], vector<16xf32>,
        %swap3A_487 = arith.constant 4 : i32
        %swap3A_488 = arith.index_cast %swap3A_487 : i32 to index
        %swap3A_489 = arith.index_cast %scan3A_173 : i32 to index
        %swap3A_490 = arith.constant 64 : index
        %swap3A_491 = tpu.vector_load %run_scoped3A_108[%swap3A_488, %swap3A_489, %swap3A_490] {strides = array<i32>} : memref<8x16x128xf32, #tpu.memory_space<vmem>>, vector<16xf32>,
        tpu.vector_store %run_scoped3A_108[%swap3A_488, %swap3A_489, %swap3A_490], %gather3A_486 {strides = array<i32>} : memref<8x16x128xf32, #tpu.memory_space<vmem>>, vector<16xf32>,
        %gather3A_492 = arith.constant 40960 : i32
        %gather3A_493 = tpu.memref_slice %run_scoped3A[%gather3A_492] : memref<65536xf32, #tpu.memory_space<vmem>> -> memref<8192xf32, #tpu.memory_space<vmem>>
        %gather3A_494 = tpu.vector_load_idx %gather3A_493[%get3A_451] : memref<8192xf32, #tpu.memory_space<vmem>>[vector<16xi32>], vector<16xf32>,
        %swap3A_495 = arith.constant 5 : i32
        %swap3A_496 = arith.index_cast %swap3A_495 : i32 to index
        %swap3A_497 = arith.index_cast %scan3A_173 : i32 to index
        %swap3A_498 = arith.constant 64 : index
        %swap3A_499 = tpu.vector_load %run_scoped3A_108[%swap3A_496, %swap3A_497, %swap3A_498] {strides = array<i32>} : memref<8x16x128xf32, #tpu.memory_space<vmem>>, vector<16xf32>,
        tpu.vector_store %run_scoped3A_108[%swap3A_496, %swap3A_497, %swap3A_498], %gather3A_494 {strides = array<i32>} : memref<8x16x128xf32, #tpu.memory_space<vmem>>, vector<16xf32>,
        %gather3A_500 = arith.constant 49152 : i32
        %gather3A_501 = tpu.memref_slice %run_scoped3A[%gather3A_500] : memref<65536xf32, #tpu.memory_space<vmem>> -> memref<8192xf32, #tpu.memory_space<vmem>>
        %gather3A_502 = tpu.vector_load_idx %gather3A_501[%get3A_451] : memref<8192xf32, #tpu.memory_space<vmem>>[vector<16xi32>], vector<16xf32>,
        %swap3A_503 = arith.constant 6 : i32
        %swap3A_504 = arith.index_cast %swap3A_503 : i32 to index
        %swap3A_505 = arith.index_cast %scan3A_173 : i32 to index
        %swap3A_506 = arith.constant 64 : index
        %swap3A_507 = tpu.vector_load %run_scoped3A_108[%swap3A_504, %swap3A_505, %swap3A_506] {strides = array<i32>} : memref<8x16x128xf32, #tpu.memory_space<vmem>>, vector<16xf32>,
        tpu.vector_store %run_scoped3A_108[%swap3A_504, %swap3A_505, %swap3A_506], %gather3A_502 {strides = array<i32>} : memref<8x16x128xf32, #tpu.memory_space<vmem>>, vector<16xf32>,
        %gather3A_508 = arith.constant 57344 : i32
        %gather3A_509 = tpu.memref_slice %run_scoped3A[%gather3A_508] : memref<65536xf32, #tpu.memory_space<vmem>> -> memref<8192xf32, #tpu.memory_space<vmem>>
        %gather3A_510 = tpu.vector_load_idx %gather3A_509[%get3A_451] : memref<8192xf32, #tpu.memory_space<vmem>>[vector<16xi32>], vector<16xf32>,
        %swap3A_511 = arith.constant 7 : i32
        %swap3A_512 = arith.index_cast %swap3A_511 : i32 to index
        %swap3A_513 = arith.index_cast %scan3A_173 : i32 to index
        %swap3A_514 = arith.constant 64 : index
        %swap3A_515 = tpu.vector_load %run_scoped3A_108[%swap3A_512, %swap3A_513, %swap3A_514] {strides = array<i32>} : memref<8x16x128xf32, #tpu.memory_space<vmem>>, vector<16xf32>,
        tpu.vector_store %run_scoped3A_108[%swap3A_512, %swap3A_513, %swap3A_514], %gather3A_510 {strides = array<i32>} : memref<8x16x128xf32, #tpu.memory_space<vmem>>, vector<16xf32>,
        %add3A_516 = arith.constant 16 : i32
        %add3A_517 = arith.addi %add3A_516, %scan3A_173 : i32
        %get3A_518 = arith.index_cast %add3A_517 : i32 to index
        %get3A_519 = arith.constant 80 : index
        %get3A_520 = tpu.vector_load %arg8[%get3A_518, %get3A_519] {strides = array<i32>} : memref<32x128xi32, #tpu.memory_space<vmem>>, vector<16xi32>,
        %gather3A_521 = arith.constant 0 : i32
        %gather3A_522 = tpu.memref_slice %run_scoped3A[%gather3A_521] : memref<65536xf32, #tpu.memory_space<vmem>> -> memref<8192xf32, #tpu.memory_space<vmem>>
        %gather3A_523 = tpu.vector_load_idx %gather3A_522[%get3A_520] : memref<8192xf32, #tpu.memory_space<vmem>>[vector<16xi32>], vector<16xf32>,
        %swap3A_524 = arith.constant 0 : i32
        %swap3A_525 = arith.index_cast %swap3A_524 : i32 to index
        %swap3A_526 = arith.index_cast %scan3A_173 : i32 to index
        %swap3A_527 = arith.constant 80 : index
        %swap3A_528 = tpu.vector_load %run_scoped3A_108[%swap3A_525, %swap3A_526, %swap3A_527] {strides = array<i32>} : memref<8x16x128xf32, #tpu.memory_space<vmem>>, vector<16xf32>,
        tpu.vector_store %run_scoped3A_108[%swap3A_525, %swap3A_526, %swap3A_527], %gather3A_523 {strides = array<i32>} : memref<8x16x128xf32, #tpu.memory_space<vmem>>, vector<16xf32>,
        %gather3A_529 = arith.constant 8192 : i32
        %gather3A_530 = tpu.memref_slice %run_scoped3A[%gather3A_529] : memref<65536xf32, #tpu.memory_space<vmem>> -> memref<8192xf32, #tpu.memory_space<vmem>>
        %gather3A_531 = tpu.vector_load_idx %gather3A_530[%get3A_520] : memref<8192xf32, #tpu.memory_space<vmem>>[vector<16xi32>], vector<16xf32>,
        %swap3A_532 = arith.constant 1 : i32
        %swap3A_533 = arith.index_cast %swap3A_532 : i32 to index
        %swap3A_534 = arith.index_cast %scan3A_173 : i32 to index
        %swap3A_535 = arith.constant 80 : index
        %swap3A_536 = tpu.vector_load %run_scoped3A_108[%swap3A_533, %swap3A_534, %swap3A_535] {strides = array<i32>} : memref<8x16x128xf32, #tpu.memory_space<vmem>>, vector<16xf32>,
        tpu.vector_store %run_scoped3A_108[%swap3A_533, %swap3A_534, %swap3A_535], %gather3A_531 {strides = array<i32>} : memref<8x16x128xf32, #tpu.memory_space<vmem>>, vector<16xf32>,
        %gather3A_537 = arith.constant 16384 : i32
        %gather3A_538 = tpu.memref_slice %run_scoped3A[%gather3A_537] : memref<65536xf32, #tpu.memory_space<vmem>> -> memref<8192xf32, #tpu.memory_space<vmem>>
        %gather3A_539 = tpu.vector_load_idx %gather3A_538[%get3A_520] : memref<8192xf32, #tpu.memory_space<vmem>>[vector<16xi32>], vector<16xf32>,
        %swap3A_540 = arith.constant 2 : i32
        %swap3A_541 = arith.index_cast %swap3A_540 : i32 to index
        %swap3A_542 = arith.index_cast %scan3A_173 : i32 to index
        %swap3A_543 = arith.constant 80 : index
        %swap3A_544 = tpu.vector_load %run_scoped3A_108[%swap3A_541, %swap3A_542, %swap3A_543] {strides = array<i32>} : memref<8x16x128xf32, #tpu.memory_space<vmem>>, vector<16xf32>,
        tpu.vector_store %run_scoped3A_108[%swap3A_541, %swap3A_542, %swap3A_543], %gather3A_539 {strides = array<i32>} : memref<8x16x128xf32, #tpu.memory_space<vmem>>, vector<16xf32>,
        %gather3A_545 = arith.constant 24576 : i32
        %gather3A_546 = tpu.memref_slice %run_scoped3A[%gather3A_545] : memref<65536xf32, #tpu.memory_space<vmem>> -> memref<8192xf32, #tpu.memory_space<vmem>>
        %gather3A_547 = tpu.vector_load_idx %gather3A_546[%get3A_520] : memref<8192xf32, #tpu.memory_space<vmem>>[vector<16xi32>], vector<16xf32>,
        %swap3A_548 = arith.constant 3 : i32
        %swap3A_549 = arith.index_cast %swap3A_548 : i32 to index
        %swap3A_550 = arith.index_cast %scan3A_173 : i32 to index
        %swap3A_551 = arith.constant 80 : index
        %swap3A_552 = tpu.vector_load %run_scoped3A_108[%swap3A_549, %swap3A_550, %swap3A_551] {strides = array<i32>} : memref<8x16x128xf32, #tpu.memory_space<vmem>>, vector<16xf32>,
        tpu.vector_store %run_scoped3A_108[%swap3A_549, %swap3A_550, %swap3A_551], %gather3A_547 {strides = array<i32>} : memref<8x16x128xf32, #tpu.memory_space<vmem>>, vector<16xf32>,
        %gather3A_553 = arith.constant 32768 : i32
        %gather3A_554 = tpu.memref_slice %run_scoped3A[%gather3A_553] : memref<65536xf32, #tpu.memory_space<vmem>> -> memref<8192xf32, #tpu.memory_space<vmem>>
        %gather3A_555 = tpu.vector_load_idx %gather3A_554[%get3A_520] : memref<8192xf32, #tpu.memory_space<vmem>>[vector<16xi32>], vector<16xf32>,
        %swap3A_556 = arith.constant 4 : i32
        %swap3A_557 = arith.index_cast %swap3A_556 : i32 to index
        %swap3A_558 = arith.index_cast %scan3A_173 : i32 to index
        %swap3A_559 = arith.constant 80 : index
        %swap3A_560 = tpu.vector_load %run_scoped3A_108[%swap3A_557, %swap3A_558, %swap3A_559] {strides = array<i32>} : memref<8x16x128xf32, #tpu.memory_space<vmem>>, vector<16xf32>,
        tpu.vector_store %run_scoped3A_108[%swap3A_557, %swap3A_558, %swap3A_559], %gather3A_555 {strides = array<i32>} : memref<8x16x128xf32, #tpu.memory_space<vmem>>, vector<16xf32>,
        %gather3A_561 = arith.constant 40960 : i32
        %gather3A_562 = tpu.memref_slice %run_scoped3A[%gather3A_561] : memref<65536xf32, #tpu.memory_space<vmem>> -> memref<8192xf32, #tpu.memory_space<vmem>>
        %gather3A_563 = tpu.vector_load_idx %gather3A_562[%get3A_520] : memref<8192xf32, #tpu.memory_space<vmem>>[vector<16xi32>], vector<16xf32>,
        %swap3A_564 = arith.constant 5 : i32
        %swap3A_565 = arith.index_cast %swap3A_564 : i32 to index
        %swap3A_566 = arith.index_cast %scan3A_173 : i32 to index
        %swap3A_567 = arith.constant 80 : index
        %swap3A_568 = tpu.vector_load %run_scoped3A_108[%swap3A_565, %swap3A_566, %swap3A_567] {strides = array<i32>} : memref<8x16x128xf32, #tpu.memory_space<vmem>>, vector<16xf32>,
        tpu.vector_store %run_scoped3A_108[%swap3A_565, %swap3A_566, %swap3A_567], %gather3A_563 {strides = array<i32>} : memref<8x16x128xf32, #tpu.memory_space<vmem>>, vector<16xf32>,
        %gather3A_569 = arith.constant 49152 : i32
        %gather3A_570 = tpu.memref_slice %run_scoped3A[%gather3A_569] : memref<65536xf32, #tpu.memory_space<vmem>> -> memref<8192xf32, #tpu.memory_space<vmem>>
        %gather3A_571 = tpu.vector_load_idx %gather3A_570[%get3A_520] : memref<8192xf32, #tpu.memory_space<vmem>>[vector<16xi32>], vector<16xf32>,
        %swap3A_572 = arith.constant 6 : i32
        %swap3A_573 = arith.index_cast %swap3A_572 : i32 to index
        %swap3A_574 = arith.index_cast %scan3A_173 : i32 to index
        %swap3A_575 = arith.constant 80 : index
        %swap3A_576 = tpu.vector_load %run_scoped3A_108[%swap3A_573, %swap3A_574, %swap3A_575] {strides = array<i32>} : memref<8x16x128xf32, #tpu.memory_space<vmem>>, vector<16xf32>,
        tpu.vector_store %run_scoped3A_108[%swap3A_573, %swap3A_574, %swap3A_575], %gather3A_571 {strides = array<i32>} : memref<8x16x128xf32, #tpu.memory_space<vmem>>, vector<16xf32>,
        %gather3A_577 = arith.constant 57344 : i32
        %gather3A_578 = tpu.memref_slice %run_scoped3A[%gather3A_577] : memref<65536xf32, #tpu.memory_space<vmem>> -> memref<8192xf32, #tpu.memory_space<vmem>>
        %gather3A_579 = tpu.vector_load_idx %gather3A_578[%get3A_520] : memref<8192xf32, #tpu.memory_space<vmem>>[vector<16xi32>], vector<16xf32>,
        %swap3A_580 = arith.constant 7 : i32
        %swap3A_581 = arith.index_cast %swap3A_580 : i32 to index
        %swap3A_582 = arith.index_cast %scan3A_173 : i32 to index
        %swap3A_583 = arith.constant 80 : index
        %swap3A_584 = tpu.vector_load %run_scoped3A_108[%swap3A_581, %swap3A_582, %swap3A_583] {strides = array<i32>} : memref<8x16x128xf32, #tpu.memory_space<vmem>>, vector<16xf32>,
        tpu.vector_store %run_scoped3A_108[%swap3A_581, %swap3A_582, %swap3A_583], %gather3A_579 {strides = array<i32>} : memref<8x16x128xf32, #tpu.memory_space<vmem>>, vector<16xf32>,
        %add3A_585 = arith.constant 16 : i32
        %add3A_586 = arith.addi %add3A_585, %scan3A_173 : i32
        %get3A_587 = arith.index_cast %add3A_586 : i32 to index
        %get3A_588 = arith.constant 96 : index
        %get3A_589 = tpu.vector_load %arg8[%get3A_587, %get3A_588] {strides = array<i32>} : memref<32x128xi32, #tpu.memory_space<vmem>>, vector<16xi32>,
        %gather3A_590 = arith.constant 0 : i32
        %gather3A_591 = tpu.memref_slice %run_scoped3A[%gather3A_590] : memref<65536xf32, #tpu.memory_space<vmem>> -> memref<8192xf32, #tpu.memory_space<vmem>>
        %gather3A_592 = tpu.vector_load_idx %gather3A_591[%get3A_589] : memref<8192xf32, #tpu.memory_space<vmem>>[vector<16xi32>], vector<16xf32>,
        %swap3A_593 = arith.constant 0 : i32
        %swap3A_594 = arith.index_cast %swap3A_593 : i32 to index
        %swap3A_595 = arith.index_cast %scan3A_173 : i32 to index
        %swap3A_596 = arith.constant 96 : index
        %swap3A_597 = tpu.vector_load %run_scoped3A_108[%swap3A_594, %swap3A_595, %swap3A_596] {strides = array<i32>} : memref<8x16x128xf32, #tpu.memory_space<vmem>>, vector<16xf32>,
        tpu.vector_store %run_scoped3A_108[%swap3A_594, %swap3A_595, %swap3A_596], %gather3A_592 {strides = array<i32>} : memref<8x16x128xf32, #tpu.memory_space<vmem>>, vector<16xf32>,
        %gather3A_598 = arith.constant 8192 : i32
        %gather3A_599 = tpu.memref_slice %run_scoped3A[%gather3A_598] : memref<65536xf32, #tpu.memory_space<vmem>> -> memref<8192xf32, #tpu.memory_space<vmem>>
        %gather3A_600 = tpu.vector_load_idx %gather3A_599[%get3A_589] : memref<8192xf32, #tpu.memory_space<vmem>>[vector<16xi32>], vector<16xf32>,
        %swap3A_601 = arith.constant 1 : i32
        %swap3A_602 = arith.index_cast %swap3A_601 : i32 to index
        %swap3A_603 = arith.index_cast %scan3A_173 : i32 to index
        %swap3A_604 = arith.constant 96 : index
        %swap3A_605 = tpu.vector_load %run_scoped3A_108[%swap3A_602, %swap3A_603, %swap3A_604] {strides = array<i32>} : memref<8x16x128xf32, #tpu.memory_space<vmem>>, vector<16xf32>,
        tpu.vector_store %run_scoped3A_108[%swap3A_602, %swap3A_603, %swap3A_604], %gather3A_600 {strides = array<i32>} : memref<8x16x128xf32, #tpu.memory_space<vmem>>, vector<16xf32>,
        %gather3A_606 = arith.constant 16384 : i32
        %gather3A_607 = tpu.memref_slice %run_scoped3A[%gather3A_606] : memref<65536xf32, #tpu.memory_space<vmem>> -> memref<8192xf32, #tpu.memory_space<vmem>>
        %gather3A_608 = tpu.vector_load_idx %gather3A_607[%get3A_589] : memref<8192xf32, #tpu.memory_space<vmem>>[vector<16xi32>], vector<16xf32>,
        %swap3A_609 = arith.constant 2 : i32
        %swap3A_610 = arith.index_cast %swap3A_609 : i32 to index
        %swap3A_611 = arith.index_cast %scan3A_173 : i32 to index
        %swap3A_612 = arith.constant 96 : index
        %swap3A_613 = tpu.vector_load %run_scoped3A_108[%swap3A_610, %swap3A_611, %swap3A_612] {strides = array<i32>} : memref<8x16x128xf32, #tpu.memory_space<vmem>>, vector<16xf32>,
        tpu.vector_store %run_scoped3A_108[%swap3A_610, %swap3A_611, %swap3A_612], %gather3A_608 {strides = array<i32>} : memref<8x16x128xf32, #tpu.memory_space<vmem>>, vector<16xf32>,
        %gather3A_614 = arith.constant 24576 : i32
        %gather3A_615 = tpu.memref_slice %run_scoped3A[%gather3A_614] : memref<65536xf32, #tpu.memory_space<vmem>> -> memref<8192xf32, #tpu.memory_space<vmem>>
        %gather3A_616 = tpu.vector_load_idx %gather3A_615[%get3A_589] : memref<8192xf32, #tpu.memory_space<vmem>>[vector<16xi32>], vector<16xf32>,
        %swap3A_617 = arith.constant 3 : i32
        %swap3A_618 = arith.index_cast %swap3A_617 : i32 to index
        %swap3A_619 = arith.index_cast %scan3A_173 : i32 to index
        %swap3A_620 = arith.constant 96 : index
        %swap3A_621 = tpu.vector_load %run_scoped3A_108[%swap3A_618, %swap3A_619, %swap3A_620] {strides = array<i32>} : memref<8x16x128xf32, #tpu.memory_space<vmem>>, vector<16xf32>,
        tpu.vector_store %run_scoped3A_108[%swap3A_618, %swap3A_619, %swap3A_620], %gather3A_616 {strides = array<i32>} : memref<8x16x128xf32, #tpu.memory_space<vmem>>, vector<16xf32>,
        %gather3A_622 = arith.constant 32768 : i32
        %gather3A_623 = tpu.memref_slice %run_scoped3A[%gather3A_622] : memref<65536xf32, #tpu.memory_space<vmem>> -> memref<8192xf32, #tpu.memory_space<vmem>>
        %gather3A_624 = tpu.vector_load_idx %gather3A_623[%get3A_589] : memref<8192xf32, #tpu.memory_space<vmem>>[vector<16xi32>], vector<16xf32>,
        %swap3A_625 = arith.constant 4 : i32
        %swap3A_626 = arith.index_cast %swap3A_625 : i32 to index
        %swap3A_627 = arith.index_cast %scan3A_173 : i32 to index
        %swap3A_628 = arith.constant 96 : index
        %swap3A_629 = tpu.vector_load %run_scoped3A_108[%swap3A_626, %swap3A_627, %swap3A_628] {strides = array<i32>} : memref<8x16x128xf32, #tpu.memory_space<vmem>>, vector<16xf32>,
        tpu.vector_store %run_scoped3A_108[%swap3A_626, %swap3A_627, %swap3A_628], %gather3A_624 {strides = array<i32>} : memref<8x16x128xf32, #tpu.memory_space<vmem>>, vector<16xf32>,
        %gather3A_630 = arith.constant 40960 : i32
        %gather3A_631 = tpu.memref_slice %run_scoped3A[%gather3A_630] : memref<65536xf32, #tpu.memory_space<vmem>> -> memref<8192xf32, #tpu.memory_space<vmem>>
        %gather3A_632 = tpu.vector_load_idx %gather3A_631[%get3A_589] : memref<8192xf32, #tpu.memory_space<vmem>>[vector<16xi32>], vector<16xf32>,
        %swap3A_633 = arith.constant 5 : i32
        %swap3A_634 = arith.index_cast %swap3A_633 : i32 to index
        %swap3A_635 = arith.index_cast %scan3A_173 : i32 to index
        %swap3A_636 = arith.constant 96 : index
        %swap3A_637 = tpu.vector_load %run_scoped3A_108[%swap3A_634, %swap3A_635, %swap3A_636] {strides = array<i32>} : memref<8x16x128xf32, #tpu.memory_space<vmem>>, vector<16xf32>,
        tpu.vector_store %run_scoped3A_108[%swap3A_634, %swap3A_635, %swap3A_636], %gather3A_632 {strides = array<i32>} : memref<8x16x128xf32, #tpu.memory_space<vmem>>, vector<16xf32>,
        %gather3A_638 = arith.constant 49152 : i32
        %gather3A_639 = tpu.memref_slice %run_scoped3A[%gather3A_638] : memref<65536xf32, #tpu.memory_space<vmem>> -> memref<8192xf32, #tpu.memory_space<vmem>>
        %gather3A_640 = tpu.vector_load_idx %gather3A_639[%get3A_589] : memref<8192xf32, #tpu.memory_space<vmem>>[vector<16xi32>], vector<16xf32>,
        %swap3A_641 = arith.constant 6 : i32
        %swap3A_642 = arith.index_cast %swap3A_641 : i32 to index
        %swap3A_643 = arith.index_cast %scan3A_173 : i32 to index
        %swap3A_644 = arith.constant 96 : index
        %swap3A_645 = tpu.vector_load %run_scoped3A_108[%swap3A_642, %swap3A_643, %swap3A_644] {strides = array<i32>} : memref<8x16x128xf32, #tpu.memory_space<vmem>>, vector<16xf32>,
        tpu.vector_store %run_scoped3A_108[%swap3A_642, %swap3A_643, %swap3A_644], %gather3A_640 {strides = array<i32>} : memref<8x16x128xf32, #tpu.memory_space<vmem>>, vector<16xf32>,
        %gather3A_646 = arith.constant 57344 : i32
        %gather3A_647 = tpu.memref_slice %run_scoped3A[%gather3A_646] : memref<65536xf32, #tpu.memory_space<vmem>> -> memref<8192xf32, #tpu.memory_space<vmem>>
        %gather3A_648 = tpu.vector_load_idx %gather3A_647[%get3A_589] : memref<8192xf32, #tpu.memory_space<vmem>>[vector<16xi32>], vector<16xf32>,
        %swap3A_649 = arith.constant 7 : i32
        %swap3A_650 = arith.index_cast %swap3A_649 : i32 to index
        %swap3A_651 = arith.index_cast %scan3A_173 : i32 to index
        %swap3A_652 = arith.constant 96 : index
        %swap3A_653 = tpu.vector_load %run_scoped3A_108[%swap3A_650, %swap3A_651, %swap3A_652] {strides = array<i32>} : memref<8x16x128xf32, #tpu.memory_space<vmem>>, vector<16xf32>,
        tpu.vector_store %run_scoped3A_108[%swap3A_650, %swap3A_651, %swap3A_652], %gather3A_648 {strides = array<i32>} : memref<8x16x128xf32, #tpu.memory_space<vmem>>, vector<16xf32>,
        %add3A_654 = arith.constant 16 : i32
        %add3A_655 = arith.addi %add3A_654, %scan3A_173 : i32
        %get3A_656 = arith.index_cast %add3A_655 : i32 to index
        %get3A_657 = arith.constant 112 : index
        %get3A_658 = tpu.vector_load %arg8[%get3A_656, %get3A_657] {strides = array<i32>} : memref<32x128xi32, #tpu.memory_space<vmem>>, vector<16xi32>,
        %gather3A_659 = arith.constant 0 : i32
        %gather3A_660 = tpu.memref_slice %run_scoped3A[%gather3A_659] : memref<65536xf32, #tpu.memory_space<vmem>> -> memref<8192xf32, #tpu.memory_space<vmem>>
        %gather3A_661 = tpu.vector_load_idx %gather3A_660[%get3A_658] : memref<8192xf32, #tpu.memory_space<vmem>>[vector<16xi32>], vector<16xf32>,
        %swap3A_662 = arith.constant 0 : i32
        %swap3A_663 = arith.index_cast %swap3A_662 : i32 to index
        %swap3A_664 = arith.index_cast %scan3A_173 : i32 to index
        %swap3A_665 = arith.constant 112 : index
        %swap3A_666 = tpu.vector_load %run_scoped3A_108[%swap3A_663, %swap3A_664, %swap3A_665] {strides = array<i32>} : memref<8x16x128xf32, #tpu.memory_space<vmem>>, vector<16xf32>,
        tpu.vector_store %run_scoped3A_108[%swap3A_663, %swap3A_664, %swap3A_665], %gather3A_661 {strides = array<i32>} : memref<8x16x128xf32, #tpu.memory_space<vmem>>, vector<16xf32>,
        %gather3A_667 = arith.constant 8192 : i32
        %gather3A_668 = tpu.memref_slice %run_scoped3A[%gather3A_667] : memref<65536xf32, #tpu.memory_space<vmem>> -> memref<8192xf32, #tpu.memory_space<vmem>>
        %gather3A_669 = tpu.vector_load_idx %gather3A_668[%get3A_658] : memref<8192xf32, #tpu.memory_space<vmem>>[vector<16xi32>], vector<16xf32>,
        %swap3A_670 = arith.constant 1 : i32
        %swap3A_671 = arith.index_cast %swap3A_670 : i32 to index
        %swap3A_672 = arith.index_cast %scan3A_173 : i32 to index
        %swap3A_673 = arith.constant 112 : index
        %swap3A_674 = tpu.vector_load %run_scoped3A_108[%swap3A_671, %swap3A_672, %swap3A_673] {strides = array<i32>} : memref<8x16x128xf32, #tpu.memory_space<vmem>>, vector<16xf32>,
        tpu.vector_store %run_scoped3A_108[%swap3A_671, %swap3A_672, %swap3A_673], %gather3A_669 {strides = array<i32>} : memref<8x16x128xf32, #tpu.memory_space<vmem>>, vector<16xf32>,
        %gather3A_675 = arith.constant 16384 : i32
        %gather3A_676 = tpu.memref_slice %run_scoped3A[%gather3A_675] : memref<65536xf32, #tpu.memory_space<vmem>> -> memref<8192xf32, #tpu.memory_space<vmem>>
        %gather3A_677 = tpu.vector_load_idx %gather3A_676[%get3A_658] : memref<8192xf32, #tpu.memory_space<vmem>>[vector<16xi32>], vector<16xf32>,
        %swap3A_678 = arith.constant 2 : i32
        %swap3A_679 = arith.index_cast %swap3A_678 : i32 to index
        %swap3A_680 = arith.index_cast %scan3A_173 : i32 to index
        %swap3A_681 = arith.constant 112 : index
        %swap3A_682 = tpu.vector_load %run_scoped3A_108[%swap3A_679, %swap3A_680, %swap3A_681] {strides = array<i32>} : memref<8x16x128xf32, #tpu.memory_space<vmem>>, vector<16xf32>,
        tpu.vector_store %run_scoped3A_108[%swap3A_679, %swap3A_680, %swap3A_681], %gather3A_677 {strides = array<i32>} : memref<8x16x128xf32, #tpu.memory_space<vmem>>, vector<16xf32>,
        %gather3A_683 = arith.constant 24576 : i32
        %gather3A_684 = tpu.memref_slice %run_scoped3A[%gather3A_683] : memref<65536xf32, #tpu.memory_space<vmem>> -> memref<8192xf32, #tpu.memory_space<vmem>>
        %gather3A_685 = tpu.vector_load_idx %gather3A_684[%get3A_658] : memref<8192xf32, #tpu.memory_space<vmem>>[vector<16xi32>], vector<16xf32>,
        %swap3A_686 = arith.constant 3 : i32
        %swap3A_687 = arith.index_cast %swap3A_686 : i32 to index
        %swap3A_688 = arith.index_cast %scan3A_173 : i32 to index
        %swap3A_689 = arith.constant 112 : index
        %swap3A_690 = tpu.vector_load %run_scoped3A_108[%swap3A_687, %swap3A_688, %swap3A_689] {strides = array<i32>} : memref<8x16x128xf32, #tpu.memory_space<vmem>>, vector<16xf32>,
        tpu.vector_store %run_scoped3A_108[%swap3A_687, %swap3A_688, %swap3A_689], %gather3A_685 {strides = array<i32>} : memref<8x16x128xf32, #tpu.memory_space<vmem>>, vector<16xf32>,
        %gather3A_691 = arith.constant 32768 : i32
        %gather3A_692 = tpu.memref_slice %run_scoped3A[%gather3A_691] : memref<65536xf32, #tpu.memory_space<vmem>> -> memref<8192xf32, #tpu.memory_space<vmem>>
        %gather3A_693 = tpu.vector_load_idx %gather3A_692[%get3A_658] : memref<8192xf32, #tpu.memory_space<vmem>>[vector<16xi32>], vector<16xf32>,
        %swap3A_694 = arith.constant 4 : i32
        %swap3A_695 = arith.index_cast %swap3A_694 : i32 to index
        %swap3A_696 = arith.index_cast %scan3A_173 : i32 to index
        %swap3A_697 = arith.constant 112 : index
        %swap3A_698 = tpu.vector_load %run_scoped3A_108[%swap3A_695, %swap3A_696, %swap3A_697] {strides = array<i32>} : memref<8x16x128xf32, #tpu.memory_space<vmem>>, vector<16xf32>,
        tpu.vector_store %run_scoped3A_108[%swap3A_695, %swap3A_696, %swap3A_697], %gather3A_693 {strides = array<i32>} : memref<8x16x128xf32, #tpu.memory_space<vmem>>, vector<16xf32>,
        %gather3A_699 = arith.constant 40960 : i32
        %gather3A_700 = tpu.memref_slice %run_scoped3A[%gather3A_699] : memref<65536xf32, #tpu.memory_space<vmem>> -> memref<8192xf32, #tpu.memory_space<vmem>>
        %gather3A_701 = tpu.vector_load_idx %gather3A_700[%get3A_658] : memref<8192xf32, #tpu.memory_space<vmem>>[vector<16xi32>], vector<16xf32>,
        %swap3A_702 = arith.constant 5 : i32
        %swap3A_703 = arith.index_cast %swap3A_702 : i32 to index
        %swap3A_704 = arith.index_cast %scan3A_173 : i32 to index
        %swap3A_705 = arith.constant 112 : index
        %swap3A_706 = tpu.vector_load %run_scoped3A_108[%swap3A_703, %swap3A_704, %swap3A_705] {strides = array<i32>} : memref<8x16x128xf32, #tpu.memory_space<vmem>>, vector<16xf32>,
        tpu.vector_store %run_scoped3A_108[%swap3A_703, %swap3A_704, %swap3A_705], %gather3A_701 {strides = array<i32>} : memref<8x16x128xf32, #tpu.memory_space<vmem>>, vector<16xf32>,
        %gather3A_707 = arith.constant 49152 : i32
        %gather3A_708 = tpu.memref_slice %run_scoped3A[%gather3A_707] : memref<65536xf32, #tpu.memory_space<vmem>> -> memref<8192xf32, #tpu.memory_space<vmem>>
        %gather3A_709 = tpu.vector_load_idx %gather3A_708[%get3A_658] : memref<8192xf32, #tpu.memory_space<vmem>>[vector<16xi32>], vector<16xf32>,
        %swap3A_710 = arith.constant 6 : i32
        %swap3A_711 = arith.index_cast %swap3A_710 : i32 to index
        %swap3A_712 = arith.index_cast %scan3A_173 : i32 to index
        %swap3A_713 = arith.constant 112 : index
        %swap3A_714 = tpu.vector_load %run_scoped3A_108[%swap3A_711, %swap3A_712, %swap3A_713] {strides = array<i32>} : memref<8x16x128xf32, #tpu.memory_space<vmem>>, vector<16xf32>,
        tpu.vector_store %run_scoped3A_108[%swap3A_711, %swap3A_712, %swap3A_713], %gather3A_709 {strides = array<i32>} : memref<8x16x128xf32, #tpu.memory_space<vmem>>, vector<16xf32>,
        %gather3A_715 = arith.constant 57344 : i32
        %gather3A_716 = tpu.memref_slice %run_scoped3A[%gather3A_715] : memref<65536xf32, #tpu.memory_space<vmem>> -> memref<8192xf32, #tpu.memory_space<vmem>>
        %gather3A_717 = tpu.vector_load_idx %gather3A_716[%get3A_658] : memref<8192xf32, #tpu.memory_space<vmem>>[vector<16xi32>], vector<16xf32>,
        %swap3A_718 = arith.constant 7 : i32
        %swap3A_719 = arith.index_cast %swap3A_718 : i32 to index
        %swap3A_720 = arith.index_cast %scan3A_173 : i32 to index
        %swap3A_721 = arith.constant 112 : index
        %swap3A_722 = tpu.vector_load %run_scoped3A_108[%swap3A_719, %swap3A_720, %swap3A_721] {strides = array<i32>} : memref<8x16x128xf32, #tpu.memory_space<vmem>>, vector<16xf32>,
        tpu.vector_store %run_scoped3A_108[%swap3A_719, %swap3A_720, %swap3A_721], %gather3A_717 {strides = array<i32>} : memref<8x16x128xf32, #tpu.memory_space<vmem>>, vector<16xf32>,
      }
      %scan3A_137 = arith.constant 16 : i32
      %add3A_138 = arith.constant 3 : i32
      %add3A_139 = arith.addi %add3A_138, %select_n3A_90 : i32
      %dma_start3A_140 = arith.constant 16 : i32
      %dma_start3A_141 = arith.constant 0 : i32
      %dma_start3A_142 = tpu.memref_slice %arg5[%select_n3A_74, %add3A_139, %dma_start3A_140, %dma_start3A_141] : memref<4x67x32x2048xf32, #tpu.memory_space<hbm>> -> memref<1x8x16x128xf32, #tpu.memory_space<hbm>>
      %dma_start3A_143 = tpu.memref_squeeze %dma_start3A_142 : memref<1x8x16x128xf32, #tpu.memory_space<hbm>> -> memref<8x16x128xf32, #tpu.memory_space<hbm>>
      %dma_start3A_144 = arith.constant 16 : i32
      %dma_start3A_145 = arith.constant 0 : i32
      %dma_start3A_146 = tpu.memref_slice %arg5[%select_n3A_74, %add3A_139, %dma_start3A_144, %dma_start3A_145] : memref<4x67x32x2048xf32, #tpu.memory_space<hbm>> -> memref<1x8x16x128xf32, #tpu.memory_space<hbm>>
      %dma_start3A_147 = tpu.memref_squeeze %dma_start3A_146 : memref<1x8x16x128xf32, #tpu.memory_space<hbm>> -> memref<8x16x128xf32, #tpu.memory_space<hbm>>
      tpu.enqueue_dma source(%run_scoped3A_108 : memref<8x16x128xf32, #tpu.memory_space<vmem>>) target(%dma_start3A_147 : memref<8x16x128xf32, #tpu.memory_space<hbm>>) target_semaphore(%arg11 : memref<!tpu.dma_semaphore, #tpu.memory_space<semaphore_mem>>)
      %scan3A_148 = arith.constant 0 : i32
      %scan3A_149 = arith.constant 1 : i32
      %scan3A_150 = arith.constant 15 : i32
      %scan3A_151 = arith.addi %scan3A_149, %scan3A_150 : i32
      %scan3A_152 = arith.constant 1 : i32
      scf.for %scan3A_173 = %scan3A_149 to %scan3A_151 step %scan3A_152  : i32 {
        %mul3A_174 = arith.constant 8 : i32
        %mul3A_175 = arith.muli %select_n3A_106, %mul3A_174 : i32
        %jit3A_176 = arith.constant 2 : i32
        %div3A_177 = arith.divsi %scan3A_173, %jit3A_176 : i32
        %sign3A_178 = arith.constant 0 : i32
        %sign3A_179 = arith.cmpi sgt, %scan3A_173, %sign3A_178 : i32
        %sign3A_180 = arith.extui %sign3A_179 : i1 to i32
        %sign3A_181 = arith.constant 0 : i32
        %sign3A_182 = arith.cmpi slt, %scan3A_173, %sign3A_181 : i32
        %sign3A_183 = arith.extui %sign3A_182 : i1 to i32
        %sign3A_184 = arith.subi %sign3A_180, %sign3A_183 : i32
        %sign3A_185 = arith.constant 0 : i32
        %sign3A_186 = arith.cmpi sgt, %jit3A_176, %sign3A_185 : i32
        %sign3A_187 = arith.extui %sign3A_186 : i1 to i32
        %sign3A_188 = arith.constant 0 : i32
        %sign3A_189 = arith.cmpi slt, %jit3A_176, %sign3A_188 : i32
        %sign3A_190 = arith.extui %sign3A_189 : i1 to i32
        %sign3A_191 = arith.subi %sign3A_187, %sign3A_190 : i32
        %ne3A_192 = arith.cmpi ne, %sign3A_184, %sign3A_191 : i32
        %rem3A_193 = arith.remsi %scan3A_173, %jit3A_176 : i32
        %ne3A_194 = arith.constant 0 : i32
        %ne3A_195 = arith.cmpi ne, %rem3A_193, %ne3A_194 : i32
        %and3A_196 = arith.andi %ne3A_192, %ne3A_195 : i1
        %sub3A_197 = arith.constant 1 : i32
        %sub3A_198 = arith.subi %div3A_177, %sub3A_197 : i32
        %select_n3A_199 = arith.select %and3A_196, %sub3A_198, %div3A_177 : i32
        %add3A_200 = arith.addi %mul3A_175, %select_n3A_199 : i32
        %jit3A_201 = arith.constant 2 : i32
        %eq3A_202 = arith.constant 0 : i32
        %eq3A_203 = arith.cmpi eq, %jit3A_201, %eq3A_202 : i32
        %jit3A_204 = arith.constant 1 : i32
        %select_n3A_205 = arith.select %eq3A_203, %jit3A_204, %jit3A_201 : i32
        %rem3A_206 = arith.remsi %scan3A_173, %select_n3A_205 : i32
        %ne3A_207 = arith.constant 0 : i32
        %ne3A_208 = arith.cmpi ne, %rem3A_206, %ne3A_207 : i32
        %lt3A_209 = arith.constant 0 : i32
        %lt3A_210 = arith.cmpi slt, %rem3A_206, %lt3A_209 : i32
        %lt3A_211 = arith.constant 0 : i32
        %lt3A_212 = arith.cmpi slt, %select_n3A_205, %lt3A_211 : i32
        %ne3A_213 = arith.xori %lt3A_210, %lt3A_212 : i1
        %and3A_214 = arith.andi %ne3A_213, %ne3A_208 : i1
        %add3A_215 = arith.addi %rem3A_206, %select_n3A_205 : i32
        %select_n3A_216 = arith.select %and3A_214, %add3A_215, %rem3A_206 : i32
        %mul3A_217 = arith.constant 128 : i32
        %mul3A_218 = arith.muli %select_n3A_216, %mul3A_217 : i32
        "tpu.region"() ({
          %run_scoped3A_275 = tpu.sem_alloc : memref<!tpu.dma_semaphore, #tpu.memory_space<semaphore_mem>>
          %dma_start3A_276 = arith.constant 0 : i32
          %dma_start3A_277 = tpu.memref_slice %arg9[%add3A_200, %dma_start3A_276, %mul3A_218] : memref<16x32x256xi32, #tpu.memory_space<vmem_shared>> -> memref<1x32x128xi32, #tpu.memory_space<vmem_shared>>
          %dma_start3A_278 = tpu.memref_squeeze %dma_start3A_277 : memref<1x32x128xi32, #tpu.memory_space<vmem_shared>> -> memref<32x128xi32, #tpu.memory_space<vmem_shared>>
          %dma_start3A_279 = arith.constant 0 : i32
          %dma_start3A_280 = tpu.memref_slice %arg9[%add3A_200, %dma_start3A_279, %mul3A_218] : memref<16x32x256xi32, #tpu.memory_space<vmem_shared>> -> memref<1x32x128xi32, #tpu.memory_space<vmem_shared>>
          %dma_start3A_281 = tpu.memref_squeeze %dma_start3A_280 : memref<1x32x128xi32, #tpu.memory_space<vmem_shared>> -> memref<32x128xi32, #tpu.memory_space<vmem_shared>>
          tpu.enqueue_dma source(%dma_start3A_281 : memref<32x128xi32, #tpu.memory_space<vmem_shared>>) target(%arg8 : memref<32x128xi32, #tpu.memory_space<vmem>>) target_semaphore(%run_scoped3A_275 : memref<!tpu.dma_semaphore, #tpu.memory_space<semaphore_mem>>)
          %dma_wait3A_282 = arith.constant 0 : i32
          %dma_wait3A_283 = tpu.memref_slice %arg9[%add3A_200, %dma_wait3A_282, %mul3A_218] : memref<16x32x256xi32, #tpu.memory_space<vmem_shared>> -> memref<1x32x128xi32, #tpu.memory_space<vmem_shared>>
          %dma_wait3A_284 = tpu.memref_squeeze %dma_wait3A_283 : memref<1x32x128xi32, #tpu.memory_space<vmem_shared>> -> memref<32x128xi32, #tpu.memory_space<vmem_shared>>
          %dma_wait3A_285 = arith.constant 0 : i32
          %dma_wait3A_286 = tpu.memref_slice %arg9[%add3A_200, %dma_wait3A_285, %mul3A_218] : memref<16x32x256xi32, #tpu.memory_space<vmem_shared>> -> memref<1x32x128xi32, #tpu.memory_space<vmem_shared>>
          %dma_wait3A_287 = tpu.memref_squeeze %dma_wait3A_286 : memref<1x32x128xi32, #tpu.memory_space<vmem_shared>> -> memref<32x128xi32, #tpu.memory_space<vmem_shared>>
          tpu.wait_dma2 semaphore(%run_scoped3A_275 : memref<!tpu.dma_semaphore, #tpu.memory_space<semaphore_mem>>) src(%dma_wait3A_287 : memref<32x128xi32, #tpu.memory_space<vmem_shared>>) dst(%arg8 : memref<32x128xi32, #tpu.memory_space<vmem>>)
          tpu.yield
        }) : () -> ()
        %sub3A_219 = arith.constant 1 : i32
        %sub3A_220 = arith.subi %scan3A_173, %sub3A_219 : i32
        %add3A_221 = arith.constant 3 : i32
        %add3A_222 = arith.addi %add3A_221, %select_n3A_90 : i32
        %mul3A_223 = arith.constant 128 : i32
        %mul3A_224 = arith.muli %sub3A_220, %mul3A_223 : i32
        %dma_wait3A_225 = arith.constant 0 : i32
        %dma_wait3A_226 = tpu.memref_slice %arg5[%select_n3A_74, %add3A_222, %dma_wait3A_225, %mul3A_224] : memref<4x67x32x2048xf32, #tpu.memory_space<hbm>> -> memref<1x8x16x128xf32, #tpu.memory_space<hbm>>
        %dma_wait3A_227 = tpu.memref_squeeze %dma_wait3A_226 : memref<1x8x16x128xf32, #tpu.memory_space<hbm>> -> memref<8x16x128xf32, #tpu.memory_space<hbm>>
        %dma_wait3A_228 = arith.constant 0 : i32
        %dma_wait3A_229 = tpu.memref_slice %arg5[%select_n3A_74, %add3A_222, %dma_wait3A_228, %mul3A_224] : memref<4x67x32x2048xf32, #tpu.memory_space<hbm>> -> memref<1x8x16x128xf32, #tpu.memory_space<hbm>>
        %dma_wait3A_230 = tpu.memref_squeeze %dma_wait3A_229 : memref<1x8x16x128xf32, #tpu.memory_space<hbm>> -> memref<8x16x128xf32, #tpu.memory_space<hbm>>
        tpu.wait_dma2 semaphore(%arg10 : memref<!tpu.dma_semaphore, #tpu.memory_space<semaphore_mem>>) src(%run_scoped3A_107 : memref<8x16x128xf32, #tpu.memory_space<vmem>>) dst(%dma_wait3A_230 : memref<8x16x128xf32, #tpu.memory_space<hbm>>)
        %scan3A_231 = arith.constant 0 : i32
        %scan3A_232 = arith.constant 0 : i32
        %scan3A_233 = arith.constant 16 : i32
        %scan3A_234 = arith.addi %scan3A_232, %scan3A_233 : i32
        %scan3A_235 = arith.constant 1 : i32
        scf.for %scan3A_275 = %scan3A_232 to %scan3A_234 step %scan3A_235  : i32 {
          %add3A_276 = arith.constant 0 : i32
          %add3A_277 = arith.addi %add3A_276, %scan3A_275 : i32
          %get3A = arith.index_cast %add3A_277 : i32 to index
          %get3A_278 = arith.constant 0 : index
          %get3A_279 = tpu.vector_load %arg8[%get3A, %get3A_278] {strides = array<i32>} : memref<32x128xi32, #tpu.memory_space<vmem>>, vector<16xi32>,
          %gather3A = arith.constant 0 : i32
          %gather3A_280 = tpu.memref_slice %run_scoped3A[%gather3A] : memref<65536xf32, #tpu.memory_space<vmem>> -> memref<8192xf32, #tpu.memory_space<vmem>>
          %gather3A_281 = tpu.vector_load_idx %gather3A_280[%get3A_279] : memref<8192xf32, #tpu.memory_space<vmem>>[vector<16xi32>], vector<16xf32>,
          %swap3A = arith.constant 0 : i32
          %swap3A_282 = arith.index_cast %swap3A : i32 to index
          %swap3A_283 = arith.index_cast %scan3A_275 : i32 to index
          %swap3A_284 = arith.constant 0 : index
          %swap3A_285 = tpu.vector_load %run_scoped3A_107[%swap3A_282, %swap3A_283, %swap3A_284] {strides = array<i32>} : memref<8x16x128xf32, #tpu.memory_space<vmem>>, vector<16xf32>,
          tpu.vector_store %run_scoped3A_107[%swap3A_282, %swap3A_283, %swap3A_284], %gather3A_281 {strides = array<i32>} : memref<8x16x128xf32, #tpu.memory_space<vmem>>, vector<16xf32>,
          %gather3A_286 = arith.constant 8192 : i32
          %gather3A_287 = tpu.memref_slice %run_scoped3A[%gather3A_286] : memref<65536xf32, #tpu.memory_space<vmem>> -> memref<8192xf32, #tpu.memory_space<vmem>>
          %gather3A_288 = tpu.vector_load_idx %gather3A_287[%get3A_279] : memref<8192xf32, #tpu.memory_space<vmem>>[vector<16xi32>], vector<16xf32>,
          %swap3A_289 = arith.constant 1 : i32
          %swap3A_290 = arith.index_cast %swap3A_289 : i32 to index
          %swap3A_291 = arith.index_cast %scan3A_275 : i32 to index
          %swap3A_292 = arith.constant 0 : index
          %swap3A_293 = tpu.vector_load %run_scoped3A_107[%swap3A_290, %swap3A_291, %swap3A_292] {strides = array<i32>} : memref<8x16x128xf32, #tpu.memory_space<vmem>>, vector<16xf32>,
          tpu.vector_store %run_scoped3A_107[%swap3A_290, %swap3A_291, %swap3A_292], %gather3A_288 {strides = array<i32>} : memref<8x16x128xf32, #tpu.memory_space<vmem>>, vector<16xf32>,
          %gather3A_294 = arith.constant 16384 : i32
          %gather3A_295 = tpu.memref_slice %run_scoped3A[%gather3A_294] : memref<65536xf32, #tpu.memory_space<vmem>> -> memref<8192xf32, #tpu.memory_space<vmem>>
          %gather3A_296 = tpu.vector_load_idx %gather3A_295[%get3A_279] : memref<8192xf32, #tpu.memory_space<vmem>>[vector<16xi32>], vector<16xf32>,
          %swap3A_297 = arith.constant 2 : i32
          %swap3A_298 = arith.index_cast %swap3A_297 : i32 to index
          %swap3A_299 = arith.index_cast %scan3A_275 : i32 to index
          %swap3A_300 = arith.constant 0 : index
          %swap3A_301 = tpu.vector_load %run_scoped3A_107[%swap3A_298, %swap3A_299, %swap3A_300] {strides = array<i32>} : memref<8x16x128xf32, #tpu.memory_space<vmem>>, vector<16xf32>,
          tpu.vector_store %run_scoped3A_107[%swap3A_298, %swap3A_299, %swap3A_300], %gather3A_296 {strides = array<i32>} : memref<8x16x128xf32, #tpu.memory_space<vmem>>, vector<16xf32>,
          %gather3A_302 = arith.constant 24576 : i32
          %gather3A_303 = tpu.memref_slice %run_scoped3A[%gather3A_302] : memref<65536xf32, #tpu.memory_space<vmem>> -> memref<8192xf32, #tpu.memory_space<vmem>>
          %gather3A_304 = tpu.vector_load_idx %gather3A_303[%get3A_279] : memref<8192xf32, #tpu.memory_space<vmem>>[vector<16xi32>], vector<16xf32>,
          %swap3A_305 = arith.constant 3 : i32
          %swap3A_306 = arith.index_cast %swap3A_305 : i32 to index
          %swap3A_307 = arith.index_cast %scan3A_275 : i32 to index
          %swap3A_308 = arith.constant 0 : index
          %swap3A_309 = tpu.vector_load %run_scoped3A_107[%swap3A_306, %swap3A_307, %swap3A_308] {strides = array<i32>} : memref<8x16x128xf32, #tpu.memory_space<vmem>>, vector<16xf32>,
          tpu.vector_store %run_scoped3A_107[%swap3A_306, %swap3A_307, %swap3A_308], %gather3A_304 {strides = array<i32>} : memref<8x16x128xf32, #tpu.memory_space<vmem>>, vector<16xf32>,
          %gather3A_310 = arith.constant 32768 : i32
          %gather3A_311 = tpu.memref_slice %run_scoped3A[%gather3A_310] : memref<65536xf32, #tpu.memory_space<vmem>> -> memref<8192xf32, #tpu.memory_space<vmem>>
          %gather3A_312 = tpu.vector_load_idx %gather3A_311[%get3A_279] : memref<8192xf32, #tpu.memory_space<vmem>>[vector<16xi32>], vector<16xf32>,
          %swap3A_313 = arith.constant 4 : i32
          %swap3A_314 = arith.index_cast %swap3A_313 : i32 to index
          %swap3A_315 = arith.index_cast %scan3A_275 : i32 to index
          %swap3A_316 = arith.constant 0 : index
          %swap3A_317 = tpu.vector_load %run_scoped3A_107[%swap3A_314, %swap3A_315, %swap3A_316] {strides = array<i32>} : memref<8x16x128xf32, #tpu.memory_space<vmem>>, vector<16xf32>,
          tpu.vector_store %run_scoped3A_107[%swap3A_314, %swap3A_315, %swap3A_316], %gather3A_312 {strides = array<i32>} : memref<8x16x128xf32, #tpu.memory_space<vmem>>, vector<16xf32>,
          %gather3A_318 = arith.constant 40960 : i32
          %gather3A_319 = tpu.memref_slice %run_scoped3A[%gather3A_318] : memref<65536xf32, #tpu.memory_space<vmem>> -> memref<8192xf32, #tpu.memory_space<vmem>>
          %gather3A_320 = tpu.vector_load_idx %gather3A_319[%get3A_279] : memref<8192xf32, #tpu.memory_space<vmem>>[vector<16xi32>], vector<16xf32>,
          %swap3A_321 = arith.constant 5 : i32
          %swap3A_322 = arith.index_cast %swap3A_321 : i32 to index
          %swap3A_323 = arith.index_cast %scan3A_275 : i32 to index
          %swap3A_324 = arith.constant 0 : index
          %swap3A_325 = tpu.vector_load %run_scoped3A_107[%swap3A_322, %swap3A_323, %swap3A_324] {strides = array<i32>} : memref<8x16x128xf32, #tpu.memory_space<vmem>>, vector<16xf32>,
          tpu.vector_store %run_scoped3A_107[%swap3A_322, %swap3A_323, %swap3A_324], %gather3A_320 {strides = array<i32>} : memref<8x16x128xf32, #tpu.memory_space<vmem>>, vector<16xf32>,
          %gather3A_326 = arith.constant 49152 : i32
          %gather3A_327 = tpu.memref_slice %run_scoped3A[%gather3A_326] : memref<65536xf32, #tpu.memory_space<vmem>> -> memref<8192xf32, #tpu.memory_space<vmem>>
          %gather3A_328 = tpu.vector_load_idx %gather3A_327[%get3A_279] : memref<8192xf32, #tpu.memory_space<vmem>>[vector<16xi32>], vector<16xf32>,
          %swap3A_329 = arith.constant 6 : i32
          %swap3A_330 = arith.index_cast %swap3A_329 : i32 to index
          %swap3A_331 = arith.index_cast %scan3A_275 : i32 to index
          %swap3A_332 = arith.constant 0 : index
          %swap3A_333 = tpu.vector_load %run_scoped3A_107[%swap3A_330, %swap3A_331, %swap3A_332] {strides = array<i32>} : memref<8x16x128xf32, #tpu.memory_space<vmem>>, vector<16xf32>,
          tpu.vector_store %run_scoped3A_107[%swap3A_330, %swap3A_331, %swap3A_332], %gather3A_328 {strides = array<i32>} : memref<8x16x128xf32, #tpu.memory_space<vmem>>, vector<16xf32>,
          %gather3A_334 = arith.constant 57344 : i32
          %gather3A_335 = tpu.memref_slice %run_scoped3A[%gather3A_334] : memref<65536xf32, #tpu.memory_space<vmem>> -> memref<8192xf32, #tpu.memory_space<vmem>>
          %gather3A_336 = tpu.vector_load_idx %gather3A_335[%get3A_279] : memref<8192xf32, #tpu.memory_space<vmem>>[vector<16xi32>], vector<16xf32>,
          %swap3A_337 = arith.constant 7 : i32
          %swap3A_338 = arith.index_cast %swap3A_337 : i32 to index
          %swap3A_339 = arith.index_cast %scan3A_275 : i32 to index
          %swap3A_340 = arith.constant 0 : index
          %swap3A_341 = tpu.vector_load %run_scoped3A_107[%swap3A_338, %swap3A_339, %swap3A_340] {strides = array<i32>} : memref<8x16x128xf32, #tpu.memory_space<vmem>>, vector<16xf32>,
          tpu.vector_store %run_scoped3A_107[%swap3A_338, %swap3A_339, %swap3A_340], %gather3A_336 {strides = array<i32>} : memref<8x16x128xf32, #tpu.memory_space<vmem>>, vector<16xf32>,
          %add3A_342 = arith.constant 0 : i32
          %add3A_343 = arith.addi %add3A_342, %scan3A_275 : i32
          %get3A_344 = arith.index_cast %add3A_343 : i32 to index
          %get3A_345 = arith.constant 16 : index
          %get3A_346 = tpu.vector_load %arg8[%get3A_344, %get3A_345] {strides = array<i32>} : memref<32x128xi32, #tpu.memory_space<vmem>>, vector<16xi32>,
          %gather3A_347 = arith.constant 0 : i32
          %gather3A_348 = tpu.memref_slice %run_scoped3A[%gather3A_347] : memref<65536xf32, #tpu.memory_space<vmem>> -> memref<8192xf32, #tpu.memory_space<vmem>>
          %gather3A_349 = tpu.vector_load_idx %gather3A_348[%get3A_346] : memref<8192xf32, #tpu.memory_space<vmem>>[vector<16xi32>], vector<16xf32>,
          %swap3A_350 = arith.constant 0 : i32
          %swap3A_351 = arith.index_cast %swap3A_350 : i32 to index
          %swap3A_352 = arith.index_cast %scan3A_275 : i32 to index
          %swap3A_353 = arith.constant 16 : index
          %swap3A_354 = tpu.vector_load %run_scoped3A_107[%swap3A_351, %swap3A_352, %swap3A_353] {strides = array<i32>} : memref<8x16x128xf32, #tpu.memory_space<vmem>>, vector<16xf32>,
          tpu.vector_store %run_scoped3A_107[%swap3A_351, %swap3A_352, %swap3A_353], %gather3A_349 {strides = array<i32>} : memref<8x16x128xf32, #tpu.memory_space<vmem>>, vector<16xf32>,
          %gather3A_355 = arith.constant 8192 : i32
          %gather3A_356 = tpu.memref_slice %run_scoped3A[%gather3A_355] : memref<65536xf32, #tpu.memory_space<vmem>> -> memref<8192xf32, #tpu.memory_space<vmem>>
          %gather3A_357 = tpu.vector_load_idx %gather3A_356[%get3A_346] : memref<8192xf32, #tpu.memory_space<vmem>>[vector<16xi32>], vector<16xf32>,
          %swap3A_358 = arith.constant 1 : i32
          %swap3A_359 = arith.index_cast %swap3A_358 : i32 to index
          %swap3A_360 = arith.index_cast %scan3A_275 : i32 to index
          %swap3A_361 = arith.constant 16 : index
          %swap3A_362 = tpu.vector_load %run_scoped3A_107[%swap3A_359, %swap3A_360, %swap3A_361] {strides = array<i32>} : memref<8x16x128xf32, #tpu.memory_space<vmem>>, vector<16xf32>,
          tpu.vector_store %run_scoped3A_107[%swap3A_359, %swap3A_360, %swap3A_361], %gather3A_357 {strides = array<i32>} : memref<8x16x128xf32, #tpu.memory_space<vmem>>, vector<16xf32>,
          %gather3A_363 = arith.constant 16384 : i32
          %gather3A_364 = tpu.memref_slice %run_scoped3A[%gather3A_363] : memref<65536xf32, #tpu.memory_space<vmem>> -> memref<8192xf32, #tpu.memory_space<vmem>>
          %gather3A_365 = tpu.vector_load_idx %gather3A_364[%get3A_346] : memref<8192xf32, #tpu.memory_space<vmem>>[vector<16xi32>], vector<16xf32>,
          %swap3A_366 = arith.constant 2 : i32
          %swap3A_367 = arith.index_cast %swap3A_366 : i32 to index
          %swap3A_368 = arith.index_cast %scan3A_275 : i32 to index
          %swap3A_369 = arith.constant 16 : index
          %swap3A_370 = tpu.vector_load %run_scoped3A_107[%swap3A_367, %swap3A_368, %swap3A_369] {strides = array<i32>} : memref<8x16x128xf32, #tpu.memory_space<vmem>>, vector<16xf32>,
          tpu.vector_store %run_scoped3A_107[%swap3A_367, %swap3A_368, %swap3A_369], %gather3A_365 {strides = array<i32>} : memref<8x16x128xf32, #tpu.memory_space<vmem>>, vector<16xf32>,
          %gather3A_371 = arith.constant 24576 : i32
          %gather3A_372 = tpu.memref_slice %run_scoped3A[%gather3A_371] : memref<65536xf32, #tpu.memory_space<vmem>> -> memref<8192xf32, #tpu.memory_space<vmem>>
          %gather3A_373 = tpu.vector_load_idx %gather3A_372[%get3A_346] : memref<8192xf32, #tpu.memory_space<vmem>>[vector<16xi32>], vector<16xf32>,
          %swap3A_374 = arith.constant 3 : i32
          %swap3A_375 = arith.index_cast %swap3A_374 : i32 to index
          %swap3A_376 = arith.index_cast %scan3A_275 : i32 to index
          %swap3A_377 = arith.constant 16 : index
          %swap3A_378 = tpu.vector_load %run_scoped3A_107[%swap3A_375, %swap3A_376, %swap3A_377] {strides = array<i32>} : memref<8x16x128xf32, #tpu.memory_space<vmem>>, vector<16xf32>,
          tpu.vector_store %run_scoped3A_107[%swap3A_375, %swap3A_376, %swap3A_377], %gather3A_373 {strides = array<i32>} : memref<8x16x128xf32, #tpu.memory_space<vmem>>, vector<16xf32>,
          %gather3A_379 = arith.constant 32768 : i32
          %gather3A_380 = tpu.memref_slice %run_scoped3A[%gather3A_379] : memref<65536xf32, #tpu.memory_space<vmem>> -> memref<8192xf32, #tpu.memory_space<vmem>>
          %gather3A_381 = tpu.vector_load_idx %gather3A_380[%get3A_346] : memref<8192xf32, #tpu.memory_space<vmem>>[vector<16xi32>], vector<16xf32>,
          %swap3A_382 = arith.constant 4 : i32
          %swap3A_383 = arith.index_cast %swap3A_382 : i32 to index
          %swap3A_384 = arith.index_cast %scan3A_275 : i32 to index
          %swap3A_385 = arith.constant 16 : index
          %swap3A_386 = tpu.vector_load %run_scoped3A_107[%swap3A_383, %swap3A_384, %swap3A_385] {strides = array<i32>} : memref<8x16x128xf32, #tpu.memory_space<vmem>>, vector<16xf32>,
          tpu.vector_store %run_scoped3A_107[%swap3A_383, %swap3A_384, %swap3A_385], %gather3A_381 {strides = array<i32>} : memref<8x16x128xf32, #tpu.memory_space<vmem>>, vector<16xf32>,
          %gather3A_387 = arith.constant 40960 : i32
          %gather3A_388 = tpu.memref_slice %run_scoped3A[%gather3A_387] : memref<65536xf32, #tpu.memory_space<vmem>> -> memref<8192xf32, #tpu.memory_space<vmem>>
          %gather3A_389 = tpu.vector_load_idx %gather3A_388[%get3A_346] : memref<8192xf32, #tpu.memory_space<vmem>>[vector<16xi32>], vector<16xf32>,
          %swap3A_390 = arith.constant 5 : i32
          %swap3A_391 = arith.index_cast %swap3A_390 : i32 to index
          %swap3A_392 = arith.index_cast %scan3A_275 : i32 to index
          %swap3A_393 = arith.constant 16 : index
          %swap3A_394 = tpu.vector_load %run_scoped3A_107[%swap3A_391, %swap3A_392, %swap3A_393] {strides = array<i32>} : memref<8x16x128xf32, #tpu.memory_space<vmem>>, vector<16xf32>,
          tpu.vector_store %run_scoped3A_107[%swap3A_391, %swap3A_392, %swap3A_393], %gather3A_389 {strides = array<i32>} : memref<8x16x128xf32, #tpu.memory_space<vmem>>, vector<16xf32>,
          %gather3A_395 = arith.constant 49152 : i32
          %gather3A_396 = tpu.memref_slice %run_scoped3A[%gather3A_395] : memref<65536xf32, #tpu.memory_space<vmem>> -> memref<8192xf32, #tpu.memory_space<vmem>>
          %gather3A_397 = tpu.vector_load_idx %gather3A_396[%get3A_346] : memref<8192xf32, #tpu.memory_space<vmem>>[vector<16xi32>], vector<16xf32>,
          %swap3A_398 = arith.constant 6 : i32
          %swap3A_399 = arith.index_cast %swap3A_398 : i32 to index
          %swap3A_400 = arith.index_cast %scan3A_275 : i32 to index
          %swap3A_401 = arith.constant 16 : index
          %swap3A_402 = tpu.vector_load %run_scoped3A_107[%swap3A_399, %swap3A_400, %swap3A_401] {strides = array<i32>} : memref<8x16x128xf32, #tpu.memory_space<vmem>>, vector<16xf32>,
          tpu.vector_store %run_scoped3A_107[%swap3A_399, %swap3A_400, %swap3A_401], %gather3A_397 {strides = array<i32>} : memref<8x16x128xf32, #tpu.memory_space<vmem>>, vector<16xf32>,
          %gather3A_403 = arith.constant 57344 : i32
          %gather3A_404 = tpu.memref_slice %run_scoped3A[%gather3A_403] : memref<65536xf32, #tpu.memory_space<vmem>> -> memref<8192xf32, #tpu.memory_space<vmem>>
          %gather3A_405 = tpu.vector_load_idx %gather3A_404[%get3A_346] : memref<8192xf32, #tpu.memory_space<vmem>>[vector<16xi32>], vector<16xf32>,
          %swap3A_406 = arith.constant 7 : i32
          %swap3A_407 = arith.index_cast %swap3A_406 : i32 to index
          %swap3A_408 = arith.index_cast %scan3A_275 : i32 to index
          %swap3A_409 = arith.constant 16 : index
          %swap3A_410 = tpu.vector_load %run_scoped3A_107[%swap3A_407, %swap3A_408, %swap3A_409] {strides = array<i32>} : memref<8x16x128xf32, #tpu.memory_space<vmem>>, vector<16xf32>,
          tpu.vector_store %run_scoped3A_107[%swap3A_407, %swap3A_408, %swap3A_409], %gather3A_405 {strides = array<i32>} : memref<8x16x128xf32, #tpu.memory_space<vmem>>, vector<16xf32>,
          %add3A_411 = arith.constant 0 : i32
          %add3A_412 = arith.addi %add3A_411, %scan3A_275 : i32
          %get3A_413 = arith.index_cast %add3A_412 : i32 to index
          %get3A_414 = arith.constant 32 : index
          %get3A_415 = tpu.vector_load %arg8[%get3A_413, %get3A_414] {strides = array<i32>} : memref<32x128xi32, #tpu.memory_space<vmem>>, vector<16xi32>,
          %gather3A_416 = arith.constant 0 : i32
          %gather3A_417 = tpu.memref_slice %run_scoped3A[%gather3A_416] : memref<65536xf32, #tpu.memory_space<vmem>> -> memref<8192xf32, #tpu.memory_space<vmem>>
          %gather3A_418 = tpu.vector_load_idx %gather3A_417[%get3A_415] : memref<8192xf32, #tpu.memory_space<vmem>>[vector<16xi32>], vector<16xf32>,
          %swap3A_419 = arith.constant 0 : i32
          %swap3A_420 = arith.index_cast %swap3A_419 : i32 to index
          %swap3A_421 = arith.index_cast %scan3A_275 : i32 to index
          %swap3A_422 = arith.constant 32 : index
          %swap3A_423 = tpu.vector_load %run_scoped3A_107[%swap3A_420, %swap3A_421, %swap3A_422] {strides = array<i32>} : memref<8x16x128xf32, #tpu.memory_space<vmem>>, vector<16xf32>,
          tpu.vector_store %run_scoped3A_107[%swap3A_420, %swap3A_421, %swap3A_422], %gather3A_418 {strides = array<i32>} : memref<8x16x128xf32, #tpu.memory_space<vmem>>, vector<16xf32>,
          %gather3A_424 = arith.constant 8192 : i32
          %gather3A_425 = tpu.memref_slice %run_scoped3A[%gather3A_424] : memref<65536xf32, #tpu.memory_space<vmem>> -> memref<8192xf32, #tpu.memory_space<vmem>>
          %gather3A_426 = tpu.vector_load_idx %gather3A_425[%get3A_415] : memref<8192xf32, #tpu.memory_space<vmem>>[vector<16xi32>], vector<16xf32>,
          %swap3A_427 = arith.constant 1 : i32
          %swap3A_428 = arith.index_cast %swap3A_427 : i32 to index
          %swap3A_429 = arith.index_cast %scan3A_275 : i32 to index
          %swap3A_430 = arith.constant 32 : index
          %swap3A_431 = tpu.vector_load %run_scoped3A_107[%swap3A_428, %swap3A_429, %swap3A_430] {strides = array<i32>} : memref<8x16x128xf32, #tpu.memory_space<vmem>>, vector<16xf32>,
          tpu.vector_store %run_scoped3A_107[%swap3A_428, %swap3A_429, %swap3A_430], %gather3A_426 {strides = array<i32>} : memref<8x16x128xf32, #tpu.memory_space<vmem>>, vector<16xf32>,
          %gather3A_432 = arith.constant 16384 : i32
          %gather3A_433 = tpu.memref_slice %run_scoped3A[%gather3A_432] : memref<65536xf32, #tpu.memory_space<vmem>> -> memref<8192xf32, #tpu.memory_space<vmem>>
          %gather3A_434 = tpu.vector_load_idx %gather3A_433[%get3A_415] : memref<8192xf32, #tpu.memory_space<vmem>>[vector<16xi32>], vector<16xf32>,
          %swap3A_435 = arith.constant 2 : i32
          %swap3A_436 = arith.index_cast %swap3A_435 : i32 to index
          %swap3A_437 = arith.index_cast %scan3A_275 : i32 to index
          %swap3A_438 = arith.constant 32 : index
          %swap3A_439 = tpu.vector_load %run_scoped3A_107[%swap3A_436, %swap3A_437, %swap3A_438] {strides = array<i32>} : memref<8x16x128xf32, #tpu.memory_space<vmem>>, vector<16xf32>,
          tpu.vector_store %run_scoped3A_107[%swap3A_436, %swap3A_437, %swap3A_438], %gather3A_434 {strides = array<i32>} : memref<8x16x128xf32, #tpu.memory_space<vmem>>, vector<16xf32>,
          %gather3A_440 = arith.constant 24576 : i32
          %gather3A_441 = tpu.memref_slice %run_scoped3A[%gather3A_440] : memref<65536xf32, #tpu.memory_space<vmem>> -> memref<8192xf32, #tpu.memory_space<vmem>>
          %gather3A_442 = tpu.vector_load_idx %gather3A_441[%get3A_415] : memref<8192xf32, #tpu.memory_space<vmem>>[vector<16xi32>], vector<16xf32>,
          %swap3A_443 = arith.constant 3 : i32
          %swap3A_444 = arith.index_cast %swap3A_443 : i32 to index
          %swap3A_445 = arith.index_cast %scan3A_275 : i32 to index
          %swap3A_446 = arith.constant 32 : index
          %swap3A_447 = tpu.vector_load %run_scoped3A_107[%swap3A_444, %swap3A_445, %swap3A_446] {strides = array<i32>} : memref<8x16x128xf32, #tpu.memory_space<vmem>>, vector<16xf32>,
          tpu.vector_store %run_scoped3A_107[%swap3A_444, %swap3A_445, %swap3A_446], %gather3A_442 {strides = array<i32>} : memref<8x16x128xf32, #tpu.memory_space<vmem>>, vector<16xf32>,
          %gather3A_448 = arith.constant 32768 : i32
          %gather3A_449 = tpu.memref_slice %run_scoped3A[%gather3A_448] : memref<65536xf32, #tpu.memory_space<vmem>> -> memref<8192xf32, #tpu.memory_space<vmem>>
          %gather3A_450 = tpu.vector_load_idx %gather3A_449[%get3A_415] : memref<8192xf32, #tpu.memory_space<vmem>>[vector<16xi32>], vector<16xf32>,
          %swap3A_451 = arith.constant 4 : i32
          %swap3A_452 = arith.index_cast %swap3A_451 : i32 to index
          %swap3A_453 = arith.index_cast %scan3A_275 : i32 to index
          %swap3A_454 = arith.constant 32 : index
          %swap3A_455 = tpu.vector_load %run_scoped3A_107[%swap3A_452, %swap3A_453, %swap3A_454] {strides = array<i32>} : memref<8x16x128xf32, #tpu.memory_space<vmem>>, vector<16xf32>,
          tpu.vector_store %run_scoped3A_107[%swap3A_452, %swap3A_453, %swap3A_454], %gather3A_450 {strides = array<i32>} : memref<8x16x128xf32, #tpu.memory_space<vmem>>, vector<16xf32>,
          %gather3A_456 = arith.constant 40960 : i32
          %gather3A_457 = tpu.memref_slice %run_scoped3A[%gather3A_456] : memref<65536xf32, #tpu.memory_space<vmem>> -> memref<8192xf32, #tpu.memory_space<vmem>>
          %gather3A_458 = tpu.vector_load_idx %gather3A_457[%get3A_415] : memref<8192xf32, #tpu.memory_space<vmem>>[vector<16xi32>], vector<16xf32>,
          %swap3A_459 = arith.constant 5 : i32
          %swap3A_460 = arith.index_cast %swap3A_459 : i32 to index
          %swap3A_461 = arith.index_cast %scan3A_275 : i32 to index
          %swap3A_462 = arith.constant 32 : index
          %swap3A_463 = tpu.vector_load %run_scoped3A_107[%swap3A_460, %swap3A_461, %swap3A_462] {strides = array<i32>} : memref<8x16x128xf32, #tpu.memory_space<vmem>>, vector<16xf32>,
          tpu.vector_store %run_scoped3A_107[%swap3A_460, %swap3A_461, %swap3A_462], %gather3A_458 {strides = array<i32>} : memref<8x16x128xf32, #tpu.memory_space<vmem>>, vector<16xf32>,
          %gather3A_464 = arith.constant 49152 : i32
          %gather3A_465 = tpu.memref_slice %run_scoped3A[%gather3A_464] : memref<65536xf32, #tpu.memory_space<vmem>> -> memref<8192xf32, #tpu.memory_space<vmem>>
          %gather3A_466 = tpu.vector_load_idx %gather3A_465[%get3A_415] : memref<8192xf32, #tpu.memory_space<vmem>>[vector<16xi32>], vector<16xf32>,
          %swap3A_467 = arith.constant 6 : i32
          %swap3A_468 = arith.index_cast %swap3A_467 : i32 to index
          %swap3A_469 = arith.index_cast %scan3A_275 : i32 to index
          %swap3A_470 = arith.constant 32 : index
          %swap3A_471 = tpu.vector_load %run_scoped3A_107[%swap3A_468, %swap3A_469, %swap3A_470] {strides = array<i32>} : memref<8x16x128xf32, #tpu.memory_space<vmem>>, vector<16xf32>,
          tpu.vector_store %run_scoped3A_107[%swap3A_468, %swap3A_469, %swap3A_470], %gather3A_466 {strides = array<i32>} : memref<8x16x128xf32, #tpu.memory_space<vmem>>, vector<16xf32>,
          %gather3A_472 = arith.constant 57344 : i32
          %gather3A_473 = tpu.memref_slice %run_scoped3A[%gather3A_472] : memref<65536xf32, #tpu.memory_space<vmem>> -> memref<8192xf32, #tpu.memory_space<vmem>>
          %gather3A_474 = tpu.vector_load_idx %gather3A_473[%get3A_415] : memref<8192xf32, #tpu.memory_space<vmem>>[vector<16xi32>], vector<16xf32>,
          %swap3A_475 = arith.constant 7 : i32
          %swap3A_476 = arith.index_cast %swap3A_475 : i32 to index
          %swap3A_477 = arith.index_cast %scan3A_275 : i32 to index
          %swap3A_478 = arith.constant 32 : index
          %swap3A_479 = tpu.vector_load %run_scoped3A_107[%swap3A_476, %swap3A_477, %swap3A_478] {strides = array<i32>} : memref<8x16x128xf32, #tpu.memory_space<vmem>>, vector<16xf32>,
          tpu.vector_store %run_scoped3A_107[%swap3A_476, %swap3A_477, %swap3A_478], %gather3A_474 {strides = array<i32>} : memref<8x16x128xf32, #tpu.memory_space<vmem>>, vector<16xf32>,
          %add3A_480 = arith.constant 0 : i32
          %add3A_481 = arith.addi %add3A_480, %scan3A_275 : i32
          %get3A_482 = arith.index_cast %add3A_481 : i32 to index
          %get3A_483 = arith.constant 48 : index
          %get3A_484 = tpu.vector_load %arg8[%get3A_482, %get3A_483] {strides = array<i32>} : memref<32x128xi32, #tpu.memory_space<vmem>>, vector<16xi32>,
          %gather3A_485 = arith.constant 0 : i32
          %gather3A_486 = tpu.memref_slice %run_scoped3A[%gather3A_485] : memref<65536xf32, #tpu.memory_space<vmem>> -> memref<8192xf32, #tpu.memory_space<vmem>>
          %gather3A_487 = tpu.vector_load_idx %gather3A_486[%get3A_484] : memref<8192xf32, #tpu.memory_space<vmem>>[vector<16xi32>], vector<16xf32>,
          %swap3A_488 = arith.constant 0 : i32
          %swap3A_489 = arith.index_cast %swap3A_488 : i32 to index
          %swap3A_490 = arith.index_cast %scan3A_275 : i32 to index
          %swap3A_491 = arith.constant 48 : index
          %swap3A_492 = tpu.vector_load %run_scoped3A_107[%swap3A_489, %swap3A_490, %swap3A_491] {strides = array<i32>} : memref<8x16x128xf32, #tpu.memory_space<vmem>>, vector<16xf32>,
          tpu.vector_store %run_scoped3A_107[%swap3A_489, %swap3A_490, %swap3A_491], %gather3A_487 {strides = array<i32>} : memref<8x16x128xf32, #tpu.memory_space<vmem>>, vector<16xf32>,
          %gather3A_493 = arith.constant 8192 : i32
          %gather3A_494 = tpu.memref_slice %run_scoped3A[%gather3A_493] : memref<65536xf32, #tpu.memory_space<vmem>> -> memref<8192xf32, #tpu.memory_space<vmem>>
          %gather3A_495 = tpu.vector_load_idx %gather3A_494[%get3A_484] : memref<8192xf32, #tpu.memory_space<vmem>>[vector<16xi32>], vector<16xf32>,
          %swap3A_496 = arith.constant 1 : i32
          %swap3A_497 = arith.index_cast %swap3A_496 : i32 to index
          %swap3A_498 = arith.index_cast %scan3A_275 : i32 to index
          %swap3A_499 = arith.constant 48 : index
          %swap3A_500 = tpu.vector_load %run_scoped3A_107[%swap3A_497, %swap3A_498, %swap3A_499] {strides = array<i32>} : memref<8x16x128xf32, #tpu.memory_space<vmem>>, vector<16xf32>,
          tpu.vector_store %run_scoped3A_107[%swap3A_497, %swap3A_498, %swap3A_499], %gather3A_495 {strides = array<i32>} : memref<8x16x128xf32, #tpu.memory_space<vmem>>, vector<16xf32>,
          %gather3A_501 = arith.constant 16384 : i32
          %gather3A_502 = tpu.memref_slice %run_scoped3A[%gather3A_501] : memref<65536xf32, #tpu.memory_space<vmem>> -> memref<8192xf32, #tpu.memory_space<vmem>>
          %gather3A_503 = tpu.vector_load_idx %gather3A_502[%get3A_484] : memref<8192xf32, #tpu.memory_space<vmem>>[vector<16xi32>], vector<16xf32>,
          %swap3A_504 = arith.constant 2 : i32
          %swap3A_505 = arith.index_cast %swap3A_504 : i32 to index
          %swap3A_506 = arith.index_cast %scan3A_275 : i32 to index
          %swap3A_507 = arith.constant 48 : index
          %swap3A_508 = tpu.vector_load %run_scoped3A_107[%swap3A_505, %swap3A_506, %swap3A_507] {strides = array<i32>} : memref<8x16x128xf32, #tpu.memory_space<vmem>>, vector<16xf32>,
          tpu.vector_store %run_scoped3A_107[%swap3A_505, %swap3A_506, %swap3A_507], %gather3A_503 {strides = array<i32>} : memref<8x16x128xf32, #tpu.memory_space<vmem>>, vector<16xf32>,
          %gather3A_509 = arith.constant 24576 : i32
          %gather3A_510 = tpu.memref_slice %run_scoped3A[%gather3A_509] : memref<65536xf32, #tpu.memory_space<vmem>> -> memref<8192xf32, #tpu.memory_space<vmem>>
          %gather3A_511 = tpu.vector_load_idx %gather3A_510[%get3A_484] : memref<8192xf32, #tpu.memory_space<vmem>>[vector<16xi32>], vector<16xf32>,
          %swap3A_512 = arith.constant 3 : i32
          %swap3A_513 = arith.index_cast %swap3A_512 : i32 to index
          %swap3A_514 = arith.index_cast %scan3A_275 : i32 to index
          %swap3A_515 = arith.constant 48 : index
          %swap3A_516 = tpu.vector_load %run_scoped3A_107[%swap3A_513, %swap3A_514, %swap3A_515] {strides = array<i32>} : memref<8x16x128xf32, #tpu.memory_space<vmem>>, vector<16xf32>,
          tpu.vector_store %run_scoped3A_107[%swap3A_513, %swap3A_514, %swap3A_515], %gather3A_511 {strides = array<i32>} : memref<8x16x128xf32, #tpu.memory_space<vmem>>, vector<16xf32>,
          %gather3A_517 = arith.constant 32768 : i32
          %gather3A_518 = tpu.memref_slice %run_scoped3A[%gather3A_517] : memref<65536xf32, #tpu.memory_space<vmem>> -> memref<8192xf32, #tpu.memory_space<vmem>>
          %gather3A_519 = tpu.vector_load_idx %gather3A_518[%get3A_484] : memref<8192xf32, #tpu.memory_space<vmem>>[vector<16xi32>], vector<16xf32>,
          %swap3A_520 = arith.constant 4 : i32
          %swap3A_521 = arith.index_cast %swap3A_520 : i32 to index
          %swap3A_522 = arith.index_cast %scan3A_275 : i32 to index
          %swap3A_523 = arith.constant 48 : index
          %swap3A_524 = tpu.vector_load %run_scoped3A_107[%swap3A_521, %swap3A_522, %swap3A_523] {strides = array<i32>} : memref<8x16x128xf32, #tpu.memory_space<vmem>>, vector<16xf32>,
          tpu.vector_store %run_scoped3A_107[%swap3A_521, %swap3A_522, %swap3A_523], %gather3A_519 {strides = array<i32>} : memref<8x16x128xf32, #tpu.memory_space<vmem>>, vector<16xf32>,
          %gather3A_525 = arith.constant 40960 : i32
          %gather3A_526 = tpu.memref_slice %run_scoped3A[%gather3A_525] : memref<65536xf32, #tpu.memory_space<vmem>> -> memref<8192xf32, #tpu.memory_space<vmem>>
          %gather3A_527 = tpu.vector_load_idx %gather3A_526[%get3A_484] : memref<8192xf32, #tpu.memory_space<vmem>>[vector<16xi32>], vector<16xf32>,
          %swap3A_528 = arith.constant 5 : i32
          %swap3A_529 = arith.index_cast %swap3A_528 : i32 to index
          %swap3A_530 = arith.index_cast %scan3A_275 : i32 to index
          %swap3A_531 = arith.constant 48 : index
          %swap3A_532 = tpu.vector_load %run_scoped3A_107[%swap3A_529, %swap3A_530, %swap3A_531] {strides = array<i32>} : memref<8x16x128xf32, #tpu.memory_space<vmem>>, vector<16xf32>,
          tpu.vector_store %run_scoped3A_107[%swap3A_529, %swap3A_530, %swap3A_531], %gather3A_527 {strides = array<i32>} : memref<8x16x128xf32, #tpu.memory_space<vmem>>, vector<16xf32>,
          %gather3A_533 = arith.constant 49152 : i32
          %gather3A_534 = tpu.memref_slice %run_scoped3A[%gather3A_533] : memref<65536xf32, #tpu.memory_space<vmem>> -> memref<8192xf32, #tpu.memory_space<vmem>>
          %gather3A_535 = tpu.vector_load_idx %gather3A_534[%get3A_484] : memref<8192xf32, #tpu.memory_space<vmem>>[vector<16xi32>], vector<16xf32>,
          %swap3A_536 = arith.constant 6 : i32
          %swap3A_537 = arith.index_cast %swap3A_536 : i32 to index
          %swap3A_538 = arith.index_cast %scan3A_275 : i32 to index
          %swap3A_539 = arith.constant 48 : index
          %swap3A_540 = tpu.vector_load %run_scoped3A_107[%swap3A_537, %swap3A_538, %swap3A_539] {strides = array<i32>} : memref<8x16x128xf32, #tpu.memory_space<vmem>>, vector<16xf32>,
          tpu.vector_store %run_scoped3A_107[%swap3A_537, %swap3A_538, %swap3A_539], %gather3A_535 {strides = array<i32>} : memref<8x16x128xf32, #tpu.memory_space<vmem>>, vector<16xf32>,
          %gather3A_541 = arith.constant 57344 : i32
          %gather3A_542 = tpu.memref_slice %run_scoped3A[%gather3A_541] : memref<65536xf32, #tpu.memory_space<vmem>> -> memref<8192xf32, #tpu.memory_space<vmem>>
          %gather3A_543 = tpu.vector_load_idx %gather3A_542[%get3A_484] : memref<8192xf32, #tpu.memory_space<vmem>>[vector<16xi32>], vector<16xf32>,
          %swap3A_544 = arith.constant 7 : i32
          %swap3A_545 = arith.index_cast %swap3A_544 : i32 to index
          %swap3A_546 = arith.index_cast %scan3A_275 : i32 to index
          %swap3A_547 = arith.constant 48 : index
          %swap3A_548 = tpu.vector_load %run_scoped3A_107[%swap3A_545, %swap3A_546, %swap3A_547] {strides = array<i32>} : memref<8x16x128xf32, #tpu.memory_space<vmem>>, vector<16xf32>,
          tpu.vector_store %run_scoped3A_107[%swap3A_545, %swap3A_546, %swap3A_547], %gather3A_543 {strides = array<i32>} : memref<8x16x128xf32, #tpu.memory_space<vmem>>, vector<16xf32>,
          %add3A_549 = arith.constant 0 : i32
          %add3A_550 = arith.addi %add3A_549, %scan3A_275 : i32
          %get3A_551 = arith.index_cast %add3A_550 : i32 to index
          %get3A_552 = arith.constant 64 : index
          %get3A_553 = tpu.vector_load %arg8[%get3A_551, %get3A_552] {strides = array<i32>} : memref<32x128xi32, #tpu.memory_space<vmem>>, vector<16xi32>,
          %gather3A_554 = arith.constant 0 : i32
          %gather3A_555 = tpu.memref_slice %run_scoped3A[%gather3A_554] : memref<65536xf32, #tpu.memory_space<vmem>> -> memref<8192xf32, #tpu.memory_space<vmem>>
          %gather3A_556 = tpu.vector_load_idx %gather3A_555[%get3A_553] : memref<8192xf32, #tpu.memory_space<vmem>>[vector<16xi32>], vector<16xf32>,
          %swap3A_557 = arith.constant 0 : i32
          %swap3A_558 = arith.index_cast %swap3A_557 : i32 to index
          %swap3A_559 = arith.index_cast %scan3A_275 : i32 to index
          %swap3A_560 = arith.constant 64 : index
          %swap3A_561 = tpu.vector_load %run_scoped3A_107[%swap3A_558, %swap3A_559, %swap3A_560] {strides = array<i32>} : memref<8x16x128xf32, #tpu.memory_space<vmem>>, vector<16xf32>,
          tpu.vector_store %run_scoped3A_107[%swap3A_558, %swap3A_559, %swap3A_560], %gather3A_556 {strides = array<i32>} : memref<8x16x128xf32, #tpu.memory_space<vmem>>, vector<16xf32>,
          %gather3A_562 = arith.constant 8192 : i32
          %gather3A_563 = tpu.memref_slice %run_scoped3A[%gather3A_562] : memref<65536xf32, #tpu.memory_space<vmem>> -> memref<8192xf32, #tpu.memory_space<vmem>>
          %gather3A_564 = tpu.vector_load_idx %gather3A_563[%get3A_553] : memref<8192xf32, #tpu.memory_space<vmem>>[vector<16xi32>], vector<16xf32>,
          %swap3A_565 = arith.constant 1 : i32
          %swap3A_566 = arith.index_cast %swap3A_565 : i32 to index
          %swap3A_567 = arith.index_cast %scan3A_275 : i32 to index
          %swap3A_568 = arith.constant 64 : index
          %swap3A_569 = tpu.vector_load %run_scoped3A_107[%swap3A_566, %swap3A_567, %swap3A_568] {strides = array<i32>} : memref<8x16x128xf32, #tpu.memory_space<vmem>>, vector<16xf32>,
          tpu.vector_store %run_scoped3A_107[%swap3A_566, %swap3A_567, %swap3A_568], %gather3A_564 {strides = array<i32>} : memref<8x16x128xf32, #tpu.memory_space<vmem>>, vector<16xf32>,
          %gather3A_570 = arith.constant 16384 : i32
          %gather3A_571 = tpu.memref_slice %run_scoped3A[%gather3A_570] : memref<65536xf32, #tpu.memory_space<vmem>> -> memref<8192xf32, #tpu.memory_space<vmem>>
          %gather3A_572 = tpu.vector_load_idx %gather3A_571[%get3A_553] : memref<8192xf32, #tpu.memory_space<vmem>>[vector<16xi32>], vector<16xf32>,
          %swap3A_573 = arith.constant 2 : i32
          %swap3A_574 = arith.index_cast %swap3A_573 : i32 to index
          %swap3A_575 = arith.index_cast %scan3A_275 : i32 to index
          %swap3A_576 = arith.constant 64 : index
          %swap3A_577 = tpu.vector_load %run_scoped3A_107[%swap3A_574, %swap3A_575, %swap3A_576] {strides = array<i32>} : memref<8x16x128xf32, #tpu.memory_space<vmem>>, vector<16xf32>,
          tpu.vector_store %run_scoped3A_107[%swap3A_574, %swap3A_575, %swap3A_576], %gather3A_572 {strides = array<i32>} : memref<8x16x128xf32, #tpu.memory_space<vmem>>, vector<16xf32>,
          %gather3A_578 = arith.constant 24576 : i32
          %gather3A_579 = tpu.memref_slice %run_scoped3A[%gather3A_578] : memref<65536xf32, #tpu.memory_space<vmem>> -> memref<8192xf32, #tpu.memory_space<vmem>>
          %gather3A_580 = tpu.vector_load_idx %gather3A_579[%get3A_553] : memref<8192xf32, #tpu.memory_space<vmem>>[vector<16xi32>], vector<16xf32>,
          %swap3A_581 = arith.constant 3 : i32
          %swap3A_582 = arith.index_cast %swap3A_581 : i32 to index
          %swap3A_583 = arith.index_cast %scan3A_275 : i32 to index
          %swap3A_584 = arith.constant 64 : index
          %swap3A_585 = tpu.vector_load %run_scoped3A_107[%swap3A_582, %swap3A_583, %swap3A_584] {strides = array<i32>} : memref<8x16x128xf32, #tpu.memory_space<vmem>>, vector<16xf32>,
          tpu.vector_store %run_scoped3A_107[%swap3A_582, %swap3A_583, %swap3A_584], %gather3A_580 {strides = array<i32>} : memref<8x16x128xf32, #tpu.memory_space<vmem>>, vector<16xf32>,
          %gather3A_586 = arith.constant 32768 : i32
          %gather3A_587 = tpu.memref_slice %run_scoped3A[%gather3A_586] : memref<65536xf32, #tpu.memory_space<vmem>> -> memref<8192xf32, #tpu.memory_space<vmem>>
          %gather3A_588 = tpu.vector_load_idx %gather3A_587[%get3A_553] : memref<8192xf32, #tpu.memory_space<vmem>>[vector<16xi32>], vector<16xf32>,
          %swap3A_589 = arith.constant 4 : i32
          %swap3A_590 = arith.index_cast %swap3A_589 : i32 to index
          %swap3A_591 = arith.index_cast %scan3A_275 : i32 to index
          %swap3A_592 = arith.constant 64 : index
          %swap3A_593 = tpu.vector_load %run_scoped3A_107[%swap3A_590, %swap3A_591, %swap3A_592] {strides = array<i32>} : memref<8x16x128xf32, #tpu.memory_space<vmem>>, vector<16xf32>,
          tpu.vector_store %run_scoped3A_107[%swap3A_590, %swap3A_591, %swap3A_592], %gather3A_588 {strides = array<i32>} : memref<8x16x128xf32, #tpu.memory_space<vmem>>, vector<16xf32>,
          %gather3A_594 = arith.constant 40960 : i32
          %gather3A_595 = tpu.memref_slice %run_scoped3A[%gather3A_594] : memref<65536xf32, #tpu.memory_space<vmem>> -> memref<8192xf32, #tpu.memory_space<vmem>>
          %gather3A_596 = tpu.vector_load_idx %gather3A_595[%get3A_553] : memref<8192xf32, #tpu.memory_space<vmem>>[vector<16xi32>], vector<16xf32>,
          %swap3A_597 = arith.constant 5 : i32
          %swap3A_598 = arith.index_cast %swap3A_597 : i32 to index
          %swap3A_599 = arith.index_cast %scan3A_275 : i32 to index
          %swap3A_600 = arith.constant 64 : index
          %swap3A_601 = tpu.vector_load %run_scoped3A_107[%swap3A_598, %swap3A_599, %swap3A_600] {strides = array<i32>} : memref<8x16x128xf32, #tpu.memory_space<vmem>>, vector<16xf32>,
          tpu.vector_store %run_scoped3A_107[%swap3A_598, %swap3A_599, %swap3A_600], %gather3A_596 {strides = array<i32>} : memref<8x16x128xf32, #tpu.memory_space<vmem>>, vector<16xf32>,
          %gather3A_602 = arith.constant 49152 : i32
          %gather3A_603 = tpu.memref_slice %run_scoped3A[%gather3A_602] : memref<65536xf32, #tpu.memory_space<vmem>> -> memref<8192xf32, #tpu.memory_space<vmem>>
          %gather3A_604 = tpu.vector_load_idx %gather3A_603[%get3A_553] : memref<8192xf32, #tpu.memory_space<vmem>>[vector<16xi32>], vector<16xf32>,
          %swap3A_605 = arith.constant 6 : i32
          %swap3A_606 = arith.index_cast %swap3A_605 : i32 to index
          %swap3A_607 = arith.index_cast %scan3A_275 : i32 to index
          %swap3A_608 = arith.constant 64 : index
          %swap3A_609 = tpu.vector_load %run_scoped3A_107[%swap3A_606, %swap3A_607, %swap3A_608] {strides = array<i32>} : memref<8x16x128xf32, #tpu.memory_space<vmem>>, vector<16xf32>,
          tpu.vector_store %run_scoped3A_107[%swap3A_606, %swap3A_607, %swap3A_608], %gather3A_604 {strides = array<i32>} : memref<8x16x128xf32, #tpu.memory_space<vmem>>, vector<16xf32>,
          %gather3A_610 = arith.constant 57344 : i32
          %gather3A_611 = tpu.memref_slice %run_scoped3A[%gather3A_610] : memref<65536xf32, #tpu.memory_space<vmem>> -> memref<8192xf32, #tpu.memory_space<vmem>>
          %gather3A_612 = tpu.vector_load_idx %gather3A_611[%get3A_553] : memref<8192xf32, #tpu.memory_space<vmem>>[vector<16xi32>], vector<16xf32>,
          %swap3A_613 = arith.constant 7 : i32
          %swap3A_614 = arith.index_cast %swap3A_613 : i32 to index
          %swap3A_615 = arith.index_cast %scan3A_275 : i32 to index
          %swap3A_616 = arith.constant 64 : index
          %swap3A_617 = tpu.vector_load %run_scoped3A_107[%swap3A_614, %swap3A_615, %swap3A_616] {strides = array<i32>} : memref<8x16x128xf32, #tpu.memory_space<vmem>>, vector<16xf32>,
          tpu.vector_store %run_scoped3A_107[%swap3A_614, %swap3A_615, %swap3A_616], %gather3A_612 {strides = array<i32>} : memref<8x16x128xf32, #tpu.memory_space<vmem>>, vector<16xf32>,
          %add3A_618 = arith.constant 0 : i32
          %add3A_619 = arith.addi %add3A_618, %scan3A_275 : i32
          %get3A_620 = arith.index_cast %add3A_619 : i32 to index
          %get3A_621 = arith.constant 80 : index
          %get3A_622 = tpu.vector_load %arg8[%get3A_620, %get3A_621] {strides = array<i32>} : memref<32x128xi32, #tpu.memory_space<vmem>>, vector<16xi32>,
          %gather3A_623 = arith.constant 0 : i32
          %gather3A_624 = tpu.memref_slice %run_scoped3A[%gather3A_623] : memref<65536xf32, #tpu.memory_space<vmem>> -> memref<8192xf32, #tpu.memory_space<vmem>>
          %gather3A_625 = tpu.vector_load_idx %gather3A_624[%get3A_622] : memref<8192xf32, #tpu.memory_space<vmem>>[vector<16xi32>], vector<16xf32>,
          %swap3A_626 = arith.constant 0 : i32
          %swap3A_627 = arith.index_cast %swap3A_626 : i32 to index
          %swap3A_628 = arith.index_cast %scan3A_275 : i32 to index
          %swap3A_629 = arith.constant 80 : index
          %swap3A_630 = tpu.vector_load %run_scoped3A_107[%swap3A_627, %swap3A_628, %swap3A_629] {strides = array<i32>} : memref<8x16x128xf32, #tpu.memory_space<vmem>>, vector<16xf32>,
          tpu.vector_store %run_scoped3A_107[%swap3A_627, %swap3A_628, %swap3A_629], %gather3A_625 {strides = array<i32>} : memref<8x16x128xf32, #tpu.memory_space<vmem>>, vector<16xf32>,
          %gather3A_631 = arith.constant 8192 : i32
          %gather3A_632 = tpu.memref_slice %run_scoped3A[%gather3A_631] : memref<65536xf32, #tpu.memory_space<vmem>> -> memref<8192xf32, #tpu.memory_space<vmem>>
          %gather3A_633 = tpu.vector_load_idx %gather3A_632[%get3A_622] : memref<8192xf32, #tpu.memory_space<vmem>>[vector<16xi32>], vector<16xf32>,
          %swap3A_634 = arith.constant 1 : i32
          %swap3A_635 = arith.index_cast %swap3A_634 : i32 to index
          %swap3A_636 = arith.index_cast %scan3A_275 : i32 to index
          %swap3A_637 = arith.constant 80 : index
          %swap3A_638 = tpu.vector_load %run_scoped3A_107[%swap3A_635, %swap3A_636, %swap3A_637] {strides = array<i32>} : memref<8x16x128xf32, #tpu.memory_space<vmem>>, vector<16xf32>,
          tpu.vector_store %run_scoped3A_107[%swap3A_635, %swap3A_636, %swap3A_637], %gather3A_633 {strides = array<i32>} : memref<8x16x128xf32, #tpu.memory_space<vmem>>, vector<16xf32>,
          %gather3A_639 = arith.constant 16384 : i32
          %gather3A_640 = tpu.memref_slice %run_scoped3A[%gather3A_639] : memref<65536xf32, #tpu.memory_space<vmem>> -> memref<8192xf32, #tpu.memory_space<vmem>>
          %gather3A_641 = tpu.vector_load_idx %gather3A_640[%get3A_622] : memref<8192xf32, #tpu.memory_space<vmem>>[vector<16xi32>], vector<16xf32>,
          %swap3A_642 = arith.constant 2 : i32
          %swap3A_643 = arith.index_cast %swap3A_642 : i32 to index
          %swap3A_644 = arith.index_cast %scan3A_275 : i32 to index
          %swap3A_645 = arith.constant 80 : index
          %swap3A_646 = tpu.vector_load %run_scoped3A_107[%swap3A_643, %swap3A_644, %swap3A_645] {strides = array<i32>} : memref<8x16x128xf32, #tpu.memory_space<vmem>>, vector<16xf32>,
          tpu.vector_store %run_scoped3A_107[%swap3A_643, %swap3A_644, %swap3A_645], %gather3A_641 {strides = array<i32>} : memref<8x16x128xf32, #tpu.memory_space<vmem>>, vector<16xf32>,
          %gather3A_647 = arith.constant 24576 : i32
          %gather3A_648 = tpu.memref_slice %run_scoped3A[%gather3A_647] : memref<65536xf32, #tpu.memory_space<vmem>> -> memref<8192xf32, #tpu.memory_space<vmem>>
          %gather3A_649 = tpu.vector_load_idx %gather3A_648[%get3A_622] : memref<8192xf32, #tpu.memory_space<vmem>>[vector<16xi32>], vector<16xf32>,
          %swap3A_650 = arith.constant 3 : i32
          %swap3A_651 = arith.index_cast %swap3A_650 : i32 to index
          %swap3A_652 = arith.index_cast %scan3A_275 : i32 to index
          %swap3A_653 = arith.constant 80 : index
          %swap3A_654 = tpu.vector_load %run_scoped3A_107[%swap3A_651, %swap3A_652, %swap3A_653] {strides = array<i32>} : memref<8x16x128xf32, #tpu.memory_space<vmem>>, vector<16xf32>,
          tpu.vector_store %run_scoped3A_107[%swap3A_651, %swap3A_652, %swap3A_653], %gather3A_649 {strides = array<i32>} : memref<8x16x128xf32, #tpu.memory_space<vmem>>, vector<16xf32>,
          %gather3A_655 = arith.constant 32768 : i32
          %gather3A_656 = tpu.memref_slice %run_scoped3A[%gather3A_655] : memref<65536xf32, #tpu.memory_space<vmem>> -> memref<8192xf32, #tpu.memory_space<vmem>>
          %gather3A_657 = tpu.vector_load_idx %gather3A_656[%get3A_622] : memref<8192xf32, #tpu.memory_space<vmem>>[vector<16xi32>], vector<16xf32>,
          %swap3A_658 = arith.constant 4 : i32
          %swap3A_659 = arith.index_cast %swap3A_658 : i32 to index
          %swap3A_660 = arith.index_cast %scan3A_275 : i32 to index
          %swap3A_661 = arith.constant 80 : index
          %swap3A_662 = tpu.vector_load %run_scoped3A_107[%swap3A_659, %swap3A_660, %swap3A_661] {strides = array<i32>} : memref<8x16x128xf32, #tpu.memory_space<vmem>>, vector<16xf32>,
          tpu.vector_store %run_scoped3A_107[%swap3A_659, %swap3A_660, %swap3A_661], %gather3A_657 {strides = array<i32>} : memref<8x16x128xf32, #tpu.memory_space<vmem>>, vector<16xf32>,
          %gather3A_663 = arith.constant 40960 : i32
          %gather3A_664 = tpu.memref_slice %run_scoped3A[%gather3A_663] : memref<65536xf32, #tpu.memory_space<vmem>> -> memref<8192xf32, #tpu.memory_space<vmem>>
          %gather3A_665 = tpu.vector_load_idx %gather3A_664[%get3A_622] : memref<8192xf32, #tpu.memory_space<vmem>>[vector<16xi32>], vector<16xf32>,
          %swap3A_666 = arith.constant 5 : i32
          %swap3A_667 = arith.index_cast %swap3A_666 : i32 to index
          %swap3A_668 = arith.index_cast %scan3A_275 : i32 to index
          %swap3A_669 = arith.constant 80 : index
          %swap3A_670 = tpu.vector_load %run_scoped3A_107[%swap3A_667, %swap3A_668, %swap3A_669] {strides = array<i32>} : memref<8x16x128xf32, #tpu.memory_space<vmem>>, vector<16xf32>,
          tpu.vector_store %run_scoped3A_107[%swap3A_667, %swap3A_668, %swap3A_669], %gather3A_665 {strides = array<i32>} : memref<8x16x128xf32, #tpu.memory_space<vmem>>, vector<16xf32>,
          %gather3A_671 = arith.constant 49152 : i32
          %gather3A_672 = tpu.memref_slice %run_scoped3A[%gather3A_671] : memref<65536xf32, #tpu.memory_space<vmem>> -> memref<8192xf32, #tpu.memory_space<vmem>>
          %gather3A_673 = tpu.vector_load_idx %gather3A_672[%get3A_622] : memref<8192xf32, #tpu.memory_space<vmem>>[vector<16xi32>], vector<16xf32>,
          %swap3A_674 = arith.constant 6 : i32
          %swap3A_675 = arith.index_cast %swap3A_674 : i32 to index
          %swap3A_676 = arith.index_cast %scan3A_275 : i32 to index
          %swap3A_677 = arith.constant 80 : index
          %swap3A_678 = tpu.vector_load %run_scoped3A_107[%swap3A_675, %swap3A_676, %swap3A_677] {strides = array<i32>} : memref<8x16x128xf32, #tpu.memory_space<vmem>>, vector<16xf32>,
          tpu.vector_store %run_scoped3A_107[%swap3A_675, %swap3A_676, %swap3A_677], %gather3A_673 {strides = array<i32>} : memref<8x16x128xf32, #tpu.memory_space<vmem>>, vector<16xf32>,
          %gather3A_679 = arith.constant 57344 : i32
          %gather3A_680 = tpu.memref_slice %run_scoped3A[%gather3A_679] : memref<65536xf32, #tpu.memory_space<vmem>> -> memref<8192xf32, #tpu.memory_space<vmem>>
          %gather3A_681 = tpu.vector_load_idx %gather3A_680[%get3A_622] : memref<8192xf32, #tpu.memory_space<vmem>>[vector<16xi32>], vector<16xf32>,
          %swap3A_682 = arith.constant 7 : i32
          %swap3A_683 = arith.index_cast %swap3A_682 : i32 to index
          %swap3A_684 = arith.index_cast %scan3A_275 : i32 to index
          %swap3A_685 = arith.constant 80 : index
          %swap3A_686 = tpu.vector_load %run_scoped3A_107[%swap3A_683, %swap3A_684, %swap3A_685] {strides = array<i32>} : memref<8x16x128xf32, #tpu.memory_space<vmem>>, vector<16xf32>,
          tpu.vector_store %run_scoped3A_107[%swap3A_683, %swap3A_684, %swap3A_685], %gather3A_681 {strides = array<i32>} : memref<8x16x128xf32, #tpu.memory_space<vmem>>, vector<16xf32>,
          %add3A_687 = arith.constant 0 : i32
          %add3A_688 = arith.addi %add3A_687, %scan3A_275 : i32
          %get3A_689 = arith.index_cast %add3A_688 : i32 to index
          %get3A_690 = arith.constant 96 : index
          %get3A_691 = tpu.vector_load %arg8[%get3A_689, %get3A_690] {strides = array<i32>} : memref<32x128xi32, #tpu.memory_space<vmem>>, vector<16xi32>,
          %gather3A_692 = arith.constant 0 : i32
          %gather3A_693 = tpu.memref_slice %run_scoped3A[%gather3A_692] : memref<65536xf32, #tpu.memory_space<vmem>> -> memref<8192xf32, #tpu.memory_space<vmem>>
          %gather3A_694 = tpu.vector_load_idx %gather3A_693[%get3A_691] : memref<8192xf32, #tpu.memory_space<vmem>>[vector<16xi32>], vector<16xf32>,
          %swap3A_695 = arith.constant 0 : i32
          %swap3A_696 = arith.index_cast %swap3A_695 : i32 to index
          %swap3A_697 = arith.index_cast %scan3A_275 : i32 to index
          %swap3A_698 = arith.constant 96 : index
          %swap3A_699 = tpu.vector_load %run_scoped3A_107[%swap3A_696, %swap3A_697, %swap3A_698] {strides = array<i32>} : memref<8x16x128xf32, #tpu.memory_space<vmem>>, vector<16xf32>,
          tpu.vector_store %run_scoped3A_107[%swap3A_696, %swap3A_697, %swap3A_698], %gather3A_694 {strides = array<i32>} : memref<8x16x128xf32, #tpu.memory_space<vmem>>, vector<16xf32>,
          %gather3A_700 = arith.constant 8192 : i32
          %gather3A_701 = tpu.memref_slice %run_scoped3A[%gather3A_700] : memref<65536xf32, #tpu.memory_space<vmem>> -> memref<8192xf32, #tpu.memory_space<vmem>>
          %gather3A_702 = tpu.vector_load_idx %gather3A_701[%get3A_691] : memref<8192xf32, #tpu.memory_space<vmem>>[vector<16xi32>], vector<16xf32>,
          %swap3A_703 = arith.constant 1 : i32
          %swap3A_704 = arith.index_cast %swap3A_703 : i32 to index
          %swap3A_705 = arith.index_cast %scan3A_275 : i32 to index
          %swap3A_706 = arith.constant 96 : index
          %swap3A_707 = tpu.vector_load %run_scoped3A_107[%swap3A_704, %swap3A_705, %swap3A_706] {strides = array<i32>} : memref<8x16x128xf32, #tpu.memory_space<vmem>>, vector<16xf32>,
          tpu.vector_store %run_scoped3A_107[%swap3A_704, %swap3A_705, %swap3A_706], %gather3A_702 {strides = array<i32>} : memref<8x16x128xf32, #tpu.memory_space<vmem>>, vector<16xf32>,
          %gather3A_708 = arith.constant 16384 : i32
          %gather3A_709 = tpu.memref_slice %run_scoped3A[%gather3A_708] : memref<65536xf32, #tpu.memory_space<vmem>> -> memref<8192xf32, #tpu.memory_space<vmem>>
          %gather3A_710 = tpu.vector_load_idx %gather3A_709[%get3A_691] : memref<8192xf32, #tpu.memory_space<vmem>>[vector<16xi32>], vector<16xf32>,
          %swap3A_711 = arith.constant 2 : i32
          %swap3A_712 = arith.index_cast %swap3A_711 : i32 to index
          %swap3A_713 = arith.index_cast %scan3A_275 : i32 to index
          %swap3A_714 = arith.constant 96 : index
          %swap3A_715 = tpu.vector_load %run_scoped3A_107[%swap3A_712, %swap3A_713, %swap3A_714] {strides = array<i32>} : memref<8x16x128xf32, #tpu.memory_space<vmem>>, vector<16xf32>,
          tpu.vector_store %run_scoped3A_107[%swap3A_712, %swap3A_713, %swap3A_714], %gather3A_710 {strides = array<i32>} : memref<8x16x128xf32, #tpu.memory_space<vmem>>, vector<16xf32>,
          %gather3A_716 = arith.constant 24576 : i32
          %gather3A_717 = tpu.memref_slice %run_scoped3A[%gather3A_716] : memref<65536xf32, #tpu.memory_space<vmem>> -> memref<8192xf32, #tpu.memory_space<vmem>>
          %gather3A_718 = tpu.vector_load_idx %gather3A_717[%get3A_691] : memref<8192xf32, #tpu.memory_space<vmem>>[vector<16xi32>], vector<16xf32>,
          %swap3A_719 = arith.constant 3 : i32
          %swap3A_720 = arith.index_cast %swap3A_719 : i32 to index
          %swap3A_721 = arith.index_cast %scan3A_275 : i32 to index
          %swap3A_722 = arith.constant 96 : index
          %swap3A_723 = tpu.vector_load %run_scoped3A_107[%swap3A_720, %swap3A_721, %swap3A_722] {strides = array<i32>} : memref<8x16x128xf32, #tpu.memory_space<vmem>>, vector<16xf32>,
          tpu.vector_store %run_scoped3A_107[%swap3A_720, %swap3A_721, %swap3A_722], %gather3A_718 {strides = array<i32>} : memref<8x16x128xf32, #tpu.memory_space<vmem>>, vector<16xf32>,
          %gather3A_724 = arith.constant 32768 : i32
          %gather3A_725 = tpu.memref_slice %run_scoped3A[%gather3A_724] : memref<65536xf32, #tpu.memory_space<vmem>> -> memref<8192xf32, #tpu.memory_space<vmem>>
          %gather3A_726 = tpu.vector_load_idx %gather3A_725[%get3A_691] : memref<8192xf32, #tpu.memory_space<vmem>>[vector<16xi32>], vector<16xf32>,
          %swap3A_727 = arith.constant 4 : i32
          %swap3A_728 = arith.index_cast %swap3A_727 : i32 to index
          %swap3A_729 = arith.index_cast %scan3A_275 : i32 to index
          %swap3A_730 = arith.constant 96 : index
          %swap3A_731 = tpu.vector_load %run_scoped3A_107[%swap3A_728, %swap3A_729, %swap3A_730] {strides = array<i32>} : memref<8x16x128xf32, #tpu.memory_space<vmem>>, vector<16xf32>,
          tpu.vector_store %run_scoped3A_107[%swap3A_728, %swap3A_729, %swap3A_730], %gather3A_726 {strides = array<i32>} : memref<8x16x128xf32, #tpu.memory_space<vmem>>, vector<16xf32>,
          %gather3A_732 = arith.constant 40960 : i32
          %gather3A_733 = tpu.memref_slice %run_scoped3A[%gather3A_732] : memref<65536xf32, #tpu.memory_space<vmem>> -> memref<8192xf32, #tpu.memory_space<vmem>>
          %gather3A_734 = tpu.vector_load_idx %gather3A_733[%get3A_691] : memref<8192xf32, #tpu.memory_space<vmem>>[vector<16xi32>], vector<16xf32>,
          %swap3A_735 = arith.constant 5 : i32
          %swap3A_736 = arith.index_cast %swap3A_735 : i32 to index
          %swap3A_737 = arith.index_cast %scan3A_275 : i32 to index
          %swap3A_738 = arith.constant 96 : index
          %swap3A_739 = tpu.vector_load %run_scoped3A_107[%swap3A_736, %swap3A_737, %swap3A_738] {strides = array<i32>} : memref<8x16x128xf32, #tpu.memory_space<vmem>>, vector<16xf32>,
          tpu.vector_store %run_scoped3A_107[%swap3A_736, %swap3A_737, %swap3A_738], %gather3A_734 {strides = array<i32>} : memref<8x16x128xf32, #tpu.memory_space<vmem>>, vector<16xf32>,
          %gather3A_740 = arith.constant 49152 : i32
          %gather3A_741 = tpu.memref_slice %run_scoped3A[%gather3A_740] : memref<65536xf32, #tpu.memory_space<vmem>> -> memref<8192xf32, #tpu.memory_space<vmem>>
          %gather3A_742 = tpu.vector_load_idx %gather3A_741[%get3A_691] : memref<8192xf32, #tpu.memory_space<vmem>>[vector<16xi32>], vector<16xf32>,
          %swap3A_743 = arith.constant 6 : i32
          %swap3A_744 = arith.index_cast %swap3A_743 : i32 to index
          %swap3A_745 = arith.index_cast %scan3A_275 : i32 to index
          %swap3A_746 = arith.constant 96 : index
          %swap3A_747 = tpu.vector_load %run_scoped3A_107[%swap3A_744, %swap3A_745, %swap3A_746] {strides = array<i32>} : memref<8x16x128xf32, #tpu.memory_space<vmem>>, vector<16xf32>,
          tpu.vector_store %run_scoped3A_107[%swap3A_744, %swap3A_745, %swap3A_746], %gather3A_742 {strides = array<i32>} : memref<8x16x128xf32, #tpu.memory_space<vmem>>, vector<16xf32>,
          %gather3A_748 = arith.constant 57344 : i32
          %gather3A_749 = tpu.memref_slice %run_scoped3A[%gather3A_748] : memref<65536xf32, #tpu.memory_space<vmem>> -> memref<8192xf32, #tpu.memory_space<vmem>>
          %gather3A_750 = tpu.vector_load_idx %gather3A_749[%get3A_691] : memref<8192xf32, #tpu.memory_space<vmem>>[vector<16xi32>], vector<16xf32>,
          %swap3A_751 = arith.constant 7 : i32
          %swap3A_752 = arith.index_cast %swap3A_751 : i32 to index
          %swap3A_753 = arith.index_cast %scan3A_275 : i32 to index
          %swap3A_754 = arith.constant 96 : index
          %swap3A_755 = tpu.vector_load %run_scoped3A_107[%swap3A_752, %swap3A_753, %swap3A_754] {strides = array<i32>} : memref<8x16x128xf32, #tpu.memory_space<vmem>>, vector<16xf32>,
          tpu.vector_store %run_scoped3A_107[%swap3A_752, %swap3A_753, %swap3A_754], %gather3A_750 {strides = array<i32>} : memref<8x16x128xf32, #tpu.memory_space<vmem>>, vector<16xf32>,
          %add3A_756 = arith.constant 0 : i32
          %add3A_757 = arith.addi %add3A_756, %scan3A_275 : i32
          %get3A_758 = arith.index_cast %add3A_757 : i32 to index
          %get3A_759 = arith.constant 112 : index
          %get3A_760 = tpu.vector_load %arg8[%get3A_758, %get3A_759] {strides = array<i32>} : memref<32x128xi32, #tpu.memory_space<vmem>>, vector<16xi32>,
          %gather3A_761 = arith.constant 0 : i32
          %gather3A_762 = tpu.memref_slice %run_scoped3A[%gather3A_761] : memref<65536xf32, #tpu.memory_space<vmem>> -> memref<8192xf32, #tpu.memory_space<vmem>>
          %gather3A_763 = tpu.vector_load_idx %gather3A_762[%get3A_760] : memref<8192xf32, #tpu.memory_space<vmem>>[vector<16xi32>], vector<16xf32>,
          %swap3A_764 = arith.constant 0 : i32
          %swap3A_765 = arith.index_cast %swap3A_764 : i32 to index
          %swap3A_766 = arith.index_cast %scan3A_275 : i32 to index
          %swap3A_767 = arith.constant 112 : index
          %swap3A_768 = tpu.vector_load %run_scoped3A_107[%swap3A_765, %swap3A_766, %swap3A_767] {strides = array<i32>} : memref<8x16x128xf32, #tpu.memory_space<vmem>>, vector<16xf32>,
          tpu.vector_store %run_scoped3A_107[%swap3A_765, %swap3A_766, %swap3A_767], %gather3A_763 {strides = array<i32>} : memref<8x16x128xf32, #tpu.memory_space<vmem>>, vector<16xf32>,
          %gather3A_769 = arith.constant 8192 : i32
          %gather3A_770 = tpu.memref_slice %run_scoped3A[%gather3A_769] : memref<65536xf32, #tpu.memory_space<vmem>> -> memref<8192xf32, #tpu.memory_space<vmem>>
          %gather3A_771 = tpu.vector_load_idx %gather3A_770[%get3A_760] : memref<8192xf32, #tpu.memory_space<vmem>>[vector<16xi32>], vector<16xf32>,
          %swap3A_772 = arith.constant 1 : i32
          %swap3A_773 = arith.index_cast %swap3A_772 : i32 to index
          %swap3A_774 = arith.index_cast %scan3A_275 : i32 to index
          %swap3A_775 = arith.constant 112 : index
          %swap3A_776 = tpu.vector_load %run_scoped3A_107[%swap3A_773, %swap3A_774, %swap3A_775] {strides = array<i32>} : memref<8x16x128xf32, #tpu.memory_space<vmem>>, vector<16xf32>,
          tpu.vector_store %run_scoped3A_107[%swap3A_773, %swap3A_774, %swap3A_775], %gather3A_771 {strides = array<i32>} : memref<8x16x128xf32, #tpu.memory_space<vmem>>, vector<16xf32>,
          %gather3A_777 = arith.constant 16384 : i32
          %gather3A_778 = tpu.memref_slice %run_scoped3A[%gather3A_777] : memref<65536xf32, #tpu.memory_space<vmem>> -> memref<8192xf32, #tpu.memory_space<vmem>>
          %gather3A_779 = tpu.vector_load_idx %gather3A_778[%get3A_760] : memref<8192xf32, #tpu.memory_space<vmem>>[vector<16xi32>], vector<16xf32>,
          %swap3A_780 = arith.constant 2 : i32
          %swap3A_781 = arith.index_cast %swap3A_780 : i32 to index
          %swap3A_782 = arith.index_cast %scan3A_275 : i32 to index
          %swap3A_783 = arith.constant 112 : index
          %swap3A_784 = tpu.vector_load %run_scoped3A_107[%swap3A_781, %swap3A_782, %swap3A_783] {strides = array<i32>} : memref<8x16x128xf32, #tpu.memory_space<vmem>>, vector<16xf32>,
          tpu.vector_store %run_scoped3A_107[%swap3A_781, %swap3A_782, %swap3A_783], %gather3A_779 {strides = array<i32>} : memref<8x16x128xf32, #tpu.memory_space<vmem>>, vector<16xf32>,
          %gather3A_785 = arith.constant 24576 : i32
          %gather3A_786 = tpu.memref_slice %run_scoped3A[%gather3A_785] : memref<65536xf32, #tpu.memory_space<vmem>> -> memref<8192xf32, #tpu.memory_space<vmem>>
          %gather3A_787 = tpu.vector_load_idx %gather3A_786[%get3A_760] : memref<8192xf32, #tpu.memory_space<vmem>>[vector<16xi32>], vector<16xf32>,
          %swap3A_788 = arith.constant 3 : i32
          %swap3A_789 = arith.index_cast %swap3A_788 : i32 to index
          %swap3A_790 = arith.index_cast %scan3A_275 : i32 to index
          %swap3A_791 = arith.constant 112 : index
          %swap3A_792 = tpu.vector_load %run_scoped3A_107[%swap3A_789, %swap3A_790, %swap3A_791] {strides = array<i32>} : memref<8x16x128xf32, #tpu.memory_space<vmem>>, vector<16xf32>,
          tpu.vector_store %run_scoped3A_107[%swap3A_789, %swap3A_790, %swap3A_791], %gather3A_787 {strides = array<i32>} : memref<8x16x128xf32, #tpu.memory_space<vmem>>, vector<16xf32>,
          %gather3A_793 = arith.constant 32768 : i32
          %gather3A_794 = tpu.memref_slice %run_scoped3A[%gather3A_793] : memref<65536xf32, #tpu.memory_space<vmem>> -> memref<8192xf32, #tpu.memory_space<vmem>>
          %gather3A_795 = tpu.vector_load_idx %gather3A_794[%get3A_760] : memref<8192xf32, #tpu.memory_space<vmem>>[vector<16xi32>], vector<16xf32>,
          %swap3A_796 = arith.constant 4 : i32
          %swap3A_797 = arith.index_cast %swap3A_796 : i32 to index
          %swap3A_798 = arith.index_cast %scan3A_275 : i32 to index
          %swap3A_799 = arith.constant 112 : index
          %swap3A_800 = tpu.vector_load %run_scoped3A_107[%swap3A_797, %swap3A_798, %swap3A_799] {strides = array<i32>} : memref<8x16x128xf32, #tpu.memory_space<vmem>>, vector<16xf32>,
          tpu.vector_store %run_scoped3A_107[%swap3A_797, %swap3A_798, %swap3A_799], %gather3A_795 {strides = array<i32>} : memref<8x16x128xf32, #tpu.memory_space<vmem>>, vector<16xf32>,
          %gather3A_801 = arith.constant 40960 : i32
          %gather3A_802 = tpu.memref_slice %run_scoped3A[%gather3A_801] : memref<65536xf32, #tpu.memory_space<vmem>> -> memref<8192xf32, #tpu.memory_space<vmem>>
          %gather3A_803 = tpu.vector_load_idx %gather3A_802[%get3A_760] : memref<8192xf32, #tpu.memory_space<vmem>>[vector<16xi32>], vector<16xf32>,
          %swap3A_804 = arith.constant 5 : i32
          %swap3A_805 = arith.index_cast %swap3A_804 : i32 to index
          %swap3A_806 = arith.index_cast %scan3A_275 : i32 to index
          %swap3A_807 = arith.constant 112 : index
          %swap3A_808 = tpu.vector_load %run_scoped3A_107[%swap3A_805, %swap3A_806, %swap3A_807] {strides = array<i32>} : memref<8x16x128xf32, #tpu.memory_space<vmem>>, vector<16xf32>,
          tpu.vector_store %run_scoped3A_107[%swap3A_805, %swap3A_806, %swap3A_807], %gather3A_803 {strides = array<i32>} : memref<8x16x128xf32, #tpu.memory_space<vmem>>, vector<16xf32>,
          %gather3A_809 = arith.constant 49152 : i32
          %gather3A_810 = tpu.memref_slice %run_scoped3A[%gather3A_809] : memref<65536xf32, #tpu.memory_space<vmem>> -> memref<8192xf32, #tpu.memory_space<vmem>>
          %gather3A_811 = tpu.vector_load_idx %gather3A_810[%get3A_760] : memref<8192xf32, #tpu.memory_space<vmem>>[vector<16xi32>], vector<16xf32>,
          %swap3A_812 = arith.constant 6 : i32
          %swap3A_813 = arith.index_cast %swap3A_812 : i32 to index
          %swap3A_814 = arith.index_cast %scan3A_275 : i32 to index
          %swap3A_815 = arith.constant 112 : index
          %swap3A_816 = tpu.vector_load %run_scoped3A_107[%swap3A_813, %swap3A_814, %swap3A_815] {strides = array<i32>} : memref<8x16x128xf32, #tpu.memory_space<vmem>>, vector<16xf32>,
          tpu.vector_store %run_scoped3A_107[%swap3A_813, %swap3A_814, %swap3A_815], %gather3A_811 {strides = array<i32>} : memref<8x16x128xf32, #tpu.memory_space<vmem>>, vector<16xf32>,
          %gather3A_817 = arith.constant 57344 : i32
          %gather3A_818 = tpu.memref_slice %run_scoped3A[%gather3A_817] : memref<65536xf32, #tpu.memory_space<vmem>> -> memref<8192xf32, #tpu.memory_space<vmem>>
          %gather3A_819 = tpu.vector_load_idx %gather3A_818[%get3A_760] : memref<8192xf32, #tpu.memory_space<vmem>>[vector<16xi32>], vector<16xf32>,
          %swap3A_820 = arith.constant 7 : i32
          %swap3A_821 = arith.index_cast %swap3A_820 : i32 to index
          %swap3A_822 = arith.index_cast %scan3A_275 : i32 to index
          %swap3A_823 = arith.constant 112 : index
          %swap3A_824 = tpu.vector_load %run_scoped3A_107[%swap3A_821, %swap3A_822, %swap3A_823] {strides = array<i32>} : memref<8x16x128xf32, #tpu.memory_space<vmem>>, vector<16xf32>,
          tpu.vector_store %run_scoped3A_107[%swap3A_821, %swap3A_822, %swap3A_823], %gather3A_819 {strides = array<i32>} : memref<8x16x128xf32, #tpu.memory_space<vmem>>, vector<16xf32>,
        }
        %scan3A_236 = arith.constant 16 : i32
        %add3A_237 = arith.constant 3 : i32
        %add3A_238 = arith.addi %add3A_237, %select_n3A_90 : i32
        %mul3A_239 = arith.constant 128 : i32
        %mul3A_240 = arith.muli %scan3A_173, %mul3A_239 : i32
        %dma_start3A_241 = arith.constant 0 : i32
        %dma_start3A_242 = tpu.memref_slice %arg5[%select_n3A_74, %add3A_238, %dma_start3A_241, %mul3A_240] : memref<4x67x32x2048xf32, #tpu.memory_space<hbm>> -> memref<1x8x16x128xf32, #tpu.memory_space<hbm>>
        %dma_start3A_243 = tpu.memref_squeeze %dma_start3A_242 : memref<1x8x16x128xf32, #tpu.memory_space<hbm>> -> memref<8x16x128xf32, #tpu.memory_space<hbm>>
        %dma_start3A_244 = arith.constant 0 : i32
        %dma_start3A_245 = tpu.memref_slice %arg5[%select_n3A_74, %add3A_238, %dma_start3A_244, %mul3A_240] : memref<4x67x32x2048xf32, #tpu.memory_space<hbm>> -> memref<1x8x16x128xf32, #tpu.memory_space<hbm>>
        %dma_start3A_246 = tpu.memref_squeeze %dma_start3A_245 : memref<1x8x16x128xf32, #tpu.memory_space<hbm>> -> memref<8x16x128xf32, #tpu.memory_space<hbm>>
        tpu.enqueue_dma source(%run_scoped3A_107 : memref<8x16x128xf32, #tpu.memory_space<vmem>>) target(%dma_start3A_246 : memref<8x16x128xf32, #tpu.memory_space<hbm>>) target_semaphore(%arg10 : memref<!tpu.dma_semaphore, #tpu.memory_space<semaphore_mem>>)
        %sub3A_247 = arith.constant 1 : i32
        %sub3A_248 = arith.subi %scan3A_173, %sub3A_247 : i32
        %add3A_249 = arith.constant 3 : i32
        %add3A_250 = arith.addi %add3A_249, %select_n3A_90 : i32
        %mul3A_251 = arith.constant 128 : i32
        %mul3A_252 = arith.muli %sub3A_248, %mul3A_251 : i32
        %dma_wait3A_253 = arith.constant 16 : i32
        %dma_wait3A_254 = tpu.memref_slice %arg5[%select_n3A_74, %add3A_250, %dma_wait3A_253, %mul3A_252] : memref<4x67x32x2048xf32, #tpu.memory_space<hbm>> -> memref<1x8x16x128xf32, #tpu.memory_space<hbm>>
        %dma_wait3A_255 = tpu.memref_squeeze %dma_wait3A_254 : memref<1x8x16x128xf32, #tpu.memory_space<hbm>> -> memref<8x16x128xf32, #tpu.memory_space<hbm>>
        %dma_wait3A_256 = arith.constant 16 : i32
        %dma_wait3A_257 = tpu.memref_slice %arg5[%select_n3A_74, %add3A_250, %dma_wait3A_256, %mul3A_252] : memref<4x67x32x2048xf32, #tpu.memory_space<hbm>> -> memref<1x8x16x128xf32, #tpu.memory_space<hbm>>
        %dma_wait3A_258 = tpu.memref_squeeze %dma_wait3A_257 : memref<1x8x16x128xf32, #tpu.memory_space<hbm>> -> memref<8x16x128xf32, #tpu.memory_space<hbm>>
        tpu.wait_dma2 semaphore(%arg11 : memref<!tpu.dma_semaphore, #tpu.memory_space<semaphore_mem>>) src(%run_scoped3A_108 : memref<8x16x128xf32, #tpu.memory_space<vmem>>) dst(%dma_wait3A_258 : memref<8x16x128xf32, #tpu.memory_space<hbm>>)
        %scan3A_259 = arith.constant 0 : i32
        %scan3A_260 = arith.constant 0 : i32
        %scan3A_261 = arith.constant 16 : i32
        %scan3A_262 = arith.addi %scan3A_260, %scan3A_261 : i32
        %scan3A_263 = arith.constant 1 : i32
        scf.for %scan3A_275 = %scan3A_260 to %scan3A_262 step %scan3A_263  : i32 {
          %add3A_276 = arith.constant 16 : i32
          %add3A_277 = arith.addi %add3A_276, %scan3A_275 : i32
          %get3A = arith.index_cast %add3A_277 : i32 to index
          %get3A_278 = arith.constant 0 : index
          %get3A_279 = tpu.vector_load %arg8[%get3A, %get3A_278] {strides = array<i32>} : memref<32x128xi32, #tpu.memory_space<vmem>>, vector<16xi32>,
          %gather3A = arith.constant 0 : i32
          %gather3A_280 = tpu.memref_slice %run_scoped3A[%gather3A] : memref<65536xf32, #tpu.memory_space<vmem>> -> memref<8192xf32, #tpu.memory_space<vmem>>
          %gather3A_281 = tpu.vector_load_idx %gather3A_280[%get3A_279] : memref<8192xf32, #tpu.memory_space<vmem>>[vector<16xi32>], vector<16xf32>,
          %swap3A = arith.constant 0 : i32
          %swap3A_282 = arith.index_cast %swap3A : i32 to index
          %swap3A_283 = arith.index_cast %scan3A_275 : i32 to index
          %swap3A_284 = arith.constant 0 : index
          %swap3A_285 = tpu.vector_load %run_scoped3A_108[%swap3A_282, %swap3A_283, %swap3A_284] {strides = array<i32>} : memref<8x16x128xf32, #tpu.memory_space<vmem>>, vector<16xf32>,
          tpu.vector_store %run_scoped3A_108[%swap3A_282, %swap3A_283, %swap3A_284], %gather3A_281 {strides = array<i32>} : memref<8x16x128xf32, #tpu.memory_space<vmem>>, vector<16xf32>,
          %gather3A_286 = arith.constant 8192 : i32
          %gather3A_287 = tpu.memref_slice %run_scoped3A[%gather3A_286] : memref<65536xf32, #tpu.memory_space<vmem>> -> memref<8192xf32, #tpu.memory_space<vmem>>
          %gather3A_288 = tpu.vector_load_idx %gather3A_287[%get3A_279] : memref<8192xf32, #tpu.memory_space<vmem>>[vector<16xi32>], vector<16xf32>,
          %swap3A_289 = arith.constant 1 : i32
          %swap3A_290 = arith.index_cast %swap3A_289 : i32 to index
          %swap3A_291 = arith.index_cast %scan3A_275 : i32 to index
          %swap3A_292 = arith.constant 0 : index
          %swap3A_293 = tpu.vector_load %run_scoped3A_108[%swap3A_290, %swap3A_291, %swap3A_292] {strides = array<i32>} : memref<8x16x128xf32, #tpu.memory_space<vmem>>, vector<16xf32>,
          tpu.vector_store %run_scoped3A_108[%swap3A_290, %swap3A_291, %swap3A_292], %gather3A_288 {strides = array<i32>} : memref<8x16x128xf32, #tpu.memory_space<vmem>>, vector<16xf32>,
          %gather3A_294 = arith.constant 16384 : i32
          %gather3A_295 = tpu.memref_slice %run_scoped3A[%gather3A_294] : memref<65536xf32, #tpu.memory_space<vmem>> -> memref<8192xf32, #tpu.memory_space<vmem>>
          %gather3A_296 = tpu.vector_load_idx %gather3A_295[%get3A_279] : memref<8192xf32, #tpu.memory_space<vmem>>[vector<16xi32>], vector<16xf32>,
          %swap3A_297 = arith.constant 2 : i32
          %swap3A_298 = arith.index_cast %swap3A_297 : i32 to index
          %swap3A_299 = arith.index_cast %scan3A_275 : i32 to index
          %swap3A_300 = arith.constant 0 : index
          %swap3A_301 = tpu.vector_load %run_scoped3A_108[%swap3A_298, %swap3A_299, %swap3A_300] {strides = array<i32>} : memref<8x16x128xf32, #tpu.memory_space<vmem>>, vector<16xf32>,
          tpu.vector_store %run_scoped3A_108[%swap3A_298, %swap3A_299, %swap3A_300], %gather3A_296 {strides = array<i32>} : memref<8x16x128xf32, #tpu.memory_space<vmem>>, vector<16xf32>,
          %gather3A_302 = arith.constant 24576 : i32
          %gather3A_303 = tpu.memref_slice %run_scoped3A[%gather3A_302] : memref<65536xf32, #tpu.memory_space<vmem>> -> memref<8192xf32, #tpu.memory_space<vmem>>
          %gather3A_304 = tpu.vector_load_idx %gather3A_303[%get3A_279] : memref<8192xf32, #tpu.memory_space<vmem>>[vector<16xi32>], vector<16xf32>,
          %swap3A_305 = arith.constant 3 : i32
          %swap3A_306 = arith.index_cast %swap3A_305 : i32 to index
          %swap3A_307 = arith.index_cast %scan3A_275 : i32 to index
          %swap3A_308 = arith.constant 0 : index
          %swap3A_309 = tpu.vector_load %run_scoped3A_108[%swap3A_306, %swap3A_307, %swap3A_308] {strides = array<i32>} : memref<8x16x128xf32, #tpu.memory_space<vmem>>, vector<16xf32>,
          tpu.vector_store %run_scoped3A_108[%swap3A_306, %swap3A_307, %swap3A_308], %gather3A_304 {strides = array<i32>} : memref<8x16x128xf32, #tpu.memory_space<vmem>>, vector<16xf32>,
          %gather3A_310 = arith.constant 32768 : i32
          %gather3A_311 = tpu.memref_slice %run_scoped3A[%gather3A_310] : memref<65536xf32, #tpu.memory_space<vmem>> -> memref<8192xf32, #tpu.memory_space<vmem>>
          %gather3A_312 = tpu.vector_load_idx %gather3A_311[%get3A_279] : memref<8192xf32, #tpu.memory_space<vmem>>[vector<16xi32>], vector<16xf32>,
          %swap3A_313 = arith.constant 4 : i32
          %swap3A_314 = arith.index_cast %swap3A_313 : i32 to index
          %swap3A_315 = arith.index_cast %scan3A_275 : i32 to index
          %swap3A_316 = arith.constant 0 : index
          %swap3A_317 = tpu.vector_load %run_scoped3A_108[%swap3A_314, %swap3A_315, %swap3A_316] {strides = array<i32>} : memref<8x16x128xf32, #tpu.memory_space<vmem>>, vector<16xf32>,
          tpu.vector_store %run_scoped3A_108[%swap3A_314, %swap3A_315, %swap3A_316], %gather3A_312 {strides = array<i32>} : memref<8x16x128xf32, #tpu.memory_space<vmem>>, vector<16xf32>,
          %gather3A_318 = arith.constant 40960 : i32
          %gather3A_319 = tpu.memref_slice %run_scoped3A[%gather3A_318] : memref<65536xf32, #tpu.memory_space<vmem>> -> memref<8192xf32, #tpu.memory_space<vmem>>
          %gather3A_320 = tpu.vector_load_idx %gather3A_319[%get3A_279] : memref<8192xf32, #tpu.memory_space<vmem>>[vector<16xi32>], vector<16xf32>,
          %swap3A_321 = arith.constant 5 : i32
          %swap3A_322 = arith.index_cast %swap3A_321 : i32 to index
          %swap3A_323 = arith.index_cast %scan3A_275 : i32 to index
          %swap3A_324 = arith.constant 0 : index
          %swap3A_325 = tpu.vector_load %run_scoped3A_108[%swap3A_322, %swap3A_323, %swap3A_324] {strides = array<i32>} : memref<8x16x128xf32, #tpu.memory_space<vmem>>, vector<16xf32>,
          tpu.vector_store %run_scoped3A_108[%swap3A_322, %swap3A_323, %swap3A_324], %gather3A_320 {strides = array<i32>} : memref<8x16x128xf32, #tpu.memory_space<vmem>>, vector<16xf32>,
          %gather3A_326 = arith.constant 49152 : i32
          %gather3A_327 = tpu.memref_slice %run_scoped3A[%gather3A_326] : memref<65536xf32, #tpu.memory_space<vmem>> -> memref<8192xf32, #tpu.memory_space<vmem>>
          %gather3A_328 = tpu.vector_load_idx %gather3A_327[%get3A_279] : memref<8192xf32, #tpu.memory_space<vmem>>[vector<16xi32>], vector<16xf32>,
          %swap3A_329 = arith.constant 6 : i32
          %swap3A_330 = arith.index_cast %swap3A_329 : i32 to index
          %swap3A_331 = arith.index_cast %scan3A_275 : i32 to index
          %swap3A_332 = arith.constant 0 : index
          %swap3A_333 = tpu.vector_load %run_scoped3A_108[%swap3A_330, %swap3A_331, %swap3A_332] {strides = array<i32>} : memref<8x16x128xf32, #tpu.memory_space<vmem>>, vector<16xf32>,
          tpu.vector_store %run_scoped3A_108[%swap3A_330, %swap3A_331, %swap3A_332], %gather3A_328 {strides = array<i32>} : memref<8x16x128xf32, #tpu.memory_space<vmem>>, vector<16xf32>,
          %gather3A_334 = arith.constant 57344 : i32
          %gather3A_335 = tpu.memref_slice %run_scoped3A[%gather3A_334] : memref<65536xf32, #tpu.memory_space<vmem>> -> memref<8192xf32, #tpu.memory_space<vmem>>
          %gather3A_336 = tpu.vector_load_idx %gather3A_335[%get3A_279] : memref<8192xf32, #tpu.memory_space<vmem>>[vector<16xi32>], vector<16xf32>,
          %swap3A_337 = arith.constant 7 : i32
          %swap3A_338 = arith.index_cast %swap3A_337 : i32 to index
          %swap3A_339 = arith.index_cast %scan3A_275 : i32 to index
          %swap3A_340 = arith.constant 0 : index
          %swap3A_341 = tpu.vector_load %run_scoped3A_108[%swap3A_338, %swap3A_339, %swap3A_340] {strides = array<i32>} : memref<8x16x128xf32, #tpu.memory_space<vmem>>, vector<16xf32>,
          tpu.vector_store %run_scoped3A_108[%swap3A_338, %swap3A_339, %swap3A_340], %gather3A_336 {strides = array<i32>} : memref<8x16x128xf32, #tpu.memory_space<vmem>>, vector<16xf32>,
          %add3A_342 = arith.constant 16 : i32
          %add3A_343 = arith.addi %add3A_342, %scan3A_275 : i32
          %get3A_344 = arith.index_cast %add3A_343 : i32 to index
          %get3A_345 = arith.constant 16 : index
          %get3A_346 = tpu.vector_load %arg8[%get3A_344, %get3A_345] {strides = array<i32>} : memref<32x128xi32, #tpu.memory_space<vmem>>, vector<16xi32>,
          %gather3A_347 = arith.constant 0 : i32
          %gather3A_348 = tpu.memref_slice %run_scoped3A[%gather3A_347] : memref<65536xf32, #tpu.memory_space<vmem>> -> memref<8192xf32, #tpu.memory_space<vmem>>
          %gather3A_349 = tpu.vector_load_idx %gather3A_348[%get3A_346] : memref<8192xf32, #tpu.memory_space<vmem>>[vector<16xi32>], vector<16xf32>,
          %swap3A_350 = arith.constant 0 : i32
          %swap3A_351 = arith.index_cast %swap3A_350 : i32 to index
          %swap3A_352 = arith.index_cast %scan3A_275 : i32 to index
          %swap3A_353 = arith.constant 16 : index
          %swap3A_354 = tpu.vector_load %run_scoped3A_108[%swap3A_351, %swap3A_352, %swap3A_353] {strides = array<i32>} : memref<8x16x128xf32, #tpu.memory_space<vmem>>, vector<16xf32>,
          tpu.vector_store %run_scoped3A_108[%swap3A_351, %swap3A_352, %swap3A_353], %gather3A_349 {strides = array<i32>} : memref<8x16x128xf32, #tpu.memory_space<vmem>>, vector<16xf32>,
          %gather3A_355 = arith.constant 8192 : i32
          %gather3A_356 = tpu.memref_slice %run_scoped3A[%gather3A_355] : memref<65536xf32, #tpu.memory_space<vmem>> -> memref<8192xf32, #tpu.memory_space<vmem>>
          %gather3A_357 = tpu.vector_load_idx %gather3A_356[%get3A_346] : memref<8192xf32, #tpu.memory_space<vmem>>[vector<16xi32>], vector<16xf32>,
          %swap3A_358 = arith.constant 1 : i32
          %swap3A_359 = arith.index_cast %swap3A_358 : i32 to index
          %swap3A_360 = arith.index_cast %scan3A_275 : i32 to index
          %swap3A_361 = arith.constant 16 : index
          %swap3A_362 = tpu.vector_load %run_scoped3A_108[%swap3A_359, %swap3A_360, %swap3A_361] {strides = array<i32>} : memref<8x16x128xf32, #tpu.memory_space<vmem>>, vector<16xf32>,
          tpu.vector_store %run_scoped3A_108[%swap3A_359, %swap3A_360, %swap3A_361], %gather3A_357 {strides = array<i32>} : memref<8x16x128xf32, #tpu.memory_space<vmem>>, vector<16xf32>,
          %gather3A_363 = arith.constant 16384 : i32
          %gather3A_364 = tpu.memref_slice %run_scoped3A[%gather3A_363] : memref<65536xf32, #tpu.memory_space<vmem>> -> memref<8192xf32, #tpu.memory_space<vmem>>
          %gather3A_365 = tpu.vector_load_idx %gather3A_364[%get3A_346] : memref<8192xf32, #tpu.memory_space<vmem>>[vector<16xi32>], vector<16xf32>,
          %swap3A_366 = arith.constant 2 : i32
          %swap3A_367 = arith.index_cast %swap3A_366 : i32 to index
          %swap3A_368 = arith.index_cast %scan3A_275 : i32 to index
          %swap3A_369 = arith.constant 16 : index
          %swap3A_370 = tpu.vector_load %run_scoped3A_108[%swap3A_367, %swap3A_368, %swap3A_369] {strides = array<i32>} : memref<8x16x128xf32, #tpu.memory_space<vmem>>, vector<16xf32>,
          tpu.vector_store %run_scoped3A_108[%swap3A_367, %swap3A_368, %swap3A_369], %gather3A_365 {strides = array<i32>} : memref<8x16x128xf32, #tpu.memory_space<vmem>>, vector<16xf32>,
          %gather3A_371 = arith.constant 24576 : i32
          %gather3A_372 = tpu.memref_slice %run_scoped3A[%gather3A_371] : memref<65536xf32, #tpu.memory_space<vmem>> -> memref<8192xf32, #tpu.memory_space<vmem>>
          %gather3A_373 = tpu.vector_load_idx %gather3A_372[%get3A_346] : memref<8192xf32, #tpu.memory_space<vmem>>[vector<16xi32>], vector<16xf32>,
          %swap3A_374 = arith.constant 3 : i32
          %swap3A_375 = arith.index_cast %swap3A_374 : i32 to index
          %swap3A_376 = arith.index_cast %scan3A_275 : i32 to index
          %swap3A_377 = arith.constant 16 : index
          %swap3A_378 = tpu.vector_load %run_scoped3A_108[%swap3A_375, %swap3A_376, %swap3A_377] {strides = array<i32>} : memref<8x16x128xf32, #tpu.memory_space<vmem>>, vector<16xf32>,
          tpu.vector_store %run_scoped3A_108[%swap3A_375, %swap3A_376, %swap3A_377], %gather3A_373 {strides = array<i32>} : memref<8x16x128xf32, #tpu.memory_space<vmem>>, vector<16xf32>,
          %gather3A_379 = arith.constant 32768 : i32
          %gather3A_380 = tpu.memref_slice %run_scoped3A[%gather3A_379] : memref<65536xf32, #tpu.memory_space<vmem>> -> memref<8192xf32, #tpu.memory_space<vmem>>
          %gather3A_381 = tpu.vector_load_idx %gather3A_380[%get3A_346] : memref<8192xf32, #tpu.memory_space<vmem>>[vector<16xi32>], vector<16xf32>,
          %swap3A_382 = arith.constant 4 : i32
          %swap3A_383 = arith.index_cast %swap3A_382 : i32 to index
          %swap3A_384 = arith.index_cast %scan3A_275 : i32 to index
          %swap3A_385 = arith.constant 16 : index
          %swap3A_386 = tpu.vector_load %run_scoped3A_108[%swap3A_383, %swap3A_384, %swap3A_385] {strides = array<i32>} : memref<8x16x128xf32, #tpu.memory_space<vmem>>, vector<16xf32>,
          tpu.vector_store %run_scoped3A_108[%swap3A_383, %swap3A_384, %swap3A_385], %gather3A_381 {strides = array<i32>} : memref<8x16x128xf32, #tpu.memory_space<vmem>>, vector<16xf32>,
          %gather3A_387 = arith.constant 40960 : i32
          %gather3A_388 = tpu.memref_slice %run_scoped3A[%gather3A_387] : memref<65536xf32, #tpu.memory_space<vmem>> -> memref<8192xf32, #tpu.memory_space<vmem>>
          %gather3A_389 = tpu.vector_load_idx %gather3A_388[%get3A_346] : memref<8192xf32, #tpu.memory_space<vmem>>[vector<16xi32>], vector<16xf32>,
          %swap3A_390 = arith.constant 5 : i32
          %swap3A_391 = arith.index_cast %swap3A_390 : i32 to index
          %swap3A_392 = arith.index_cast %scan3A_275 : i32 to index
          %swap3A_393 = arith.constant 16 : index
          %swap3A_394 = tpu.vector_load %run_scoped3A_108[%swap3A_391, %swap3A_392, %swap3A_393] {strides = array<i32>} : memref<8x16x128xf32, #tpu.memory_space<vmem>>, vector<16xf32>,
          tpu.vector_store %run_scoped3A_108[%swap3A_391, %swap3A_392, %swap3A_393], %gather3A_389 {strides = array<i32>} : memref<8x16x128xf32, #tpu.memory_space<vmem>>, vector<16xf32>,
          %gather3A_395 = arith.constant 49152 : i32
          %gather3A_396 = tpu.memref_slice %run_scoped3A[%gather3A_395] : memref<65536xf32, #tpu.memory_space<vmem>> -> memref<8192xf32, #tpu.memory_space<vmem>>
          %gather3A_397 = tpu.vector_load_idx %gather3A_396[%get3A_346] : memref<8192xf32, #tpu.memory_space<vmem>>[vector<16xi32>], vector<16xf32>,
          %swap3A_398 = arith.constant 6 : i32
          %swap3A_399 = arith.index_cast %swap3A_398 : i32 to index
          %swap3A_400 = arith.index_cast %scan3A_275 : i32 to index
          %swap3A_401 = arith.constant 16 : index
          %swap3A_402 = tpu.vector_load %run_scoped3A_108[%swap3A_399, %swap3A_400, %swap3A_401] {strides = array<i32>} : memref<8x16x128xf32, #tpu.memory_space<vmem>>, vector<16xf32>,
          tpu.vector_store %run_scoped3A_108[%swap3A_399, %swap3A_400, %swap3A_401], %gather3A_397 {strides = array<i32>} : memref<8x16x128xf32, #tpu.memory_space<vmem>>, vector<16xf32>,
          %gather3A_403 = arith.constant 57344 : i32
          %gather3A_404 = tpu.memref_slice %run_scoped3A[%gather3A_403] : memref<65536xf32, #tpu.memory_space<vmem>> -> memref<8192xf32, #tpu.memory_space<vmem>>
          %gather3A_405 = tpu.vector_load_idx %gather3A_404[%get3A_346] : memref<8192xf32, #tpu.memory_space<vmem>>[vector<16xi32>], vector<16xf32>,
          %swap3A_406 = arith.constant 7 : i32
          %swap3A_407 = arith.index_cast %swap3A_406 : i32 to index
          %swap3A_408 = arith.index_cast %scan3A_275 : i32 to index
          %swap3A_409 = arith.constant 16 : index
          %swap3A_410 = tpu.vector_load %run_scoped3A_108[%swap3A_407, %swap3A_408, %swap3A_409] {strides = array<i32>} : memref<8x16x128xf32, #tpu.memory_space<vmem>>, vector<16xf32>,
          tpu.vector_store %run_scoped3A_108[%swap3A_407, %swap3A_408, %swap3A_409], %gather3A_405 {strides = array<i32>} : memref<8x16x128xf32, #tpu.memory_space<vmem>>, vector<16xf32>,
          %add3A_411 = arith.constant 16 : i32
          %add3A_412 = arith.addi %add3A_411, %scan3A_275 : i32
          %get3A_413 = arith.index_cast %add3A_412 : i32 to index
          %get3A_414 = arith.constant 32 : index
          %get3A_415 = tpu.vector_load %arg8[%get3A_413, %get3A_414] {strides = array<i32>} : memref<32x128xi32, #tpu.memory_space<vmem>>, vector<16xi32>,
          %gather3A_416 = arith.constant 0 : i32
          %gather3A_417 = tpu.memref_slice %run_scoped3A[%gather3A_416] : memref<65536xf32, #tpu.memory_space<vmem>> -> memref<8192xf32, #tpu.memory_space<vmem>>
          %gather3A_418 = tpu.vector_load_idx %gather3A_417[%get3A_415] : memref<8192xf32, #tpu.memory_space<vmem>>[vector<16xi32>], vector<16xf32>,
          %swap3A_419 = arith.constant 0 : i32
          %swap3A_420 = arith.index_cast %swap3A_419 : i32 to index
          %swap3A_421 = arith.index_cast %scan3A_275 : i32 to index
          %swap3A_422 = arith.constant 32 : index
          %swap3A_423 = tpu.vector_load %run_scoped3A_108[%swap3A_420, %swap3A_421, %swap3A_422] {strides = array<i32>} : memref<8x16x128xf32, #tpu.memory_space<vmem>>, vector<16xf32>,
          tpu.vector_store %run_scoped3A_108[%swap3A_420, %swap3A_421, %swap3A_422], %gather3A_418 {strides = array<i32>} : memref<8x16x128xf32, #tpu.memory_space<vmem>>, vector<16xf32>,
          %gather3A_424 = arith.constant 8192 : i32
          %gather3A_425 = tpu.memref_slice %run_scoped3A[%gather3A_424] : memref<65536xf32, #tpu.memory_space<vmem>> -> memref<8192xf32, #tpu.memory_space<vmem>>
          %gather3A_426 = tpu.vector_load_idx %gather3A_425[%get3A_415] : memref<8192xf32, #tpu.memory_space<vmem>>[vector<16xi32>], vector<16xf32>,
          %swap3A_427 = arith.constant 1 : i32
          %swap3A_428 = arith.index_cast %swap3A_427 : i32 to index
          %swap3A_429 = arith.index_cast %scan3A_275 : i32 to index
          %swap3A_430 = arith.constant 32 : index
          %swap3A_431 = tpu.vector_load %run_scoped3A_108[%swap3A_428, %swap3A_429, %swap3A_430] {strides = array<i32>} : memref<8x16x128xf32, #tpu.memory_space<vmem>>, vector<16xf32>,
          tpu.vector_store %run_scoped3A_108[%swap3A_428, %swap3A_429, %swap3A_430], %gather3A_426 {strides = array<i32>} : memref<8x16x128xf32, #tpu.memory_space<vmem>>, vector<16xf32>,
          %gather3A_432 = arith.constant 16384 : i32
          %gather3A_433 = tpu.memref_slice %run_scoped3A[%gather3A_432] : memref<65536xf32, #tpu.memory_space<vmem>> -> memref<8192xf32, #tpu.memory_space<vmem>>
          %gather3A_434 = tpu.vector_load_idx %gather3A_433[%get3A_415] : memref<8192xf32, #tpu.memory_space<vmem>>[vector<16xi32>], vector<16xf32>,
          %swap3A_435 = arith.constant 2 : i32
          %swap3A_436 = arith.index_cast %swap3A_435 : i32 to index
          %swap3A_437 = arith.index_cast %scan3A_275 : i32 to index
          %swap3A_438 = arith.constant 32 : index
          %swap3A_439 = tpu.vector_load %run_scoped3A_108[%swap3A_436, %swap3A_437, %swap3A_438] {strides = array<i32>} : memref<8x16x128xf32, #tpu.memory_space<vmem>>, vector<16xf32>,
          tpu.vector_store %run_scoped3A_108[%swap3A_436, %swap3A_437, %swap3A_438], %gather3A_434 {strides = array<i32>} : memref<8x16x128xf32, #tpu.memory_space<vmem>>, vector<16xf32>,
          %gather3A_440 = arith.constant 24576 : i32
          %gather3A_441 = tpu.memref_slice %run_scoped3A[%gather3A_440] : memref<65536xf32, #tpu.memory_space<vmem>> -> memref<8192xf32, #tpu.memory_space<vmem>>
          %gather3A_442 = tpu.vector_load_idx %gather3A_441[%get3A_415] : memref<8192xf32, #tpu.memory_space<vmem>>[vector<16xi32>], vector<16xf32>,
          %swap3A_443 = arith.constant 3 : i32
          %swap3A_444 = arith.index_cast %swap3A_443 : i32 to index
          %swap3A_445 = arith.index_cast %scan3A_275 : i32 to index
          %swap3A_446 = arith.constant 32 : index
          %swap3A_447 = tpu.vector_load %run_scoped3A_108[%swap3A_444, %swap3A_445, %swap3A_446] {strides = array<i32>} : memref<8x16x128xf32, #tpu.memory_space<vmem>>, vector<16xf32>,
          tpu.vector_store %run_scoped3A_108[%swap3A_444, %swap3A_445, %swap3A_446], %gather3A_442 {strides = array<i32>} : memref<8x16x128xf32, #tpu.memory_space<vmem>>, vector<16xf32>,
          %gather3A_448 = arith.constant 32768 : i32
          %gather3A_449 = tpu.memref_slice %run_scoped3A[%gather3A_448] : memref<65536xf32, #tpu.memory_space<vmem>> -> memref<8192xf32, #tpu.memory_space<vmem>>
          %gather3A_450 = tpu.vector_load_idx %gather3A_449[%get3A_415] : memref<8192xf32, #tpu.memory_space<vmem>>[vector<16xi32>], vector<16xf32>,
          %swap3A_451 = arith.constant 4 : i32
          %swap3A_452 = arith.index_cast %swap3A_451 : i32 to index
          %swap3A_453 = arith.index_cast %scan3A_275 : i32 to index
          %swap3A_454 = arith.constant 32 : index
          %swap3A_455 = tpu.vector_load %run_scoped3A_108[%swap3A_452, %swap3A_453, %swap3A_454] {strides = array<i32>} : memref<8x16x128xf32, #tpu.memory_space<vmem>>, vector<16xf32>,
          tpu.vector_store %run_scoped3A_108[%swap3A_452, %swap3A_453, %swap3A_454], %gather3A_450 {strides = array<i32>} : memref<8x16x128xf32, #tpu.memory_space<vmem>>, vector<16xf32>,
          %gather3A_456 = arith.constant 40960 : i32
          %gather3A_457 = tpu.memref_slice %run_scoped3A[%gather3A_456] : memref<65536xf32, #tpu.memory_space<vmem>> -> memref<8192xf32, #tpu.memory_space<vmem>>
          %gather3A_458 = tpu.vector_load_idx %gather3A_457[%get3A_415] : memref<8192xf32, #tpu.memory_space<vmem>>[vector<16xi32>], vector<16xf32>,
          %swap3A_459 = arith.constant 5 : i32
          %swap3A_460 = arith.index_cast %swap3A_459 : i32 to index
          %swap3A_461 = arith.index_cast %scan3A_275 : i32 to index
          %swap3A_462 = arith.constant 32 : index
          %swap3A_463 = tpu.vector_load %run_scoped3A_108[%swap3A_460, %swap3A_461, %swap3A_462] {strides = array<i32>} : memref<8x16x128xf32, #tpu.memory_space<vmem>>, vector<16xf32>,
          tpu.vector_store %run_scoped3A_108[%swap3A_460, %swap3A_461, %swap3A_462], %gather3A_458 {strides = array<i32>} : memref<8x16x128xf32, #tpu.memory_space<vmem>>, vector<16xf32>,
          %gather3A_464 = arith.constant 49152 : i32
          %gather3A_465 = tpu.memref_slice %run_scoped3A[%gather3A_464] : memref<65536xf32, #tpu.memory_space<vmem>> -> memref<8192xf32, #tpu.memory_space<vmem>>
          %gather3A_466 = tpu.vector_load_idx %gather3A_465[%get3A_415] : memref<8192xf32, #tpu.memory_space<vmem>>[vector<16xi32>], vector<16xf32>,
          %swap3A_467 = arith.constant 6 : i32
          %swap3A_468 = arith.index_cast %swap3A_467 : i32 to index
          %swap3A_469 = arith.index_cast %scan3A_275 : i32 to index
          %swap3A_470 = arith.constant 32 : index
          %swap3A_471 = tpu.vector_load %run_scoped3A_108[%swap3A_468, %swap3A_469, %swap3A_470] {strides = array<i32>} : memref<8x16x128xf32, #tpu.memory_space<vmem>>, vector<16xf32>,
          tpu.vector_store %run_scoped3A_108[%swap3A_468, %swap3A_469, %swap3A_470], %gather3A_466 {strides = array<i32>} : memref<8x16x128xf32, #tpu.memory_space<vmem>>, vector<16xf32>,
          %gather3A_472 = arith.constant 57344 : i32
          %gather3A_473 = tpu.memref_slice %run_scoped3A[%gather3A_472] : memref<65536xf32, #tpu.memory_space<vmem>> -> memref<8192xf32, #tpu.memory_space<vmem>>
          %gather3A_474 = tpu.vector_load_idx %gather3A_473[%get3A_415] : memref<8192xf32, #tpu.memory_space<vmem>>[vector<16xi32>], vector<16xf32>,
          %swap3A_475 = arith.constant 7 : i32
          %swap3A_476 = arith.index_cast %swap3A_475 : i32 to index
          %swap3A_477 = arith.index_cast %scan3A_275 : i32 to index
          %swap3A_478 = arith.constant 32 : index
          %swap3A_479 = tpu.vector_load %run_scoped3A_108[%swap3A_476, %swap3A_477, %swap3A_478] {strides = array<i32>} : memref<8x16x128xf32, #tpu.memory_space<vmem>>, vector<16xf32>,
          tpu.vector_store %run_scoped3A_108[%swap3A_476, %swap3A_477, %swap3A_478], %gather3A_474 {strides = array<i32>} : memref<8x16x128xf32, #tpu.memory_space<vmem>>, vector<16xf32>,
          %add3A_480 = arith.constant 16 : i32
          %add3A_481 = arith.addi %add3A_480, %scan3A_275 : i32
          %get3A_482 = arith.index_cast %add3A_481 : i32 to index
          %get3A_483 = arith.constant 48 : index
          %get3A_484 = tpu.vector_load %arg8[%get3A_482, %get3A_483] {strides = array<i32>} : memref<32x128xi32, #tpu.memory_space<vmem>>, vector<16xi32>,
          %gather3A_485 = arith.constant 0 : i32
          %gather3A_486 = tpu.memref_slice %run_scoped3A[%gather3A_485] : memref<65536xf32, #tpu.memory_space<vmem>> -> memref<8192xf32, #tpu.memory_space<vmem>>
          %gather3A_487 = tpu.vector_load_idx %gather3A_486[%get3A_484] : memref<8192xf32, #tpu.memory_space<vmem>>[vector<16xi32>], vector<16xf32>,
          %swap3A_488 = arith.constant 0 : i32
          %swap3A_489 = arith.index_cast %swap3A_488 : i32 to index
          %swap3A_490 = arith.index_cast %scan3A_275 : i32 to index
          %swap3A_491 = arith.constant 48 : index
          %swap3A_492 = tpu.vector_load %run_scoped3A_108[%swap3A_489, %swap3A_490, %swap3A_491] {strides = array<i32>} : memref<8x16x128xf32, #tpu.memory_space<vmem>>, vector<16xf32>,
          tpu.vector_store %run_scoped3A_108[%swap3A_489, %swap3A_490, %swap3A_491], %gather3A_487 {strides = array<i32>} : memref<8x16x128xf32, #tpu.memory_space<vmem>>, vector<16xf32>,
          %gather3A_493 = arith.constant 8192 : i32
          %gather3A_494 = tpu.memref_slice %run_scoped3A[%gather3A_493] : memref<65536xf32, #tpu.memory_space<vmem>> -> memref<8192xf32, #tpu.memory_space<vmem>>
          %gather3A_495 = tpu.vector_load_idx %gather3A_494[%get3A_484] : memref<8192xf32, #tpu.memory_space<vmem>>[vector<16xi32>], vector<16xf32>,
          %swap3A_496 = arith.constant 1 : i32
          %swap3A_497 = arith.index_cast %swap3A_496 : i32 to index
          %swap3A_498 = arith.index_cast %scan3A_275 : i32 to index
          %swap3A_499 = arith.constant 48 : index
          %swap3A_500 = tpu.vector_load %run_scoped3A_108[%swap3A_497, %swap3A_498, %swap3A_499] {strides = array<i32>} : memref<8x16x128xf32, #tpu.memory_space<vmem>>, vector<16xf32>,
          tpu.vector_store %run_scoped3A_108[%swap3A_497, %swap3A_498, %swap3A_499], %gather3A_495 {strides = array<i32>} : memref<8x16x128xf32, #tpu.memory_space<vmem>>, vector<16xf32>,
          %gather3A_501 = arith.constant 16384 : i32
          %gather3A_502 = tpu.memref_slice %run_scoped3A[%gather3A_501] : memref<65536xf32, #tpu.memory_space<vmem>> -> memref<8192xf32, #tpu.memory_space<vmem>>
          %gather3A_503 = tpu.vector_load_idx %gather3A_502[%get3A_484] : memref<8192xf32, #tpu.memory_space<vmem>>[vector<16xi32>], vector<16xf32>,
          %swap3A_504 = arith.constant 2 : i32
          %swap3A_505 = arith.index_cast %swap3A_504 : i32 to index
          %swap3A_506 = arith.index_cast %scan3A_275 : i32 to index
          %swap3A_507 = arith.constant 48 : index
          %swap3A_508 = tpu.vector_load %run_scoped3A_108[%swap3A_505, %swap3A_506, %swap3A_507] {strides = array<i32>} : memref<8x16x128xf32, #tpu.memory_space<vmem>>, vector<16xf32>,
          tpu.vector_store %run_scoped3A_108[%swap3A_505, %swap3A_506, %swap3A_507], %gather3A_503 {strides = array<i32>} : memref<8x16x128xf32, #tpu.memory_space<vmem>>, vector<16xf32>,
          %gather3A_509 = arith.constant 24576 : i32
          %gather3A_510 = tpu.memref_slice %run_scoped3A[%gather3A_509] : memref<65536xf32, #tpu.memory_space<vmem>> -> memref<8192xf32, #tpu.memory_space<vmem>>
          %gather3A_511 = tpu.vector_load_idx %gather3A_510[%get3A_484] : memref<8192xf32, #tpu.memory_space<vmem>>[vector<16xi32>], vector<16xf32>,
          %swap3A_512 = arith.constant 3 : i32
          %swap3A_513 = arith.index_cast %swap3A_512 : i32 to index
          %swap3A_514 = arith.index_cast %scan3A_275 : i32 to index
          %swap3A_515 = arith.constant 48 : index
          %swap3A_516 = tpu.vector_load %run_scoped3A_108[%swap3A_513, %swap3A_514, %swap3A_515] {strides = array<i32>} : memref<8x16x128xf32, #tpu.memory_space<vmem>>, vector<16xf32>,
          tpu.vector_store %run_scoped3A_108[%swap3A_513, %swap3A_514, %swap3A_515], %gather3A_511 {strides = array<i32>} : memref<8x16x128xf32, #tpu.memory_space<vmem>>, vector<16xf32>,
          %gather3A_517 = arith.constant 32768 : i32
          %gather3A_518 = tpu.memref_slice %run_scoped3A[%gather3A_517] : memref<65536xf32, #tpu.memory_space<vmem>> -> memref<8192xf32, #tpu.memory_space<vmem>>
          %gather3A_519 = tpu.vector_load_idx %gather3A_518[%get3A_484] : memref<8192xf32, #tpu.memory_space<vmem>>[vector<16xi32>], vector<16xf32>,
          %swap3A_520 = arith.constant 4 : i32
          %swap3A_521 = arith.index_cast %swap3A_520 : i32 to index
          %swap3A_522 = arith.index_cast %scan3A_275 : i32 to index
          %swap3A_523 = arith.constant 48 : index
          %swap3A_524 = tpu.vector_load %run_scoped3A_108[%swap3A_521, %swap3A_522, %swap3A_523] {strides = array<i32>} : memref<8x16x128xf32, #tpu.memory_space<vmem>>, vector<16xf32>,
          tpu.vector_store %run_scoped3A_108[%swap3A_521, %swap3A_522, %swap3A_523], %gather3A_519 {strides = array<i32>} : memref<8x16x128xf32, #tpu.memory_space<vmem>>, vector<16xf32>,
          %gather3A_525 = arith.constant 40960 : i32
          %gather3A_526 = tpu.memref_slice %run_scoped3A[%gather3A_525] : memref<65536xf32, #tpu.memory_space<vmem>> -> memref<8192xf32, #tpu.memory_space<vmem>>
          %gather3A_527 = tpu.vector_load_idx %gather3A_526[%get3A_484] : memref<8192xf32, #tpu.memory_space<vmem>>[vector<16xi32>], vector<16xf32>,
          %swap3A_528 = arith.constant 5 : i32
          %swap3A_529 = arith.index_cast %swap3A_528 : i32 to index
          %swap3A_530 = arith.index_cast %scan3A_275 : i32 to index
          %swap3A_531 = arith.constant 48 : index
          %swap3A_532 = tpu.vector_load %run_scoped3A_108[%swap3A_529, %swap3A_530, %swap3A_531] {strides = array<i32>} : memref<8x16x128xf32, #tpu.memory_space<vmem>>, vector<16xf32>,
          tpu.vector_store %run_scoped3A_108[%swap3A_529, %swap3A_530, %swap3A_531], %gather3A_527 {strides = array<i32>} : memref<8x16x128xf32, #tpu.memory_space<vmem>>, vector<16xf32>,
          %gather3A_533 = arith.constant 49152 : i32
          %gather3A_534 = tpu.memref_slice %run_scoped3A[%gather3A_533] : memref<65536xf32, #tpu.memory_space<vmem>> -> memref<8192xf32, #tpu.memory_space<vmem>>
          %gather3A_535 = tpu.vector_load_idx %gather3A_534[%get3A_484] : memref<8192xf32, #tpu.memory_space<vmem>>[vector<16xi32>], vector<16xf32>,
          %swap3A_536 = arith.constant 6 : i32
          %swap3A_537 = arith.index_cast %swap3A_536 : i32 to index
          %swap3A_538 = arith.index_cast %scan3A_275 : i32 to index
          %swap3A_539 = arith.constant 48 : index
          %swap3A_540 = tpu.vector_load %run_scoped3A_108[%swap3A_537, %swap3A_538, %swap3A_539] {strides = array<i32>} : memref<8x16x128xf32, #tpu.memory_space<vmem>>, vector<16xf32>,
          tpu.vector_store %run_scoped3A_108[%swap3A_537, %swap3A_538, %swap3A_539], %gather3A_535 {strides = array<i32>} : memref<8x16x128xf32, #tpu.memory_space<vmem>>, vector<16xf32>,
          %gather3A_541 = arith.constant 57344 : i32
          %gather3A_542 = tpu.memref_slice %run_scoped3A[%gather3A_541] : memref<65536xf32, #tpu.memory_space<vmem>> -> memref<8192xf32, #tpu.memory_space<vmem>>
          %gather3A_543 = tpu.vector_load_idx %gather3A_542[%get3A_484] : memref<8192xf32, #tpu.memory_space<vmem>>[vector<16xi32>], vector<16xf32>,
          %swap3A_544 = arith.constant 7 : i32
          %swap3A_545 = arith.index_cast %swap3A_544 : i32 to index
          %swap3A_546 = arith.index_cast %scan3A_275 : i32 to index
          %swap3A_547 = arith.constant 48 : index
          %swap3A_548 = tpu.vector_load %run_scoped3A_108[%swap3A_545, %swap3A_546, %swap3A_547] {strides = array<i32>} : memref<8x16x128xf32, #tpu.memory_space<vmem>>, vector<16xf32>,
          tpu.vector_store %run_scoped3A_108[%swap3A_545, %swap3A_546, %swap3A_547], %gather3A_543 {strides = array<i32>} : memref<8x16x128xf32, #tpu.memory_space<vmem>>, vector<16xf32>,
          %add3A_549 = arith.constant 16 : i32
          %add3A_550 = arith.addi %add3A_549, %scan3A_275 : i32
          %get3A_551 = arith.index_cast %add3A_550 : i32 to index
          %get3A_552 = arith.constant 64 : index
          %get3A_553 = tpu.vector_load %arg8[%get3A_551, %get3A_552] {strides = array<i32>} : memref<32x128xi32, #tpu.memory_space<vmem>>, vector<16xi32>,
          %gather3A_554 = arith.constant 0 : i32
          %gather3A_555 = tpu.memref_slice %run_scoped3A[%gather3A_554] : memref<65536xf32, #tpu.memory_space<vmem>> -> memref<8192xf32, #tpu.memory_space<vmem>>
          %gather3A_556 = tpu.vector_load_idx %gather3A_555[%get3A_553] : memref<8192xf32, #tpu.memory_space<vmem>>[vector<16xi32>], vector<16xf32>,
          %swap3A_557 = arith.constant 0 : i32
          %swap3A_558 = arith.index_cast %swap3A_557 : i32 to index
          %swap3A_559 = arith.index_cast %scan3A_275 : i32 to index
          %swap3A_560 = arith.constant 64 : index
          %swap3A_561 = tpu.vector_load %run_scoped3A_108[%swap3A_558, %swap3A_559, %swap3A_560] {strides = array<i32>} : memref<8x16x128xf32, #tpu.memory_space<vmem>>, vector<16xf32>,
          tpu.vector_store %run_scoped3A_108[%swap3A_558, %swap3A_559, %swap3A_560], %gather3A_556 {strides = array<i32>} : memref<8x16x128xf32, #tpu.memory_space<vmem>>, vector<16xf32>,
          %gather3A_562 = arith.constant 8192 : i32
          %gather3A_563 = tpu.memref_slice %run_scoped3A[%gather3A_562] : memref<65536xf32, #tpu.memory_space<vmem>> -> memref<8192xf32, #tpu.memory_space<vmem>>
          %gather3A_564 = tpu.vector_load_idx %gather3A_563[%get3A_553] : memref<8192xf32, #tpu.memory_space<vmem>>[vector<16xi32>], vector<16xf32>,
          %swap3A_565 = arith.constant 1 : i32
          %swap3A_566 = arith.index_cast %swap3A_565 : i32 to index
          %swap3A_567 = arith.index_cast %scan3A_275 : i32 to index
          %swap3A_568 = arith.constant 64 : index
          %swap3A_569 = tpu.vector_load %run_scoped3A_108[%swap3A_566, %swap3A_567, %swap3A_568] {strides = array<i32>} : memref<8x16x128xf32, #tpu.memory_space<vmem>>, vector<16xf32>,
          tpu.vector_store %run_scoped3A_108[%swap3A_566, %swap3A_567, %swap3A_568], %gather3A_564 {strides = array<i32>} : memref<8x16x128xf32, #tpu.memory_space<vmem>>, vector<16xf32>,
          %gather3A_570 = arith.constant 16384 : i32
          %gather3A_571 = tpu.memref_slice %run_scoped3A[%gather3A_570] : memref<65536xf32, #tpu.memory_space<vmem>> -> memref<8192xf32, #tpu.memory_space<vmem>>
          %gather3A_572 = tpu.vector_load_idx %gather3A_571[%get3A_553] : memref<8192xf32, #tpu.memory_space<vmem>>[vector<16xi32>], vector<16xf32>,
          %swap3A_573 = arith.constant 2 : i32
          %swap3A_574 = arith.index_cast %swap3A_573 : i32 to index
          %swap3A_575 = arith.index_cast %scan3A_275 : i32 to index
          %swap3A_576 = arith.constant 64 : index
          %swap3A_577 = tpu.vector_load %run_scoped3A_108[%swap3A_574, %swap3A_575, %swap3A_576] {strides = array<i32>} : memref<8x16x128xf32, #tpu.memory_space<vmem>>, vector<16xf32>,
          tpu.vector_store %run_scoped3A_108[%swap3A_574, %swap3A_575, %swap3A_576], %gather3A_572 {strides = array<i32>} : memref<8x16x128xf32, #tpu.memory_space<vmem>>, vector<16xf32>,
          %gather3A_578 = arith.constant 24576 : i32
          %gather3A_579 = tpu.memref_slice %run_scoped3A[%gather3A_578] : memref<65536xf32, #tpu.memory_space<vmem>> -> memref<8192xf32, #tpu.memory_space<vmem>>
          %gather3A_580 = tpu.vector_load_idx %gather3A_579[%get3A_553] : memref<8192xf32, #tpu.memory_space<vmem>>[vector<16xi32>], vector<16xf32>,
          %swap3A_581 = arith.constant 3 : i32
          %swap3A_582 = arith.index_cast %swap3A_581 : i32 to index
          %swap3A_583 = arith.index_cast %scan3A_275 : i32 to index
          %swap3A_584 = arith.constant 64 : index
          %swap3A_585 = tpu.vector_load %run_scoped3A_108[%swap3A_582, %swap3A_583, %swap3A_584] {strides = array<i32>} : memref<8x16x128xf32, #tpu.memory_space<vmem>>, vector<16xf32>,
          tpu.vector_store %run_scoped3A_108[%swap3A_582, %swap3A_583, %swap3A_584], %gather3A_580 {strides = array<i32>} : memref<8x16x128xf32, #tpu.memory_space<vmem>>, vector<16xf32>,
          %gather3A_586 = arith.constant 32768 : i32
          %gather3A_587 = tpu.memref_slice %run_scoped3A[%gather3A_586] : memref<65536xf32, #tpu.memory_space<vmem>> -> memref<8192xf32, #tpu.memory_space<vmem>>
          %gather3A_588 = tpu.vector_load_idx %gather3A_587[%get3A_553] : memref<8192xf32, #tpu.memory_space<vmem>>[vector<16xi32>], vector<16xf32>,
          %swap3A_589 = arith.constant 4 : i32
          %swap3A_590 = arith.index_cast %swap3A_589 : i32 to index
          %swap3A_591 = arith.index_cast %scan3A_275 : i32 to index
          %swap3A_592 = arith.constant 64 : index
          %swap3A_593 = tpu.vector_load %run_scoped3A_108[%swap3A_590, %swap3A_591, %swap3A_592] {strides = array<i32>} : memref<8x16x128xf32, #tpu.memory_space<vmem>>, vector<16xf32>,
          tpu.vector_store %run_scoped3A_108[%swap3A_590, %swap3A_591, %swap3A_592], %gather3A_588 {strides = array<i32>} : memref<8x16x128xf32, #tpu.memory_space<vmem>>, vector<16xf32>,
          %gather3A_594 = arith.constant 40960 : i32
          %gather3A_595 = tpu.memref_slice %run_scoped3A[%gather3A_594] : memref<65536xf32, #tpu.memory_space<vmem>> -> memref<8192xf32, #tpu.memory_space<vmem>>
          %gather3A_596 = tpu.vector_load_idx %gather3A_595[%get3A_553] : memref<8192xf32, #tpu.memory_space<vmem>>[vector<16xi32>], vector<16xf32>,
          %swap3A_597 = arith.constant 5 : i32
          %swap3A_598 = arith.index_cast %swap3A_597 : i32 to index
          %swap3A_599 = arith.index_cast %scan3A_275 : i32 to index
          %swap3A_600 = arith.constant 64 : index
          %swap3A_601 = tpu.vector_load %run_scoped3A_108[%swap3A_598, %swap3A_599, %swap3A_600] {strides = array<i32>} : memref<8x16x128xf32, #tpu.memory_space<vmem>>, vector<16xf32>,
          tpu.vector_store %run_scoped3A_108[%swap3A_598, %swap3A_599, %swap3A_600], %gather3A_596 {strides = array<i32>} : memref<8x16x128xf32, #tpu.memory_space<vmem>>, vector<16xf32>,
          %gather3A_602 = arith.constant 49152 : i32
          %gather3A_603 = tpu.memref_slice %run_scoped3A[%gather3A_602] : memref<65536xf32, #tpu.memory_space<vmem>> -> memref<8192xf32, #tpu.memory_space<vmem>>
          %gather3A_604 = tpu.vector_load_idx %gather3A_603[%get3A_553] : memref<8192xf32, #tpu.memory_space<vmem>>[vector<16xi32>], vector<16xf32>,
          %swap3A_605 = arith.constant 6 : i32
          %swap3A_606 = arith.index_cast %swap3A_605 : i32 to index
          %swap3A_607 = arith.index_cast %scan3A_275 : i32 to index
          %swap3A_608 = arith.constant 64 : index
          %swap3A_609 = tpu.vector_load %run_scoped3A_108[%swap3A_606, %swap3A_607, %swap3A_608] {strides = array<i32>} : memref<8x16x128xf32, #tpu.memory_space<vmem>>, vector<16xf32>,
          tpu.vector_store %run_scoped3A_108[%swap3A_606, %swap3A_607, %swap3A_608], %gather3A_604 {strides = array<i32>} : memref<8x16x128xf32, #tpu.memory_space<vmem>>, vector<16xf32>,
          %gather3A_610 = arith.constant 57344 : i32
          %gather3A_611 = tpu.memref_slice %run_scoped3A[%gather3A_610] : memref<65536xf32, #tpu.memory_space<vmem>> -> memref<8192xf32, #tpu.memory_space<vmem>>
          %gather3A_612 = tpu.vector_load_idx %gather3A_611[%get3A_553] : memref<8192xf32, #tpu.memory_space<vmem>>[vector<16xi32>], vector<16xf32>,
          %swap3A_613 = arith.constant 7 : i32
          %swap3A_614 = arith.index_cast %swap3A_613 : i32 to index
          %swap3A_615 = arith.index_cast %scan3A_275 : i32 to index
          %swap3A_616 = arith.constant 64 : index
          %swap3A_617 = tpu.vector_load %run_scoped3A_108[%swap3A_614, %swap3A_615, %swap3A_616] {strides = array<i32>} : memref<8x16x128xf32, #tpu.memory_space<vmem>>, vector<16xf32>,
          tpu.vector_store %run_scoped3A_108[%swap3A_614, %swap3A_615, %swap3A_616], %gather3A_612 {strides = array<i32>} : memref<8x16x128xf32, #tpu.memory_space<vmem>>, vector<16xf32>,
          %add3A_618 = arith.constant 16 : i32
          %add3A_619 = arith.addi %add3A_618, %scan3A_275 : i32
          %get3A_620 = arith.index_cast %add3A_619 : i32 to index
          %get3A_621 = arith.constant 80 : index
          %get3A_622 = tpu.vector_load %arg8[%get3A_620, %get3A_621] {strides = array<i32>} : memref<32x128xi32, #tpu.memory_space<vmem>>, vector<16xi32>,
          %gather3A_623 = arith.constant 0 : i32
          %gather3A_624 = tpu.memref_slice %run_scoped3A[%gather3A_623] : memref<65536xf32, #tpu.memory_space<vmem>> -> memref<8192xf32, #tpu.memory_space<vmem>>
          %gather3A_625 = tpu.vector_load_idx %gather3A_624[%get3A_622] : memref<8192xf32, #tpu.memory_space<vmem>>[vector<16xi32>], vector<16xf32>,
          %swap3A_626 = arith.constant 0 : i32
          %swap3A_627 = arith.index_cast %swap3A_626 : i32 to index
          %swap3A_628 = arith.index_cast %scan3A_275 : i32 to index
          %swap3A_629 = arith.constant 80 : index
          %swap3A_630 = tpu.vector_load %run_scoped3A_108[%swap3A_627, %swap3A_628, %swap3A_629] {strides = array<i32>} : memref<8x16x128xf32, #tpu.memory_space<vmem>>, vector<16xf32>,
          tpu.vector_store %run_scoped3A_108[%swap3A_627, %swap3A_628, %swap3A_629], %gather3A_625 {strides = array<i32>} : memref<8x16x128xf32, #tpu.memory_space<vmem>>, vector<16xf32>,
          %gather3A_631 = arith.constant 8192 : i32
          %gather3A_632 = tpu.memref_slice %run_scoped3A[%gather3A_631] : memref<65536xf32, #tpu.memory_space<vmem>> -> memref<8192xf32, #tpu.memory_space<vmem>>
          %gather3A_633 = tpu.vector_load_idx %gather3A_632[%get3A_622] : memref<8192xf32, #tpu.memory_space<vmem>>[vector<16xi32>], vector<16xf32>,
          %swap3A_634 = arith.constant 1 : i32
          %swap3A_635 = arith.index_cast %swap3A_634 : i32 to index
          %swap3A_636 = arith.index_cast %scan3A_275 : i32 to index
          %swap3A_637 = arith.constant 80 : index
          %swap3A_638 = tpu.vector_load %run_scoped3A_108[%swap3A_635, %swap3A_636, %swap3A_637] {strides = array<i32>} : memref<8x16x128xf32, #tpu.memory_space<vmem>>, vector<16xf32>,
          tpu.vector_store %run_scoped3A_108[%swap3A_635, %swap3A_636, %swap3A_637], %gather3A_633 {strides = array<i32>} : memref<8x16x128xf32, #tpu.memory_space<vmem>>, vector<16xf32>,
          %gather3A_639 = arith.constant 16384 : i32
          %gather3A_640 = tpu.memref_slice %run_scoped3A[%gather3A_639] : memref<65536xf32, #tpu.memory_space<vmem>> -> memref<8192xf32, #tpu.memory_space<vmem>>
          %gather3A_641 = tpu.vector_load_idx %gather3A_640[%get3A_622] : memref<8192xf32, #tpu.memory_space<vmem>>[vector<16xi32>], vector<16xf32>,
          %swap3A_642 = arith.constant 2 : i32
          %swap3A_643 = arith.index_cast %swap3A_642 : i32 to index
          %swap3A_644 = arith.index_cast %scan3A_275 : i32 to index
          %swap3A_645 = arith.constant 80 : index
          %swap3A_646 = tpu.vector_load %run_scoped3A_108[%swap3A_643, %swap3A_644, %swap3A_645] {strides = array<i32>} : memref<8x16x128xf32, #tpu.memory_space<vmem>>, vector<16xf32>,
          tpu.vector_store %run_scoped3A_108[%swap3A_643, %swap3A_644, %swap3A_645], %gather3A_641 {strides = array<i32>} : memref<8x16x128xf32, #tpu.memory_space<vmem>>, vector<16xf32>,
          %gather3A_647 = arith.constant 24576 : i32
          %gather3A_648 = tpu.memref_slice %run_scoped3A[%gather3A_647] : memref<65536xf32, #tpu.memory_space<vmem>> -> memref<8192xf32, #tpu.memory_space<vmem>>
          %gather3A_649 = tpu.vector_load_idx %gather3A_648[%get3A_622] : memref<8192xf32, #tpu.memory_space<vmem>>[vector<16xi32>], vector<16xf32>,
          %swap3A_650 = arith.constant 3 : i32
          %swap3A_651 = arith.index_cast %swap3A_650 : i32 to index
          %swap3A_652 = arith.index_cast %scan3A_275 : i32 to index
          %swap3A_653 = arith.constant 80 : index
          %swap3A_654 = tpu.vector_load %run_scoped3A_108[%swap3A_651, %swap3A_652, %swap3A_653] {strides = array<i32>} : memref<8x16x128xf32, #tpu.memory_space<vmem>>, vector<16xf32>,
          tpu.vector_store %run_scoped3A_108[%swap3A_651, %swap3A_652, %swap3A_653], %gather3A_649 {strides = array<i32>} : memref<8x16x128xf32, #tpu.memory_space<vmem>>, vector<16xf32>,
          %gather3A_655 = arith.constant 32768 : i32
          %gather3A_656 = tpu.memref_slice %run_scoped3A[%gather3A_655] : memref<65536xf32, #tpu.memory_space<vmem>> -> memref<8192xf32, #tpu.memory_space<vmem>>
          %gather3A_657 = tpu.vector_load_idx %gather3A_656[%get3A_622] : memref<8192xf32, #tpu.memory_space<vmem>>[vector<16xi32>], vector<16xf32>,
          %swap3A_658 = arith.constant 4 : i32
          %swap3A_659 = arith.index_cast %swap3A_658 : i32 to index
          %swap3A_660 = arith.index_cast %scan3A_275 : i32 to index
          %swap3A_661 = arith.constant 80 : index
          %swap3A_662 = tpu.vector_load %run_scoped3A_108[%swap3A_659, %swap3A_660, %swap3A_661] {strides = array<i32>} : memref<8x16x128xf32, #tpu.memory_space<vmem>>, vector<16xf32>,
          tpu.vector_store %run_scoped3A_108[%swap3A_659, %swap3A_660, %swap3A_661], %gather3A_657 {strides = array<i32>} : memref<8x16x128xf32, #tpu.memory_space<vmem>>, vector<16xf32>,
          %gather3A_663 = arith.constant 40960 : i32
          %gather3A_664 = tpu.memref_slice %run_scoped3A[%gather3A_663] : memref<65536xf32, #tpu.memory_space<vmem>> -> memref<8192xf32, #tpu.memory_space<vmem>>
          %gather3A_665 = tpu.vector_load_idx %gather3A_664[%get3A_622] : memref<8192xf32, #tpu.memory_space<vmem>>[vector<16xi32>], vector<16xf32>,
          %swap3A_666 = arith.constant 5 : i32
          %swap3A_667 = arith.index_cast %swap3A_666 : i32 to index
          %swap3A_668 = arith.index_cast %scan3A_275 : i32 to index
          %swap3A_669 = arith.constant 80 : index
          %swap3A_670 = tpu.vector_load %run_scoped3A_108[%swap3A_667, %swap3A_668, %swap3A_669] {strides = array<i32>} : memref<8x16x128xf32, #tpu.memory_space<vmem>>, vector<16xf32>,
          tpu.vector_store %run_scoped3A_108[%swap3A_667, %swap3A_668, %swap3A_669], %gather3A_665 {strides = array<i32>} : memref<8x16x128xf32, #tpu.memory_space<vmem>>, vector<16xf32>,
          %gather3A_671 = arith.constant 49152 : i32
          %gather3A_672 = tpu.memref_slice %run_scoped3A[%gather3A_671] : memref<65536xf32, #tpu.memory_space<vmem>> -> memref<8192xf32, #tpu.memory_space<vmem>>
          %gather3A_673 = tpu.vector_load_idx %gather3A_672[%get3A_622] : memref<8192xf32, #tpu.memory_space<vmem>>[vector<16xi32>], vector<16xf32>,
          %swap3A_674 = arith.constant 6 : i32
          %swap3A_675 = arith.index_cast %swap3A_674 : i32 to index
          %swap3A_676 = arith.index_cast %scan3A_275 : i32 to index
          %swap3A_677 = arith.constant 80 : index
          %swap3A_678 = tpu.vector_load %run_scoped3A_108[%swap3A_675, %swap3A_676, %swap3A_677] {strides = array<i32>} : memref<8x16x128xf32, #tpu.memory_space<vmem>>, vector<16xf32>,
          tpu.vector_store %run_scoped3A_108[%swap3A_675, %swap3A_676, %swap3A_677], %gather3A_673 {strides = array<i32>} : memref<8x16x128xf32, #tpu.memory_space<vmem>>, vector<16xf32>,
          %gather3A_679 = arith.constant 57344 : i32
          %gather3A_680 = tpu.memref_slice %run_scoped3A[%gather3A_679] : memref<65536xf32, #tpu.memory_space<vmem>> -> memref<8192xf32, #tpu.memory_space<vmem>>
          %gather3A_681 = tpu.vector_load_idx %gather3A_680[%get3A_622] : memref<8192xf32, #tpu.memory_space<vmem>>[vector<16xi32>], vector<16xf32>,
          %swap3A_682 = arith.constant 7 : i32
          %swap3A_683 = arith.index_cast %swap3A_682 : i32 to index
          %swap3A_684 = arith.index_cast %scan3A_275 : i32 to index
          %swap3A_685 = arith.constant 80 : index
          %swap3A_686 = tpu.vector_load %run_scoped3A_108[%swap3A_683, %swap3A_684, %swap3A_685] {strides = array<i32>} : memref<8x16x128xf32, #tpu.memory_space<vmem>>, vector<16xf32>,
          tpu.vector_store %run_scoped3A_108[%swap3A_683, %swap3A_684, %swap3A_685], %gather3A_681 {strides = array<i32>} : memref<8x16x128xf32, #tpu.memory_space<vmem>>, vector<16xf32>,
          %add3A_687 = arith.constant 16 : i32
          %add3A_688 = arith.addi %add3A_687, %scan3A_275 : i32
          %get3A_689 = arith.index_cast %add3A_688 : i32 to index
          %get3A_690 = arith.constant 96 : index
          %get3A_691 = tpu.vector_load %arg8[%get3A_689, %get3A_690] {strides = array<i32>} : memref<32x128xi32, #tpu.memory_space<vmem>>, vector<16xi32>,
          %gather3A_692 = arith.constant 0 : i32
          %gather3A_693 = tpu.memref_slice %run_scoped3A[%gather3A_692] : memref<65536xf32, #tpu.memory_space<vmem>> -> memref<8192xf32, #tpu.memory_space<vmem>>
          %gather3A_694 = tpu.vector_load_idx %gather3A_693[%get3A_691] : memref<8192xf32, #tpu.memory_space<vmem>>[vector<16xi32>], vector<16xf32>,
          %swap3A_695 = arith.constant 0 : i32
          %swap3A_696 = arith.index_cast %swap3A_695 : i32 to index
          %swap3A_697 = arith.index_cast %scan3A_275 : i32 to index
          %swap3A_698 = arith.constant 96 : index
          %swap3A_699 = tpu.vector_load %run_scoped3A_108[%swap3A_696, %swap3A_697, %swap3A_698] {strides = array<i32>} : memref<8x16x128xf32, #tpu.memory_space<vmem>>, vector<16xf32>,
          tpu.vector_store %run_scoped3A_108[%swap3A_696, %swap3A_697, %swap3A_698], %gather3A_694 {strides = array<i32>} : memref<8x16x128xf32, #tpu.memory_space<vmem>>, vector<16xf32>,
          %gather3A_700 = arith.constant 8192 : i32
          %gather3A_701 = tpu.memref_slice %run_scoped3A[%gather3A_700] : memref<65536xf32, #tpu.memory_space<vmem>> -> memref<8192xf32, #tpu.memory_space<vmem>>
          %gather3A_702 = tpu.vector_load_idx %gather3A_701[%get3A_691] : memref<8192xf32, #tpu.memory_space<vmem>>[vector<16xi32>], vector<16xf32>,
          %swap3A_703 = arith.constant 1 : i32
          %swap3A_704 = arith.index_cast %swap3A_703 : i32 to index
          %swap3A_705 = arith.index_cast %scan3A_275 : i32 to index
          %swap3A_706 = arith.constant 96 : index
          %swap3A_707 = tpu.vector_load %run_scoped3A_108[%swap3A_704, %swap3A_705, %swap3A_706] {strides = array<i32>} : memref<8x16x128xf32, #tpu.memory_space<vmem>>, vector<16xf32>,
          tpu.vector_store %run_scoped3A_108[%swap3A_704, %swap3A_705, %swap3A_706], %gather3A_702 {strides = array<i32>} : memref<8x16x128xf32, #tpu.memory_space<vmem>>, vector<16xf32>,
          %gather3A_708 = arith.constant 16384 : i32
          %gather3A_709 = tpu.memref_slice %run_scoped3A[%gather3A_708] : memref<65536xf32, #tpu.memory_space<vmem>> -> memref<8192xf32, #tpu.memory_space<vmem>>
          %gather3A_710 = tpu.vector_load_idx %gather3A_709[%get3A_691] : memref<8192xf32, #tpu.memory_space<vmem>>[vector<16xi32>], vector<16xf32>,
          %swap3A_711 = arith.constant 2 : i32
          %swap3A_712 = arith.index_cast %swap3A_711 : i32 to index
          %swap3A_713 = arith.index_cast %scan3A_275 : i32 to index
          %swap3A_714 = arith.constant 96 : index
          %swap3A_715 = tpu.vector_load %run_scoped3A_108[%swap3A_712, %swap3A_713, %swap3A_714] {strides = array<i32>} : memref<8x16x128xf32, #tpu.memory_space<vmem>>, vector<16xf32>,
          tpu.vector_store %run_scoped3A_108[%swap3A_712, %swap3A_713, %swap3A_714], %gather3A_710 {strides = array<i32>} : memref<8x16x128xf32, #tpu.memory_space<vmem>>, vector<16xf32>,
          %gather3A_716 = arith.constant 24576 : i32
          %gather3A_717 = tpu.memref_slice %run_scoped3A[%gather3A_716] : memref<65536xf32, #tpu.memory_space<vmem>> -> memref<8192xf32, #tpu.memory_space<vmem>>
          %gather3A_718 = tpu.vector_load_idx %gather3A_717[%get3A_691] : memref<8192xf32, #tpu.memory_space<vmem>>[vector<16xi32>], vector<16xf32>,
          %swap3A_719 = arith.constant 3 : i32
          %swap3A_720 = arith.index_cast %swap3A_719 : i32 to index
          %swap3A_721 = arith.index_cast %scan3A_275 : i32 to index
          %swap3A_722 = arith.constant 96 : index
          %swap3A_723 = tpu.vector_load %run_scoped3A_108[%swap3A_720, %swap3A_721, %swap3A_722] {strides = array<i32>} : memref<8x16x128xf32, #tpu.memory_space<vmem>>, vector<16xf32>,
          tpu.vector_store %run_scoped3A_108[%swap3A_720, %swap3A_721, %swap3A_722], %gather3A_718 {strides = array<i32>} : memref<8x16x128xf32, #tpu.memory_space<vmem>>, vector<16xf32>,
          %gather3A_724 = arith.constant 32768 : i32
          %gather3A_725 = tpu.memref_slice %run_scoped3A[%gather3A_724] : memref<65536xf32, #tpu.memory_space<vmem>> -> memref<8192xf32, #tpu.memory_space<vmem>>
          %gather3A_726 = tpu.vector_load_idx %gather3A_725[%get3A_691] : memref<8192xf32, #tpu.memory_space<vmem>>[vector<16xi32>], vector<16xf32>,
          %swap3A_727 = arith.constant 4 : i32
          %swap3A_728 = arith.index_cast %swap3A_727 : i32 to index
          %swap3A_729 = arith.index_cast %scan3A_275 : i32 to index
          %swap3A_730 = arith.constant 96 : index
          %swap3A_731 = tpu.vector_load %run_scoped3A_108[%swap3A_728, %swap3A_729, %swap3A_730] {strides = array<i32>} : memref<8x16x128xf32, #tpu.memory_space<vmem>>, vector<16xf32>,
          tpu.vector_store %run_scoped3A_108[%swap3A_728, %swap3A_729, %swap3A_730], %gather3A_726 {strides = array<i32>} : memref<8x16x128xf32, #tpu.memory_space<vmem>>, vector<16xf32>,
          %gather3A_732 = arith.constant 40960 : i32
          %gather3A_733 = tpu.memref_slice %run_scoped3A[%gather3A_732] : memref<65536xf32, #tpu.memory_space<vmem>> -> memref<8192xf32, #tpu.memory_space<vmem>>
          %gather3A_734 = tpu.vector_load_idx %gather3A_733[%get3A_691] : memref<8192xf32, #tpu.memory_space<vmem>>[vector<16xi32>], vector<16xf32>,
          %swap3A_735 = arith.constant 5 : i32
          %swap3A_736 = arith.index_cast %swap3A_735 : i32 to index
          %swap3A_737 = arith.index_cast %scan3A_275 : i32 to index
          %swap3A_738 = arith.constant 96 : index
          %swap3A_739 = tpu.vector_load %run_scoped3A_108[%swap3A_736, %swap3A_737, %swap3A_738] {strides = array<i32>} : memref<8x16x128xf32, #tpu.memory_space<vmem>>, vector<16xf32>,
          tpu.vector_store %run_scoped3A_108[%swap3A_736, %swap3A_737, %swap3A_738], %gather3A_734 {strides = array<i32>} : memref<8x16x128xf32, #tpu.memory_space<vmem>>, vector<16xf32>,
          %gather3A_740 = arith.constant 49152 : i32
          %gather3A_741 = tpu.memref_slice %run_scoped3A[%gather3A_740] : memref<65536xf32, #tpu.memory_space<vmem>> -> memref<8192xf32, #tpu.memory_space<vmem>>
          %gather3A_742 = tpu.vector_load_idx %gather3A_741[%get3A_691] : memref<8192xf32, #tpu.memory_space<vmem>>[vector<16xi32>], vector<16xf32>,
          %swap3A_743 = arith.constant 6 : i32
          %swap3A_744 = arith.index_cast %swap3A_743 : i32 to index
          %swap3A_745 = arith.index_cast %scan3A_275 : i32 to index
          %swap3A_746 = arith.constant 96 : index
          %swap3A_747 = tpu.vector_load %run_scoped3A_108[%swap3A_744, %swap3A_745, %swap3A_746] {strides = array<i32>} : memref<8x16x128xf32, #tpu.memory_space<vmem>>, vector<16xf32>,
          tpu.vector_store %run_scoped3A_108[%swap3A_744, %swap3A_745, %swap3A_746], %gather3A_742 {strides = array<i32>} : memref<8x16x128xf32, #tpu.memory_space<vmem>>, vector<16xf32>,
          %gather3A_748 = arith.constant 57344 : i32
          %gather3A_749 = tpu.memref_slice %run_scoped3A[%gather3A_748] : memref<65536xf32, #tpu.memory_space<vmem>> -> memref<8192xf32, #tpu.memory_space<vmem>>
          %gather3A_750 = tpu.vector_load_idx %gather3A_749[%get3A_691] : memref<8192xf32, #tpu.memory_space<vmem>>[vector<16xi32>], vector<16xf32>,
          %swap3A_751 = arith.constant 7 : i32
          %swap3A_752 = arith.index_cast %swap3A_751 : i32 to index
          %swap3A_753 = arith.index_cast %scan3A_275 : i32 to index
          %swap3A_754 = arith.constant 96 : index
          %swap3A_755 = tpu.vector_load %run_scoped3A_108[%swap3A_752, %swap3A_753, %swap3A_754] {strides = array<i32>} : memref<8x16x128xf32, #tpu.memory_space<vmem>>, vector<16xf32>,
          tpu.vector_store %run_scoped3A_108[%swap3A_752, %swap3A_753, %swap3A_754], %gather3A_750 {strides = array<i32>} : memref<8x16x128xf32, #tpu.memory_space<vmem>>, vector<16xf32>,
          %add3A_756 = arith.constant 16 : i32
          %add3A_757 = arith.addi %add3A_756, %scan3A_275 : i32
          %get3A_758 = arith.index_cast %add3A_757 : i32 to index
          %get3A_759 = arith.constant 112 : index
          %get3A_760 = tpu.vector_load %arg8[%get3A_758, %get3A_759] {strides = array<i32>} : memref<32x128xi32, #tpu.memory_space<vmem>>, vector<16xi32>,
          %gather3A_761 = arith.constant 0 : i32
          %gather3A_762 = tpu.memref_slice %run_scoped3A[%gather3A_761] : memref<65536xf32, #tpu.memory_space<vmem>> -> memref<8192xf32, #tpu.memory_space<vmem>>
          %gather3A_763 = tpu.vector_load_idx %gather3A_762[%get3A_760] : memref<8192xf32, #tpu.memory_space<vmem>>[vector<16xi32>], vector<16xf32>,
          %swap3A_764 = arith.constant 0 : i32
          %swap3A_765 = arith.index_cast %swap3A_764 : i32 to index
          %swap3A_766 = arith.index_cast %scan3A_275 : i32 to index
          %swap3A_767 = arith.constant 112 : index
          %swap3A_768 = tpu.vector_load %run_scoped3A_108[%swap3A_765, %swap3A_766, %swap3A_767] {strides = array<i32>} : memref<8x16x128xf32, #tpu.memory_space<vmem>>, vector<16xf32>,
          tpu.vector_store %run_scoped3A_108[%swap3A_765, %swap3A_766, %swap3A_767], %gather3A_763 {strides = array<i32>} : memref<8x16x128xf32, #tpu.memory_space<vmem>>, vector<16xf32>,
          %gather3A_769 = arith.constant 8192 : i32
          %gather3A_770 = tpu.memref_slice %run_scoped3A[%gather3A_769] : memref<65536xf32, #tpu.memory_space<vmem>> -> memref<8192xf32, #tpu.memory_space<vmem>>
          %gather3A_771 = tpu.vector_load_idx %gather3A_770[%get3A_760] : memref<8192xf32, #tpu.memory_space<vmem>>[vector<16xi32>], vector<16xf32>,
          %swap3A_772 = arith.constant 1 : i32
          %swap3A_773 = arith.index_cast %swap3A_772 : i32 to index
          %swap3A_774 = arith.index_cast %scan3A_275 : i32 to index
          %swap3A_775 = arith.constant 112 : index
          %swap3A_776 = tpu.vector_load %run_scoped3A_108[%swap3A_773, %swap3A_774, %swap3A_775] {strides = array<i32>} : memref<8x16x128xf32, #tpu.memory_space<vmem>>, vector<16xf32>,
          tpu.vector_store %run_scoped3A_108[%swap3A_773, %swap3A_774, %swap3A_775], %gather3A_771 {strides = array<i32>} : memref<8x16x128xf32, #tpu.memory_space<vmem>>, vector<16xf32>,
          %gather3A_777 = arith.constant 16384 : i32
          %gather3A_778 = tpu.memref_slice %run_scoped3A[%gather3A_777] : memref<65536xf32, #tpu.memory_space<vmem>> -> memref<8192xf32, #tpu.memory_space<vmem>>
          %gather3A_779 = tpu.vector_load_idx %gather3A_778[%get3A_760] : memref<8192xf32, #tpu.memory_space<vmem>>[vector<16xi32>], vector<16xf32>,
          %swap3A_780 = arith.constant 2 : i32
          %swap3A_781 = arith.index_cast %swap3A_780 : i32 to index
          %swap3A_782 = arith.index_cast %scan3A_275 : i32 to index
          %swap3A_783 = arith.constant 112 : index
          %swap3A_784 = tpu.vector_load %run_scoped3A_108[%swap3A_781, %swap3A_782, %swap3A_783] {strides = array<i32>} : memref<8x16x128xf32, #tpu.memory_space<vmem>>, vector<16xf32>,
          tpu.vector_store %run_scoped3A_108[%swap3A_781, %swap3A_782, %swap3A_783], %gather3A_779 {strides = array<i32>} : memref<8x16x128xf32, #tpu.memory_space<vmem>>, vector<16xf32>,
          %gather3A_785 = arith.constant 24576 : i32
          %gather3A_786 = tpu.memref_slice %run_scoped3A[%gather3A_785] : memref<65536xf32, #tpu.memory_space<vmem>> -> memref<8192xf32, #tpu.memory_space<vmem>>
          %gather3A_787 = tpu.vector_load_idx %gather3A_786[%get3A_760] : memref<8192xf32, #tpu.memory_space<vmem>>[vector<16xi32>], vector<16xf32>,
          %swap3A_788 = arith.constant 3 : i32
          %swap3A_789 = arith.index_cast %swap3A_788 : i32 to index
          %swap3A_790 = arith.index_cast %scan3A_275 : i32 to index
          %swap3A_791 = arith.constant 112 : index
          %swap3A_792 = tpu.vector_load %run_scoped3A_108[%swap3A_789, %swap3A_790, %swap3A_791] {strides = array<i32>} : memref<8x16x128xf32, #tpu.memory_space<vmem>>, vector<16xf32>,
          tpu.vector_store %run_scoped3A_108[%swap3A_789, %swap3A_790, %swap3A_791], %gather3A_787 {strides = array<i32>} : memref<8x16x128xf32, #tpu.memory_space<vmem>>, vector<16xf32>,
          %gather3A_793 = arith.constant 32768 : i32
          %gather3A_794 = tpu.memref_slice %run_scoped3A[%gather3A_793] : memref<65536xf32, #tpu.memory_space<vmem>> -> memref<8192xf32, #tpu.memory_space<vmem>>
          %gather3A_795 = tpu.vector_load_idx %gather3A_794[%get3A_760] : memref<8192xf32, #tpu.memory_space<vmem>>[vector<16xi32>], vector<16xf32>,
          %swap3A_796 = arith.constant 4 : i32
          %swap3A_797 = arith.index_cast %swap3A_796 : i32 to index
          %swap3A_798 = arith.index_cast %scan3A_275 : i32 to index
          %swap3A_799 = arith.constant 112 : index
          %swap3A_800 = tpu.vector_load %run_scoped3A_108[%swap3A_797, %swap3A_798, %swap3A_799] {strides = array<i32>} : memref<8x16x128xf32, #tpu.memory_space<vmem>>, vector<16xf32>,
          tpu.vector_store %run_scoped3A_108[%swap3A_797, %swap3A_798, %swap3A_799], %gather3A_795 {strides = array<i32>} : memref<8x16x128xf32, #tpu.memory_space<vmem>>, vector<16xf32>,
          %gather3A_801 = arith.constant 40960 : i32
          %gather3A_802 = tpu.memref_slice %run_scoped3A[%gather3A_801] : memref<65536xf32, #tpu.memory_space<vmem>> -> memref<8192xf32, #tpu.memory_space<vmem>>
          %gather3A_803 = tpu.vector_load_idx %gather3A_802[%get3A_760] : memref<8192xf32, #tpu.memory_space<vmem>>[vector<16xi32>], vector<16xf32>,
          %swap3A_804 = arith.constant 5 : i32
          %swap3A_805 = arith.index_cast %swap3A_804 : i32 to index
          %swap3A_806 = arith.index_cast %scan3A_275 : i32 to index
          %swap3A_807 = arith.constant 112 : index
          %swap3A_808 = tpu.vector_load %run_scoped3A_108[%swap3A_805, %swap3A_806, %swap3A_807] {strides = array<i32>} : memref<8x16x128xf32, #tpu.memory_space<vmem>>, vector<16xf32>,
          tpu.vector_store %run_scoped3A_108[%swap3A_805, %swap3A_806, %swap3A_807], %gather3A_803 {strides = array<i32>} : memref<8x16x128xf32, #tpu.memory_space<vmem>>, vector<16xf32>,
          %gather3A_809 = arith.constant 49152 : i32
          %gather3A_810 = tpu.memref_slice %run_scoped3A[%gather3A_809] : memref<65536xf32, #tpu.memory_space<vmem>> -> memref<8192xf32, #tpu.memory_space<vmem>>
          %gather3A_811 = tpu.vector_load_idx %gather3A_810[%get3A_760] : memref<8192xf32, #tpu.memory_space<vmem>>[vector<16xi32>], vector<16xf32>,
          %swap3A_812 = arith.constant 6 : i32
          %swap3A_813 = arith.index_cast %swap3A_812 : i32 to index
          %swap3A_814 = arith.index_cast %scan3A_275 : i32 to index
          %swap3A_815 = arith.constant 112 : index
          %swap3A_816 = tpu.vector_load %run_scoped3A_108[%swap3A_813, %swap3A_814, %swap3A_815] {strides = array<i32>} : memref<8x16x128xf32, #tpu.memory_space<vmem>>, vector<16xf32>,
          tpu.vector_store %run_scoped3A_108[%swap3A_813, %swap3A_814, %swap3A_815], %gather3A_811 {strides = array<i32>} : memref<8x16x128xf32, #tpu.memory_space<vmem>>, vector<16xf32>,
          %gather3A_817 = arith.constant 57344 : i32
          %gather3A_818 = tpu.memref_slice %run_scoped3A[%gather3A_817] : memref<65536xf32, #tpu.memory_space<vmem>> -> memref<8192xf32, #tpu.memory_space<vmem>>
          %gather3A_819 = tpu.vector_load_idx %gather3A_818[%get3A_760] : memref<8192xf32, #tpu.memory_space<vmem>>[vector<16xi32>], vector<16xf32>,
          %swap3A_820 = arith.constant 7 : i32
          %swap3A_821 = arith.index_cast %swap3A_820 : i32 to index
          %swap3A_822 = arith.index_cast %scan3A_275 : i32 to index
          %swap3A_823 = arith.constant 112 : index
          %swap3A_824 = tpu.vector_load %run_scoped3A_108[%swap3A_821, %swap3A_822, %swap3A_823] {strides = array<i32>} : memref<8x16x128xf32, #tpu.memory_space<vmem>>, vector<16xf32>,
          tpu.vector_store %run_scoped3A_108[%swap3A_821, %swap3A_822, %swap3A_823], %gather3A_819 {strides = array<i32>} : memref<8x16x128xf32, #tpu.memory_space<vmem>>, vector<16xf32>,
        }
        %scan3A_264 = arith.constant 16 : i32
        %add3A_265 = arith.constant 3 : i32
        %add3A_266 = arith.addi %add3A_265, %select_n3A_90 : i32
        %mul3A_267 = arith.constant 128 : i32
        %mul3A_268 = arith.muli %scan3A_173, %mul3A_267 : i32
        %dma_start3A_269 = arith.constant 16 : i32
        %dma_start3A_270 = tpu.memref_slice %arg5[%select_n3A_74, %add3A_266, %dma_start3A_269, %mul3A_268] : memref<4x67x32x2048xf32, #tpu.memory_space<hbm>> -> memref<1x8x16x128xf32, #tpu.memory_space<hbm>>
        %dma_start3A_271 = tpu.memref_squeeze %dma_start3A_270 : memref<1x8x16x128xf32, #tpu.memory_space<hbm>> -> memref<8x16x128xf32, #tpu.memory_space<hbm>>
        %dma_start3A_272 = arith.constant 16 : i32
        %dma_start3A_273 = tpu.memref_slice %arg5[%select_n3A_74, %add3A_266, %dma_start3A_272, %mul3A_268] : memref<4x67x32x2048xf32, #tpu.memory_space<hbm>> -> memref<1x8x16x128xf32, #tpu.memory_space<hbm>>
        %dma_start3A_274 = tpu.memref_squeeze %dma_start3A_273 : memref<1x8x16x128xf32, #tpu.memory_space<hbm>> -> memref<8x16x128xf32, #tpu.memory_space<hbm>>
        tpu.enqueue_dma source(%run_scoped3A_108 : memref<8x16x128xf32, #tpu.memory_space<vmem>>) target(%dma_start3A_274 : memref<8x16x128xf32, #tpu.memory_space<hbm>>) target_semaphore(%arg11 : memref<!tpu.dma_semaphore, #tpu.memory_space<semaphore_mem>>)
      }
      %scan3A_153 = arith.constant 15 : i32
      %add3A_154 = arith.constant 3 : i32
      %add3A_155 = arith.addi %add3A_154, %select_n3A_90 : i32
      %dma_wait3A = arith.constant 0 : i32
      %dma_wait3A_156 = arith.constant 1920 : i32
      %dma_wait3A_157 = tpu.memref_slice %arg5[%select_n3A_74, %add3A_155, %dma_wait3A, %dma_wait3A_156] : memref<4x67x32x2048xf32, #tpu.memory_space<hbm>> -> memref<1x8x16x128xf32, #tpu.memory_space<hbm>>
      %dma_wait3A_158 = tpu.memref_squeeze %dma_wait3A_157 : memref<1x8x16x128xf32, #tpu.memory_space<hbm>> -> memref<8x16x128xf32, #tpu.memory_space<hbm>>
      %dma_wait3A_159 = arith.constant 0 : i32
      %dma_wait3A_160 = arith.constant 1920 : i32
      %dma_wait3A_161 = tpu.memref_slice %arg5[%select_n3A_74, %add3A_155, %dma_wait3A_159, %dma_wait3A_160] : memref<4x67x32x2048xf32, #tpu.memory_space<hbm>> -> memref<1x8x16x128xf32, #tpu.memory_space<hbm>>
      %dma_wait3A_162 = tpu.memref_squeeze %dma_wait3A_161 : memref<1x8x16x128xf32, #tpu.memory_space<hbm>> -> memref<8x16x128xf32, #tpu.memory_space<hbm>>
      tpu.wait_dma2 semaphore(%arg10 : memref<!tpu.dma_semaphore, #tpu.memory_space<semaphore_mem>>) src(%run_scoped3A_107 : memref<8x16x128xf32, #tpu.memory_space<vmem>>) dst(%dma_wait3A_162 : memref<8x16x128xf32, #tpu.memory_space<hbm>>)
      %add3A_163 = arith.constant 3 : i32
      %add3A_164 = arith.addi %add3A_163, %select_n3A_90 : i32
      %dma_wait3A_165 = arith.constant 16 : i32
      %dma_wait3A_166 = arith.constant 1920 : i32
      %dma_wait3A_167 = tpu.memref_slice %arg5[%select_n3A_74, %add3A_164, %dma_wait3A_165, %dma_wait3A_166] : memref<4x67x32x2048xf32, #tpu.memory_space<hbm>> -> memref<1x8x16x128xf32, #tpu.memory_space<hbm>>
      %dma_wait3A_168 = tpu.memref_squeeze %dma_wait3A_167 : memref<1x8x16x128xf32, #tpu.memory_space<hbm>> -> memref<8x16x128xf32, #tpu.memory_space<hbm>>
      %dma_wait3A_169 = arith.constant 16 : i32
      %dma_wait3A_170 = arith.constant 1920 : i32
      %dma_wait3A_171 = tpu.memref_slice %arg5[%select_n3A_74, %add3A_164, %dma_wait3A_169, %dma_wait3A_170] : memref<4x67x32x2048xf32, #tpu.memory_space<hbm>> -> memref<1x8x16x128xf32, #tpu.memory_space<hbm>>
      %dma_wait3A_172 = tpu.memref_squeeze %dma_wait3A_171 : memref<1x8x16x128xf32, #tpu.memory_space<hbm>> -> memref<8x16x128xf32, #tpu.memory_space<hbm>>
      tpu.wait_dma2 semaphore(%arg11 : memref<!tpu.dma_semaphore, #tpu.memory_space<semaphore_mem>>) src(%run_scoped3A_108 : memref<8x16x128xf32, #tpu.memory_space<vmem>>) dst(%dma_wait3A_172 : memref<8x16x128xf32, #tpu.memory_space<hbm>>)
      tpu.yield
    }) : () -> ()
    return
  }
}

</mosaic_0001>

<sc_bundles>
// kernel: kernel.3.cloned.1.call-start
scs
__scs_entry_jumppad:
0x0: {  	(pc) =	sbr.rel $0x88, $3  }
0x1: {  	(tag) =	ssettag $0x0;
	lr =	simm.s32 $0x1  }
0x2: {  	[smem:$0x3F9E] =	sst lr;
	_ =	strace $0xD0000000  }
0x3: {  	_ = 	snop  }
0x4: {  	_ = 	snop  }
0x5: {  	_ = 	snop  }
0x6: {  	_ = 	snop  }
0x7: {  	_ = 	snop  }
__scs_overlays_trampoline_lowered:
0x8: {  	[smem:$0x3FAD] =	sst s0  }
0x9: {  	[smem:$0x3FAE] =	sst s1  }
0xa: {  	[smem:$0x3FAF] =	sst s2  }
0xb: {  	[smem:$0x3FB0] =	sst s3  }
0xc: {  	[smem:$0x3FB1] =	sst s4  }
0xd: {  	[smem:$0x3FB2] =	sst s5  }
0xe: {  	[smem:$0x3FB3] =	sst s6  }
0xf: {  	[smem:$0x3FB4] =	sst s7  }
0x10: {  	[smem:$0x3FB5] =	sst s8  }
0x11: {  	[smem:$0x3FB6] =	sst s9;
	s0 =	simm.s32 @!p0 $0x0  }
0x12: {  	s1 =	sld [smem:$0x3F9C];
	s0 =	simm.s32 @p0 $0x1  }
0x13: {  	[smem:$0x3FB7] =	sst s0;
	s0 =	simm.s32 @!p1 $0x0  }
0x14: {  	s2 =	sld [smem:$0x3F9B];
	s0 =	simm.s32 @p1 $0x1  }
0x15: {  	[smem:$0x3FB8] =	sst s0;
	s0 =	simm.s32 @!p2 $0x0  }
0x16: {  	s3 =	sld [smem:$0x3FDB];
	s0 =	simm.s32 @p2 $0x1  }
0x17: {  	s4 =	simm.s32 $0x1BF5;
	[smem:$0x3FBA] =	sst s0  }
0x18: {  	s0 =	sld [smem:$0x3F9D];
	_ =	swait.ge [sflag:s4], $0x0  }
0x19: {  	s7 =	sld [smem:$0x3F9E]  }
0x1a: {  	s8 =	sadd.s32 $0xFFFFE003, lr  }
0x1b: {  	s9 =	sadd.s32 $0xFFFFFEF7, lr;
	s5 =	simm.s32 $0xFFFFFFFF;
	p2 =	slt.u32 s8, $0xFFFFF086  }
0x1c: {  	p1 =	slt.u32 s9, $0xF7A;
	s5 =	simm.s32 @!p2 $0x0  }
0x1d: {  	s5 =	simm.s32 @p1 $0x1;
	p0 =	seq.s32 s7, s2  }
0x1e: {  	s7 =	smul.u32 @!p0 $0xF7A, s2;
	p2 =	seq.s32 @!p0 s5, $0x0  }
0x1f: {  	s9 =	smul.u32 $0xF7A, s1;
	s8 =	simm.s32 @!p0 $0x1BF5;
	p2 =	por !p2, p0  }
0x20: {  	[sflag:s8] =	ssyncset.s32 @!p0 $0xFFFFF086;
	s6 =	sadd.s32 @!p0 s3, s7;
	s7 =	simm.s32 @!p0 $0x108  }
0x21: {  	s3 =	sadd.s32 s3, s9;
	s6 =	sadd.s32 @!p0 $0x88, s6;
	s7 =	simm.s32 @p2 $0x1082  }
0x22: {  	[simem:s7], [sflag:s8] =	dma.local @!p0 [hbm:s6], $0xF7A  }
0x23: {  	s9 =	sor.u32 $0xD0000000, s2;
	s6 =	simm.s32 $0x108;
	_ =	swait.ge @!p0 [sflag:s8], $0x0  }
0x24: {  	s3 =	sadd.s32 $0x88, s3;
	s6 =	simm.s32 @!p1 $0x1082;
	[sflag:s4] =	ssyncset.s32 $0xFFFFF086  }
0x25: {  	[simem:s6], [sflag:s4] =	dma.local [hbm:s3], $0xF7A  }
0x26: {  	[smem:$0x3F9E] =	sst s1;
	(tag) =	ssettag s2;
	_ =	strace s9  }
0x27: {  	s1 =	sld [smem:$0x3FAE]  }
0x28: {  	s2 =	sld [smem:$0x3FAF]  }
0x29: {  	s4 =	sld [smem:$0x3FB1]  }
0x2a: {  	p0 =	seq.s32 s5, $0x0;
	s5 =	sld [smem:$0x3FB2]  }
0x2b: {  	s6 =	sld [smem:$0x3FB3]  }
0x2c: {  	s7 =	sld [smem:$0x3FB4]  }
0x2d: {  	s3 =	simm.s32 $0x108;
	s8 =	sld [smem:$0x3FB5]  }
0x2e: {  	s3 =	simm.s32 @!p0 $0x1082;
	s9 =	sld [smem:$0x3FB6]  }
0x2f: {  	lr =	sadd.s32 s0, s3;
	s0 =	sld [smem:$0x3FAD]  }
0x30: {  	s3 =	sld [smem:$0x3FB0]  }
0x31: {  	[smem:$0x3FB9] =	sst s10  }
0x32: {  	s10 =	sld [smem:$0x3FB7];
	_ =	sdelay $0x3  }
0x33: {  	p0 =	seq.s32 s10, $0x1;
	s10 =	sld [smem:$0x3FB9];
	_ =	sdelay $0x3  }
0x34: {  	[smem:$0x3FB9] =	sst s10  }
0x35: {  	s10 =	sld [smem:$0x3FB8];
	_ =	sdelay $0x3  }
0x36: {  	p1 =	seq.s32 s10, $0x1;
	s10 =	sld [smem:$0x3FB9];
	_ =	sdelay $0x3  }
0x37: {  	[smem:$0x3FB9] =	sst s10  }
0x38: {  	s10 =	sld [smem:$0x3FBA]  }
0x39: {  	_ = 	snop;
	(pc) =	sbr.ind lr, $3  }
0x3a: {  	_ = 	snop  }
0x3b: {  	_ = 	snop  }
0x3c: {  	p2 =	seq.s32 s10, $0x1;
	s10 =	sld [smem:$0x3FB9]  }
0x3d: {  	_ =	shalt  }
0x3e: {  	_ =	shalt  }
0x3f: {  	_ =	shalt  }
0x40: {  	_ =	shalt  }
0x41: {  	_ =	shalt  }
0x42: {  	_ =	shalt  }
0x43: {  	_ =	shalt  }
0x44: {  	_ =	shalt  }
0x45: {  	_ =	shalt  }
0x46: {  	_ =	shalt  }
0x47: {  	_ =	shalt  }
0x48: {  	_ =	shalt  }
0x49: {  	_ =	shalt  }
0x4a: {  	_ =	shalt  }
0x4b: {  	_ =	shalt  }
0x4c: {  	_ =	shalt  }
0x4d: {  	_ =	shalt  }
0x4e: {  	_ =	shalt  }
0x4f: {  	_ =	shalt  }
0x50: {  	_ =	shalt  }
0x51: {  	_ =	shalt  }
0x52: {  	_ =	shalt  }
0x53: {  	_ =	shalt  }
0x54: {  	_ =	shalt  }
0x55: {  	_ =	shalt  }
0x56: {  	_ =	shalt  }
0x57: {  	_ =	shalt  }
0x58: {  	_ =	shalt  }
0x59: {  	_ =	shalt  }
0x5a: {  	_ =	shalt  }
0x5b: {  	_ =	shalt  }
0x5c: {  	_ =	shalt  }
0x5d: {  	_ =	shalt  }
0x5e: {  	_ =	shalt  }
0x5f: {  	_ =	shalt  }
0x60: {  	_ =	shalt  }
0x61: {  	_ =	shalt  }
0x62: {  	_ =	shalt  }
0x63: {  	_ =	shalt  }
0x64: {  	_ =	shalt  }
0x65: {  	_ =	shalt  }
0x66: {  	_ =	shalt  }
0x67: {  	_ =	shalt  }
0x68: {  	_ =	shalt  }
0x69: {  	_ =	shalt  }
0x6a: {  	_ =	shalt  }
0x6b: {  	_ =	shalt  }
0x6c: {  	_ =	shalt  }
0x6d: {  	_ =	shalt  }
0x6e: {  	_ =	shalt  }
0x6f: {  	_ =	shalt  }
0x70: {  	_ =	shalt  }
0x71: {  	_ =	shalt  }
0x72: {  	_ =	shalt  }
0x73: {  	_ =	shalt  }
0x74: {  	_ =	shalt  }
0x75: {  	_ =	shalt  }
0x76: {  	_ =	shalt  }
0x77: {  	_ =	shalt  }
0x78: {  	_ =	shalt  }
0x79: {  	_ =	shalt  }
0x7a: {  	_ =	shalt  }
0x7b: {  	_ =	shalt  }
0x7c: {  	_ =	shalt  }
0x7d: {  	_ =	shalt  }
0x7e: {  	_ =	shalt  }
0x7f: {  	_ =	shalt  }
0x80: {  	_ =	shalt  }
0x81: {  	_ =	shalt  }
0x82: {  	_ =	shalt  }
0x83: {  	_ =	shalt  }
0x84: {  	_ =	shalt  }
0x85: {  	_ =	shalt  }
0x86: {  	_ =	shalt  }
0x87: {  	_ =	shalt  }
.Lfunc_end0:
.L_simem_size_0:
called_computation_lowered:
.L_overlay_start_0:
0x88: {  	s2 =	sld [smem:$0x3FD9]  }
0x89: {  	s3 =	sld [smem:$0x3FFE];
	_ =	sdelay $0x1  }
0x8a: {  	s1 =	srdreg.scid  }
0x8b: {  	s0 =	sand.u32 $0x1, s1  }
0x8c: {  	s17 =	sshll.u32 s0, $0xA;
	s2 =	sadd.s32 s3, s2  }
0x8d: {  	s2 =	sadd.s32 s2, s17  }
0x8e: {  	[smem:$0x3FC5] =	sst s2  }
0x8f: {  	_ = 	snop  }
0x90: {  	s2 =	sld [smem:$0x3FD0];
	(tm) =	ssettm $0x1  }
0x91: {  	s18 =	sld [smem:$0x3FFB];
	_ =	sdelay $0x3  }
0x92: {  	_ =	strace s18  }
0x93: {  	s3 =	sld [smem:$0x3FFC];
	_ =	sdelay $0x3  }
0x94: {  	_ =	strace s3  }
0x95: {  	s3 =	sld [smem:$0x3FFD];
	_ =	sdelay $0x3  }
0x96: {  	_ =	strace s3  }
0x97: {  	_ =	strace $0x8FFFFFFF  }
0x98: {  	s19 =	sld [smem:$0x3FDB];
	_ =	sdelay $0x1  }
0x99: {  	s4 =	simm.s32 $_scs_section_size  }
0x9a: {  	s5 =	simm.s32 $_size__tile_overlayer_lowered;
	s6 =	simm.s32 $_tile_overlayer_lowered  }
0x9b: {  	s22 =	simm.s32 $0x1BFF;
	s21 =	sshll.u32 s6, $0x1;
	s3 =	sadd.s32 s4, s19  }
0x9c: {  	s7 =	simm.s32 $0x0;
	s20 =	sshll.u32 s5, $0x1;
	s5 =	sadd.s32 s21, s3  }
0x9d: {  	[timem:s7], [sflag:s22] =	dma.local [hbm:s5], s20  }
0x9e: {  	_ =	swait.ge [sflag:s22], s20  }
0x9f: {  	s4 =	ssub.s32 $0x0, s20;
	[sflag:s22] =	ssyncset.done $0x0  }
0xa0: {  	[sflag:s22] =	ssyncadd.s32 s4;
	_ =	sdelay $0x1  }
0xa1: {  	s23 =	simm.s32 $0x1B8B  }
0xa2: {  	_ =	swait.ge [sflag:s23], $0x1  }
0xa3: {  	[sflag:s23] =	ssyncset.done $0x0  }
0xa4: {  	s25 =	simm.s32 $0x1B8E;
	s24 =	sld [smem:$0x3FFE];
	[sflag:s23] =	ssyncadd.s32 $0xFFFFFFFF  }
0xa5: {  	s26 =	simm.s32 $execute0_lowered;
	[smem:$0x3FD2] =	sst s25  }
0xa6: {  	s5 =	sshll.u32 s26, $0x1;
	_ =	strace $0x80000046;
	[dreg:$0x1] =	wrdreg $0xFFFFFFFF  }
0xa7: {  	s28 =	simm.s32 $_size_execute0_lowered;
	s3 =	sadd.s32 s3, s5;
	[dreg:$0x0] =	wrdreg $0x0  }
0xa8: {  	s5 =	sshll.u32 s28, $0x1;
	[dreg:$0x2] =	wrdreg s3  }
0xa9: {  	[dreg:$0x3] =	wrdreg s5  }
0xaa: {  	[dreg:$0x4] =	wrdreg $0xC0  }
0xab: {  	_ =	task [dreg:s7], $0x5FFFF  }
0xac: {  	[dreg:$0x1] =	wrdreg $0xFFFFFFFF  }
0xad: {  	[dreg:$0x0] =	wrdreg $0x60  }
0xae: {  	[dreg:$0x2] =	wrdreg s24  }
0xaf: {  	[dreg:$0x3] =	wrdreg s2  }
0xb0: {  	[dreg:$0x4] =	wrdreg $0x14000  }
0xb1: {  	[dreg:$0x5] =	wrdreg $0x9  }
0xb2: {  	_ =	task.clear_ibuf [dreg:s7], $0x6FFFF;
	_ =	strace $0x90000046  }
0xb3: {  	s29 =	simm.s32 $0x9;
	_ =	strace $0x80000048  }
0xb4: {  	_ =	swait.ge [sflag:s29], $0x1  }
0xb5: {  	[sflag:s29] =	ssyncadd.s32 $0xFFFFFFFF  }
0xb6: {  	_ =	strace $0x90000048  }
0xb7: {  	_ =	sfence  }
0xb8: {  	s30 =	sld [smem:$0x0];
	_ =	sdelay $0x2  }
0xb9: {  	s31 =	sshll.u32 s1, $0xD;
	s1 =	sshrl.u32 s1, $0x2  }
0xba: {  	s3 =	sand.u32 $0x4000, s31;
	s1 =	sadd.s32 s1, s30  }
0xbb: {  	s0 =	sor.u32 s3, s0;
	s1 =	sshll.u32 s1, $0x11  }
0xbc: {  	s0 =	sor.u32 s1, s0  }
0xbd: {  	s0 =	sadd.s32 $0x8F2B, s0  }
0xbe: {  	[sflag:s0] =	ssyncadd.remote.s32 $0x1  }
0xbf: {  	_ =	sfence.sel $0xFFFF  }
0xc0: {  	[dreg:$0x0] =	wrdreg $0xFFFFFFFF;
	(pc) =	sbr.abs _section_cstart, $3  }
0xc1: {  	[dreg:$0x1] =	wrdreg $0xFFFFFFFF  }
0xc2: {  	_ =	task.clear_ibuf [dreg:s7], $0x2FFFF;
	_ =	strace $0x9FFFFFFF  }
0xc3: {  	(tm) =	ssettm $0x7FFFFFFF  }
tec
execute0_lowered:
.L_overlay_start_1:
0x0: {  	(tag) =	ssettag $0x1  }
0x1: {  	v0 =	vimm.s32 $0xB80  }
0x2: {  	vm8 =	vcmask $0x300;
	vm7 =	vcmask $0x704;
	vm5 =	vcmask $0xB08  }
0x3: {  	vm3 =	vcmask $0xF0C;
	vm2 =	vcmask $0x1310;
	vm0 =	vcmask $0x1714  }
0x4: {  	vm1 =	vcmask $0x1B18;
	vm4 =	vcmask $0x1F1C;
	v5 =	vimm.s32 $0x1B80  }
0x5: {  	v6 =	vimm.s32 $0x2B80;
	vm6 =	vcmask $0x2320;
	vm9 =	vcmask $0x2724  }
0x6: {  	vm10 =	vcmask $0x2B28;
	vm11 =	vcmask $0x2F2C;
	vm12 =	vcmask $0x3330  }
0x7: {  	s3 =	rddreg [dreg:$0x0];
	vm13 =	vcmask $0x3734;
	vm14 =	vcmask $0x3B38;
	v7 =	vimm.s32 $0x3B80  }
0x8: {  	s0 =	srdreg.scid;
	s14 =	rddreg [dreg:$0x1];
	v8 =	vimm.s32 $0x4B80;
	v9 =	vimm.s32 $0x5B80;
	v0 =	vsel vm8, $0x0, v0  }
0x9: {  	s11 =	stileid.u32;
	s4 =	simm.s32 $0x1;
	s15 =	rddreg [dreg:$0x2];
	v5 =	vsel vm8, $0x1000, v5;
	v6 =	vsel vm8, $0x2000, v6;
	v7 =	vsel vm8, $0x3000, v7  }
0xa: {  	s7 =	simm.s32 $0x0;
	s28 =	simm.s32 $0x4000;
	s30 =	simm.s32 $0x15400;
	v8 =	vsel vm8, $0x4000, v8;
	v9 =	vsel vm8, $0x5000, v9;
	v0 =	vsel vm7, $0x80, v0  }
0xb: {  	s31 =	simm.s32 $0x400;
	s2 =	sand.u32 $0x1, s0;
	s1 =	sand.u32 $0x7, s11;
	v5 =	vsel vm7, $0x1080, v5;
	v6 =	vsel vm7, $0x2080, v6;
	v7 =	vsel vm7, $0x3080, v7  }
0xc: {  	[smem:$0x7FF] =	sst s7;
	s8 =	sshll.u32 s11, $0x3;
	s0 =	sshll.u32 s2, $0x4;
	v8 =	vsel vm7, $0x4080, v8;
	v9 =	vsel vm7, $0x5080, v9;
	v0 =	vsel vm5, $0x100, v0  }
0xd: {  	p1 =	sne.s32 s1, $0x0;
	s6 =	sshll.u32 s1, $0x8;
	_ =	strace $0x80000047;
	v5 =	vsel vm5, $0x1100, v5;
	v6 =	vsel vm5, $0x2100, v6;
	v7 =	vsel vm5, $0x3100, v7  }
0xe: {  	s8 =	sand.u32 $0x38, s8;
	s2 =	ssub.s32 $0x2, s2;
	s16 =	sshll.u32 s1, $0xB;
	v8 =	vsel vm5, $0x4100, v8;
	v9 =	vsel vm5, $0x5100, v9;
	v1 =	vsel vm3, $0x180, v0  }
0xf: {  	s0 =	sor.u32 s11, s0;
	s9 =	sshll.u32 s8, $0xA;
	s12 =	sshrl.u32 s2, $0x1;
	v0 =	vlaneseq.u32;
	v5 =	vsel vm3, $0x1180, v5;
	v6 =	vsel vm3, $0x2180, v6  }
0x10: {  	s22 =	sshll.u32 s8, $0x10;
	s8 =	simm.s32 $0x2;
	p0 =	seq.s32 s0, $0x0;
	v7 =	vsel vm3, $0x3180, v7;
	v8 =	vsel vm3, $0x4180, v8;
	v9 =	vsel vm3, $0x5180, v9  }
0x11: {  	s0 =	sshrl.u32 s0, $0x3;
	s2 =	ssub.s32 s2, s12;
	v2 =	vsel vm2, $0x200, v1;
	v1 =	vmul.u32 $0x3, v0;
	v3 =	vor.u32 $0x10, v0;
	p0 =	por !p1, !p0  }
0x12: {  	s12 =	sand.u32 $0x8, s11;
	v5 =	vsel vm2, $0x1200, v5;
	v6 =	vsel vm2, $0x2200, v6;
	s20 =	smul.u32 $0x430000, s0;
	v7 =	vsel vm2, $0x3200, v7;
	p0 =	por !p0, !p0  }
0x13: {  	s24 =	sshll.u32 s12, $0xD;
	s29 =	smax.u32 s2, $0x1;
	v8 =	vsel vm2, $0x4200, v8;
	v9 =	vsel vm2, $0x5200, v9;
	v4 =	vsel vm0, $0x280, v2;
	s4 =	simm.s32 @!p0 $0x0  }
0x14: {  	s2 =	simm.s32 $0x5400;
	v2 =	vimm.s32 $0x0;
	v5 =	vsel vm0, $0x1280, v5;
	v6 =	vsel vm0, $0x2280, v6;
	[dreg:$0xe] =	wrdreg s29;
	s4 =	ssub.s32 s0, s4  }
0x15: {  	v7 =	vsel vm0, $0x3280, v7;
	v8 =	vsel vm0, $0x4280, v8;
	v9 =	vsel vm0, $0x5280, v9;
	s23 =	sadd.s32 s22, s20;
	s5 =	sshll.u32 s4, $0xB;
	s10 =	smul.u32 $0x6000, s4  }
0x16: {  	v4 =	vsel vm1, $0x300, v4;
	v5 =	vsel vm1, $0x1300, v5;
	v6 =	vsel vm1, $0x2300, v6;
	s20 =	simm.s32 $0x9400;
	s0 =	sshll.u32 s0, $0x10;
	s5 =	sor.u32 s6, s5  }
0x17: {  	v7 =	vsel vm1, $0x3300, v7;
	v8 =	vsel vm1, $0x4300, v8;
	v9 =	vsel vm1, $0x5300, v9;
	s6 =	smul.u32 $0x3, s5;
	s5 =	simm.s32 $0x1;
	s7 =	sshrl.u32 s10, $0x3  }
0x18: {  	v4 =	vsel vm4, $0x380, v4;
	v5 =	vsel vm4, $0x1380, v5;
	v6 =	vsel vm4, $0x2380, v6;
	s10 =	sshll.u32 s4, $0x3;
	s4 =	smul.u32 $0x430000, s4;
	s7 =	sadd.s32 s7, s3  }
0x19: {  	v7 =	vsel vm4, $0x3380, v7;
	v8 =	vsel vm4, $0x4380, v8;
	v9 =	vsel vm4, $0x5380, v9;
	s13 =	sand.u32 $0x8, s10;
	s6 =	sshrl.u32 s6, $0x3;
	s7 =	sadd.s32 $0x41400, s7  }
0x1a: {  	v4 =	vsel vm6, $0x800, v4;
	v5 =	vsel vm6, $0x1800, v5;
	v6 =	vsel vm6, $0x2800, v6;
	s1 =	sor.u32 s1, s13;
	s4 =	sor.u32 s16, s4;
	s13 =	sadd.s32 $0x30000, s23  }
0x1b: {  	v7 =	vsel vm6, $0x3800, v7;
	v8 =	vsel vm6, $0x4800, v8;
	v9 =	vsel vm6, $0x5800, v9;
	s23 =	simm.s32 $0xF400;
	s6 =	sadd.s32 s6, s3;
	s3 =	sadd.s32 s9, s3  }
0x1c: {  	v4 =	vsel vm9, $0x880, v4;
	v5 =	vsel vm9, $0x1880, v5;
	v6 =	vsel vm9, $0x2880, v6;
	[dreg:$0x4] =	wrdreg s7;
	s1 =	sshll.u32 s1, $0xD;
	s17 =	sshrl.u32 s4, $0x3  }
0x1d: {  	v7 =	vsel vm9, $0x3880, v7;
	v8 =	vsel vm9, $0x4880, v8;
	v9 =	vsel vm9, $0x5880, v9;
	s19 =	sadd.s32 $0x10000, s4;
	s4 =	sadd.s32 $0x20000, s4;
	s6 =	sadd.s32 $0x800, s6  }
0x1e: {  	v4 =	vsel vm10, $0x900, v4;
	v5 =	vsel vm10, $0x1900, v5;
	v6 =	vsel vm10, $0x2900, v6;
	s1 =	sadd.s32 s1, s15;
	s18 =	sadd.s32 s14, s17;
	s21 =	sshrl.u32 s4, $0x3  }
0x1f: {  	v7 =	vsel vm10, $0x3900, v7;
	v8 =	vsel vm10, $0x4900, v8;
	v9 =	vsel vm10, $0x5900, v9;
	s0 =	sadd.s32 s0, s3;
	s17 =	sadd.s32 $0x1000, s14;
	[dreg:$0x5] =	wrdreg s6  }
0x20: {  	v4 =	vsel vm11, $0x980, v4;
	v5 =	vsel vm11, $0x1980, v5;
	v6 =	vsel vm11, $0x2980, v6;
	s4 =	simm.s32 $0xB400;
	s3 =	simm.s32 $0x0;
	[dreg:$0x6] =	wrdreg s1  }
0x21: {  	v7 =	vsel vm11, $0x3980, v7;
	v8 =	vsel vm11, $0x4980, v8;
	v9 =	vsel vm11, $0x5980, v9;
	[dreg:$0x7] =	wrdreg s18;
	s1 =	sshrl.u32 s19, $0x3;
	s0 =	sadd.s32 $0x1400, s0  }
0x22: {  	v4 =	vsel vm12, $0xA00, v4;
	v5 =	vsel vm12, $0x1A00, v5;
	v6 =	vsel vm12, $0x2A00, v6;
	s6 =	simm.s32 $0xD400;
	s1 =	sadd.s32 s14, s1;
	[dreg:$0xa] =	wrdreg s0  }
0x23: {  	v7 =	vsel vm12, $0x3A00, v7;
	v8 =	vsel vm12, $0x4A00, v8;
	v9 =	vsel vm12, $0x5A00, v9;
	s0 =	sadd.s32 s24, s15;
	[dreg:$0x8] =	wrdreg s1;
	s1 =	sadd.s32 s14, s21  }
0x24: {  	v4 =	vsel vm13, $0xA80, v4;
	v5 =	vsel vm13, $0x1A80, v5;
	v6 =	vsel vm13, $0x2A80, v6;
	s24 =	simm.s32 $0x3400;
	[dreg:$0x9] =	wrdreg s1;
	s1 =	sshrl.u32 s13, $0x3  }
0x25: {  	v7 =	vsel vm13, $0x3A80, v7;
	v8 =	vsel vm13, $0x4A80, v8;
	v9 =	vsel vm13, $0x5A80, v9;
	[dreg:$0xb] =	wrdreg s0;
	s21 =	simm.s32 $0x3;
	s25 =	sadd.s32 s14, s1  }
0x26: {  	v4 =	vsel vm14, $0xB00, v4;
	v5 =	vsel vm14, $0x1B00, v5;
	v6 =	vsel vm14, $0x2B00, v6;
	s0 =	simm.s32 $0x7400;
	s26 =	sadd.s32 s1, s17;
	[dreg:$0xc] =	wrdreg s25  }
0x27: {  	v7 =	vsel vm14, $0x3B00, v7;
	v8 =	vsel vm14, $0x4B00, v8;
	v9 =	vsel vm14, $0x5B00, v9;
	[dreg:$0xd] =	wrdreg s26;
	s25 =	simm.s32 $0x11400;
	s26 =	simm.s32 $0x800  }
.LBB2_1:
0x28: {  	[dreg:$0xf] =	wrdreg s3  }
0x29: {  	s1 =	simm.s32 $0x0;
	s18 =	rddreg [dreg:$0x4]  }
0x2a: {  	[tilespmem:s20], [sflag:$0x3] =	stream.linear.gather [hbm4b:s18+s1], $0x6000, $0x38;
	[tilespmem:$0x1B400] =	vst v63  }
0x2b: {  	_ =	swait.ge [sflag:s21], $0x6000  }
0x2c: {  	s9 =	simm.s32 $0x0;
	[sflag:s21] =	ssyncset.done $0x0  }
0x2d: {  	s19 =	simm.s32 $0x1;
	v10 =	vadd.s32 s9, v1;
	s22 =	rddreg [dreg:$0x5];
	[sflag:s21] =	ssyncadd.s32 $0xFFFFA000  }
0x2e: {  	v11 =	vadd.s32 s19, v1;
	[tilespmem:s1], [sflag:$0x3] =	stream.linear.gather [hbm4b:s22+s1], $0x300, $0x38;
	[tilespmem:$0x1B400] =	vst v63  }
0x2f: {  	v12 =	vadd.s32 s8, v1;
	_ =	swait.ge [sflag:s21], $0x300  }
0x30: {  	[sflag:s21] =	ssyncset.done $0x0  }
0x31: {  	s10 =	simm.s32 $0x30;
	[sflag:s21] =	ssyncadd.s32 $0xFFFFFD00  }
0x32: {  	s14 =	simm.s32 $0x31;
	v15 =	vadd.s32 s10, v1;
	v10 =	vld.idx.msk [tilespmem:v10+s20+$0x0], $0xffff  }
0x33: {  	s29 =	simm.s32 $0x32;
	v14 =	vadd.s32 s14, v1;
	v11 =	vld.idx.msk [tilespmem:v11+s20+$0x0], $0xffff  }
0x34: {  	v13 =	vadd.s32 s29, v1;
	v12 =	vld.idx.msk [tilespmem:v12+s20+$0x0], $0xffff  }
0x35: {  	s11 =	simm.s32 $0x62;
	s9 =	simm.s32 $0x3400;
	s10 =	simm.s32 $0x0  }
.LBB2_2:
0x36: {  	s14 =	sadd.s32 $0xFFFFFFFE, s11  }
0x37: {  	[tilespmem:s9+$0x0] =	vst v10;
	v10 =	vld.idx.msk [tilespmem:v15+s20+$0x0], $0xffff;
	s15 =	sand.u32 $0x1FF0, s10;
	s19 =	smov.u32 s11;
	p0 =	sne.s32 s11, $0x5FD2  }
.Ltmp0:
0x38: {  	s11 =	sadd.s32 $0x30, s11;
	v15 =	vadd.s32 s14, v1;
	s14 =	sadd.s32 $0xFFFFFFFF, s19;
	[tilespmem:s15+$0x5400] =	vst v11;
	v11 =	vld.idx.msk [tilespmem:v14+s20+$0x0], $0xffff;
	(pc) =	sbr.rel @p0 .LBB2_2-.Ltmp0, $3  }
0x39: {  	v14 =	vadd.s32 s14, v1;
	[tilespmem:s15+$0x7400] =	vst v12;
	v12 =	vld.idx.msk [tilespmem:v13+s20+$0x0], $0xffff  }
0x3a: {  	v13 =	vadd.s32 s19, v1;
	_ =	sdelay $0x1  }
0x3b: {  	s10 =	sadd.s32 $0x10, s10;
	s9 =	sadd.s32 $0x10, s9  }
0x3c: {  	_ =	sdelay $0x3  }
0x3d: {  	v15 =	vld.idx.msk [tilespmem:v15+s20+$0x0], $0xffff  }
0x3e: {  	v14 =	vld.idx.msk [tilespmem:v14+s20+$0x0], $0xffff  }
0x3f: {  	[tilespmem:s9+$0x0] =	vst v10;
	s11 =	sand.u32 $0x1FF0, s10;
	v10 =	vld.idx.msk [tilespmem:v13+s20+$0x0], $0xffff  }
0x40: {  	[tilespmem:s11+$0x5400] =	vst v11  }
0x41: {  	s22 =	sadd.s32 $0x10, s10;
	s29 =	sadd.s32 $0x10, s9;
	[tilespmem:s11+$0x7400] =	vst v12  }
0x42: {  	s10 =	sand.u32 $0x1FF0, s22;
	[tilespmem:s29+$0x0] =	vst v15  }
0x43: {  	[tilespmem:s10+$0x5400] =	vst v14  }
0x44: {  	s9 =	simm.s32 $0x0;
	[tilespmem:s10+$0x7400] =	vst v10;
	s10 =	simm.s32 $0x0  }
.LBB2_4:
0x45: {  	s11 =	smul.u32 $0x3, s10;
	_ =	sdelay $0x1  }
0x46: {  	v10 =	vmov s11;
	s14 =	sadd.s32 $0x1, s11  }
0x47: {  	s11 =	sadd.s32 $0x2, s11;
	v11 =	vmov s14  }
0x48: {  	v13 =	vmov s11;
	_ =	sdelay $0x1  }
0x49: {  	[tilespmem:$0x300] =	vst v2  }
0x4a: {  	v12 =	vld.idx.msk [tilespmem:v10+s9+$0x0], $0xffff  }
0x4b: {  	s19 =	simm.s32 $0x0;
	v11 =	vld.idx.msk [tilespmem:v11+s9+$0x0], $0xffff  }
0x4c: {  	s15 =	simm.s32 $0x0;
	s11 =	simm.s32 $0x3400;
	s14 =	simm.s32 $0x0;
	v10 =	vld.idx.msk [tilespmem:v13+s9+$0x0], $0xffff  }
.LBB2_5:
0x4d: {  	v13 =	vld [tilespmem:s11+$0x0]  }
0x4e: {  	v14 =	vld [tilespmem:s11+$0x2000]  }
0x4f: {  	v15 =	vld [tilespmem:s11+$0x4000]  }
0x50: {  	v16 =	vld [tilespmem:s11+$0x10]  }
0x51: {  	v17 =	vld [tilespmem:s11+$0x2010]  }
0x52: {  	v18 =	vld [tilespmem:s11+$0x20]  }
0x53: {  	v19 =	vld [tilespmem:s11+$0x2020]  }
0x54: {  	v20 =	vld [tilespmem:s11+$0x4010]  }
0x55: {  	v21 =	vld [tilespmem:s11+$0x4020]  }
0x56: {  	v22 =	vld [tilespmem:s11+$0x30]  }
0x57: {  	v23 =	vld [tilespmem:s11+$0x4030]  }
0x58: {  	v24 =	vld [tilespmem:s11+$0x40];
	v13 =	vsub.f32 v13, v12;
	v14 =	vsub.f32 v14, v11  }
0x59: {  	v25 =	vld [tilespmem:s11+$0x2040];
	v15 =	vsub.f32 v15, v10;
	v16 =	vsub.f32 v16, v12  }
0x5a: {  	v26 =	vld [tilespmem:s11+$0x50];
	v17 =	vsub.f32 v17, v11;
	v18 =	vsub.f32 v18, v12  }
0x5b: {  	v52 =	vld [tilespmem:s11+$0x2060];
	v19 =	vsub.f32 v19, v11;
	v20 =	vsub.f32 v20, v10  }
0x5c: {  	v28 =	vld [tilespmem:s11+$0x2070];
	v21 =	vsub.f32 v21, v10;
	v46 =	vsub.f32 v22, v12  }
0x5d: {  	v55 =	vld [tilespmem:s11+$0x4060];
	v47 =	vsub.f32 v23, v10;
	v13 =	vmul.f32 v13, v13;
	v14 =	vmul.f32 v14, v14  }
0x5e: {  	v41 =	vld [tilespmem:s11+$0x2050];
	v48 =	vsub.f32 v24, v12;
	v49 =	vsub.f32 v25, v11  }
0x5f: {  	v51 =	vsub.f32 v26, v12;
	v16 =	vmul.f32 v16, v16;
	v13 =	vadd.f32 v14, v13;
	v14 =	vld [tilespmem:s11+$0x2030]  }
0x60: {  	v43 =	vld [tilespmem:s11+$0x4040];
	v56 =	vsub.f32 v52, v11;
	v17 =	vmul.f32 v17, v17;
	v18 =	vmul.f32 v18, v18  }
0x61: {  	v57 =	vsub.f32 v28, v11;
	v19 =	vmul.f32 v19, v19;
	v15 =	vmul.f32 v15, v15  }
0x62: {  	v59 =	vsub.f32 v55, v10;
	v40 =	vmul.f32 v20, v20;
	v42 =	vmul.f32 v21, v21  }
0x63: {  	v20 =	vsub.f32 v41, v11;
	v22 =	vmul.f32 v48, v48;
	v23 =	vmul.f32 v49, v49  }
0x64: {  	v44 =	vld [tilespmem:s11+$0x4050];
	v25 =	vmul.f32 v51, v51;
	v18 =	vadd.f32 v19, v18;
	v14 =	vsub.f32 v14, v11  }
0x65: {  	v21 =	vsub.f32 v43, v10;
	v53 =	vmul.f32 v47, v47;
	v58 =	vmul.f32 v56, v56  }
0x66: {  	v45 =	vadd.f32 v42, v18;
	v18 =	vmul.f32 v46, v46;
	v14 =	vmul.f32 v14, v14  }
0x67: {  	v50 =	vld [tilespmem:s11+$0x60];
	v16 =	vadd.f32 v17, v16;
	v20 =	vmul.f32 v20, v20;
	v54 =	vadd.f32 v23, v22  }
0x68: {  	v27 =	vld [tilespmem:s11+$0x70];
	v21 =	vmul.f32 v21, v21;
	v13 =	vadd.f32 v15, v13;
	v14 =	vadd.f32 v14, v18  }
0x69: {  	v17 =	vmul.f32 v59, v59;
	v15 =	vadd.f32 v40, v16;
	v16 =	vsub.f32 v44, v10  }
0x6a: {  	v20 =	vadd.f32 v20, v25;
	vm5 =	vlt.f32 v13, $3.999999910e-02;
	v13 =	vadd.f32 v53, v14;
	v14 =	vld [tilespmem:s11+$0x4070]  }
0x6b: {  	v16 =	vmul.f32 v16, v16;
	vm4 =	vlt.f32 v15, $3.999999910e-02;
	v15 =	vadd.f32 v21, v54  }
0x6c: {  	vm3 =	vlt.f32 v45, $3.999999910e-02;
	vm2 =	vlt.f32 v13, $3.999999910e-02;
	v13 =	vsub.f32 v50, v12  }
0x6d: {  	v60 =	vmpcnt.ones.xlane vm5;
	vm1 =	vlt.f32 v15, $3.999999910e-02;
	v15 =	vsub.f32 v27, v12  }
0x6e: {  	v61 =	vmpcnt.ones.xlane vm4;
	v16 =	vadd.f32 v16, v20;
	v13 =	vmul.f32 v13, v13  }
0x6f: {  	v15 =	vmul.f32 v15, v15;
	v18 =	vmul.f32 v57, v57;
	v14 =	vsub.f32 v14, v10  }
0x70: {  	v62 =	vmpcnt.ones.xlane vm3;
	(v2sf) =	vpush v60, $0x0;
	v13 =	vadd.f32 v58, v13  }
0x71: {  	vm0 =	vlt.f32 v16, $3.999999910e-02;
	v15 =	vadd.f32 v18, v15;
	v14 =	vmul.f32 v14, v14  }
0x72: {  	(v2sf) =	vpush v61, $0x0;
	v63 =	vmpcnt.ones.xlane vm2;
	v13 =	vadd.f32 v17, v13  }
0x73: {  	(v2sf) =	vpush v62, $0x0;
	v14 =	vadd.f32 v14, v15;
	v15 =	vmpcnt.ones.xlane vm1  }
0x74: {  	(v2sf) =	vpush v63, $0x0;
	vm7 =	vlt.f32 v13, $3.999999910e-02;
	v13 =	vmpcnt.ones.xlane vm0  }
0x75: {  	vm6 =	vlt.f32 v14, $3.999999910e-02;
	v14 =	vmpcnt.ones.xlane vm7;
	(v2sf) =	vpush v15, $0x0  }
0x76: {  	v15 =	vmpcnt.ones.xlane vm6;
	(v2sf) =	vpush v13, $0x0  }
0x77: {  	(v2sf) =	vpush v14, $0x0  }
0x78: {  	(v2sf) =	vpush v15, $0x0;
	_ =	sdelay $0x7  }
0x79: {  	s16 =	spop (v2sf)  }
0x7a: {  	s18 =	spop (v2sf);
	s16 =	sadd.s32 s19, s16  }
0x7b: {  	s3 =	spop (v2sf);
	s18 =	sadd.s32 s18, s16  }
0x7c: {  	s22 =	sadd.s32 $0x10, s14;
	v13 =	vor.u32 s14, v0;
	s3 =	sadd.s32 s3, s18;
	s1 =	spop (v2sf)  }
0x7d: {  	s29 =	sadd.s32 $0x20, s14;
	[tilespmem:s19+$0x300] =	vst.msk vm5, v13;
	v13 =	vor.u32 s22, v0;
	s1 =	sadd.s32 s1, s3;
	s7 =	spop (v2sf)  }
0x7e: {  	s22 =	sadd.s32 $0x30, s14;
	[tilespmem:s16+$0x300] =	vst.msk vm4, v13;
	v13 =	vor.u32 s29, v0;
	s19 =	spop (v2sf);
	s7 =	sadd.s32 s7, s1  }
0x7f: {  	s29 =	sadd.s32 $0x40, s14;
	[tilespmem:s18+$0x300] =	vst.msk vm3, v13;
	v13 =	vor.u32 s22, v0;
	s16 =	spop (v2sf);
	s18 =	sadd.s32 s19, s7  }
0x80: {  	[tilespmem:s3+$0x300] =	vst.msk vm2, v13;
	v13 =	vor.u32 s29, v0;
	s19 =	sadd.s32 $0x50, s14;
	s3 =	sadd.s32 s16, s18;
	s29 =	spop (v2sf)  }
0x81: {  	p0 =	sgt.u32 s15, $0x3E;
	[tilespmem:s1+$0x300] =	vst.msk vm1, v13;
	v13 =	vor.u32 s19, v0;
	s19 =	sadd.s32 s29, s3  }
0x82: {  	p1 =	slt.s32 @!p0 s19, $0x20  }
0x83: {  	p0 =	por p0, !p1  }
.Ltmp1:
0x84: {  	_ = 	snop;
	(pc) =	sbr.rel @!p0 .LBB2_5-.Ltmp1, $4  }
0x85: {  	s22 =	sadd.s32 $0x60, s14  }
0x86: {  	s29 =	sadd.s32 $0x70, s14;
	[tilespmem:s7+$0x300] =	vst.msk vm0, v13;
	v13 =	vor.u32 s22, v0  }
0x87: {  	[tilespmem:s18+$0x300] =	vst.msk vm7, v13;
	v13 =	vor.u32 s29, v0  }
0x88: {  	s15 =	sadd.s32 $0x1, s15;
	s11 =	sadd.s32 $0x80, s11;
	s14 =	sadd.s32 $0x80, s14;
	[tilespmem:s3+$0x300] =	vst.msk vm6, v13  }
0x89: {  	s1 =	simm.s32 $0x300;
	v14 =	vld [tilespmem:$0x300]  }
0x8a: {  	v13 =	vld.msk [tilespmem:s1+$0x0], $0xffff  }
0x8b: {  	v15 =	vld [tilespmem:$0x310];
	_ =	sdelay $0x1  }
0x8c: {  	v16 =	vmov s19  }
0x8d: {  	vm0 =	vgt.s32 v16, v0  }
0x8e: {  	vm15 =	vgt.s32 v16, v3;
	v14 =	vsel vm0, v14, v13  }
0x8f: {  	v56 =	vmov s10;
	v13 =	vsel vm15, v15, v13  }
0x90: {  	v57 =	vshll.u32 v56, $0x3;
	v17 =	vadd.s32 $0x2000, v14  }
0x91: {  	v16 =	vand.u32 $0x400, v57;
	v15 =	vand.u32 $0x7F, v56;
	v18 =	vadd.s32 $0x2000, v13  }
0x92: {  	v15 =	vor.u32 v15, v16;
	v19 =	vadd.s32 $0x4000, v14  }
0x93: {  	v21 =	vadd.s32 $0x4000, v13;
	v20 =	vor.u32 v4, v15;
	v58 =	vld.idx.msk [tilespmem:v14+s24+$0x0], $0xffff  }
0x94: {  	v23 =	vor.u32 v5, v15;
	v22 =	vld.idx.msk [tilespmem:v13+s24+$0x0], $0xffff  }
0x95: {  	v17 =	vld.idx.msk [tilespmem:v17+s24+$0x0], $0xffff  }
0x96: {  	v18 =	vld.idx.msk [tilespmem:v18+s24+$0x0], $0xffff  }
0x97: {  	v24 =	vor.u32 v6, v15;
	v19 =	vld.idx.msk [tilespmem:v19+s24+$0x0], $0xffff  }
0x98: {  	v59 =	vor.u32 v7, v15;
	v21 =	vld.idx.msk [tilespmem:v21+s24+$0x0], $0xffff;
	[tilespmem:v20+s23+$0x0] =	vst.idx.msk $0xffff, v14;
	v16 =	vsub.f32 v58, v12  }
0x99: {  	s10 =	sadd.s32 $0x1, s10;
	v61 =	vor.u32 v8, v15;
	[tilespmem:v23+s23+$0x0] =	vst.idx.msk $0xffff, v13;
	v60 =	vsub.f32 v22, v12  }
0x9a: {  	p0 =	sne.s32 s10, $0x100;
	v15 =	vor.u32 v9, v15;
	v62 =	vsub.f32 v17, v11;
	[tilespmem:v20+s25+$0x0] =	vst.idx.msk $0xffff, v16  }
.Ltmp2:
0x9b: {  	v11 =	vsub.f32 v18, v11;
	[tilespmem:v23+s25+$0x0] =	vst.idx.msk $0xffff, v60;
	(pc) =	sbr.rel @p0 .LBB2_4-.Ltmp2, $4  }
0x9c: {  	v63 =	vsub.f32 v19, v10;
	[tilespmem:v24+s25+$0x0] =	vst.idx.msk $0xffff, v62  }
0x9d: {  	v10 =	vsub.f32 v21, v10;
	[tilespmem:v59+s25+$0x0] =	vst.idx.msk $0xffff, v11  }
0x9e: {  	[tilespmem:v61+s25+$0x0] =	vst.idx.msk $0xffff, v63  }
0x9f: {  	[tilespmem:v15+s25+$0x0] =	vst.idx.msk $0xffff, v10  }
0xa0: {  	s1 =	rddreg [dreg:$0x6]  }
0xa1: {  	[spmem:s1] =	stream.linear.scatter [tilespmem:s23], [sflag:$0x3], $0x2000, $0x38;
	[tilespmem:$0x1B400] =	vst v63  }
0xa2: {  	_ =	swait.ge [sflag:s21], $0x2000  }
0xa3: {  	[sflag:s21] =	ssyncset.done $0x0  }
0xa4: {  	s15 =	rddreg [dreg:$0x7];
	[sflag:s21] =	ssyncadd.s32 $0xFFFFE000  }
0xa5: {  	[hbm4b:s15+s26] =	stream.strided.scatter [tilespmem:s25], [sflag:$0x3], $0x2000, s28, s26, $0x38;
	[tilespmem:$0x1B400] =	vst v63  }
0xa6: {  	_ =	swait.ge [sflag:s21], $0x2000  }
0xa7: {  	[sflag:s21] =	ssyncset.done $0x0  }
0xa8: {  	s18 =	simm.s32 $0x13400;
	s16 =	rddreg [dreg:$0x8];
	[sflag:s21] =	ssyncadd.s32 $0xFFFFE000  }
0xa9: {  	[hbm4b:s16+s26] =	stream.strided.scatter [tilespmem:s18], [sflag:$0x3], $0x2000, s28, s26, $0x38;
	[tilespmem:$0x1B400] =	vst v63  }
0xaa: {  	_ =	swait.ge [sflag:s21], $0x2000  }
0xab: {  	[sflag:s21] =	ssyncset.done $0x0  }
0xac: {  	s19 =	rddreg [dreg:$0x9];
	[sflag:s21] =	ssyncadd.s32 $0xFFFFE000  }
0xad: {  	[hbm4b:s19+s26] =	stream.strided.scatter [tilespmem:s30], [sflag:$0x3], $0x2000, s28, s26, $0x38;
	[tilespmem:$0x1B400] =	vst v63  }
0xae: {  	_ =	swait.ge [sflag:s21], $0x2000  }
0xaf: {  	[sflag:s21] =	ssyncset.done $0x0  }
0xb0: {  	[sflag:s21] =	ssyncadd.s32 $0xFFFFE000  }
0xb1: {  	[bflag:$0x0] =	sbarrier.arrive $0xFFFF  }
0xb2: {  	s22 =	simm.s32 $0x0;
	s3 =	rddreg [dreg:$0xa]  }
0xb3: {  	[tilespmem:s24], [sflag:$0x3] =	stream.linear.gather [hbm4b:s3+s22], $0x10000, $0x38;
	[tilespmem:$0x1B400] =	vst v63  }
0xb4: {  	_ =	swait.ge [sflag:s21], $0x10000  }
0xb5: {  	[sflag:s21] =	ssyncset.done $0x0  }
0xb6: {  	s29 =	rddreg [dreg:$0xb];
	[sflag:s21] =	ssyncadd.s32 $0xFFFF0000  }
0xb7: {  	[tilespmem:s31], [sflag:$0x3] =	stream.strided.gather [spmem:s29], $0x1000, s26, s31, $0x38;
	[tilespmem:$0x1B400] =	vst v63  }
0xb8: {  	_ =	swait.ge [sflag:s21], $0x1000  }
0xb9: {  	[sflag:s21] =	ssyncset.done $0x0  }
0xba: {  	s9 =	simm.s32 $0x0;
	[sflag:s21] =	ssyncadd.s32 $0xFFFFF000  }
0xbb: {  	v10 =	vld [tilespmem:s9+$0x400];
	_ =	sdelay $0x7  }
0xbc: {  	v11 =	vld.idx.msk [tilespmem:v10+s24+$0x0], $0xffff;
	_ =	sdelay $0x4  }
0xbd: {  	[tilespmem:s9+$0x13400] =	vst v11  }
0xbe: {  	v11 =	vld.idx.msk [tilespmem:v10+s2+$0x0], $0xffff;
	_ =	sdelay $0x4  }
0xbf: {  	[tilespmem:s9+$0x13C00] =	vst v11  }
0xc0: {  	v11 =	vld.idx.msk [tilespmem:v10+s0+$0x0], $0xffff;
	_ =	sdelay $0x4  }
0xc1: {  	[tilespmem:s9+$0x14400] =	vst v11  }
0xc2: {  	v11 =	vld.idx.msk [tilespmem:v10+s20+$0x0], $0xffff;
	_ =	sdelay $0x4  }
0xc3: {  	[tilespmem:s9+$0x14C00] =	vst v11  }
0xc4: {  	v11 =	vld.idx.msk [tilespmem:v10+s4+$0x0], $0xffff;
	_ =	sdelay $0x4  }
0xc5: {  	[tilespmem:s9+$0x15400] =	vst v11  }
0xc6: {  	v11 =	vld.idx.msk [tilespmem:v10+s6+$0x0], $0xffff;
	_ =	sdelay $0x4  }
0xc7: {  	[tilespmem:s9+$0x15C00] =	vst v11  }
0xc8: {  	v11 =	vld.idx.msk [tilespmem:v10+s23+$0x0], $0xffff;
	_ =	sdelay $0x4  }
0xc9: {  	[tilespmem:s9+$0x16400] =	vst v11;
	v11 =	vld [tilespmem:s9+$0x410];
	_ =	sdelay $0x1  }
0xca: {  	v10 =	vld.idx.msk [tilespmem:v10+s25+$0x0], $0xffff;
	_ =	sdelay $0x4  }
0xcb: {  	[tilespmem:s9+$0x16C00] =	vst v10  }
0xcc: {  	v10 =	vld.idx.msk [tilespmem:v11+s24+$0x0], $0xffff;
	_ =	sdelay $0x4  }
0xcd: {  	[tilespmem:s9+$0x13410] =	vst v10  }
0xce: {  	v10 =	vld.idx.msk [tilespmem:v11+s2+$0x0], $0xffff;
	_ =	sdelay $0x4  }
0xcf: {  	[tilespmem:s9+$0x13C10] =	vst v10  }
0xd0: {  	v10 =	vld.idx.msk [tilespmem:v11+s0+$0x0], $0xffff;
	_ =	sdelay $0x4  }
0xd1: {  	[tilespmem:s9+$0x14410] =	vst v10  }
0xd2: {  	v10 =	vld.idx.msk [tilespmem:v11+s20+$0x0], $0xffff;
	_ =	sdelay $0x4  }
0xd3: {  	[tilespmem:s9+$0x14C10] =	vst v10  }
0xd4: {  	v10 =	vld.idx.msk [tilespmem:v11+s4+$0x0], $0xffff;
	_ =	sdelay $0x4  }
0xd5: {  	[tilespmem:s9+$0x15410] =	vst v10  }
0xd6: {  	v10 =	vld.idx.msk [tilespmem:v11+s6+$0x0], $0xffff;
	_ =	sdelay $0x4  }
0xd7: {  	[tilespmem:s9+$0x15C10] =	vst v10  }
0xd8: {  	v10 =	vld.idx.msk [tilespmem:v11+s23+$0x0], $0xffff;
	_ =	sdelay $0x4  }
0xd9: {  	[tilespmem:s9+$0x16410] =	vst v10;
	v10 =	vld [tilespmem:s9+$0x420];
	_ =	sdelay $0x1  }
0xda: {  	v11 =	vld.idx.msk [tilespmem:v11+s25+$0x0], $0xffff;
	_ =	sdelay $0x4  }
0xdb: {  	[tilespmem:s9+$0x16C10] =	vst v11  }
0xdc: {  	v11 =	vld.idx.msk [tilespmem:v10+s24+$0x0], $0xffff;
	_ =	sdelay $0x4  }
0xdd: {  	[tilespmem:s9+$0x13420] =	vst v11  }
0xde: {  	v11 =	vld.idx.msk [tilespmem:v10+s2+$0x0], $0xffff;
	_ =	sdelay $0x4  }
0xdf: {  	[tilespmem:s9+$0x13C20] =	vst v11  }
0xe0: {  	v11 =	vld.idx.msk [tilespmem:v10+s0+$0x0], $0xffff;
	_ =	sdelay $0x4  }
0xe1: {  	[tilespmem:s9+$0x14420] =	vst v11  }
0xe2: {  	v11 =	vld.idx.msk [tilespmem:v10+s20+$0x0], $0xffff;
	_ =	sdelay $0x4  }
0xe3: {  	[tilespmem:s9+$0x14C20] =	vst v11  }
0xe4: {  	v11 =	vld.idx.msk [tilespmem:v10+s4+$0x0], $0xffff;
	_ =	sdelay $0x4  }
0xe5: {  	[tilespmem:s9+$0x15420] =	vst v11  }
0xe6: {  	v11 =	vld.idx.msk [tilespmem:v10+s6+$0x0], $0xffff;
	_ =	sdelay $0x4  }
0xe7: {  	[tilespmem:s9+$0x15C20] =	vst v11  }
0xe8: {  	v11 =	vld.idx.msk [tilespmem:v10+s23+$0x0], $0xffff;
	_ =	sdelay $0x4  }
0xe9: {  	[tilespmem:s9+$0x16420] =	vst v11;
	v11 =	vld [tilespmem:s9+$0x430];
	_ =	sdelay $0x1  }
0xea: {  	v10 =	vld.idx.msk [tilespmem:v10+s25+$0x0], $0xffff;
	_ =	sdelay $0x4  }
0xeb: {  	[tilespmem:s9+$0x16C20] =	vst v10  }
0xec: {  	v10 =	vld.idx.msk [tilespmem:v11+s24+$0x0], $0xffff;
	_ =	sdelay $0x4  }
0xed: {  	[tilespmem:s9+$0x13430] =	vst v10  }
0xee: {  	v10 =	vld.idx.msk [tilespmem:v11+s2+$0x0], $0xffff;
	_ =	sdelay $0x4  }
0xef: {  	[tilespmem:s9+$0x13C30] =	vst v10  }
0xf0: {  	v10 =	vld.idx.msk [tilespmem:v11+s0+$0x0], $0xffff;
	_ =	sdelay $0x4  }
0xf1: {  	[tilespmem:s9+$0x14430] =	vst v10  }
0xf2: {  	v10 =	vld.idx.msk [tilespmem:v11+s20+$0x0], $0xffff;
	_ =	sdelay $0x4  }
0xf3: {  	[tilespmem:s9+$0x14C30] =	vst v10  }
0xf4: {  	v10 =	vld.idx.msk [tilespmem:v11+s4+$0x0], $0xffff;
	_ =	sdelay $0x4  }
0xf5: {  	[tilespmem:s9+$0x15430] =	vst v10  }
0xf6: {  	v10 =	vld.idx.msk [tilespmem:v11+s6+$0x0], $0xffff;
	_ =	sdelay $0x4  }
0xf7: {  	[tilespmem:s9+$0x15C30] =	vst v10  }
0xf8: {  	v10 =	vld.idx.msk [tilespmem:v11+s23+$0x0], $0xffff;
	_ =	sdelay $0x4  }
0xf9: {  	[tilespmem:s9+$0x16430] =	vst v10;
	v10 =	vld [tilespmem:s9+$0x440];
	_ =	sdelay $0x1  }
0xfa: {  	v11 =	vld.idx.msk [tilespmem:v11+s25+$0x0], $0xffff;
	_ =	sdelay $0x4  }
0xfb: {  	[tilespmem:s9+$0x16C30] =	vst v11  }
0xfc: {  	v11 =	vld.idx.msk [tilespmem:v10+s24+$0x0], $0xffff;
	_ =	sdelay $0x4  }
0xfd: {  	[tilespmem:s9+$0x13440] =	vst v11  }
0xfe: {  	v11 =	vld.idx.msk [tilespmem:v10+s2+$0x0], $0xffff;
	_ =	sdelay $0x4  }
0xff: {  	[tilespmem:s9+$0x13C40] =	vst v11  }
0x100: {  	v11 =	vld.idx.msk [tilespmem:v10+s0+$0x0], $0xffff;
	_ =	sdelay $0x4  }
0x101: {  	[tilespmem:s9+$0x14440] =	vst v11  }
0x102: {  	v11 =	vld.idx.msk [tilespmem:v10+s20+$0x0], $0xffff;
	_ =	sdelay $0x4  }
0x103: {  	[tilespmem:s9+$0x14C40] =	vst v11  }
0x104: {  	v11 =	vld.idx.msk [tilespmem:v10+s4+$0x0], $0xffff;
	_ =	sdelay $0x4  }
0x105: {  	[tilespmem:s9+$0x15440] =	vst v11  }
0x106: {  	v11 =	vld.idx.msk [tilespmem:v10+s6+$0x0], $0xffff;
	_ =	sdelay $0x4  }
0x107: {  	[tilespmem:s9+$0x15C40] =	vst v11  }
0x108: {  	v11 =	vld.idx.msk [tilespmem:v10+s23+$0x0], $0xffff;
	_ =	sdelay $0x4  }
0x109: {  	[tilespmem:s9+$0x16440] =	vst v11;
	v11 =	vld [tilespmem:s9+$0x450];
	_ =	sdelay $0x1  }
0x10a: {  	v10 =	vld.idx.msk [tilespmem:v10+s25+$0x0], $0xffff;
	_ =	sdelay $0x4  }
0x10b: {  	[tilespmem:s9+$0x16C40] =	vst v10  }
0x10c: {  	v10 =	vld.idx.msk [tilespmem:v11+s24+$0x0], $0xffff;
	_ =	sdelay $0x4  }
0x10d: {  	[tilespmem:s9+$0x13450] =	vst v10  }
0x10e: {  	v10 =	vld.idx.msk [tilespmem:v11+s2+$0x0], $0xffff;
	_ =	sdelay $0x4  }
0x10f: {  	[tilespmem:s9+$0x13C50] =	vst v10  }
0x110: {  	v10 =	vld.idx.msk [tilespmem:v11+s0+$0x0], $0xffff;
	_ =	sdelay $0x4  }
0x111: {  	[tilespmem:s9+$0x14450] =	vst v10  }
0x112: {  	v10 =	vld.idx.msk [tilespmem:v11+s20+$0x0], $0xffff;
	_ =	sdelay $0x4  }
0x113: {  	[tilespmem:s9+$0x14C50] =	vst v10  }
0x114: {  	v10 =	vld.idx.msk [tilespmem:v11+s4+$0x0], $0xffff;
	_ =	sdelay $0x4  }
0x115: {  	[tilespmem:s9+$0x15450] =	vst v10  }
0x116: {  	v10 =	vld.idx.msk [tilespmem:v11+s6+$0x0], $0xffff;
	_ =	sdelay $0x4  }
0x117: {  	[tilespmem:s9+$0x15C50] =	vst v10  }
0x118: {  	v10 =	vld.idx.msk [tilespmem:v11+s23+$0x0], $0xffff;
	_ =	sdelay $0x3  }
0x119: {  	v12 =	vld [tilespmem:s9+$0x460]  }
0x11a: {  	[tilespmem:s9+$0x16450] =	vst v10  }
0x11b: {  	v10 =	vld.idx.msk [tilespmem:v11+s25+$0x0], $0xffff;
	_ =	sdelay $0x4  }
0x11c: {  	[tilespmem:s9+$0x16C50] =	vst v10  }
0x11d: {  	v10 =	vld.idx.msk [tilespmem:v12+s24+$0x0], $0xffff;
	_ =	sdelay $0x4  }
0x11e: {  	[tilespmem:s9+$0x13460] =	vst v10  }
0x11f: {  	v10 =	vld.idx.msk [tilespmem:v12+s2+$0x0], $0xffff;
	_ =	sdelay $0x4  }
0x120: {  	[tilespmem:s9+$0x13C60] =	vst v10  }
0x121: {  	v10 =	vld.idx.msk [tilespmem:v12+s0+$0x0], $0xffff;
	_ =	sdelay $0x4  }
0x122: {  	[tilespmem:s9+$0x14460] =	vst v10  }
0x123: {  	v10 =	vld.idx.msk [tilespmem:v12+s20+$0x0], $0xffff;
	_ =	sdelay $0x4  }
0x124: {  	[tilespmem:s9+$0x14C60] =	vst v10  }
0x125: {  	v10 =	vld.idx.msk [tilespmem:v12+s4+$0x0], $0xffff;
	_ =	sdelay $0x4  }
0x126: {  	[tilespmem:s9+$0x15460] =	vst v10  }
0x127: {  	v10 =	vld.idx.msk [tilespmem:v12+s6+$0x0], $0xffff;
	_ =	sdelay $0x4  }
0x128: {  	[tilespmem:s9+$0x15C60] =	vst v10  }
0x129: {  	v10 =	vld.idx.msk [tilespmem:v12+s23+$0x0], $0xffff;
	_ =	sdelay $0x4  }
0x12a: {  	[tilespmem:s9+$0x16460] =	vst v10;
	v10 =	vld [tilespmem:s9+$0x470];
	_ =	sdelay $0x1  }
0x12b: {  	v11 =	vld.idx.msk [tilespmem:v12+s25+$0x0], $0xffff;
	_ =	sdelay $0x4  }
0x12c: {  	[tilespmem:s9+$0x16C60] =	vst v11  }
0x12d: {  	v11 =	vld.idx.msk [tilespmem:v10+s24+$0x0], $0xffff;
	_ =	sdelay $0x4  }
0x12e: {  	[tilespmem:s9+$0x13470] =	vst v11  }
0x12f: {  	v11 =	vld.idx.msk [tilespmem:v10+s2+$0x0], $0xffff;
	_ =	sdelay $0x4  }
0x130: {  	[tilespmem:s9+$0x13C70] =	vst v11  }
0x131: {  	v11 =	vld.idx.msk [tilespmem:v10+s0+$0x0], $0xffff;
	_ =	sdelay $0x4  }
0x132: {  	[tilespmem:s9+$0x14470] =	vst v11  }
0x133: {  	v11 =	vld.idx.msk [tilespmem:v10+s20+$0x0], $0xffff;
	_ =	sdelay $0x4  }
0x134: {  	[tilespmem:s9+$0x14C70] =	vst v11  }
0x135: {  	v11 =	vld.idx.msk [tilespmem:v10+s4+$0x0], $0xffff;
	_ =	sdelay $0x4  }
0x136: {  	[tilespmem:s9+$0x15470] =	vst v11  }
0x137: {  	v11 =	vld.idx.msk [tilespmem:v10+s6+$0x0], $0xffff;
	_ =	sdelay $0x4  }
0x138: {  	[tilespmem:s9+$0x15C70] =	vst v11  }
0x139: {  	v11 =	vld.idx.msk [tilespmem:v10+s23+$0x0], $0xffff;
	_ =	sdelay $0x3  }
0x13a: {  	s11 =	simm.s32 $0x80;
	s10 =	simm.s32 $0x400  }
.LBB2_8:
0x13b: {  	p0 =	sne.s32 s10, $0x1E00;
	v12 =	vld [tilespmem:s11+$0x400];
	[tilespmem:s9+$0x16470] =	vst v11  }
0x13c: {  	v10 =	vld.idx.msk [tilespmem:v10+s25+$0x0], $0xffff;
	_ =	sdelay $0x5  }
0x13d: {  	[tilespmem:s9+$0x16C70] =	vst v10;
	s9 =	smov.u32 s11  }
0x13e: {  	v10 =	vld.idx.msk [tilespmem:v12+s24+$0x0], $0xffff;
	_ =	sdelay $0x5  }
0x13f: {  	[tilespmem:s9+$0x13400] =	vst v10  }
0x140: {  	v10 =	vld.idx.msk [tilespmem:v12+s2+$0x0], $0xffff;
	_ =	sdelay $0x5  }
0x141: {  	[tilespmem:s9+$0x13C00] =	vst v10  }
0x142: {  	v10 =	vld.idx.msk [tilespmem:v12+s0+$0x0], $0xffff;
	_ =	sdelay $0x5  }
0x143: {  	[tilespmem:s9+$0x14400] =	vst v10  }
0x144: {  	v10 =	vld.idx.msk [tilespmem:v12+s20+$0x0], $0xffff;
	_ =	sdelay $0x5  }
0x145: {  	[tilespmem:s9+$0x14C00] =	vst v10  }
0x146: {  	v10 =	vld.idx.msk [tilespmem:v12+s4+$0x0], $0xffff;
	_ =	sdelay $0x5  }
0x147: {  	[tilespmem:s9+$0x15400] =	vst v10  }
0x148: {  	v10 =	vld.idx.msk [tilespmem:v12+s6+$0x0], $0xffff;
	_ =	sdelay $0x5  }
0x149: {  	[tilespmem:s9+$0x15C00] =	vst v10  }
0x14a: {  	v10 =	vld.idx.msk [tilespmem:v12+s23+$0x0], $0xffff;
	_ =	sdelay $0x5  }
0x14b: {  	[tilespmem:s9+$0x16400] =	vst v10;
	v10 =	vld [tilespmem:s9+$0x410]  }
0x14c: {  	v11 =	vld.idx.msk [tilespmem:v12+s25+$0x0], $0xffff;
	_ =	sdelay $0x5  }
0x14d: {  	[tilespmem:s9+$0x16C00] =	vst v11  }
0x14e: {  	v11 =	vld.idx.msk [tilespmem:v10+s24+$0x0], $0xffff;
	_ =	sdelay $0x5  }
0x14f: {  	[tilespmem:s9+$0x13410] =	vst v11  }
0x150: {  	v11 =	vld.idx.msk [tilespmem:v10+s2+$0x0], $0xffff;
	_ =	sdelay $0x5  }
0x151: {  	[tilespmem:s9+$0x13C10] =	vst v11  }
0x152: {  	v11 =	vld.idx.msk [tilespmem:v10+s0+$0x0], $0xffff;
	_ =	sdelay $0x5  }
0x153: {  	[tilespmem:s9+$0x14410] =	vst v11  }
0x154: {  	v11 =	vld.idx.msk [tilespmem:v10+s20+$0x0], $0xffff;
	_ =	sdelay $0x5  }
0x155: {  	[tilespmem:s9+$0x14C10] =	vst v11  }
0x156: {  	v11 =	vld.idx.msk [tilespmem:v10+s4+$0x0], $0xffff;
	_ =	sdelay $0x5  }
0x157: {  	[tilespmem:s9+$0x15410] =	vst v11  }
0x158: {  	v11 =	vld.idx.msk [tilespmem:v10+s6+$0x0], $0xffff;
	_ =	sdelay $0x5  }
0x159: {  	[tilespmem:s9+$0x15C10] =	vst v11  }
0x15a: {  	v11 =	vld.idx.msk [tilespmem:v10+s23+$0x0], $0xffff;
	_ =	sdelay $0x5  }
0x15b: {  	[tilespmem:s9+$0x16410] =	vst v11;
	v11 =	vld [tilespmem:s9+$0x420]  }
0x15c: {  	v10 =	vld.idx.msk [tilespmem:v10+s25+$0x0], $0xffff;
	_ =	sdelay $0x5  }
0x15d: {  	[tilespmem:s9+$0x16C10] =	vst v10  }
0x15e: {  	v10 =	vld.idx.msk [tilespmem:v11+s24+$0x0], $0xffff;
	_ =	sdelay $0x5  }
0x15f: {  	[tilespmem:s9+$0x13420] =	vst v10  }
0x160: {  	v10 =	vld.idx.msk [tilespmem:v11+s2+$0x0], $0xffff;
	_ =	sdelay $0x5  }
0x161: {  	[tilespmem:s9+$0x13C20] =	vst v10  }
0x162: {  	v10 =	vld.idx.msk [tilespmem:v11+s0+$0x0], $0xffff;
	_ =	sdelay $0x5  }
0x163: {  	[tilespmem:s9+$0x14420] =	vst v10  }
0x164: {  	v10 =	vld.idx.msk [tilespmem:v11+s20+$0x0], $0xffff;
	_ =	sdelay $0x5  }
0x165: {  	[tilespmem:s9+$0x14C20] =	vst v10  }
0x166: {  	v10 =	vld.idx.msk [tilespmem:v11+s4+$0x0], $0xffff;
	_ =	sdelay $0x5  }
0x167: {  	[tilespmem:s9+$0x15420] =	vst v10  }
0x168: {  	v10 =	vld.idx.msk [tilespmem:v11+s6+$0x0], $0xffff;
	_ =	sdelay $0x5  }
0x169: {  	[tilespmem:s9+$0x15C20] =	vst v10  }
0x16a: {  	v10 =	vld.idx.msk [tilespmem:v11+s23+$0x0], $0xffff;
	_ =	sdelay $0x5  }
0x16b: {  	[tilespmem:s9+$0x16420] =	vst v10;
	v10 =	vld [tilespmem:s9+$0x430]  }
0x16c: {  	v11 =	vld.idx.msk [tilespmem:v11+s25+$0x0], $0xffff;
	_ =	sdelay $0x5  }
0x16d: {  	[tilespmem:s9+$0x16C20] =	vst v11  }
0x16e: {  	v11 =	vld.idx.msk [tilespmem:v10+s24+$0x0], $0xffff;
	_ =	sdelay $0x5  }
0x16f: {  	[tilespmem:s9+$0x13430] =	vst v11  }
0x170: {  	v11 =	vld.idx.msk [tilespmem:v10+s2+$0x0], $0xffff;
	_ =	sdelay $0x5  }
0x171: {  	[tilespmem:s9+$0x13C30] =	vst v11  }
0x172: {  	v11 =	vld.idx.msk [tilespmem:v10+s0+$0x0], $0xffff;
	_ =	sdelay $0x5  }
0x173: {  	[tilespmem:s9+$0x14430] =	vst v11  }
0x174: {  	v11 =	vld.idx.msk [tilespmem:v10+s20+$0x0], $0xffff;
	_ =	sdelay $0x5  }
0x175: {  	[tilespmem:s9+$0x14C30] =	vst v11  }
0x176: {  	v11 =	vld.idx.msk [tilespmem:v10+s4+$0x0], $0xffff;
	_ =	sdelay $0x5  }
0x177: {  	[tilespmem:s9+$0x15430] =	vst v11  }
0x178: {  	v11 =	vld.idx.msk [tilespmem:v10+s6+$0x0], $0xffff;
	_ =	sdelay $0x5  }
0x179: {  	[tilespmem:s9+$0x15C30] =	vst v11  }
0x17a: {  	v11 =	vld.idx.msk [tilespmem:v10+s23+$0x0], $0xffff;
	_ =	sdelay $0x5  }
0x17b: {  	[tilespmem:s9+$0x16430] =	vst v11;
	v11 =	vld [tilespmem:s9+$0x440]  }
0x17c: {  	v10 =	vld.idx.msk [tilespmem:v10+s25+$0x0], $0xffff;
	_ =	sdelay $0x5  }
0x17d: {  	[tilespmem:s9+$0x16C30] =	vst v10  }
0x17e: {  	v10 =	vld.idx.msk [tilespmem:v11+s24+$0x0], $0xffff;
	_ =	sdelay $0x5  }
0x17f: {  	[tilespmem:s9+$0x13440] =	vst v10  }
0x180: {  	v10 =	vld.idx.msk [tilespmem:v11+s2+$0x0], $0xffff;
	_ =	sdelay $0x5  }
0x181: {  	[tilespmem:s9+$0x13C40] =	vst v10  }
0x182: {  	v10 =	vld.idx.msk [tilespmem:v11+s0+$0x0], $0xffff;
	_ =	sdelay $0x5  }
0x183: {  	[tilespmem:s9+$0x14440] =	vst v10  }
0x184: {  	v10 =	vld.idx.msk [tilespmem:v11+s20+$0x0], $0xffff;
	_ =	sdelay $0x5  }
0x185: {  	[tilespmem:s9+$0x14C40] =	vst v10  }
0x186: {  	v10 =	vld.idx.msk [tilespmem:v11+s4+$0x0], $0xffff;
	_ =	sdelay $0x5  }
0x187: {  	[tilespmem:s9+$0x15440] =	vst v10  }
0x188: {  	v10 =	vld.idx.msk [tilespmem:v11+s6+$0x0], $0xffff;
	_ =	sdelay $0x5  }
0x189: {  	[tilespmem:s9+$0x15C40] =	vst v10  }
0x18a: {  	v10 =	vld.idx.msk [tilespmem:v11+s23+$0x0], $0xffff;
	_ =	sdelay $0x5  }
0x18b: {  	[tilespmem:s9+$0x16440] =	vst v10;
	v10 =	vld [tilespmem:s9+$0x450]  }
0x18c: {  	v11 =	vld.idx.msk [tilespmem:v11+s25+$0x0], $0xffff;
	_ =	sdelay $0x5  }
0x18d: {  	[tilespmem:s9+$0x16C40] =	vst v11  }
0x18e: {  	v11 =	vld.idx.msk [tilespmem:v10+s24+$0x0], $0xffff;
	_ =	sdelay $0x5  }
0x18f: {  	[tilespmem:s9+$0x13450] =	vst v11  }
0x190: {  	v11 =	vld.idx.msk [tilespmem:v10+s2+$0x0], $0xffff;
	_ =	sdelay $0x5  }
0x191: {  	[tilespmem:s9+$0x13C50] =	vst v11  }
0x192: {  	v11 =	vld.idx.msk [tilespmem:v10+s0+$0x0], $0xffff;
	_ =	sdelay $0x5  }
0x193: {  	[tilespmem:s9+$0x14450] =	vst v11  }
0x194: {  	v11 =	vld.idx.msk [tilespmem:v10+s20+$0x0], $0xffff;
	_ =	sdelay $0x5  }
0x195: {  	[tilespmem:s9+$0x14C50] =	vst v11  }
0x196: {  	v11 =	vld.idx.msk [tilespmem:v10+s4+$0x0], $0xffff;
	_ =	sdelay $0x5  }
0x197: {  	[tilespmem:s9+$0x15450] =	vst v11  }
0x198: {  	v11 =	vld.idx.msk [tilespmem:v10+s6+$0x0], $0xffff;
	_ =	sdelay $0x5  }
0x199: {  	[tilespmem:s9+$0x15C50] =	vst v11  }
0x19a: {  	v11 =	vld.idx.msk [tilespmem:v10+s23+$0x0], $0xffff;
	_ =	sdelay $0x5  }
0x19b: {  	[tilespmem:s9+$0x16450] =	vst v11;
	v11 =	vld [tilespmem:s9+$0x460]  }
0x19c: {  	v10 =	vld.idx.msk [tilespmem:v10+s25+$0x0], $0xffff;
	_ =	sdelay $0x5  }
0x19d: {  	[tilespmem:s9+$0x16C50] =	vst v10  }
0x19e: {  	v10 =	vld.idx.msk [tilespmem:v11+s24+$0x0], $0xffff;
	_ =	sdelay $0x5  }
0x19f: {  	[tilespmem:s9+$0x13460] =	vst v10  }
0x1a0: {  	v10 =	vld.idx.msk [tilespmem:v11+s2+$0x0], $0xffff;
	_ =	sdelay $0x5  }
0x1a1: {  	[tilespmem:s9+$0x13C60] =	vst v10  }
0x1a2: {  	v10 =	vld.idx.msk [tilespmem:v11+s0+$0x0], $0xffff;
	_ =	sdelay $0x5  }
0x1a3: {  	[tilespmem:s9+$0x14460] =	vst v10  }
0x1a4: {  	v10 =	vld.idx.msk [tilespmem:v11+s20+$0x0], $0xffff;
	_ =	sdelay $0x5  }
0x1a5: {  	[tilespmem:s9+$0x14C60] =	vst v10  }
0x1a6: {  	v10 =	vld.idx.msk [tilespmem:v11+s4+$0x0], $0xffff;
	_ =	sdelay $0x5  }
0x1a7: {  	[tilespmem:s9+$0x15460] =	vst v10  }
0x1a8: {  	v10 =	vld.idx.msk [tilespmem:v11+s6+$0x0], $0xffff;
	_ =	sdelay $0x5  }
0x1a9: {  	[tilespmem:s9+$0x15C60] =	vst v10  }
0x1aa: {  	v10 =	vld.idx.msk [tilespmem:v11+s23+$0x0], $0xffff;
	_ =	sdelay $0x5  }
0x1ab: {  	[tilespmem:s9+$0x16460] =	vst v10;
	v10 =	vld [tilespmem:s9+$0x470]  }
0x1ac: {  	v11 =	vld.idx.msk [tilespmem:v11+s25+$0x0], $0xffff;
	_ =	sdelay $0x5  }
0x1ad: {  	[tilespmem:s9+$0x16C60] =	vst v11  }
0x1ae: {  	v11 =	vld.idx.msk [tilespmem:v10+s24+$0x0], $0xffff;
	_ =	sdelay $0x5  }
0x1af: {  	[tilespmem:s9+$0x13470] =	vst v11  }
0x1b0: {  	v11 =	vld.idx.msk [tilespmem:v10+s2+$0x0], $0xffff;
	_ =	sdelay $0x5  }
0x1b1: {  	[tilespmem:s9+$0x13C70] =	vst v11  }
0x1b2: {  	v11 =	vld.idx.msk [tilespmem:v10+s0+$0x0], $0xffff;
	_ =	sdelay $0x5  }
0x1b3: {  	[tilespmem:s9+$0x14470] =	vst v11  }
0x1b4: {  	v11 =	vld.idx.msk [tilespmem:v10+s20+$0x0], $0xffff;
	_ =	sdelay $0x5  }
0x1b5: {  	[tilespmem:s9+$0x14C70] =	vst v11  }
0x1b6: {  	v11 =	vld.idx.msk [tilespmem:v10+s4+$0x0], $0xffff;
	_ =	sdelay $0x5  }
0x1b7: {  	[tilespmem:s9+$0x15470] =	vst v11  }
0x1b8: {  	v11 =	vld.idx.msk [tilespmem:v10+s6+$0x0], $0xffff;
	_ =	sdelay $0x5  }
0x1b9: {  	[tilespmem:s9+$0x15C70] =	vst v11  }
0x1ba: {  	v11 =	vld.idx.msk [tilespmem:v10+s23+$0x0], $0xffff  }
.Ltmp3:
0x1bb: {  	(pc) =	sbr.rel @p0 .LBB2_8-.Ltmp3, $2  }
0x1bc: {  	_ =	sdelay $0x2  }
0x1bd: {  	s11 =	sshra.s32 s10, $0x2;
	s10 =	sadd.s32 $0x200, s10  }
0x1be: {  	_ =	sdelay $0x1  }
0x1bf: {  	v12 =	vld [tilespmem:s11+$0x400]  }
0x1c0: {  	[tilespmem:s9+$0x16470] =	vst v11  }
0x1c1: {  	v10 =	vld.idx.msk [tilespmem:v10+s25+$0x0], $0xffff;
	_ =	sdelay $0x4  }
0x1c2: {  	[tilespmem:s9+$0x16C70] =	vst v10  }
0x1c3: {  	v10 =	vld.idx.msk [tilespmem:v12+s24+$0x0], $0xffff;
	_ =	sdelay $0x4  }
0x1c4: {  	[tilespmem:s11+$0x13400] =	vst v10  }
0x1c5: {  	v10 =	vld.idx.msk [tilespmem:v12+s2+$0x0], $0xffff;
	_ =	sdelay $0x4  }
0x1c6: {  	[tilespmem:s11+$0x13C00] =	vst v10  }
0x1c7: {  	v10 =	vld.idx.msk [tilespmem:v12+s0+$0x0], $0xffff;
	_ =	sdelay $0x4  }
0x1c8: {  	[tilespmem:s11+$0x14400] =	vst v10  }
0x1c9: {  	v10 =	vld.idx.msk [tilespmem:v12+s20+$0x0], $0xffff;
	_ =	sdelay $0x4  }
0x1ca: {  	[tilespmem:s11+$0x14C00] =	vst v10  }
0x1cb: {  	v10 =	vld.idx.msk [tilespmem:v12+s4+$0x0], $0xffff;
	_ =	sdelay $0x4  }
0x1cc: {  	[tilespmem:s11+$0x15400] =	vst v10  }
0x1cd: {  	v10 =	vld.idx.msk [tilespmem:v12+s6+$0x0], $0xffff;
	_ =	sdelay $0x4  }
0x1ce: {  	[tilespmem:s11+$0x15C00] =	vst v10  }
0x1cf: {  	v10 =	vld.idx.msk [tilespmem:v12+s23+$0x0], $0xffff;
	_ =	sdelay $0x4  }
0x1d0: {  	[tilespmem:s11+$0x16400] =	vst v10;
	v10 =	vld [tilespmem:s11+$0x410];
	_ =	sdelay $0x1  }
0x1d1: {  	v11 =	vld.idx.msk [tilespmem:v12+s25+$0x0], $0xffff;
	_ =	sdelay $0x4  }
0x1d2: {  	[tilespmem:s11+$0x16C00] =	vst v11  }
0x1d3: {  	v11 =	vld.idx.msk [tilespmem:v10+s24+$0x0], $0xffff;
	_ =	sdelay $0x4  }
0x1d4: {  	[tilespmem:s11+$0x13410] =	vst v11  }
0x1d5: {  	v11 =	vld.idx.msk [tilespmem:v10+s2+$0x0], $0xffff;
	_ =	sdelay $0x4  }
0x1d6: {  	[tilespmem:s11+$0x13C10] =	vst v11  }
0x1d7: {  	v11 =	vld.idx.msk [tilespmem:v10+s0+$0x0], $0xffff;
	_ =	sdelay $0x4  }
0x1d8: {  	[tilespmem:s11+$0x14410] =	vst v11  }
0x1d9: {  	v11 =	vld.idx.msk [tilespmem:v10+s20+$0x0], $0xffff;
	_ =	sdelay $0x4  }
0x1da: {  	[tilespmem:s11+$0x14C10] =	vst v11  }
0x1db: {  	v11 =	vld.idx.msk [tilespmem:v10+s4+$0x0], $0xffff;
	_ =	sdelay $0x4  }
0x1dc: {  	[tilespmem:s11+$0x15410] =	vst v11  }
0x1dd: {  	v11 =	vld.idx.msk [tilespmem:v10+s6+$0x0], $0xffff;
	_ =	sdelay $0x4  }
0x1de: {  	[tilespmem:s11+$0x15C10] =	vst v11  }
0x1df: {  	v11 =	vld.idx.msk [tilespmem:v10+s23+$0x0], $0xffff;
	_ =	sdelay $0x4  }
0x1e0: {  	[tilespmem:s11+$0x16410] =	vst v11;
	v11 =	vld [tilespmem:s11+$0x420];
	_ =	sdelay $0x1  }
0x1e1: {  	v10 =	vld.idx.msk [tilespmem:v10+s25+$0x0], $0xffff;
	_ =	sdelay $0x4  }
0x1e2: {  	[tilespmem:s11+$0x16C10] =	vst v10  }
0x1e3: {  	v10 =	vld.idx.msk [tilespmem:v11+s24+$0x0], $0xffff;
	_ =	sdelay $0x4  }
0x1e4: {  	[tilespmem:s11+$0x13420] =	vst v10  }
0x1e5: {  	v10 =	vld.idx.msk [tilespmem:v11+s2+$0x0], $0xffff;
	_ =	sdelay $0x4  }
0x1e6: {  	[tilespmem:s11+$0x13C20] =	vst v10  }
0x1e7: {  	v10 =	vld.idx.msk [tilespmem:v11+s0+$0x0], $0xffff;
	_ =	sdelay $0x4  }
0x1e8: {  	[tilespmem:s11+$0x14420] =	vst v10  }
0x1e9: {  	v10 =	vld.idx.msk [tilespmem:v11+s20+$0x0], $0xffff;
	_ =	sdelay $0x4  }
0x1ea: {  	[tilespmem:s11+$0x14C20] =	vst v10  }
0x1eb: {  	v10 =	vld.idx.msk [tilespmem:v11+s4+$0x0], $0xffff;
	_ =	sdelay $0x4  }
0x1ec: {  	[tilespmem:s11+$0x15420] =	vst v10  }
0x1ed: {  	v10 =	vld.idx.msk [tilespmem:v11+s6+$0x0], $0xffff;
	_ =	sdelay $0x4  }
0x1ee: {  	[tilespmem:s11+$0x15C20] =	vst v10  }
0x1ef: {  	v10 =	vld.idx.msk [tilespmem:v11+s23+$0x0], $0xffff;
	_ =	sdelay $0x4  }
0x1f0: {  	[tilespmem:s11+$0x16420] =	vst v10;
	v10 =	vld [tilespmem:s11+$0x430];
	_ =	sdelay $0x1  }
0x1f1: {  	v11 =	vld.idx.msk [tilespmem:v11+s25+$0x0], $0xffff;
	_ =	sdelay $0x4  }
0x1f2: {  	[tilespmem:s11+$0x16C20] =	vst v11  }
0x1f3: {  	v11 =	vld.idx.msk [tilespmem:v10+s24+$0x0], $0xffff;
	_ =	sdelay $0x4  }
0x1f4: {  	[tilespmem:s11+$0x13430] =	vst v11  }
0x1f5: {  	v11 =	vld.idx.msk [tilespmem:v10+s2+$0x0], $0xffff;
	_ =	sdelay $0x4  }
0x1f6: {  	[tilespmem:s11+$0x13C30] =	vst v11  }
0x1f7: {  	v11 =	vld.idx.msk [tilespmem:v10+s0+$0x0], $0xffff;
	_ =	sdelay $0x4  }
0x1f8: {  	[tilespmem:s11+$0x14430] =	vst v11  }
0x1f9: {  	v11 =	vld.idx.msk [tilespmem:v10+s20+$0x0], $0xffff;
	_ =	sdelay $0x4  }
0x1fa: {  	[tilespmem:s11+$0x14C30] =	vst v11  }
0x1fb: {  	v11 =	vld.idx.msk [tilespmem:v10+s4+$0x0], $0xffff;
	_ =	sdelay $0x4  }
0x1fc: {  	[tilespmem:s11+$0x15430] =	vst v11  }
0x1fd: {  	v11 =	vld.idx.msk [tilespmem:v10+s6+$0x0], $0xffff;
	_ =	sdelay $0x4  }
0x1fe: {  	[tilespmem:s11+$0x15C30] =	vst v11  }
0x1ff: {  	v11 =	vld.idx.msk [tilespmem:v10+s23+$0x0], $0xffff;
	_ =	sdelay $0x4  }
0x200: {  	[tilespmem:s11+$0x16430] =	vst v11;
	v11 =	vld [tilespmem:s11+$0x440];
	_ =	sdelay $0x1  }
0x201: {  	v10 =	vld.idx.msk [tilespmem:v10+s25+$0x0], $0xffff;
	_ =	sdelay $0x4  }
0x202: {  	[tilespmem:s11+$0x16C30] =	vst v10  }
0x203: {  	v10 =	vld.idx.msk [tilespmem:v11+s24+$0x0], $0xffff;
	_ =	sdelay $0x4  }
0x204: {  	[tilespmem:s11+$0x13440] =	vst v10  }
0x205: {  	v10 =	vld.idx.msk [tilespmem:v11+s2+$0x0], $0xffff;
	_ =	sdelay $0x4  }
0x206: {  	[tilespmem:s11+$0x13C40] =	vst v10  }
0x207: {  	v10 =	vld.idx.msk [tilespmem:v11+s0+$0x0], $0xffff;
	_ =	sdelay $0x4  }
0x208: {  	[tilespmem:s11+$0x14440] =	vst v10  }
0x209: {  	v10 =	vld.idx.msk [tilespmem:v11+s20+$0x0], $0xffff;
	_ =	sdelay $0x4  }
0x20a: {  	[tilespmem:s11+$0x14C40] =	vst v10  }
0x20b: {  	v10 =	vld.idx.msk [tilespmem:v11+s4+$0x0], $0xffff;
	_ =	sdelay $0x4  }
0x20c: {  	[tilespmem:s11+$0x15440] =	vst v10  }
0x20d: {  	v10 =	vld.idx.msk [tilespmem:v11+s6+$0x0], $0xffff;
	_ =	sdelay $0x4  }
0x20e: {  	[tilespmem:s11+$0x15C40] =	vst v10  }
0x20f: {  	v10 =	vld.idx.msk [tilespmem:v11+s23+$0x0], $0xffff;
	_ =	sdelay $0x4  }
0x210: {  	[tilespmem:s11+$0x16440] =	vst v10;
	v10 =	vld [tilespmem:s11+$0x450];
	_ =	sdelay $0x1  }
0x211: {  	v11 =	vld.idx.msk [tilespmem:v11+s25+$0x0], $0xffff;
	_ =	sdelay $0x4  }
0x212: {  	[tilespmem:s11+$0x16C40] =	vst v11  }
0x213: {  	v11 =	vld.idx.msk [tilespmem:v10+s24+$0x0], $0xffff;
	_ =	sdelay $0x4  }
0x214: {  	[tilespmem:s11+$0x13450] =	vst v11  }
0x215: {  	v11 =	vld.idx.msk [tilespmem:v10+s2+$0x0], $0xffff;
	_ =	sdelay $0x4  }
0x216: {  	[tilespmem:s11+$0x13C50] =	vst v11  }
0x217: {  	v11 =	vld.idx.msk [tilespmem:v10+s0+$0x0], $0xffff;
	_ =	sdelay $0x4  }
0x218: {  	[tilespmem:s11+$0x14450] =	vst v11  }
0x219: {  	v11 =	vld.idx.msk [tilespmem:v10+s20+$0x0], $0xffff;
	_ =	sdelay $0x4  }
0x21a: {  	[tilespmem:s11+$0x14C50] =	vst v11  }
0x21b: {  	v11 =	vld.idx.msk [tilespmem:v10+s4+$0x0], $0xffff;
	_ =	sdelay $0x4  }
0x21c: {  	[tilespmem:s11+$0x15450] =	vst v11  }
0x21d: {  	v11 =	vld.idx.msk [tilespmem:v10+s6+$0x0], $0xffff;
	_ =	sdelay $0x4  }
0x21e: {  	[tilespmem:s11+$0x15C50] =	vst v11  }
0x21f: {  	v11 =	vld.idx.msk [tilespmem:v10+s23+$0x0], $0xffff;
	_ =	sdelay $0x4  }
0x220: {  	[tilespmem:s11+$0x16450] =	vst v11;
	v11 =	vld [tilespmem:s11+$0x460];
	_ =	sdelay $0x1  }
0x221: {  	v10 =	vld.idx.msk [tilespmem:v10+s25+$0x0], $0xffff;
	_ =	sdelay $0x4  }
0x222: {  	[tilespmem:s11+$0x16C50] =	vst v10  }
0x223: {  	v10 =	vld.idx.msk [tilespmem:v11+s24+$0x0], $0xffff;
	_ =	sdelay $0x4  }
0x224: {  	[tilespmem:s11+$0x13460] =	vst v10  }
0x225: {  	v10 =	vld.idx.msk [tilespmem:v11+s2+$0x0], $0xffff;
	_ =	sdelay $0x4  }
0x226: {  	[tilespmem:s11+$0x13C60] =	vst v10  }
0x227: {  	v10 =	vld.idx.msk [tilespmem:v11+s0+$0x0], $0xffff;
	_ =	sdelay $0x4  }
0x228: {  	[tilespmem:s11+$0x14460] =	vst v10  }
0x229: {  	v10 =	vld.idx.msk [tilespmem:v11+s20+$0x0], $0xffff;
	_ =	sdelay $0x4  }
0x22a: {  	[tilespmem:s11+$0x14C60] =	vst v10  }
0x22b: {  	v10 =	vld.idx.msk [tilespmem:v11+s4+$0x0], $0xffff;
	_ =	sdelay $0x4  }
0x22c: {  	[tilespmem:s11+$0x15460] =	vst v10  }
0x22d: {  	v10 =	vld.idx.msk [tilespmem:v11+s6+$0x0], $0xffff;
	_ =	sdelay $0x4  }
0x22e: {  	[tilespmem:s11+$0x15C60] =	vst v10  }
0x22f: {  	v10 =	vld.idx.msk [tilespmem:v11+s23+$0x0], $0xffff;
	_ =	sdelay $0x4  }
0x230: {  	[tilespmem:s11+$0x16460] =	vst v10;
	v10 =	vld [tilespmem:s11+$0x470];
	_ =	sdelay $0x1  }
0x231: {  	v11 =	vld.idx.msk [tilespmem:v11+s25+$0x0], $0xffff;
	_ =	sdelay $0x4  }
0x232: {  	[tilespmem:s11+$0x16C60] =	vst v11  }
0x233: {  	v11 =	vld.idx.msk [tilespmem:v10+s24+$0x0], $0xffff;
	_ =	sdelay $0x4  }
0x234: {  	[tilespmem:s11+$0x13470] =	vst v11  }
0x235: {  	v11 =	vld.idx.msk [tilespmem:v10+s2+$0x0], $0xffff;
	_ =	sdelay $0x4  }
0x236: {  	[tilespmem:s11+$0x13C70] =	vst v11  }
0x237: {  	v11 =	vld.idx.msk [tilespmem:v10+s0+$0x0], $0xffff;
	_ =	sdelay $0x4  }
0x238: {  	[tilespmem:s11+$0x14470] =	vst v11  }
0x239: {  	v11 =	vld.idx.msk [tilespmem:v10+s20+$0x0], $0xffff;
	_ =	sdelay $0x4  }
0x23a: {  	[tilespmem:s11+$0x14C70] =	vst v11  }
0x23b: {  	v11 =	vld.idx.msk [tilespmem:v10+s4+$0x0], $0xffff;
	_ =	sdelay $0x4  }
0x23c: {  	[tilespmem:s11+$0x15470] =	vst v11  }
0x23d: {  	v11 =	vld.idx.msk [tilespmem:v10+s6+$0x0], $0xffff;
	_ =	sdelay $0x4  }
0x23e: {  	[tilespmem:s11+$0x15C70] =	vst v11  }
0x23f: {  	v11 =	vld.idx.msk [tilespmem:v10+s23+$0x0], $0xffff;
	_ =	sdelay $0x4  }
0x240: {  	[tilespmem:s11+$0x16470] =	vst v11  }
0x241: {  	v10 =	vld.idx.msk [tilespmem:v10+s25+$0x0], $0xffff;
	_ =	sdelay $0x4  }
0x242: {  	s3 =	rddreg [dreg:$0xc];
	[tilespmem:s11+$0x16C70] =	vst v10  }
0x243: {  	[hbm4b:s3+s31] =	stream.strided.scatter [tilespmem:s18], [sflag:$0x1], $0x800, s28, s31, $0x38;
	[tilespmem:$0x1B400] =	vst v63  }
0x244: {  	s19 =	simm.s32 $0x13C00;
	s1 =	sadd.s32 $0x2000, s3  }
0x245: {  	[hbm4b:s1+s31] =	stream.strided.scatter [tilespmem:s19], [sflag:$0x1], $0x800, s28, s31, $0x38;
	[tilespmem:$0x1B400] =	vst v63  }
0x246: {  	s22 =	simm.s32 $0x14400;
	s16 =	sadd.s32 $0x4000, s3  }
0x247: {  	[hbm4b:s16+s31] =	stream.strided.scatter [tilespmem:s22], [sflag:$0x1], $0x800, s28, s31, $0x38;
	[tilespmem:$0x1B400] =	vst v63  }
0x248: {  	s29 =	simm.s32 $0x14C00;
	s7 =	sadd.s32 $0x6000, s3  }
0x249: {  	[hbm4b:s7+s31] =	stream.strided.scatter [tilespmem:s29], [sflag:$0x1], $0x800, s28, s31, $0x38;
	[tilespmem:$0x1B400] =	vst v63  }
0x24a: {  	s9 =	sadd.s32 $0x8000, s3  }
0x24b: {  	[hbm4b:s9+s31] =	stream.strided.scatter [tilespmem:s30], [sflag:$0x1], $0x800, s28, s31, $0x38;
	[tilespmem:$0x1B400] =	vst v63  }
0x24c: {  	s10 =	sadd.s32 $0xA000, s3;
	s7 =	simm.s32 $0x15C00  }
0x24d: {  	[hbm4b:s10+s31] =	stream.strided.scatter [tilespmem:s7], [sflag:$0x1], $0x800, s28, s31, $0x38;
	[tilespmem:$0x1B400] =	vst v63  }
0x24e: {  	s14 =	simm.s32 $0x16400;
	s11 =	sadd.s32 $0xC000, s3  }
0x24f: {  	[hbm4b:s11+s31] =	stream.strided.scatter [tilespmem:s14], [sflag:$0x1], $0x800, s28, s31, $0x38;
	[tilespmem:$0x1B400] =	vst v63  }
0x250: {  	s15 =	sadd.s32 $0xE000, s3;
	s16 =	simm.s32 $0x16C00;
	s9 =	simm.s32 $0x0  }
0x251: {  	[hbm4b:s15+s31] =	stream.strided.scatter [tilespmem:s16], [sflag:$0x1], $0x800, s28, s31, $0x38;
	[tilespmem:$0x1B400] =	vst v63  }
0x252: {  	v10 =	vld [tilespmem:s9+$0xC00];
	_ =	sdelay $0x7  }
0x253: {  	v11 =	vld.idx.msk [tilespmem:v10+s24+$0x0], $0xffff;
	_ =	sdelay $0x4  }
0x254: {  	[tilespmem:s9+$0x17400] =	vst v11  }
0x255: {  	v11 =	vld.idx.msk [tilespmem:v10+s2+$0x0], $0xffff;
	_ =	sdelay $0x4  }
0x256: {  	[tilespmem:s9+$0x17C00] =	vst v11  }
0x257: {  	v11 =	vld.idx.msk [tilespmem:v10+s0+$0x0], $0xffff;
	_ =	sdelay $0x4  }
0x258: {  	[tilespmem:s9+$0x18400] =	vst v11  }
0x259: {  	v11 =	vld.idx.msk [tilespmem:v10+s20+$0x0], $0xffff;
	_ =	sdelay $0x4  }
0x25a: {  	[tilespmem:s9+$0x18C00] =	vst v11  }
0x25b: {  	v11 =	vld.idx.msk [tilespmem:v10+s4+$0x0], $0xffff;
	_ =	sdelay $0x4  }
0x25c: {  	[tilespmem:s9+$0x19400] =	vst v11  }
0x25d: {  	v11 =	vld.idx.msk [tilespmem:v10+s6+$0x0], $0xffff;
	_ =	sdelay $0x4  }
0x25e: {  	[tilespmem:s9+$0x19C00] =	vst v11  }
0x25f: {  	v11 =	vld.idx.msk [tilespmem:v10+s23+$0x0], $0xffff;
	_ =	sdelay $0x4  }
0x260: {  	[tilespmem:s9+$0x1A400] =	vst v11;
	v11 =	vld [tilespmem:s9+$0xC10];
	_ =	sdelay $0x1  }
0x261: {  	v10 =	vld.idx.msk [tilespmem:v10+s25+$0x0], $0xffff;
	_ =	sdelay $0x4  }
0x262: {  	[tilespmem:s9+$0x1AC00] =	vst v10  }
0x263: {  	v10 =	vld.idx.msk [tilespmem:v11+s24+$0x0], $0xffff;
	_ =	sdelay $0x4  }
0x264: {  	[tilespmem:s9+$0x17410] =	vst v10  }
0x265: {  	v10 =	vld.idx.msk [tilespmem:v11+s2+$0x0], $0xffff;
	_ =	sdelay $0x4  }
0x266: {  	[tilespmem:s9+$0x17C10] =	vst v10  }
0x267: {  	v10 =	vld.idx.msk [tilespmem:v11+s0+$0x0], $0xffff;
	_ =	sdelay $0x4  }
0x268: {  	[tilespmem:s9+$0x18410] =	vst v10  }
0x269: {  	v10 =	vld.idx.msk [tilespmem:v11+s20+$0x0], $0xffff;
	_ =	sdelay $0x4  }
0x26a: {  	[tilespmem:s9+$0x18C10] =	vst v10  }
0x26b: {  	v10 =	vld.idx.msk [tilespmem:v11+s4+$0x0], $0xffff;
	_ =	sdelay $0x4  }
0x26c: {  	[tilespmem:s9+$0x19410] =	vst v10  }
0x26d: {  	v10 =	vld.idx.msk [tilespmem:v11+s6+$0x0], $0xffff;
	_ =	sdelay $0x4  }
0x26e: {  	[tilespmem:s9+$0x19C10] =	vst v10  }
0x26f: {  	v10 =	vld.idx.msk [tilespmem:v11+s23+$0x0], $0xffff;
	_ =	sdelay $0x4  }
0x270: {  	[tilespmem:s9+$0x1A410] =	vst v10;
	v10 =	vld [tilespmem:s9+$0xC20];
	_ =	sdelay $0x1  }
0x271: {  	v11 =	vld.idx.msk [tilespmem:v11+s25+$0x0], $0xffff;
	_ =	sdelay $0x4  }
0x272: {  	[tilespmem:s9+$0x1AC10] =	vst v11  }
0x273: {  	v11 =	vld.idx.msk [tilespmem:v10+s24+$0x0], $0xffff;
	_ =	sdelay $0x4  }
0x274: {  	[tilespmem:s9+$0x17420] =	vst v11  }
0x275: {  	v11 =	vld.idx.msk [tilespmem:v10+s2+$0x0], $0xffff;
	_ =	sdelay $0x4  }
0x276: {  	[tilespmem:s9+$0x17C20] =	vst v11  }
0x277: {  	v11 =	vld.idx.msk [tilespmem:v10+s0+$0x0], $0xffff;
	_ =	sdelay $0x4  }
0x278: {  	[tilespmem:s9+$0x18420] =	vst v11  }
0x279: {  	v11 =	vld.idx.msk [tilespmem:v10+s20+$0x0], $0xffff;
	_ =	sdelay $0x4  }
0x27a: {  	[tilespmem:s9+$0x18C20] =	vst v11  }
0x27b: {  	v11 =	vld.idx.msk [tilespmem:v10+s4+$0x0], $0xffff;
	_ =	sdelay $0x4  }
0x27c: {  	[tilespmem:s9+$0x19420] =	vst v11  }
0x27d: {  	v11 =	vld.idx.msk [tilespmem:v10+s6+$0x0], $0xffff;
	_ =	sdelay $0x4  }
0x27e: {  	[tilespmem:s9+$0x19C20] =	vst v11  }
0x27f: {  	v11 =	vld.idx.msk [tilespmem:v10+s23+$0x0], $0xffff;
	_ =	sdelay $0x4  }
0x280: {  	[tilespmem:s9+$0x1A420] =	vst v11;
	v11 =	vld [tilespmem:s9+$0xC30];
	_ =	sdelay $0x1  }
0x281: {  	v10 =	vld.idx.msk [tilespmem:v10+s25+$0x0], $0xffff;
	_ =	sdelay $0x4  }
0x282: {  	[tilespmem:s9+$0x1AC20] =	vst v10  }
0x283: {  	v10 =	vld.idx.msk [tilespmem:v11+s24+$0x0], $0xffff;
	_ =	sdelay $0x4  }
0x284: {  	[tilespmem:s9+$0x17430] =	vst v10  }
0x285: {  	v10 =	vld.idx.msk [tilespmem:v11+s2+$0x0], $0xffff;
	_ =	sdelay $0x4  }
0x286: {  	[tilespmem:s9+$0x17C30] =	vst v10  }
0x287: {  	v10 =	vld.idx.msk [tilespmem:v11+s0+$0x0], $0xffff;
	_ =	sdelay $0x4  }
0x288: {  	[tilespmem:s9+$0x18430] =	vst v10  }
0x289: {  	v10 =	vld.idx.msk [tilespmem:v11+s20+$0x0], $0xffff;
	_ =	sdelay $0x4  }
0x28a: {  	[tilespmem:s9+$0x18C30] =	vst v10  }
0x28b: {  	v10 =	vld.idx.msk [tilespmem:v11+s4+$0x0], $0xffff;
	_ =	sdelay $0x4  }
0x28c: {  	[tilespmem:s9+$0x19430] =	vst v10  }
0x28d: {  	v10 =	vld.idx.msk [tilespmem:v11+s6+$0x0], $0xffff;
	_ =	sdelay $0x4  }
0x28e: {  	[tilespmem:s9+$0x19C30] =	vst v10  }
0x28f: {  	v10 =	vld.idx.msk [tilespmem:v11+s23+$0x0], $0xffff;
	_ =	sdelay $0x4  }
0x290: {  	[tilespmem:s9+$0x1A430] =	vst v10;
	v10 =	vld [tilespmem:s9+$0xC40];
	_ =	sdelay $0x1  }
0x291: {  	v11 =	vld.idx.msk [tilespmem:v11+s25+$0x0], $0xffff;
	_ =	sdelay $0x4  }
0x292: {  	[tilespmem:s9+$0x1AC30] =	vst v11  }
0x293: {  	v11 =	vld.idx.msk [tilespmem:v10+s24+$0x0], $0xffff;
	_ =	sdelay $0x4  }
0x294: {  	[tilespmem:s9+$0x17440] =	vst v11  }
0x295: {  	v11 =	vld.idx.msk [tilespmem:v10+s2+$0x0], $0xffff;
	_ =	sdelay $0x4  }
0x296: {  	[tilespmem:s9+$0x17C40] =	vst v11  }
0x297: {  	v11 =	vld.idx.msk [tilespmem:v10+s0+$0x0], $0xffff;
	_ =	sdelay $0x4  }
0x298: {  	[tilespmem:s9+$0x18440] =	vst v11  }
0x299: {  	v11 =	vld.idx.msk [tilespmem:v10+s20+$0x0], $0xffff;
	_ =	sdelay $0x4  }
0x29a: {  	[tilespmem:s9+$0x18C40] =	vst v11  }
0x29b: {  	v11 =	vld.idx.msk [tilespmem:v10+s4+$0x0], $0xffff;
	_ =	sdelay $0x4  }
0x29c: {  	[tilespmem:s9+$0x19440] =	vst v11  }
0x29d: {  	v11 =	vld.idx.msk [tilespmem:v10+s6+$0x0], $0xffff;
	_ =	sdelay $0x4  }
0x29e: {  	[tilespmem:s9+$0x19C40] =	vst v11  }
0x29f: {  	v11 =	vld.idx.msk [tilespmem:v10+s23+$0x0], $0xffff;
	_ =	sdelay $0x4  }
0x2a0: {  	[tilespmem:s9+$0x1A440] =	vst v11;
	v11 =	vld [tilespmem:s9+$0xC50];
	_ =	sdelay $0x1  }
0x2a1: {  	v10 =	vld.idx.msk [tilespmem:v10+s25+$0x0], $0xffff;
	_ =	sdelay $0x4  }
0x2a2: {  	[tilespmem:s9+$0x1AC40] =	vst v10  }
0x2a3: {  	v10 =	vld.idx.msk [tilespmem:v11+s24+$0x0], $0xffff;
	_ =	sdelay $0x4  }
0x2a4: {  	[tilespmem:s9+$0x17450] =	vst v10  }
0x2a5: {  	v10 =	vld.idx.msk [tilespmem:v11+s2+$0x0], $0xffff;
	_ =	sdelay $0x4  }
0x2a6: {  	[tilespmem:s9+$0x17C50] =	vst v10  }
0x2a7: {  	v10 =	vld.idx.msk [tilespmem:v11+s0+$0x0], $0xffff;
	_ =	sdelay $0x4  }
0x2a8: {  	[tilespmem:s9+$0x18450] =	vst v10  }
0x2a9: {  	v10 =	vld.idx.msk [tilespmem:v11+s20+$0x0], $0xffff;
	_ =	sdelay $0x4  }
0x2aa: {  	[tilespmem:s9+$0x18C50] =	vst v10  }
0x2ab: {  	v10 =	vld.idx.msk [tilespmem:v11+s4+$0x0], $0xffff;
	_ =	sdelay $0x4  }
0x2ac: {  	[tilespmem:s9+$0x19450] =	vst v10  }
0x2ad: {  	v10 =	vld.idx.msk [tilespmem:v11+s6+$0x0], $0xffff;
	_ =	sdelay $0x4  }
0x2ae: {  	[tilespmem:s9+$0x19C50] =	vst v10  }
0x2af: {  	v10 =	vld.idx.msk [tilespmem:v11+s23+$0x0], $0xffff;
	_ =	sdelay $0x3  }
0x2b0: {  	v63 =	vld [tilespmem:s9+$0xC60]  }
0x2b1: {  	[tilespmem:s9+$0x1A450] =	vst v10  }
0x2b2: {  	v10 =	vld.idx.msk [tilespmem:v11+s25+$0x0], $0xffff;
	_ =	sdelay $0x4  }
0x2b3: {  	[tilespmem:s9+$0x1AC50] =	vst v10  }
0x2b4: {  	v10 =	vld.idx.msk [tilespmem:v63+s24+$0x0], $0xffff;
	_ =	sdelay $0x4  }
0x2b5: {  	[tilespmem:s9+$0x17460] =	vst v10  }
0x2b6: {  	v10 =	vld.idx.msk [tilespmem:v63+s2+$0x0], $0xffff;
	_ =	sdelay $0x4  }
0x2b7: {  	[tilespmem:s9+$0x17C60] =	vst v10  }
0x2b8: {  	v10 =	vld.idx.msk [tilespmem:v63+s0+$0x0], $0xffff;
	_ =	sdelay $0x4  }
0x2b9: {  	[tilespmem:s9+$0x18460] =	vst v10  }
0x2ba: {  	v10 =	vld.idx.msk [tilespmem:v63+s20+$0x0], $0xffff;
	_ =	sdelay $0x4  }
0x2bb: {  	[tilespmem:s9+$0x18C60] =	vst v10  }
0x2bc: {  	v10 =	vld.idx.msk [tilespmem:v63+s4+$0x0], $0xffff;
	_ =	sdelay $0x4  }
0x2bd: {  	[tilespmem:s9+$0x19460] =	vst v10  }
0x2be: {  	v10 =	vld.idx.msk [tilespmem:v63+s6+$0x0], $0xffff;
	_ =	sdelay $0x4  }
0x2bf: {  	[tilespmem:s9+$0x19C60] =	vst v10  }
0x2c0: {  	v10 =	vld.idx.msk [tilespmem:v63+s23+$0x0], $0xffff;
	_ =	sdelay $0x4  }
0x2c1: {  	[tilespmem:s9+$0x1A460] =	vst v10;
	v10 =	vld [tilespmem:s9+$0xC70];
	_ =	sdelay $0x1  }
0x2c2: {  	v11 =	vld.idx.msk [tilespmem:v63+s25+$0x0], $0xffff;
	_ =	sdelay $0x4  }
0x2c3: {  	[tilespmem:s9+$0x1AC60] =	vst v11  }
0x2c4: {  	v11 =	vld.idx.msk [tilespmem:v10+s24+$0x0], $0xffff;
	_ =	sdelay $0x4  }
0x2c5: {  	[tilespmem:s9+$0x17470] =	vst v11  }
0x2c6: {  	v11 =	vld.idx.msk [tilespmem:v10+s2+$0x0], $0xffff;
	_ =	sdelay $0x4  }
0x2c7: {  	[tilespmem:s9+$0x17C70] =	vst v11  }
0x2c8: {  	v11 =	vld.idx.msk [tilespmem:v10+s0+$0x0], $0xffff;
	_ =	sdelay $0x4  }
0x2c9: {  	[tilespmem:s9+$0x18470] =	vst v11  }
0x2ca: {  	v11 =	vld.idx.msk [tilespmem:v10+s20+$0x0], $0xffff;
	_ =	sdelay $0x4  }
0x2cb: {  	[tilespmem:s9+$0x18C70] =	vst v11  }
0x2cc: {  	v11 =	vld.idx.msk [tilespmem:v10+s4+$0x0], $0xffff;
	_ =	sdelay $0x4  }
0x2cd: {  	[tilespmem:s9+$0x19470] =	vst v11  }
0x2ce: {  	v11 =	vld.idx.msk [tilespmem:v10+s6+$0x0], $0xffff;
	_ =	sdelay $0x4  }
0x2cf: {  	[tilespmem:s9+$0x19C70] =	vst v11  }
0x2d0: {  	v11 =	vld.idx.msk [tilespmem:v10+s23+$0x0], $0xffff;
	_ =	sdelay $0x2  }
0x2d1: {  	s7 =	rddreg [dreg:$0x1]  }
0x2d2: {  	s10 =	simm.s32 $0x400;
	s11 =	simm.s32 $0x80;
	s16 =	rddreg [dreg:$0x2]  }
.LBB2_10:
0x2d3: {  	p0 =	sne.s32 s10, $0x1E00;
	v12 =	vld [tilespmem:s11+$0xC00];
	[tilespmem:s9+$0x1A470] =	vst v11  }
0x2d4: {  	v10 =	vld.idx.msk [tilespmem:v10+s25+$0x0], $0xffff;
	_ =	sdelay $0x5  }
0x2d5: {  	[tilespmem:s9+$0x1AC70] =	vst v10;
	s9 =	smov.u32 s11  }
0x2d6: {  	v10 =	vld.idx.msk [tilespmem:v12+s24+$0x0], $0xffff;
	_ =	sdelay $0x5  }
0x2d7: {  	[tilespmem:s9+$0x17400] =	vst v10  }
0x2d8: {  	v10 =	vld.idx.msk [tilespmem:v12+s2+$0x0], $0xffff;
	_ =	sdelay $0x5  }
0x2d9: {  	[tilespmem:s9+$0x17C00] =	vst v10  }
0x2da: {  	v10 =	vld.idx.msk [tilespmem:v12+s0+$0x0], $0xffff;
	_ =	sdelay $0x5  }
0x2db: {  	[tilespmem:s9+$0x18400] =	vst v10  }
0x2dc: {  	v10 =	vld.idx.msk [tilespmem:v12+s20+$0x0], $0xffff;
	_ =	sdelay $0x5  }
0x2dd: {  	[tilespmem:s9+$0x18C00] =	vst v10  }
0x2de: {  	v10 =	vld.idx.msk [tilespmem:v12+s4+$0x0], $0xffff;
	_ =	sdelay $0x5  }
0x2df: {  	[tilespmem:s9+$0x19400] =	vst v10  }
0x2e0: {  	v10 =	vld.idx.msk [tilespmem:v12+s6+$0x0], $0xffff;
	_ =	sdelay $0x5  }
0x2e1: {  	[tilespmem:s9+$0x19C00] =	vst v10  }
0x2e2: {  	v10 =	vld.idx.msk [tilespmem:v12+s23+$0x0], $0xffff;
	_ =	sdelay $0x5  }
0x2e3: {  	[tilespmem:s9+$0x1A400] =	vst v10;
	v10 =	vld [tilespmem:s9+$0xC10]  }
0x2e4: {  	v11 =	vld.idx.msk [tilespmem:v12+s25+$0x0], $0xffff;
	_ =	sdelay $0x5  }
0x2e5: {  	[tilespmem:s9+$0x1AC00] =	vst v11  }
0x2e6: {  	v11 =	vld.idx.msk [tilespmem:v10+s24+$0x0], $0xffff;
	_ =	sdelay $0x5  }
0x2e7: {  	[tilespmem:s9+$0x17410] =	vst v11  }
0x2e8: {  	v11 =	vld.idx.msk [tilespmem:v10+s2+$0x0], $0xffff;
	_ =	sdelay $0x5  }
0x2e9: {  	[tilespmem:s9+$0x17C10] =	vst v11  }
0x2ea: {  	v11 =	vld.idx.msk [tilespmem:v10+s0+$0x0], $0xffff;
	_ =	sdelay $0x5  }
0x2eb: {  	[tilespmem:s9+$0x18410] =	vst v11  }
0x2ec: {  	v11 =	vld.idx.msk [tilespmem:v10+s20+$0x0], $0xffff;
	_ =	sdelay $0x5  }
0x2ed: {  	[tilespmem:s9+$0x18C10] =	vst v11  }
0x2ee: {  	v11 =	vld.idx.msk [tilespmem:v10+s4+$0x0], $0xffff;
	_ =	sdelay $0x5  }
0x2ef: {  	[tilespmem:s9+$0x19410] =	vst v11  }
0x2f0: {  	v11 =	vld.idx.msk [tilespmem:v10+s6+$0x0], $0xffff;
	_ =	sdelay $0x5  }
0x2f1: {  	[tilespmem:s9+$0x19C10] =	vst v11  }
0x2f2: {  	v11 =	vld.idx.msk [tilespmem:v10+s23+$0x0], $0xffff;
	_ =	sdelay $0x5  }
0x2f3: {  	[tilespmem:s9+$0x1A410] =	vst v11;
	v11 =	vld [tilespmem:s9+$0xC20]  }
0x2f4: {  	v10 =	vld.idx.msk [tilespmem:v10+s25+$0x0], $0xffff;
	_ =	sdelay $0x5  }
0x2f5: {  	[tilespmem:s9+$0x1AC10] =	vst v10  }
0x2f6: {  	v10 =	vld.idx.msk [tilespmem:v11+s24+$0x0], $0xffff;
	_ =	sdelay $0x5  }
0x2f7: {  	[tilespmem:s9+$0x17420] =	vst v10  }
0x2f8: {  	v10 =	vld.idx.msk [tilespmem:v11+s2+$0x0], $0xffff;
	_ =	sdelay $0x5  }
0x2f9: {  	[tilespmem:s9+$0x17C20] =	vst v10  }
0x2fa: {  	v10 =	vld.idx.msk [tilespmem:v11+s0+$0x0], $0xffff;
	_ =	sdelay $0x5  }
0x2fb: {  	[tilespmem:s9+$0x18420] =	vst v10  }
0x2fc: {  	v10 =	vld.idx.msk [tilespmem:v11+s20+$0x0], $0xffff;
	_ =	sdelay $0x5  }
0x2fd: {  	[tilespmem:s9+$0x18C20] =	vst v10  }
0x2fe: {  	v10 =	vld.idx.msk [tilespmem:v11+s4+$0x0], $0xffff;
	_ =	sdelay $0x5  }
0x2ff: {  	[tilespmem:s9+$0x19420] =	vst v10  }
0x300: {  	v10 =	vld.idx.msk [tilespmem:v11+s6+$0x0], $0xffff;
	_ =	sdelay $0x5  }
0x301: {  	[tilespmem:s9+$0x19C20] =	vst v10  }
0x302: {  	v10 =	vld.idx.msk [tilespmem:v11+s23+$0x0], $0xffff;
	_ =	sdelay $0x5  }
0x303: {  	[tilespmem:s9+$0x1A420] =	vst v10;
	v10 =	vld [tilespmem:s9+$0xC30]  }
0x304: {  	v11 =	vld.idx.msk [tilespmem:v11+s25+$0x0], $0xffff;
	_ =	sdelay $0x5  }
0x305: {  	[tilespmem:s9+$0x1AC20] =	vst v11  }
0x306: {  	v11 =	vld.idx.msk [tilespmem:v10+s24+$0x0], $0xffff;
	_ =	sdelay $0x5  }
0x307: {  	[tilespmem:s9+$0x17430] =	vst v11  }
0x308: {  	v11 =	vld.idx.msk [tilespmem:v10+s2+$0x0], $0xffff;
	_ =	sdelay $0x5  }
0x309: {  	[tilespmem:s9+$0x17C30] =	vst v11  }
0x30a: {  	v11 =	vld.idx.msk [tilespmem:v10+s0+$0x0], $0xffff;
	_ =	sdelay $0x5  }
0x30b: {  	[tilespmem:s9+$0x18430] =	vst v11  }
0x30c: {  	v11 =	vld.idx.msk [tilespmem:v10+s20+$0x0], $0xffff;
	_ =	sdelay $0x5  }
0x30d: {  	[tilespmem:s9+$0x18C30] =	vst v11  }
0x30e: {  	v11 =	vld.idx.msk [tilespmem:v10+s4+$0x0], $0xffff;
	_ =	sdelay $0x5  }
0x30f: {  	[tilespmem:s9+$0x19430] =	vst v11  }
0x310: {  	v11 =	vld.idx.msk [tilespmem:v10+s6+$0x0], $0xffff;
	_ =	sdelay $0x5  }
0x311: {  	[tilespmem:s9+$0x19C30] =	vst v11  }
0x312: {  	v11 =	vld.idx.msk [tilespmem:v10+s23+$0x0], $0xffff;
	_ =	sdelay $0x5  }
0x313: {  	[tilespmem:s9+$0x1A430] =	vst v11;
	v11 =	vld [tilespmem:s9+$0xC40]  }
0x314: {  	v10 =	vld.idx.msk [tilespmem:v10+s25+$0x0], $0xffff;
	_ =	sdelay $0x5  }
0x315: {  	[tilespmem:s9+$0x1AC30] =	vst v10  }
0x316: {  	v10 =	vld.idx.msk [tilespmem:v11+s24+$0x0], $0xffff;
	_ =	sdelay $0x5  }
0x317: {  	[tilespmem:s9+$0x17440] =	vst v10  }
0x318: {  	v10 =	vld.idx.msk [tilespmem:v11+s2+$0x0], $0xffff;
	_ =	sdelay $0x5  }
0x319: {  	[tilespmem:s9+$0x17C40] =	vst v10  }
0x31a: {  	v10 =	vld.idx.msk [tilespmem:v11+s0+$0x0], $0xffff;
	_ =	sdelay $0x5  }
0x31b: {  	[tilespmem:s9+$0x18440] =	vst v10  }
0x31c: {  	v10 =	vld.idx.msk [tilespmem:v11+s20+$0x0], $0xffff;
	_ =	sdelay $0x5  }
0x31d: {  	[tilespmem:s9+$0x18C40] =	vst v10  }
0x31e: {  	v10 =	vld.idx.msk [tilespmem:v11+s4+$0x0], $0xffff;
	_ =	sdelay $0x5  }
0x31f: {  	[tilespmem:s9+$0x19440] =	vst v10  }
0x320: {  	v10 =	vld.idx.msk [tilespmem:v11+s6+$0x0], $0xffff;
	_ =	sdelay $0x5  }
0x321: {  	[tilespmem:s9+$0x19C40] =	vst v10  }
0x322: {  	v10 =	vld.idx.msk [tilespmem:v11+s23+$0x0], $0xffff;
	_ =	sdelay $0x5  }
0x323: {  	[tilespmem:s9+$0x1A440] =	vst v10;
	v10 =	vld [tilespmem:s9+$0xC50]  }
0x324: {  	v11 =	vld.idx.msk [tilespmem:v11+s25+$0x0], $0xffff;
	_ =	sdelay $0x5  }
0x325: {  	[tilespmem:s9+$0x1AC40] =	vst v11  }
0x326: {  	v11 =	vld.idx.msk [tilespmem:v10+s24+$0x0], $0xffff;
	_ =	sdelay $0x5  }
0x327: {  	[tilespmem:s9+$0x17450] =	vst v11  }
0x328: {  	v11 =	vld.idx.msk [tilespmem:v10+s2+$0x0], $0xffff;
	_ =	sdelay $0x5  }
0x329: {  	[tilespmem:s9+$0x17C50] =	vst v11  }
0x32a: {  	v11 =	vld.idx.msk [tilespmem:v10+s0+$0x0], $0xffff;
	_ =	sdelay $0x5  }
0x32b: {  	[tilespmem:s9+$0x18450] =	vst v11  }
0x32c: {  	v11 =	vld.idx.msk [tilespmem:v10+s20+$0x0], $0xffff;
	_ =	sdelay $0x5  }
0x32d: {  	[tilespmem:s9+$0x18C50] =	vst v11  }
0x32e: {  	v11 =	vld.idx.msk [tilespmem:v10+s4+$0x0], $0xffff;
	_ =	sdelay $0x5  }
0x32f: {  	[tilespmem:s9+$0x19450] =	vst v11  }
0x330: {  	v11 =	vld.idx.msk [tilespmem:v10+s6+$0x0], $0xffff;
	_ =	sdelay $0x5  }
0x331: {  	[tilespmem:s9+$0x19C50] =	vst v11  }
0x332: {  	v11 =	vld.idx.msk [tilespmem:v10+s23+$0x0], $0xffff;
	_ =	sdelay $0x5  }
0x333: {  	[tilespmem:s9+$0x1A450] =	vst v11;
	v11 =	vld [tilespmem:s9+$0xC60]  }
0x334: {  	v10 =	vld.idx.msk [tilespmem:v10+s25+$0x0], $0xffff;
	_ =	sdelay $0x5  }
0x335: {  	[tilespmem:s9+$0x1AC50] =	vst v10  }
0x336: {  	v10 =	vld.idx.msk [tilespmem:v11+s24+$0x0], $0xffff;
	_ =	sdelay $0x5  }
0x337: {  	[tilespmem:s9+$0x17460] =	vst v10  }
0x338: {  	v10 =	vld.idx.msk [tilespmem:v11+s2+$0x0], $0xffff;
	_ =	sdelay $0x5  }
0x339: {  	[tilespmem:s9+$0x17C60] =	vst v10  }
0x33a: {  	v10 =	vld.idx.msk [tilespmem:v11+s0+$0x0], $0xffff;
	_ =	sdelay $0x5  }
0x33b: {  	[tilespmem:s9+$0x18460] =	vst v10  }
0x33c: {  	v10 =	vld.idx.msk [tilespmem:v11+s20+$0x0], $0xffff;
	_ =	sdelay $0x5  }
0x33d: {  	[tilespmem:s9+$0x18C60] =	vst v10  }
0x33e: {  	v10 =	vld.idx.msk [tilespmem:v11+s4+$0x0], $0xffff;
	_ =	sdelay $0x5  }
0x33f: {  	[tilespmem:s9+$0x19460] =	vst v10  }
0x340: {  	v10 =	vld.idx.msk [tilespmem:v11+s6+$0x0], $0xffff;
	_ =	sdelay $0x5  }
0x341: {  	[tilespmem:s9+$0x19C60] =	vst v10  }
0x342: {  	v10 =	vld.idx.msk [tilespmem:v11+s23+$0x0], $0xffff;
	_ =	sdelay $0x5  }
0x343: {  	[tilespmem:s9+$0x1A460] =	vst v10;
	v10 =	vld [tilespmem:s9+$0xC70]  }
0x344: {  	v11 =	vld.idx.msk [tilespmem:v11+s25+$0x0], $0xffff;
	_ =	sdelay $0x5  }
0x345: {  	[tilespmem:s9+$0x1AC60] =	vst v11  }
0x346: {  	v11 =	vld.idx.msk [tilespmem:v10+s24+$0x0], $0xffff;
	_ =	sdelay $0x5  }
0x347: {  	[tilespmem:s9+$0x17470] =	vst v11  }
0x348: {  	v11 =	vld.idx.msk [tilespmem:v10+s2+$0x0], $0xffff;
	_ =	sdelay $0x5  }
0x349: {  	[tilespmem:s9+$0x17C70] =	vst v11  }
0x34a: {  	v11 =	vld.idx.msk [tilespmem:v10+s0+$0x0], $0xffff;
	_ =	sdelay $0x5  }
0x34b: {  	[tilespmem:s9+$0x18470] =	vst v11  }
0x34c: {  	v11 =	vld.idx.msk [tilespmem:v10+s20+$0x0], $0xffff;
	_ =	sdelay $0x5  }
0x34d: {  	[tilespmem:s9+$0x18C70] =	vst v11  }
0x34e: {  	v11 =	vld.idx.msk [tilespmem:v10+s4+$0x0], $0xffff;
	_ =	sdelay $0x5  }
0x34f: {  	[tilespmem:s9+$0x19470] =	vst v11  }
0x350: {  	v11 =	vld.idx.msk [tilespmem:v10+s6+$0x0], $0xffff;
	_ =	sdelay $0x5  }
0x351: {  	[tilespmem:s9+$0x19C70] =	vst v11  }
0x352: {  	v11 =	vld.idx.msk [tilespmem:v10+s23+$0x0], $0xffff  }
.Ltmp4:
0x353: {  	(pc) =	sbr.rel @p0 .LBB2_10-.Ltmp4, $2  }
0x354: {  	_ =	sdelay $0x2  }
0x355: {  	s11 =	sshra.s32 s10, $0x2;
	s10 =	sadd.s32 $0x200, s10  }
0x356: {  	_ =	sdelay $0x1  }
0x357: {  	v12 =	vld [tilespmem:s11+$0xC00]  }
0x358: {  	[tilespmem:s9+$0x1A470] =	vst v11  }
0x359: {  	v10 =	vld.idx.msk [tilespmem:v10+s25+$0x0], $0xffff;
	_ =	sdelay $0x4  }
0x35a: {  	[tilespmem:s9+$0x1AC70] =	vst v10  }
0x35b: {  	v10 =	vld.idx.msk [tilespmem:v12+s24+$0x0], $0xffff;
	_ =	sdelay $0x4  }
0x35c: {  	[tilespmem:s11+$0x17400] =	vst v10  }
0x35d: {  	v10 =	vld.idx.msk [tilespmem:v12+s2+$0x0], $0xffff;
	_ =	sdelay $0x4  }
0x35e: {  	[tilespmem:s11+$0x17C00] =	vst v10  }
0x35f: {  	v10 =	vld.idx.msk [tilespmem:v12+s0+$0x0], $0xffff;
	_ =	sdelay $0x4  }
0x360: {  	[tilespmem:s11+$0x18400] =	vst v10  }
0x361: {  	v10 =	vld.idx.msk [tilespmem:v12+s20+$0x0], $0xffff;
	_ =	sdelay $0x4  }
0x362: {  	[tilespmem:s11+$0x18C00] =	vst v10  }
0x363: {  	v10 =	vld.idx.msk [tilespmem:v12+s4+$0x0], $0xffff;
	_ =	sdelay $0x4  }
0x364: {  	[tilespmem:s11+$0x19400] =	vst v10  }
0x365: {  	v10 =	vld.idx.msk [tilespmem:v12+s6+$0x0], $0xffff;
	_ =	sdelay $0x4  }
0x366: {  	[tilespmem:s11+$0x19C00] =	vst v10  }
0x367: {  	v10 =	vld.idx.msk [tilespmem:v12+s23+$0x0], $0xffff;
	_ =	sdelay $0x4  }
0x368: {  	[tilespmem:s11+$0x1A400] =	vst v10;
	v10 =	vld [tilespmem:s11+$0xC10];
	_ =	sdelay $0x1  }
0x369: {  	v11 =	vld.idx.msk [tilespmem:v12+s25+$0x0], $0xffff;
	_ =	sdelay $0x4  }
0x36a: {  	[tilespmem:s11+$0x1AC00] =	vst v11  }
0x36b: {  	v11 =	vld.idx.msk [tilespmem:v10+s24+$0x0], $0xffff;
	_ =	sdelay $0x4  }
0x36c: {  	[tilespmem:s11+$0x17410] =	vst v11  }
0x36d: {  	v11 =	vld.idx.msk [tilespmem:v10+s2+$0x0], $0xffff;
	_ =	sdelay $0x4  }
0x36e: {  	[tilespmem:s11+$0x17C10] =	vst v11  }
0x36f: {  	v11 =	vld.idx.msk [tilespmem:v10+s0+$0x0], $0xffff;
	_ =	sdelay $0x4  }
0x370: {  	[tilespmem:s11+$0x18410] =	vst v11  }
0x371: {  	v11 =	vld.idx.msk [tilespmem:v10+s20+$0x0], $0xffff;
	_ =	sdelay $0x4  }
0x372: {  	[tilespmem:s11+$0x18C10] =	vst v11  }
0x373: {  	v11 =	vld.idx.msk [tilespmem:v10+s4+$0x0], $0xffff;
	_ =	sdelay $0x4  }
0x374: {  	[tilespmem:s11+$0x19410] =	vst v11  }
0x375: {  	v11 =	vld.idx.msk [tilespmem:v10+s6+$0x0], $0xffff;
	_ =	sdelay $0x4  }
0x376: {  	[tilespmem:s11+$0x19C10] =	vst v11  }
0x377: {  	v11 =	vld.idx.msk [tilespmem:v10+s23+$0x0], $0xffff;
	_ =	sdelay $0x4  }
0x378: {  	[tilespmem:s11+$0x1A410] =	vst v11;
	v11 =	vld [tilespmem:s11+$0xC20];
	_ =	sdelay $0x1  }
0x379: {  	v10 =	vld.idx.msk [tilespmem:v10+s25+$0x0], $0xffff;
	_ =	sdelay $0x4  }
0x37a: {  	[tilespmem:s11+$0x1AC10] =	vst v10  }
0x37b: {  	v10 =	vld.idx.msk [tilespmem:v11+s24+$0x0], $0xffff;
	_ =	sdelay $0x4  }
0x37c: {  	[tilespmem:s11+$0x17420] =	vst v10  }
0x37d: {  	v10 =	vld.idx.msk [tilespmem:v11+s2+$0x0], $0xffff;
	_ =	sdelay $0x4  }
0x37e: {  	[tilespmem:s11+$0x17C20] =	vst v10  }
0x37f: {  	v10 =	vld.idx.msk [tilespmem:v11+s0+$0x0], $0xffff;
	_ =	sdelay $0x4  }
0x380: {  	[tilespmem:s11+$0x18420] =	vst v10  }
0x381: {  	v10 =	vld.idx.msk [tilespmem:v11+s20+$0x0], $0xffff;
	_ =	sdelay $0x4  }
0x382: {  	[tilespmem:s11+$0x18C20] =	vst v10  }
0x383: {  	v10 =	vld.idx.msk [tilespmem:v11+s4+$0x0], $0xffff;
	_ =	sdelay $0x4  }
0x384: {  	[tilespmem:s11+$0x19420] =	vst v10  }
0x385: {  	v10 =	vld.idx.msk [tilespmem:v11+s6+$0x0], $0xffff;
	_ =	sdelay $0x4  }
0x386: {  	[tilespmem:s11+$0x19C20] =	vst v10  }
0x387: {  	v10 =	vld.idx.msk [tilespmem:v11+s23+$0x0], $0xffff;
	_ =	sdelay $0x4  }
0x388: {  	[tilespmem:s11+$0x1A420] =	vst v10;
	v10 =	vld [tilespmem:s11+$0xC30];
	_ =	sdelay $0x1  }
0x389: {  	v11 =	vld.idx.msk [tilespmem:v11+s25+$0x0], $0xffff;
	_ =	sdelay $0x4  }
0x38a: {  	[tilespmem:s11+$0x1AC20] =	vst v11  }
0x38b: {  	v11 =	vld.idx.msk [tilespmem:v10+s24+$0x0], $0xffff;
	_ =	sdelay $0x4  }
0x38c: {  	[tilespmem:s11+$0x17430] =	vst v11  }
0x38d: {  	v11 =	vld.idx.msk [tilespmem:v10+s2+$0x0], $0xffff;
	_ =	sdelay $0x4  }
0x38e: {  	[tilespmem:s11+$0x17C30] =	vst v11  }
0x38f: {  	v11 =	vld.idx.msk [tilespmem:v10+s0+$0x0], $0xffff;
	_ =	sdelay $0x4  }
0x390: {  	[tilespmem:s11+$0x18430] =	vst v11  }
0x391: {  	v11 =	vld.idx.msk [tilespmem:v10+s20+$0x0], $0xffff;
	_ =	sdelay $0x4  }
0x392: {  	[tilespmem:s11+$0x18C30] =	vst v11  }
0x393: {  	v11 =	vld.idx.msk [tilespmem:v10+s4+$0x0], $0xffff;
	_ =	sdelay $0x4  }
0x394: {  	[tilespmem:s11+$0x19430] =	vst v11  }
0x395: {  	v11 =	vld.idx.msk [tilespmem:v10+s6+$0x0], $0xffff;
	_ =	sdelay $0x4  }
0x396: {  	[tilespmem:s11+$0x19C30] =	vst v11  }
0x397: {  	v11 =	vld.idx.msk [tilespmem:v10+s23+$0x0], $0xffff;
	_ =	sdelay $0x4  }
0x398: {  	[tilespmem:s11+$0x1A430] =	vst v11;
	v11 =	vld [tilespmem:s11+$0xC40];
	_ =	sdelay $0x1  }
0x399: {  	v10 =	vld.idx.msk [tilespmem:v10+s25+$0x0], $0xffff;
	_ =	sdelay $0x4  }
0x39a: {  	[tilespmem:s11+$0x1AC30] =	vst v10  }
0x39b: {  	v10 =	vld.idx.msk [tilespmem:v11+s24+$0x0], $0xffff;
	_ =	sdelay $0x4  }
0x39c: {  	[tilespmem:s11+$0x17440] =	vst v10  }
0x39d: {  	v10 =	vld.idx.msk [tilespmem:v11+s2+$0x0], $0xffff;
	_ =	sdelay $0x4  }
0x39e: {  	[tilespmem:s11+$0x17C40] =	vst v10  }
0x39f: {  	v10 =	vld.idx.msk [tilespmem:v11+s0+$0x0], $0xffff;
	_ =	sdelay $0x4  }
0x3a0: {  	[tilespmem:s11+$0x18440] =	vst v10  }
0x3a1: {  	v10 =	vld.idx.msk [tilespmem:v11+s20+$0x0], $0xffff;
	_ =	sdelay $0x4  }
0x3a2: {  	[tilespmem:s11+$0x18C40] =	vst v10  }
0x3a3: {  	v10 =	vld.idx.msk [tilespmem:v11+s4+$0x0], $0xffff;
	_ =	sdelay $0x4  }
0x3a4: {  	[tilespmem:s11+$0x19440] =	vst v10  }
0x3a5: {  	v10 =	vld.idx.msk [tilespmem:v11+s6+$0x0], $0xffff;
	_ =	sdelay $0x4  }
0x3a6: {  	[tilespmem:s11+$0x19C40] =	vst v10  }
0x3a7: {  	v10 =	vld.idx.msk [tilespmem:v11+s23+$0x0], $0xffff;
	_ =	sdelay $0x4  }
0x3a8: {  	[tilespmem:s11+$0x1A440] =	vst v10;
	v10 =	vld [tilespmem:s11+$0xC50];
	_ =	sdelay $0x1  }
0x3a9: {  	v11 =	vld.idx.msk [tilespmem:v11+s25+$0x0], $0xffff;
	_ =	sdelay $0x4  }
0x3aa: {  	[tilespmem:s11+$0x1AC40] =	vst v11  }
0x3ab: {  	v11 =	vld.idx.msk [tilespmem:v10+s24+$0x0], $0xffff;
	_ =	sdelay $0x4  }
0x3ac: {  	[tilespmem:s11+$0x17450] =	vst v11  }
0x3ad: {  	v11 =	vld.idx.msk [tilespmem:v10+s2+$0x0], $0xffff;
	_ =	sdelay $0x4  }
0x3ae: {  	[tilespmem:s11+$0x17C50] =	vst v11  }
0x3af: {  	v11 =	vld.idx.msk [tilespmem:v10+s0+$0x0], $0xffff;
	_ =	sdelay $0x4  }
0x3b0: {  	[tilespmem:s11+$0x18450] =	vst v11  }
0x3b1: {  	v11 =	vld.idx.msk [tilespmem:v10+s20+$0x0], $0xffff;
	_ =	sdelay $0x4  }
0x3b2: {  	[tilespmem:s11+$0x18C50] =	vst v11  }
0x3b3: {  	v11 =	vld.idx.msk [tilespmem:v10+s4+$0x0], $0xffff;
	_ =	sdelay $0x4  }
0x3b4: {  	[tilespmem:s11+$0x19450] =	vst v11  }
0x3b5: {  	v11 =	vld.idx.msk [tilespmem:v10+s6+$0x0], $0xffff;
	_ =	sdelay $0x4  }
0x3b6: {  	[tilespmem:s11+$0x19C50] =	vst v11  }
0x3b7: {  	v11 =	vld.idx.msk [tilespmem:v10+s23+$0x0], $0xffff;
	_ =	sdelay $0x4  }
0x3b8: {  	[tilespmem:s11+$0x1A450] =	vst v11;
	v11 =	vld [tilespmem:s11+$0xC60];
	_ =	sdelay $0x1  }
0x3b9: {  	v10 =	vld.idx.msk [tilespmem:v10+s25+$0x0], $0xffff;
	_ =	sdelay $0x4  }
0x3ba: {  	[tilespmem:s11+$0x1AC50] =	vst v10  }
0x3bb: {  	v10 =	vld.idx.msk [tilespmem:v11+s24+$0x0], $0xffff;
	_ =	sdelay $0x4  }
0x3bc: {  	[tilespmem:s11+$0x17460] =	vst v10  }
0x3bd: {  	v10 =	vld.idx.msk [tilespmem:v11+s2+$0x0], $0xffff;
	_ =	sdelay $0x4  }
0x3be: {  	[tilespmem:s11+$0x17C60] =	vst v10  }
0x3bf: {  	v10 =	vld.idx.msk [tilespmem:v11+s0+$0x0], $0xffff;
	_ =	sdelay $0x4  }
0x3c0: {  	[tilespmem:s11+$0x18460] =	vst v10  }
0x3c1: {  	v10 =	vld.idx.msk [tilespmem:v11+s20+$0x0], $0xffff;
	_ =	sdelay $0x4  }
0x3c2: {  	[tilespmem:s11+$0x18C60] =	vst v10  }
0x3c3: {  	v10 =	vld.idx.msk [tilespmem:v11+s4+$0x0], $0xffff;
	_ =	sdelay $0x4  }
0x3c4: {  	[tilespmem:s11+$0x19460] =	vst v10  }
0x3c5: {  	v10 =	vld.idx.msk [tilespmem:v11+s6+$0x0], $0xffff;
	_ =	sdelay $0x4  }
0x3c6: {  	[tilespmem:s11+$0x19C60] =	vst v10  }
0x3c7: {  	v10 =	vld.idx.msk [tilespmem:v11+s23+$0x0], $0xffff;
	_ =	sdelay $0x4  }
0x3c8: {  	[tilespmem:s11+$0x1A460] =	vst v10;
	v10 =	vld [tilespmem:s11+$0xC70];
	_ =	sdelay $0x1  }
0x3c9: {  	v11 =	vld.idx.msk [tilespmem:v11+s25+$0x0], $0xffff;
	_ =	sdelay $0x4  }
0x3ca: {  	[tilespmem:s11+$0x1AC60] =	vst v11  }
0x3cb: {  	v11 =	vld.idx.msk [tilespmem:v10+s24+$0x0], $0xffff;
	_ =	sdelay $0x4  }
0x3cc: {  	[tilespmem:s11+$0x17470] =	vst v11  }
0x3cd: {  	v11 =	vld.idx.msk [tilespmem:v10+s2+$0x0], $0xffff;
	_ =	sdelay $0x4  }
0x3ce: {  	[tilespmem:s11+$0x17C70] =	vst v11  }
0x3cf: {  	v11 =	vld.idx.msk [tilespmem:v10+s0+$0x0], $0xffff;
	_ =	sdelay $0x4  }
0x3d0: {  	[tilespmem:s11+$0x18470] =	vst v11  }
0x3d1: {  	v11 =	vld.idx.msk [tilespmem:v10+s20+$0x0], $0xffff;
	_ =	sdelay $0x4  }
0x3d2: {  	[tilespmem:s11+$0x18C70] =	vst v11  }
0x3d3: {  	v11 =	vld.idx.msk [tilespmem:v10+s4+$0x0], $0xffff;
	_ =	sdelay $0x4  }
0x3d4: {  	[tilespmem:s11+$0x19470] =	vst v11  }
0x3d5: {  	v11 =	vld.idx.msk [tilespmem:v10+s6+$0x0], $0xffff;
	_ =	sdelay $0x4  }
0x3d6: {  	[tilespmem:s11+$0x19C70] =	vst v11  }
0x3d7: {  	v11 =	vld.idx.msk [tilespmem:v10+s23+$0x0], $0xffff;
	_ =	sdelay $0x4  }
0x3d8: {  	[tilespmem:s11+$0x1A470] =	vst v11  }
0x3d9: {  	v10 =	vld.idx.msk [tilespmem:v10+s25+$0x0], $0xffff;
	_ =	sdelay $0x4  }
0x3da: {  	s3 =	rddreg [dreg:$0xd];
	s1 =	simm.s32 $0x17400;
	[tilespmem:s11+$0x1AC70] =	vst v10  }
0x3db: {  	[hbm4b:s3+s31] =	stream.strided.scatter [tilespmem:s1], [sflag:$0x2], $0x800, s28, s31, $0x38;
	[tilespmem:$0x1B400] =	vst v63  }
0x3dc: {  	s15 =	simm.s32 $0x17C00;
	s14 =	sadd.s32 $0x2000, s3  }
0x3dd: {  	[hbm4b:s14+s31] =	stream.strided.scatter [tilespmem:s15], [sflag:$0x2], $0x800, s28, s31, $0x38;
	[tilespmem:$0x1B400] =	vst v63  }
0x3de: {  	s10 =	sadd.s32 $0x4000, s3;
	s11 =	simm.s32 $0x18400  }
0x3df: {  	[hbm4b:s10+s31] =	stream.strided.scatter [tilespmem:s11], [sflag:$0x2], $0x800, s28, s31, $0x38;
	[tilespmem:$0x1B400] =	vst v63  }
0x3e0: {  	s14 =	sadd.s32 $0x6000, s3;
	s15 =	simm.s32 $0x18C00  }
0x3e1: {  	[hbm4b:s14+s31] =	stream.strided.scatter [tilespmem:s15], [sflag:$0x2], $0x800, s28, s31, $0x38;
	[tilespmem:$0x1B400] =	vst v63  }
0x3e2: {  	s10 =	sadd.s32 $0x8000, s3;
	s11 =	simm.s32 $0x19400  }
0x3e3: {  	[hbm4b:s10+s31] =	stream.strided.scatter [tilespmem:s11], [sflag:$0x2], $0x800, s28, s31, $0x38;
	[tilespmem:$0x1B400] =	vst v63  }
0x3e4: {  	s14 =	sadd.s32 $0xA000, s3;
	s15 =	simm.s32 $0x19C00  }
0x3e5: {  	[hbm4b:s14+s31] =	stream.strided.scatter [tilespmem:s15], [sflag:$0x2], $0x800, s28, s31, $0x38;
	[tilespmem:$0x1B400] =	vst v63  }
0x3e6: {  	s10 =	sadd.s32 $0xC000, s3;
	s11 =	simm.s32 $0x1A400  }
0x3e7: {  	[hbm4b:s10+s31] =	stream.strided.scatter [tilespmem:s11], [sflag:$0x2], $0x800, s28, s31, $0x38;
	[tilespmem:$0x1B400] =	vst v63  }
0x3e8: {  	s9 =	simm.s32 $0x1;
	s14 =	sadd.s32 $0xE000, s3;
	s15 =	simm.s32 $0x1AC00  }
0x3e9: {  	[hbm4b:s14+s31] =	stream.strided.scatter [tilespmem:s15], [sflag:$0x2], $0x800, s28, s31, $0x38;
	[tilespmem:$0x1B400] =	vst v63  }
.LBB2_12:
0x3ea: {  	s1 =	sshrl.u32 s9, $0x1  }
0x3eb: {  	s1 =	sadd.s32 s12, s1  }
0x3ec: {  	s1 =	sshll.u32 s1, $0xD  }
0x3ed: {  	s10 =	sshll.u32 s9, $0xA;
	s1 =	sand.u32 $0x3FFFE000, s1  }
0x3ee: {  	s3 =	sand.u32 $0x400, s10;
	s1 =	sadd.s32 s1, s16  }
0x3ef: {  	s1 =	sadd.s32 s3, s1  }
0x3f0: {  	[tilespmem:s31], [sflag:$0x3] =	stream.strided.gather [spmem:s1], $0x1000, s26, s31, $0x38;
	[tilespmem:$0x1B400] =	vst v63  }
0x3f1: {  	_ =	swait.ge [sflag:s21], $0x1000  }
0x3f2: {  	[sflag:s21] =	ssyncset.done $0x0  }
0x3f3: {  	[sflag:s21] =	ssyncadd.s32 $0xFFFFF000  }
0x3f4: {  	_ =	swait.ge [sflag:s5], $0x4000  }
0x3f5: {  	[sflag:s5] =	ssyncset.done $0x0  }
0x3f6: {  	s11 =	simm.s32 $0x0;
	[sflag:s5] =	ssyncadd.s32 $0xFFFFC000  }
0x3f7: {  	v10 =	vld [tilespmem:s11+$0x400];
	_ =	sdelay $0x7  }
0x3f8: {  	v11 =	vld.idx.msk [tilespmem:v10+s24+$0x0], $0xffff;
	_ =	sdelay $0x4  }
0x3f9: {  	[tilespmem:s11+$0x13400] =	vst v11  }
0x3fa: {  	v11 =	vld.idx.msk [tilespmem:v10+s2+$0x0], $0xffff;
	_ =	sdelay $0x4  }
0x3fb: {  	[tilespmem:s11+$0x13C00] =	vst v11  }
0x3fc: {  	v11 =	vld.idx.msk [tilespmem:v10+s0+$0x0], $0xffff;
	_ =	sdelay $0x4  }
0x3fd: {  	[tilespmem:s11+$0x14400] =	vst v11  }
0x3fe: {  	v11 =	vld.idx.msk [tilespmem:v10+s20+$0x0], $0xffff;
	_ =	sdelay $0x4  }
0x3ff: {  	[tilespmem:s11+$0x14C00] =	vst v11  }
0x400: {  	v11 =	vld.idx.msk [tilespmem:v10+s4+$0x0], $0xffff;
	_ =	sdelay $0x4  }
0x401: {  	[tilespmem:s11+$0x15400] =	vst v11  }
0x402: {  	v11 =	vld.idx.msk [tilespmem:v10+s6+$0x0], $0xffff;
	_ =	sdelay $0x4  }
0x403: {  	[tilespmem:s11+$0x15C00] =	vst v11  }
0x404: {  	v11 =	vld.idx.msk [tilespmem:v10+s23+$0x0], $0xffff;
	_ =	sdelay $0x4  }
0x405: {  	[tilespmem:s11+$0x16400] =	vst v11;
	v11 =	vld [tilespmem:s11+$0x410];
	_ =	sdelay $0x1  }
0x406: {  	v10 =	vld.idx.msk [tilespmem:v10+s25+$0x0], $0xffff;
	_ =	sdelay $0x4  }
0x407: {  	[tilespmem:s11+$0x16C00] =	vst v10  }
0x408: {  	v10 =	vld.idx.msk [tilespmem:v11+s24+$0x0], $0xffff;
	_ =	sdelay $0x4  }
0x409: {  	[tilespmem:s11+$0x13410] =	vst v10  }
0x40a: {  	v10 =	vld.idx.msk [tilespmem:v11+s2+$0x0], $0xffff;
	_ =	sdelay $0x4  }
0x40b: {  	[tilespmem:s11+$0x13C10] =	vst v10  }
0x40c: {  	v10 =	vld.idx.msk [tilespmem:v11+s0+$0x0], $0xffff;
	_ =	sdelay $0x4  }
0x40d: {  	[tilespmem:s11+$0x14410] =	vst v10  }
0x40e: {  	v10 =	vld.idx.msk [tilespmem:v11+s20+$0x0], $0xffff;
	_ =	sdelay $0x4  }
0x40f: {  	[tilespmem:s11+$0x14C10] =	vst v10  }
0x410: {  	v10 =	vld.idx.msk [tilespmem:v11+s4+$0x0], $0xffff;
	_ =	sdelay $0x4  }
0x411: {  	[tilespmem:s11+$0x15410] =	vst v10  }
0x412: {  	v10 =	vld.idx.msk [tilespmem:v11+s6+$0x0], $0xffff;
	_ =	sdelay $0x4  }
0x413: {  	[tilespmem:s11+$0x15C10] =	vst v10  }
0x414: {  	v10 =	vld.idx.msk [tilespmem:v11+s23+$0x0], $0xffff;
	_ =	sdelay $0x4  }
0x415: {  	[tilespmem:s11+$0x16410] =	vst v10;
	v10 =	vld [tilespmem:s11+$0x420];
	_ =	sdelay $0x1  }
0x416: {  	v11 =	vld.idx.msk [tilespmem:v11+s25+$0x0], $0xffff;
	_ =	sdelay $0x4  }
0x417: {  	[tilespmem:s11+$0x16C10] =	vst v11  }
0x418: {  	v11 =	vld.idx.msk [tilespmem:v10+s24+$0x0], $0xffff;
	_ =	sdelay $0x4  }
0x419: {  	[tilespmem:s11+$0x13420] =	vst v11  }
0x41a: {  	v11 =	vld.idx.msk [tilespmem:v10+s2+$0x0], $0xffff;
	_ =	sdelay $0x4  }
0x41b: {  	[tilespmem:s11+$0x13C20] =	vst v11  }
0x41c: {  	v11 =	vld.idx.msk [tilespmem:v10+s0+$0x0], $0xffff;
	_ =	sdelay $0x4  }
0x41d: {  	[tilespmem:s11+$0x14420] =	vst v11  }
0x41e: {  	v11 =	vld.idx.msk [tilespmem:v10+s20+$0x0], $0xffff;
	_ =	sdelay $0x4  }
0x41f: {  	[tilespmem:s11+$0x14C20] =	vst v11  }
0x420: {  	v11 =	vld.idx.msk [tilespmem:v10+s4+$0x0], $0xffff;
	_ =	sdelay $0x4  }
0x421: {  	[tilespmem:s11+$0x15420] =	vst v11  }
0x422: {  	v11 =	vld.idx.msk [tilespmem:v10+s6+$0x0], $0xffff;
	_ =	sdelay $0x4  }
0x423: {  	[tilespmem:s11+$0x15C20] =	vst v11  }
0x424: {  	v11 =	vld.idx.msk [tilespmem:v10+s23+$0x0], $0xffff;
	_ =	sdelay $0x4  }
0x425: {  	[tilespmem:s11+$0x16420] =	vst v11;
	v11 =	vld [tilespmem:s11+$0x430];
	_ =	sdelay $0x1  }
0x426: {  	v10 =	vld.idx.msk [tilespmem:v10+s25+$0x0], $0xffff;
	_ =	sdelay $0x4  }
0x427: {  	[tilespmem:s11+$0x16C20] =	vst v10  }
0x428: {  	v10 =	vld.idx.msk [tilespmem:v11+s24+$0x0], $0xffff;
	_ =	sdelay $0x4  }
0x429: {  	[tilespmem:s11+$0x13430] =	vst v10  }
0x42a: {  	v10 =	vld.idx.msk [tilespmem:v11+s2+$0x0], $0xffff;
	_ =	sdelay $0x4  }
0x42b: {  	[tilespmem:s11+$0x13C30] =	vst v10  }
0x42c: {  	v10 =	vld.idx.msk [tilespmem:v11+s0+$0x0], $0xffff;
	_ =	sdelay $0x4  }
0x42d: {  	[tilespmem:s11+$0x14430] =	vst v10  }
0x42e: {  	v10 =	vld.idx.msk [tilespmem:v11+s20+$0x0], $0xffff;
	_ =	sdelay $0x4  }
0x42f: {  	[tilespmem:s11+$0x14C30] =	vst v10  }
0x430: {  	v10 =	vld.idx.msk [tilespmem:v11+s4+$0x0], $0xffff;
	_ =	sdelay $0x4  }
0x431: {  	[tilespmem:s11+$0x15430] =	vst v10  }
0x432: {  	v10 =	vld.idx.msk [tilespmem:v11+s6+$0x0], $0xffff;
	_ =	sdelay $0x4  }
0x433: {  	[tilespmem:s11+$0x15C30] =	vst v10  }
0x434: {  	v10 =	vld.idx.msk [tilespmem:v11+s23+$0x0], $0xffff;
	_ =	sdelay $0x4  }
0x435: {  	[tilespmem:s11+$0x16430] =	vst v10;
	v10 =	vld [tilespmem:s11+$0x440];
	_ =	sdelay $0x1  }
0x436: {  	v11 =	vld.idx.msk [tilespmem:v11+s25+$0x0], $0xffff;
	_ =	sdelay $0x4  }
0x437: {  	[tilespmem:s11+$0x16C30] =	vst v11  }
0x438: {  	v11 =	vld.idx.msk [tilespmem:v10+s24+$0x0], $0xffff;
	_ =	sdelay $0x4  }
0x439: {  	[tilespmem:s11+$0x13440] =	vst v11  }
0x43a: {  	v11 =	vld.idx.msk [tilespmem:v10+s2+$0x0], $0xffff;
	_ =	sdelay $0x4  }
0x43b: {  	[tilespmem:s11+$0x13C40] =	vst v11  }
0x43c: {  	v11 =	vld.idx.msk [tilespmem:v10+s0+$0x0], $0xffff;
	_ =	sdelay $0x4  }
0x43d: {  	[tilespmem:s11+$0x14440] =	vst v11  }
0x43e: {  	v11 =	vld.idx.msk [tilespmem:v10+s20+$0x0], $0xffff;
	_ =	sdelay $0x4  }
0x43f: {  	[tilespmem:s11+$0x14C40] =	vst v11  }
0x440: {  	v11 =	vld.idx.msk [tilespmem:v10+s4+$0x0], $0xffff;
	_ =	sdelay $0x4  }
0x441: {  	[tilespmem:s11+$0x15440] =	vst v11  }
0x442: {  	v11 =	vld.idx.msk [tilespmem:v10+s6+$0x0], $0xffff;
	_ =	sdelay $0x4  }
0x443: {  	[tilespmem:s11+$0x15C40] =	vst v11  }
0x444: {  	v11 =	vld.idx.msk [tilespmem:v10+s23+$0x0], $0xffff;
	_ =	sdelay $0x4  }
0x445: {  	[tilespmem:s11+$0x16440] =	vst v11;
	v11 =	vld [tilespmem:s11+$0x450];
	_ =	sdelay $0x1  }
0x446: {  	v10 =	vld.idx.msk [tilespmem:v10+s25+$0x0], $0xffff;
	_ =	sdelay $0x4  }
0x447: {  	[tilespmem:s11+$0x16C40] =	vst v10  }
0x448: {  	v10 =	vld.idx.msk [tilespmem:v11+s24+$0x0], $0xffff;
	_ =	sdelay $0x4  }
0x449: {  	[tilespmem:s11+$0x13450] =	vst v10  }
0x44a: {  	v10 =	vld.idx.msk [tilespmem:v11+s2+$0x0], $0xffff;
	_ =	sdelay $0x4  }
0x44b: {  	[tilespmem:s11+$0x13C50] =	vst v10  }
0x44c: {  	v10 =	vld.idx.msk [tilespmem:v11+s0+$0x0], $0xffff;
	_ =	sdelay $0x4  }
0x44d: {  	[tilespmem:s11+$0x14450] =	vst v10  }
0x44e: {  	v10 =	vld.idx.msk [tilespmem:v11+s20+$0x0], $0xffff;
	_ =	sdelay $0x4  }
0x44f: {  	[tilespmem:s11+$0x14C50] =	vst v10  }
0x450: {  	v10 =	vld.idx.msk [tilespmem:v11+s4+$0x0], $0xffff;
	_ =	sdelay $0x4  }
0x451: {  	[tilespmem:s11+$0x15450] =	vst v10  }
0x452: {  	v10 =	vld.idx.msk [tilespmem:v11+s6+$0x0], $0xffff;
	_ =	sdelay $0x4  }
0x453: {  	[tilespmem:s11+$0x15C50] =	vst v10  }
0x454: {  	v10 =	vld.idx.msk [tilespmem:v11+s23+$0x0], $0xffff;
	_ =	sdelay $0x3  }
0x455: {  	v12 =	vld [tilespmem:s11+$0x460]  }
0x456: {  	[tilespmem:s11+$0x16450] =	vst v10  }
0x457: {  	v10 =	vld.idx.msk [tilespmem:v11+s25+$0x0], $0xffff;
	_ =	sdelay $0x4  }
0x458: {  	[tilespmem:s11+$0x16C50] =	vst v10  }
0x459: {  	v10 =	vld.idx.msk [tilespmem:v12+s24+$0x0], $0xffff;
	_ =	sdelay $0x4  }
0x45a: {  	[tilespmem:s11+$0x13460] =	vst v10  }
0x45b: {  	v10 =	vld.idx.msk [tilespmem:v12+s2+$0x0], $0xffff;
	_ =	sdelay $0x4  }
0x45c: {  	[tilespmem:s11+$0x13C60] =	vst v10  }
0x45d: {  	v10 =	vld.idx.msk [tilespmem:v12+s0+$0x0], $0xffff;
	_ =	sdelay $0x4  }
0x45e: {  	[tilespmem:s11+$0x14460] =	vst v10  }
0x45f: {  	v10 =	vld.idx.msk [tilespmem:v12+s20+$0x0], $0xffff;
	_ =	sdelay $0x4  }
0x460: {  	[tilespmem:s11+$0x14C60] =	vst v10  }
0x461: {  	v10 =	vld.idx.msk [tilespmem:v12+s4+$0x0], $0xffff;
	_ =	sdelay $0x4  }
0x462: {  	[tilespmem:s11+$0x15460] =	vst v10  }
0x463: {  	v10 =	vld.idx.msk [tilespmem:v12+s6+$0x0], $0xffff;
	_ =	sdelay $0x4  }
0x464: {  	[tilespmem:s11+$0x15C60] =	vst v10  }
0x465: {  	v10 =	vld.idx.msk [tilespmem:v12+s23+$0x0], $0xffff;
	_ =	sdelay $0x4  }
0x466: {  	[tilespmem:s11+$0x16460] =	vst v10;
	v10 =	vld [tilespmem:s11+$0x470];
	_ =	sdelay $0x1  }
0x467: {  	v11 =	vld.idx.msk [tilespmem:v12+s25+$0x0], $0xffff;
	_ =	sdelay $0x4  }
0x468: {  	[tilespmem:s11+$0x16C60] =	vst v11  }
0x469: {  	v11 =	vld.idx.msk [tilespmem:v10+s24+$0x0], $0xffff;
	_ =	sdelay $0x4  }
0x46a: {  	[tilespmem:s11+$0x13470] =	vst v11  }
0x46b: {  	v11 =	vld.idx.msk [tilespmem:v10+s2+$0x0], $0xffff;
	_ =	sdelay $0x4  }
0x46c: {  	[tilespmem:s11+$0x13C70] =	vst v11  }
0x46d: {  	v11 =	vld.idx.msk [tilespmem:v10+s0+$0x0], $0xffff;
	_ =	sdelay $0x4  }
0x46e: {  	[tilespmem:s11+$0x14470] =	vst v11  }
0x46f: {  	v11 =	vld.idx.msk [tilespmem:v10+s20+$0x0], $0xffff;
	_ =	sdelay $0x4  }
0x470: {  	[tilespmem:s11+$0x14C70] =	vst v11  }
0x471: {  	v11 =	vld.idx.msk [tilespmem:v10+s4+$0x0], $0xffff;
	_ =	sdelay $0x4  }
0x472: {  	[tilespmem:s11+$0x15470] =	vst v11  }
0x473: {  	v11 =	vld.idx.msk [tilespmem:v10+s6+$0x0], $0xffff;
	_ =	sdelay $0x4  }
0x474: {  	[tilespmem:s11+$0x15C70] =	vst v11  }
0x475: {  	v11 =	vld.idx.msk [tilespmem:v10+s23+$0x0], $0xffff;
	_ =	sdelay $0x3  }
0x476: {  	s15 =	simm.s32 $0x80;
	s14 =	simm.s32 $0x400  }
.LBB2_13:
0x477: {  	p0 =	sne.s32 s14, $0x1E00;
	v12 =	vld [tilespmem:s15+$0x400];
	[tilespmem:s11+$0x16470] =	vst v11  }
0x478: {  	v10 =	vld.idx.msk [tilespmem:v10+s25+$0x0], $0xffff;
	_ =	sdelay $0x5  }
0x479: {  	[tilespmem:s11+$0x16C70] =	vst v10;
	s11 =	smov.u32 s15  }
0x47a: {  	v10 =	vld.idx.msk [tilespmem:v12+s24+$0x0], $0xffff;
	_ =	sdelay $0x5  }
0x47b: {  	[tilespmem:s11+$0x13400] =	vst v10  }
0x47c: {  	v10 =	vld.idx.msk [tilespmem:v12+s2+$0x0], $0xffff;
	_ =	sdelay $0x5  }
0x47d: {  	[tilespmem:s11+$0x13C00] =	vst v10  }
0x47e: {  	v10 =	vld.idx.msk [tilespmem:v12+s0+$0x0], $0xffff;
	_ =	sdelay $0x5  }
0x47f: {  	[tilespmem:s11+$0x14400] =	vst v10  }
0x480: {  	v10 =	vld.idx.msk [tilespmem:v12+s20+$0x0], $0xffff;
	_ =	sdelay $0x5  }
0x481: {  	[tilespmem:s11+$0x14C00] =	vst v10  }
0x482: {  	v10 =	vld.idx.msk [tilespmem:v12+s4+$0x0], $0xffff;
	_ =	sdelay $0x5  }
0x483: {  	[tilespmem:s11+$0x15400] =	vst v10  }
0x484: {  	v10 =	vld.idx.msk [tilespmem:v12+s6+$0x0], $0xffff;
	_ =	sdelay $0x5  }
0x485: {  	[tilespmem:s11+$0x15C00] =	vst v10  }
0x486: {  	v10 =	vld.idx.msk [tilespmem:v12+s23+$0x0], $0xffff;
	_ =	sdelay $0x5  }
0x487: {  	[tilespmem:s11+$0x16400] =	vst v10;
	v10 =	vld [tilespmem:s11+$0x410]  }
0x488: {  	v11 =	vld.idx.msk [tilespmem:v12+s25+$0x0], $0xffff;
	_ =	sdelay $0x5  }
0x489: {  	[tilespmem:s11+$0x16C00] =	vst v11  }
0x48a: {  	v11 =	vld.idx.msk [tilespmem:v10+s24+$0x0], $0xffff;
	_ =	sdelay $0x5  }
0x48b: {  	[tilespmem:s11+$0x13410] =	vst v11  }
0x48c: {  	v11 =	vld.idx.msk [tilespmem:v10+s2+$0x0], $0xffff;
	_ =	sdelay $0x5  }
0x48d: {  	[tilespmem:s11+$0x13C10] =	vst v11  }
0x48e: {  	v11 =	vld.idx.msk [tilespmem:v10+s0+$0x0], $0xffff;
	_ =	sdelay $0x5  }
0x48f: {  	[tilespmem:s11+$0x14410] =	vst v11  }
0x490: {  	v11 =	vld.idx.msk [tilespmem:v10+s20+$0x0], $0xffff;
	_ =	sdelay $0x5  }
0x491: {  	[tilespmem:s11+$0x14C10] =	vst v11  }
0x492: {  	v11 =	vld.idx.msk [tilespmem:v10+s4+$0x0], $0xffff;
	_ =	sdelay $0x5  }
0x493: {  	[tilespmem:s11+$0x15410] =	vst v11  }
0x494: {  	v11 =	vld.idx.msk [tilespmem:v10+s6+$0x0], $0xffff;
	_ =	sdelay $0x5  }
0x495: {  	[tilespmem:s11+$0x15C10] =	vst v11  }
0x496: {  	v11 =	vld.idx.msk [tilespmem:v10+s23+$0x0], $0xffff;
	_ =	sdelay $0x5  }
0x497: {  	[tilespmem:s11+$0x16410] =	vst v11;
	v11 =	vld [tilespmem:s11+$0x420]  }
0x498: {  	v10 =	vld.idx.msk [tilespmem:v10+s25+$0x0], $0xffff;
	_ =	sdelay $0x5  }
0x499: {  	[tilespmem:s11+$0x16C10] =	vst v10  }
0x49a: {  	v10 =	vld.idx.msk [tilespmem:v11+s24+$0x0], $0xffff;
	_ =	sdelay $0x5  }
0x49b: {  	[tilespmem:s11+$0x13420] =	vst v10  }
0x49c: {  	v10 =	vld.idx.msk [tilespmem:v11+s2+$0x0], $0xffff;
	_ =	sdelay $0x5  }
0x49d: {  	[tilespmem:s11+$0x13C20] =	vst v10  }
0x49e: {  	v10 =	vld.idx.msk [tilespmem:v11+s0+$0x0], $0xffff;
	_ =	sdelay $0x5  }
0x49f: {  	[tilespmem:s11+$0x14420] =	vst v10  }
0x4a0: {  	v10 =	vld.idx.msk [tilespmem:v11+s20+$0x0], $0xffff;
	_ =	sdelay $0x5  }
0x4a1: {  	[tilespmem:s11+$0x14C20] =	vst v10  }
0x4a2: {  	v10 =	vld.idx.msk [tilespmem:v11+s4+$0x0], $0xffff;
	_ =	sdelay $0x5  }
0x4a3: {  	[tilespmem:s11+$0x15420] =	vst v10  }
0x4a4: {  	v10 =	vld.idx.msk [tilespmem:v11+s6+$0x0], $0xffff;
	_ =	sdelay $0x5  }
0x4a5: {  	[tilespmem:s11+$0x15C20] =	vst v10  }
0x4a6: {  	v10 =	vld.idx.msk [tilespmem:v11+s23+$0x0], $0xffff;
	_ =	sdelay $0x5  }
0x4a7: {  	[tilespmem:s11+$0x16420] =	vst v10;
	v10 =	vld [tilespmem:s11+$0x430]  }
0x4a8: {  	v11 =	vld.idx.msk [tilespmem:v11+s25+$0x0], $0xffff;
	_ =	sdelay $0x5  }
0x4a9: {  	[tilespmem:s11+$0x16C20] =	vst v11  }
0x4aa: {  	v11 =	vld.idx.msk [tilespmem:v10+s24+$0x0], $0xffff;
	_ =	sdelay $0x5  }
0x4ab: {  	[tilespmem:s11+$0x13430] =	vst v11  }
0x4ac: {  	v11 =	vld.idx.msk [tilespmem:v10+s2+$0x0], $0xffff;
	_ =	sdelay $0x5  }
0x4ad: {  	[tilespmem:s11+$0x13C30] =	vst v11  }
0x4ae: {  	v11 =	vld.idx.msk [tilespmem:v10+s0+$0x0], $0xffff;
	_ =	sdelay $0x5  }
0x4af: {  	[tilespmem:s11+$0x14430] =	vst v11  }
0x4b0: {  	v11 =	vld.idx.msk [tilespmem:v10+s20+$0x0], $0xffff;
	_ =	sdelay $0x5  }
0x4b1: {  	[tilespmem:s11+$0x14C30] =	vst v11  }
0x4b2: {  	v11 =	vld.idx.msk [tilespmem:v10+s4+$0x0], $0xffff;
	_ =	sdelay $0x5  }
0x4b3: {  	[tilespmem:s11+$0x15430] =	vst v11  }
0x4b4: {  	v11 =	vld.idx.msk [tilespmem:v10+s6+$0x0], $0xffff;
	_ =	sdelay $0x5  }
0x4b5: {  	[tilespmem:s11+$0x15C30] =	vst v11  }
0x4b6: {  	v11 =	vld.idx.msk [tilespmem:v10+s23+$0x0], $0xffff;
	_ =	sdelay $0x5  }
0x4b7: {  	[tilespmem:s11+$0x16430] =	vst v11;
	v11 =	vld [tilespmem:s11+$0x440]  }
0x4b8: {  	v10 =	vld.idx.msk [tilespmem:v10+s25+$0x0], $0xffff;
	_ =	sdelay $0x5  }
0x4b9: {  	[tilespmem:s11+$0x16C30] =	vst v10  }
0x4ba: {  	v10 =	vld.idx.msk [tilespmem:v11+s24+$0x0], $0xffff;
	_ =	sdelay $0x5  }
0x4bb: {  	[tilespmem:s11+$0x13440] =	vst v10  }
0x4bc: {  	v10 =	vld.idx.msk [tilespmem:v11+s2+$0x0], $0xffff;
	_ =	sdelay $0x5  }
0x4bd: {  	[tilespmem:s11+$0x13C40] =	vst v10  }
0x4be: {  	v10 =	vld.idx.msk [tilespmem:v11+s0+$0x0], $0xffff;
	_ =	sdelay $0x5  }
0x4bf: {  	[tilespmem:s11+$0x14440] =	vst v10  }
0x4c0: {  	v10 =	vld.idx.msk [tilespmem:v11+s20+$0x0], $0xffff;
	_ =	sdelay $0x5  }
0x4c1: {  	[tilespmem:s11+$0x14C40] =	vst v10  }
0x4c2: {  	v10 =	vld.idx.msk [tilespmem:v11+s4+$0x0], $0xffff;
	_ =	sdelay $0x5  }
0x4c3: {  	[tilespmem:s11+$0x15440] =	vst v10  }
0x4c4: {  	v10 =	vld.idx.msk [tilespmem:v11+s6+$0x0], $0xffff;
	_ =	sdelay $0x5  }
0x4c5: {  	[tilespmem:s11+$0x15C40] =	vst v10  }
0x4c6: {  	v10 =	vld.idx.msk [tilespmem:v11+s23+$0x0], $0xffff;
	_ =	sdelay $0x5  }
0x4c7: {  	[tilespmem:s11+$0x16440] =	vst v10;
	v10 =	vld [tilespmem:s11+$0x450]  }
0x4c8: {  	v11 =	vld.idx.msk [tilespmem:v11+s25+$0x0], $0xffff;
	_ =	sdelay $0x5  }
0x4c9: {  	[tilespmem:s11+$0x16C40] =	vst v11  }
0x4ca: {  	v11 =	vld.idx.msk [tilespmem:v10+s24+$0x0], $0xffff;
	_ =	sdelay $0x5  }
0x4cb: {  	[tilespmem:s11+$0x13450] =	vst v11  }
0x4cc: {  	v11 =	vld.idx.msk [tilespmem:v10+s2+$0x0], $0xffff;
	_ =	sdelay $0x5  }
0x4cd: {  	[tilespmem:s11+$0x13C50] =	vst v11  }
0x4ce: {  	v11 =	vld.idx.msk [tilespmem:v10+s0+$0x0], $0xffff;
	_ =	sdelay $0x5  }
0x4cf: {  	[tilespmem:s11+$0x14450] =	vst v11  }
0x4d0: {  	v11 =	vld.idx.msk [tilespmem:v10+s20+$0x0], $0xffff;
	_ =	sdelay $0x5  }
0x4d1: {  	[tilespmem:s11+$0x14C50] =	vst v11  }
0x4d2: {  	v11 =	vld.idx.msk [tilespmem:v10+s4+$0x0], $0xffff;
	_ =	sdelay $0x5  }
0x4d3: {  	[tilespmem:s11+$0x15450] =	vst v11  }
0x4d4: {  	v11 =	vld.idx.msk [tilespmem:v10+s6+$0x0], $0xffff;
	_ =	sdelay $0x5  }
0x4d5: {  	[tilespmem:s11+$0x15C50] =	vst v11  }
0x4d6: {  	v11 =	vld.idx.msk [tilespmem:v10+s23+$0x0], $0xffff;
	_ =	sdelay $0x5  }
0x4d7: {  	[tilespmem:s11+$0x16450] =	vst v11;
	v11 =	vld [tilespmem:s11+$0x460]  }
0x4d8: {  	v10 =	vld.idx.msk [tilespmem:v10+s25+$0x0], $0xffff;
	_ =	sdelay $0x5  }
0x4d9: {  	[tilespmem:s11+$0x16C50] =	vst v10  }
0x4da: {  	v10 =	vld.idx.msk [tilespmem:v11+s24+$0x0], $0xffff;
	_ =	sdelay $0x5  }
0x4db: {  	[tilespmem:s11+$0x13460] =	vst v10  }
0x4dc: {  	v10 =	vld.idx.msk [tilespmem:v11+s2+$0x0], $0xffff;
	_ =	sdelay $0x5  }
0x4dd: {  	[tilespmem:s11+$0x13C60] =	vst v10  }
0x4de: {  	v10 =	vld.idx.msk [tilespmem:v11+s0+$0x0], $0xffff;
	_ =	sdelay $0x5  }
0x4df: {  	[tilespmem:s11+$0x14460] =	vst v10  }
0x4e0: {  	v10 =	vld.idx.msk [tilespmem:v11+s20+$0x0], $0xffff;
	_ =	sdelay $0x5  }
0x4e1: {  	[tilespmem:s11+$0x14C60] =	vst v10  }
0x4e2: {  	v10 =	vld.idx.msk [tilespmem:v11+s4+$0x0], $0xffff;
	_ =	sdelay $0x5  }
0x4e3: {  	[tilespmem:s11+$0x15460] =	vst v10  }
0x4e4: {  	v10 =	vld.idx.msk [tilespmem:v11+s6+$0x0], $0xffff;
	_ =	sdelay $0x5  }
0x4e5: {  	[tilespmem:s11+$0x15C60] =	vst v10  }
0x4e6: {  	v10 =	vld.idx.msk [tilespmem:v11+s23+$0x0], $0xffff;
	_ =	sdelay $0x5  }
0x4e7: {  	[tilespmem:s11+$0x16460] =	vst v10;
	v10 =	vld [tilespmem:s11+$0x470]  }
0x4e8: {  	v11 =	vld.idx.msk [tilespmem:v11+s25+$0x0], $0xffff;
	_ =	sdelay $0x5  }
0x4e9: {  	[tilespmem:s11+$0x16C60] =	vst v11  }
0x4ea: {  	v11 =	vld.idx.msk [tilespmem:v10+s24+$0x0], $0xffff;
	_ =	sdelay $0x5  }
0x4eb: {  	[tilespmem:s11+$0x13470] =	vst v11  }
0x4ec: {  	v11 =	vld.idx.msk [tilespmem:v10+s2+$0x0], $0xffff;
	_ =	sdelay $0x5  }
0x4ed: {  	[tilespmem:s11+$0x13C70] =	vst v11  }
0x4ee: {  	v11 =	vld.idx.msk [tilespmem:v10+s0+$0x0], $0xffff;
	_ =	sdelay $0x5  }
0x4ef: {  	[tilespmem:s11+$0x14470] =	vst v11  }
0x4f0: {  	v11 =	vld.idx.msk [tilespmem:v10+s20+$0x0], $0xffff;
	_ =	sdelay $0x5  }
0x4f1: {  	[tilespmem:s11+$0x14C70] =	vst v11  }
0x4f2: {  	v11 =	vld.idx.msk [tilespmem:v10+s4+$0x0], $0xffff;
	_ =	sdelay $0x5  }
0x4f3: {  	[tilespmem:s11+$0x15470] =	vst v11  }
0x4f4: {  	v11 =	vld.idx.msk [tilespmem:v10+s6+$0x0], $0xffff;
	_ =	sdelay $0x5  }
0x4f5: {  	[tilespmem:s11+$0x15C70] =	vst v11  }
0x4f6: {  	v11 =	vld.idx.msk [tilespmem:v10+s23+$0x0], $0xffff  }
.Ltmp5:
0x4f7: {  	(pc) =	sbr.rel @p0 .LBB2_13-.Ltmp5, $2  }
0x4f8: {  	_ =	sdelay $0x2  }
0x4f9: {  	s15 =	sshra.s32 s14, $0x2;
	s14 =	sadd.s32 $0x200, s14  }
0x4fa: {  	_ =	sdelay $0x1  }
0x4fb: {  	v12 =	vld [tilespmem:s15+$0x400]  }
0x4fc: {  	[tilespmem:s11+$0x16470] =	vst v11  }
0x4fd: {  	v10 =	vld.idx.msk [tilespmem:v10+s25+$0x0], $0xffff;
	_ =	sdelay $0x4  }
0x4fe: {  	[tilespmem:s11+$0x16C70] =	vst v10  }
0x4ff: {  	v10 =	vld.idx.msk [tilespmem:v12+s24+$0x0], $0xffff;
	_ =	sdelay $0x4  }
0x500: {  	[tilespmem:s15+$0x13400] =	vst v10  }
0x501: {  	v10 =	vld.idx.msk [tilespmem:v12+s2+$0x0], $0xffff;
	_ =	sdelay $0x4  }
0x502: {  	[tilespmem:s15+$0x13C00] =	vst v10  }
0x503: {  	v10 =	vld.idx.msk [tilespmem:v12+s0+$0x0], $0xffff;
	_ =	sdelay $0x4  }
0x504: {  	[tilespmem:s15+$0x14400] =	vst v10  }
0x505: {  	v10 =	vld.idx.msk [tilespmem:v12+s20+$0x0], $0xffff;
	_ =	sdelay $0x4  }
0x506: {  	[tilespmem:s15+$0x14C00] =	vst v10  }
0x507: {  	v10 =	vld.idx.msk [tilespmem:v12+s4+$0x0], $0xffff;
	_ =	sdelay $0x4  }
0x508: {  	[tilespmem:s15+$0x15400] =	vst v10  }
0x509: {  	v10 =	vld.idx.msk [tilespmem:v12+s6+$0x0], $0xffff;
	_ =	sdelay $0x4  }
0x50a: {  	[tilespmem:s15+$0x15C00] =	vst v10  }
0x50b: {  	v10 =	vld.idx.msk [tilespmem:v12+s23+$0x0], $0xffff;
	_ =	sdelay $0x4  }
0x50c: {  	[tilespmem:s15+$0x16400] =	vst v10;
	v10 =	vld [tilespmem:s15+$0x410];
	_ =	sdelay $0x1  }
0x50d: {  	v11 =	vld.idx.msk [tilespmem:v12+s25+$0x0], $0xffff;
	_ =	sdelay $0x4  }
0x50e: {  	[tilespmem:s15+$0x16C00] =	vst v11  }
0x50f: {  	v11 =	vld.idx.msk [tilespmem:v10+s24+$0x0], $0xffff;
	_ =	sdelay $0x4  }
0x510: {  	[tilespmem:s15+$0x13410] =	vst v11  }
0x511: {  	v11 =	vld.idx.msk [tilespmem:v10+s2+$0x0], $0xffff;
	_ =	sdelay $0x4  }
0x512: {  	[tilespmem:s15+$0x13C10] =	vst v11  }
0x513: {  	v11 =	vld.idx.msk [tilespmem:v10+s0+$0x0], $0xffff;
	_ =	sdelay $0x4  }
0x514: {  	[tilespmem:s15+$0x14410] =	vst v11  }
0x515: {  	v11 =	vld.idx.msk [tilespmem:v10+s20+$0x0], $0xffff;
	_ =	sdelay $0x4  }
0x516: {  	[tilespmem:s15+$0x14C10] =	vst v11  }
0x517: {  	v11 =	vld.idx.msk [tilespmem:v10+s4+$0x0], $0xffff;
	_ =	sdelay $0x4  }
0x518: {  	[tilespmem:s15+$0x15410] =	vst v11  }
0x519: {  	v11 =	vld.idx.msk [tilespmem:v10+s6+$0x0], $0xffff;
	_ =	sdelay $0x4  }
0x51a: {  	[tilespmem:s15+$0x15C10] =	vst v11  }
0x51b: {  	v11 =	vld.idx.msk [tilespmem:v10+s23+$0x0], $0xffff;
	_ =	sdelay $0x4  }
0x51c: {  	[tilespmem:s15+$0x16410] =	vst v11;
	v11 =	vld [tilespmem:s15+$0x420];
	_ =	sdelay $0x1  }
0x51d: {  	v10 =	vld.idx.msk [tilespmem:v10+s25+$0x0], $0xffff;
	_ =	sdelay $0x4  }
0x51e: {  	[tilespmem:s15+$0x16C10] =	vst v10  }
0x51f: {  	v10 =	vld.idx.msk [tilespmem:v11+s24+$0x0], $0xffff;
	_ =	sdelay $0x4  }
0x520: {  	[tilespmem:s15+$0x13420] =	vst v10  }
0x521: {  	v10 =	vld.idx.msk [tilespmem:v11+s2+$0x0], $0xffff;
	_ =	sdelay $0x4  }
0x522: {  	[tilespmem:s15+$0x13C20] =	vst v10  }
0x523: {  	v10 =	vld.idx.msk [tilespmem:v11+s0+$0x0], $0xffff;
	_ =	sdelay $0x4  }
0x524: {  	[tilespmem:s15+$0x14420] =	vst v10  }
0x525: {  	v10 =	vld.idx.msk [tilespmem:v11+s20+$0x0], $0xffff;
	_ =	sdelay $0x4  }
0x526: {  	[tilespmem:s15+$0x14C20] =	vst v10  }
0x527: {  	v10 =	vld.idx.msk [tilespmem:v11+s4+$0x0], $0xffff;
	_ =	sdelay $0x4  }
0x528: {  	[tilespmem:s15+$0x15420] =	vst v10  }
0x529: {  	v10 =	vld.idx.msk [tilespmem:v11+s6+$0x0], $0xffff;
	_ =	sdelay $0x4  }
0x52a: {  	[tilespmem:s15+$0x15C20] =	vst v10  }
0x52b: {  	v10 =	vld.idx.msk [tilespmem:v11+s23+$0x0], $0xffff;
	_ =	sdelay $0x4  }
0x52c: {  	[tilespmem:s15+$0x16420] =	vst v10;
	v10 =	vld [tilespmem:s15+$0x430];
	_ =	sdelay $0x1  }
0x52d: {  	v11 =	vld.idx.msk [tilespmem:v11+s25+$0x0], $0xffff;
	_ =	sdelay $0x4  }
0x52e: {  	[tilespmem:s15+$0x16C20] =	vst v11  }
0x52f: {  	v11 =	vld.idx.msk [tilespmem:v10+s24+$0x0], $0xffff;
	_ =	sdelay $0x4  }
0x530: {  	[tilespmem:s15+$0x13430] =	vst v11  }
0x531: {  	v11 =	vld.idx.msk [tilespmem:v10+s2+$0x0], $0xffff;
	_ =	sdelay $0x4  }
0x532: {  	[tilespmem:s15+$0x13C30] =	vst v11  }
0x533: {  	v11 =	vld.idx.msk [tilespmem:v10+s0+$0x0], $0xffff;
	_ =	sdelay $0x4  }
0x534: {  	[tilespmem:s15+$0x14430] =	vst v11  }
0x535: {  	v11 =	vld.idx.msk [tilespmem:v10+s20+$0x0], $0xffff;
	_ =	sdelay $0x4  }
0x536: {  	[tilespmem:s15+$0x14C30] =	vst v11  }
0x537: {  	v11 =	vld.idx.msk [tilespmem:v10+s4+$0x0], $0xffff;
	_ =	sdelay $0x4  }
0x538: {  	[tilespmem:s15+$0x15430] =	vst v11  }
0x539: {  	v11 =	vld.idx.msk [tilespmem:v10+s6+$0x0], $0xffff;
	_ =	sdelay $0x4  }
0x53a: {  	[tilespmem:s15+$0x15C30] =	vst v11  }
0x53b: {  	v11 =	vld.idx.msk [tilespmem:v10+s23+$0x0], $0xffff;
	_ =	sdelay $0x4  }
0x53c: {  	[tilespmem:s15+$0x16430] =	vst v11;
	v11 =	vld [tilespmem:s15+$0x440];
	_ =	sdelay $0x1  }
0x53d: {  	v10 =	vld.idx.msk [tilespmem:v10+s25+$0x0], $0xffff;
	_ =	sdelay $0x4  }
0x53e: {  	[tilespmem:s15+$0x16C30] =	vst v10  }
0x53f: {  	v10 =	vld.idx.msk [tilespmem:v11+s24+$0x0], $0xffff;
	_ =	sdelay $0x4  }
0x540: {  	[tilespmem:s15+$0x13440] =	vst v10  }
0x541: {  	v10 =	vld.idx.msk [tilespmem:v11+s2+$0x0], $0xffff;
	_ =	sdelay $0x4  }
0x542: {  	[tilespmem:s15+$0x13C40] =	vst v10  }
0x543: {  	v10 =	vld.idx.msk [tilespmem:v11+s0+$0x0], $0xffff;
	_ =	sdelay $0x4  }
0x544: {  	[tilespmem:s15+$0x14440] =	vst v10  }
0x545: {  	v10 =	vld.idx.msk [tilespmem:v11+s20+$0x0], $0xffff;
	_ =	sdelay $0x4  }
0x546: {  	[tilespmem:s15+$0x14C40] =	vst v10  }
0x547: {  	v10 =	vld.idx.msk [tilespmem:v11+s4+$0x0], $0xffff;
	_ =	sdelay $0x4  }
0x548: {  	[tilespmem:s15+$0x15440] =	vst v10  }
0x549: {  	v10 =	vld.idx.msk [tilespmem:v11+s6+$0x0], $0xffff;
	_ =	sdelay $0x4  }
0x54a: {  	[tilespmem:s15+$0x15C40] =	vst v10  }
0x54b: {  	v10 =	vld.idx.msk [tilespmem:v11+s23+$0x0], $0xffff;
	_ =	sdelay $0x4  }
0x54c: {  	[tilespmem:s15+$0x16440] =	vst v10;
	v10 =	vld [tilespmem:s15+$0x450];
	_ =	sdelay $0x1  }
0x54d: {  	v11 =	vld.idx.msk [tilespmem:v11+s25+$0x0], $0xffff;
	_ =	sdelay $0x4  }
0x54e: {  	[tilespmem:s15+$0x16C40] =	vst v11  }
0x54f: {  	v11 =	vld.idx.msk [tilespmem:v10+s24+$0x0], $0xffff;
	_ =	sdelay $0x4  }
0x550: {  	[tilespmem:s15+$0x13450] =	vst v11  }
0x551: {  	v11 =	vld.idx.msk [tilespmem:v10+s2+$0x0], $0xffff;
	_ =	sdelay $0x4  }
0x552: {  	[tilespmem:s15+$0x13C50] =	vst v11  }
0x553: {  	v11 =	vld.idx.msk [tilespmem:v10+s0+$0x0], $0xffff;
	_ =	sdelay $0x4  }
0x554: {  	[tilespmem:s15+$0x14450] =	vst v11  }
0x555: {  	v11 =	vld.idx.msk [tilespmem:v10+s20+$0x0], $0xffff;
	_ =	sdelay $0x4  }
0x556: {  	[tilespmem:s15+$0x14C50] =	vst v11  }
0x557: {  	v11 =	vld.idx.msk [tilespmem:v10+s4+$0x0], $0xffff;
	_ =	sdelay $0x4  }
0x558: {  	[tilespmem:s15+$0x15450] =	vst v11  }
0x559: {  	v11 =	vld.idx.msk [tilespmem:v10+s6+$0x0], $0xffff;
	_ =	sdelay $0x4  }
0x55a: {  	[tilespmem:s15+$0x15C50] =	vst v11  }
0x55b: {  	v11 =	vld.idx.msk [tilespmem:v10+s23+$0x0], $0xffff;
	_ =	sdelay $0x4  }
0x55c: {  	[tilespmem:s15+$0x16450] =	vst v11;
	v11 =	vld [tilespmem:s15+$0x460];
	_ =	sdelay $0x1  }
0x55d: {  	v10 =	vld.idx.msk [tilespmem:v10+s25+$0x0], $0xffff;
	_ =	sdelay $0x4  }
0x55e: {  	[tilespmem:s15+$0x16C50] =	vst v10  }
0x55f: {  	v10 =	vld.idx.msk [tilespmem:v11+s24+$0x0], $0xffff;
	_ =	sdelay $0x4  }
0x560: {  	[tilespmem:s15+$0x13460] =	vst v10  }
0x561: {  	v10 =	vld.idx.msk [tilespmem:v11+s2+$0x0], $0xffff;
	_ =	sdelay $0x4  }
0x562: {  	[tilespmem:s15+$0x13C60] =	vst v10  }
0x563: {  	v10 =	vld.idx.msk [tilespmem:v11+s0+$0x0], $0xffff;
	_ =	sdelay $0x4  }
0x564: {  	[tilespmem:s15+$0x14460] =	vst v10  }
0x565: {  	v10 =	vld.idx.msk [tilespmem:v11+s20+$0x0], $0xffff;
	_ =	sdelay $0x4  }
0x566: {  	[tilespmem:s15+$0x14C60] =	vst v10  }
0x567: {  	v10 =	vld.idx.msk [tilespmem:v11+s4+$0x0], $0xffff;
	_ =	sdelay $0x4  }
0x568: {  	[tilespmem:s15+$0x15460] =	vst v10  }
0x569: {  	v10 =	vld.idx.msk [tilespmem:v11+s6+$0x0], $0xffff;
	_ =	sdelay $0x4  }
0x56a: {  	[tilespmem:s15+$0x15C60] =	vst v10  }
0x56b: {  	v10 =	vld.idx.msk [tilespmem:v11+s23+$0x0], $0xffff;
	_ =	sdelay $0x4  }
0x56c: {  	[tilespmem:s15+$0x16460] =	vst v10;
	v10 =	vld [tilespmem:s15+$0x470];
	_ =	sdelay $0x1  }
0x56d: {  	v11 =	vld.idx.msk [tilespmem:v11+s25+$0x0], $0xffff;
	_ =	sdelay $0x4  }
0x56e: {  	[tilespmem:s15+$0x16C60] =	vst v11  }
0x56f: {  	v11 =	vld.idx.msk [tilespmem:v10+s24+$0x0], $0xffff;
	_ =	sdelay $0x4  }
0x570: {  	[tilespmem:s15+$0x13470] =	vst v11  }
0x571: {  	v11 =	vld.idx.msk [tilespmem:v10+s2+$0x0], $0xffff;
	_ =	sdelay $0x4  }
0x572: {  	[tilespmem:s15+$0x13C70] =	vst v11  }
0x573: {  	v11 =	vld.idx.msk [tilespmem:v10+s0+$0x0], $0xffff;
	_ =	sdelay $0x4  }
0x574: {  	[tilespmem:s15+$0x14470] =	vst v11  }
0x575: {  	v11 =	vld.idx.msk [tilespmem:v10+s20+$0x0], $0xffff;
	_ =	sdelay $0x4  }
0x576: {  	[tilespmem:s15+$0x14C70] =	vst v11  }
0x577: {  	v11 =	vld.idx.msk [tilespmem:v10+s4+$0x0], $0xffff;
	_ =	sdelay $0x4  }
0x578: {  	[tilespmem:s15+$0x15470] =	vst v11  }
0x579: {  	v11 =	vld.idx.msk [tilespmem:v10+s6+$0x0], $0xffff;
	_ =	sdelay $0x4  }
0x57a: {  	[tilespmem:s15+$0x15C70] =	vst v11  }
0x57b: {  	v11 =	vld.idx.msk [tilespmem:v10+s23+$0x0], $0xffff;
	_ =	sdelay $0x4  }
0x57c: {  	[tilespmem:s15+$0x16470] =	vst v11  }
0x57d: {  	v10 =	vld.idx.msk [tilespmem:v10+s25+$0x0], $0xffff;
	_ =	sdelay $0x2  }
0x57e: {  	s1 =	sor.u32 s13, s10  }
0x57f: {  	s10 =	sshrl.u32 s1, $0x3  }
0x580: {  	s1 =	sadd.s32 s7, s10;
	[tilespmem:s15+$0x16C70] =	vst v10  }
0x581: {  	[hbm4b:s1+s31] =	stream.strided.scatter [tilespmem:s18], [sflag:$0x1], $0x800, s28, s31, $0x38;
	[tilespmem:$0x1B400] =	vst v63  }
0x582: {  	s3 =	sadd.s32 $0x2000, s1  }
0x583: {  	[hbm4b:s3+s31] =	stream.strided.scatter [tilespmem:s19], [sflag:$0x1], $0x800, s28, s31, $0x38;
	[tilespmem:$0x1B400] =	vst v63  }
0x584: {  	s14 =	sadd.s32 $0x4000, s1  }
0x585: {  	[hbm4b:s14+s31] =	stream.strided.scatter [tilespmem:s22], [sflag:$0x1], $0x800, s28, s31, $0x38;
	[tilespmem:$0x1B400] =	vst v63  }
0x586: {  	s15 =	sadd.s32 $0x6000, s1  }
0x587: {  	[hbm4b:s15+s31] =	stream.strided.scatter [tilespmem:s29], [sflag:$0x1], $0x800, s28, s31, $0x38;
	[tilespmem:$0x1B400] =	vst v63  }
0x588: {  	s11 =	sadd.s32 $0x8000, s1  }
0x589: {  	[hbm4b:s11+s31] =	stream.strided.scatter [tilespmem:s30], [sflag:$0x1], $0x800, s28, s31, $0x38;
	[tilespmem:$0x1B400] =	vst v63  }
0x58a: {  	s14 =	sadd.s32 $0xA000, s1;
	s15 =	simm.s32 $0x15C00  }
0x58b: {  	[hbm4b:s14+s31] =	stream.strided.scatter [tilespmem:s15], [sflag:$0x1], $0x800, s28, s31, $0x38;
	[tilespmem:$0x1B400] =	vst v63  }
0x58c: {  	s11 =	sadd.s32 $0xC000, s1;
	s14 =	simm.s32 $0x16400  }
0x58d: {  	[hbm4b:s11+s31] =	stream.strided.scatter [tilespmem:s14], [sflag:$0x1], $0x800, s28, s31, $0x38;
	[tilespmem:$0x1B400] =	vst v63  }
0x58e: {  	s1 =	sadd.s32 $0xE000, s1;
	s15 =	simm.s32 $0x16C00  }
0x58f: {  	[hbm4b:s1+s31] =	stream.strided.scatter [tilespmem:s15], [sflag:$0x1], $0x800, s28, s31, $0x38;
	[tilespmem:$0x1B400] =	vst v63  }
0x590: {  	_ =	swait.ge [sflag:s8], $0x4000  }
0x591: {  	[sflag:s8] =	ssyncset.done $0x0  }
0x592: {  	s11 =	simm.s32 $0x0;
	[sflag:s8] =	ssyncadd.s32 $0xFFFFC000  }
0x593: {  	v10 =	vld [tilespmem:s11+$0xC00];
	_ =	sdelay $0x7  }
0x594: {  	v11 =	vld.idx.msk [tilespmem:v10+s24+$0x0], $0xffff;
	_ =	sdelay $0x4  }
0x595: {  	[tilespmem:s11+$0x17400] =	vst v11  }
0x596: {  	v11 =	vld.idx.msk [tilespmem:v10+s2+$0x0], $0xffff;
	_ =	sdelay $0x4  }
0x597: {  	[tilespmem:s11+$0x17C00] =	vst v11  }
0x598: {  	v11 =	vld.idx.msk [tilespmem:v10+s0+$0x0], $0xffff;
	_ =	sdelay $0x4  }
0x599: {  	[tilespmem:s11+$0x18400] =	vst v11  }
0x59a: {  	v11 =	vld.idx.msk [tilespmem:v10+s20+$0x0], $0xffff;
	_ =	sdelay $0x4  }
0x59b: {  	[tilespmem:s11+$0x18C00] =	vst v11  }
0x59c: {  	v11 =	vld.idx.msk [tilespmem:v10+s4+$0x0], $0xffff;
	_ =	sdelay $0x4  }
0x59d: {  	[tilespmem:s11+$0x19400] =	vst v11  }
0x59e: {  	v11 =	vld.idx.msk [tilespmem:v10+s6+$0x0], $0xffff;
	_ =	sdelay $0x4  }
0x59f: {  	[tilespmem:s11+$0x19C00] =	vst v11  }
0x5a0: {  	v11 =	vld.idx.msk [tilespmem:v10+s23+$0x0], $0xffff;
	_ =	sdelay $0x4  }
0x5a1: {  	[tilespmem:s11+$0x1A400] =	vst v11;
	v11 =	vld [tilespmem:s11+$0xC10];
	_ =	sdelay $0x1  }
0x5a2: {  	v10 =	vld.idx.msk [tilespmem:v10+s25+$0x0], $0xffff;
	_ =	sdelay $0x4  }
0x5a3: {  	[tilespmem:s11+$0x1AC00] =	vst v10  }
0x5a4: {  	v10 =	vld.idx.msk [tilespmem:v11+s24+$0x0], $0xffff;
	_ =	sdelay $0x4  }
0x5a5: {  	[tilespmem:s11+$0x17410] =	vst v10  }
0x5a6: {  	v10 =	vld.idx.msk [tilespmem:v11+s2+$0x0], $0xffff;
	_ =	sdelay $0x4  }
0x5a7: {  	[tilespmem:s11+$0x17C10] =	vst v10  }
0x5a8: {  	v10 =	vld.idx.msk [tilespmem:v11+s0+$0x0], $0xffff;
	_ =	sdelay $0x4  }
0x5a9: {  	[tilespmem:s11+$0x18410] =	vst v10  }
0x5aa: {  	v10 =	vld.idx.msk [tilespmem:v11+s20+$0x0], $0xffff;
	_ =	sdelay $0x4  }
0x5ab: {  	[tilespmem:s11+$0x18C10] =	vst v10  }
0x5ac: {  	v10 =	vld.idx.msk [tilespmem:v11+s4+$0x0], $0xffff;
	_ =	sdelay $0x4  }
0x5ad: {  	[tilespmem:s11+$0x19410] =	vst v10  }
0x5ae: {  	v10 =	vld.idx.msk [tilespmem:v11+s6+$0x0], $0xffff;
	_ =	sdelay $0x4  }
0x5af: {  	[tilespmem:s11+$0x19C10] =	vst v10  }
0x5b0: {  	v10 =	vld.idx.msk [tilespmem:v11+s23+$0x0], $0xffff;
	_ =	sdelay $0x4  }
0x5b1: {  	[tilespmem:s11+$0x1A410] =	vst v10;
	v10 =	vld [tilespmem:s11+$0xC20];
	_ =	sdelay $0x1  }
0x5b2: {  	v11 =	vld.idx.msk [tilespmem:v11+s25+$0x0], $0xffff;
	_ =	sdelay $0x4  }
0x5b3: {  	[tilespmem:s11+$0x1AC10] =	vst v11  }
0x5b4: {  	v11 =	vld.idx.msk [tilespmem:v10+s24+$0x0], $0xffff;
	_ =	sdelay $0x4  }
0x5b5: {  	[tilespmem:s11+$0x17420] =	vst v11  }
0x5b6: {  	v11 =	vld.idx.msk [tilespmem:v10+s2+$0x0], $0xffff;
	_ =	sdelay $0x4  }
0x5b7: {  	[tilespmem:s11+$0x17C20] =	vst v11  }
0x5b8: {  	v11 =	vld.idx.msk [tilespmem:v10+s0+$0x0], $0xffff;
	_ =	sdelay $0x4  }
0x5b9: {  	[tilespmem:s11+$0x18420] =	vst v11  }
0x5ba: {  	v11 =	vld.idx.msk [tilespmem:v10+s20+$0x0], $0xffff;
	_ =	sdelay $0x4  }
0x5bb: {  	[tilespmem:s11+$0x18C20] =	vst v11  }
0x5bc: {  	v11 =	vld.idx.msk [tilespmem:v10+s4+$0x0], $0xffff;
	_ =	sdelay $0x4  }
0x5bd: {  	[tilespmem:s11+$0x19420] =	vst v11  }
0x5be: {  	v11 =	vld.idx.msk [tilespmem:v10+s6+$0x0], $0xffff;
	_ =	sdelay $0x4  }
0x5bf: {  	[tilespmem:s11+$0x19C20] =	vst v11  }
0x5c0: {  	v11 =	vld.idx.msk [tilespmem:v10+s23+$0x0], $0xffff;
	_ =	sdelay $0x4  }
0x5c1: {  	[tilespmem:s11+$0x1A420] =	vst v11;
	v11 =	vld [tilespmem:s11+$0xC30];
	_ =	sdelay $0x1  }
0x5c2: {  	v10 =	vld.idx.msk [tilespmem:v10+s25+$0x0], $0xffff;
	_ =	sdelay $0x4  }
0x5c3: {  	[tilespmem:s11+$0x1AC20] =	vst v10  }
0x5c4: {  	v10 =	vld.idx.msk [tilespmem:v11+s24+$0x0], $0xffff;
	_ =	sdelay $0x4  }
0x5c5: {  	[tilespmem:s11+$0x17430] =	vst v10  }
0x5c6: {  	v10 =	vld.idx.msk [tilespmem:v11+s2+$0x0], $0xffff;
	_ =	sdelay $0x4  }
0x5c7: {  	[tilespmem:s11+$0x17C30] =	vst v10  }
0x5c8: {  	v10 =	vld.idx.msk [tilespmem:v11+s0+$0x0], $0xffff;
	_ =	sdelay $0x4  }
0x5c9: {  	[tilespmem:s11+$0x18430] =	vst v10  }
0x5ca: {  	v10 =	vld.idx.msk [tilespmem:v11+s20+$0x0], $0xffff;
	_ =	sdelay $0x4  }
0x5cb: {  	[tilespmem:s11+$0x18C30] =	vst v10  }
0x5cc: {  	v10 =	vld.idx.msk [tilespmem:v11+s4+$0x0], $0xffff;
	_ =	sdelay $0x4  }
0x5cd: {  	[tilespmem:s11+$0x19430] =	vst v10  }
0x5ce: {  	v10 =	vld.idx.msk [tilespmem:v11+s6+$0x0], $0xffff;
	_ =	sdelay $0x4  }
0x5cf: {  	[tilespmem:s11+$0x19C30] =	vst v10  }
0x5d0: {  	v10 =	vld.idx.msk [tilespmem:v11+s23+$0x0], $0xffff;
	_ =	sdelay $0x4  }
0x5d1: {  	[tilespmem:s11+$0x1A430] =	vst v10;
	v10 =	vld [tilespmem:s11+$0xC40];
	_ =	sdelay $0x1  }
0x5d2: {  	v11 =	vld.idx.msk [tilespmem:v11+s25+$0x0], $0xffff;
	_ =	sdelay $0x4  }
0x5d3: {  	[tilespmem:s11+$0x1AC30] =	vst v11  }
0x5d4: {  	v11 =	vld.idx.msk [tilespmem:v10+s24+$0x0], $0xffff;
	_ =	sdelay $0x4  }
0x5d5: {  	[tilespmem:s11+$0x17440] =	vst v11  }
0x5d6: {  	v11 =	vld.idx.msk [tilespmem:v10+s2+$0x0], $0xffff;
	_ =	sdelay $0x4  }
0x5d7: {  	[tilespmem:s11+$0x17C40] =	vst v11  }
0x5d8: {  	v11 =	vld.idx.msk [tilespmem:v10+s0+$0x0], $0xffff;
	_ =	sdelay $0x4  }
0x5d9: {  	[tilespmem:s11+$0x18440] =	vst v11  }
0x5da: {  	v11 =	vld.idx.msk [tilespmem:v10+s20+$0x0], $0xffff;
	_ =	sdelay $0x4  }
0x5db: {  	[tilespmem:s11+$0x18C40] =	vst v11  }
0x5dc: {  	v11 =	vld.idx.msk [tilespmem:v10+s4+$0x0], $0xffff;
	_ =	sdelay $0x4  }
0x5dd: {  	[tilespmem:s11+$0x19440] =	vst v11  }
0x5de: {  	v11 =	vld.idx.msk [tilespmem:v10+s6+$0x0], $0xffff;
	_ =	sdelay $0x4  }
0x5df: {  	[tilespmem:s11+$0x19C40] =	vst v11  }
0x5e0: {  	v11 =	vld.idx.msk [tilespmem:v10+s23+$0x0], $0xffff;
	_ =	sdelay $0x4  }
0x5e1: {  	[tilespmem:s11+$0x1A440] =	vst v11;
	v11 =	vld [tilespmem:s11+$0xC50];
	_ =	sdelay $0x1  }
0x5e2: {  	v10 =	vld.idx.msk [tilespmem:v10+s25+$0x0], $0xffff;
	_ =	sdelay $0x4  }
0x5e3: {  	[tilespmem:s11+$0x1AC40] =	vst v10  }
0x5e4: {  	v10 =	vld.idx.msk [tilespmem:v11+s24+$0x0], $0xffff;
	_ =	sdelay $0x4  }
0x5e5: {  	[tilespmem:s11+$0x17450] =	vst v10  }
0x5e6: {  	v10 =	vld.idx.msk [tilespmem:v11+s2+$0x0], $0xffff;
	_ =	sdelay $0x4  }
0x5e7: {  	[tilespmem:s11+$0x17C50] =	vst v10  }
0x5e8: {  	v10 =	vld.idx.msk [tilespmem:v11+s0+$0x0], $0xffff;
	_ =	sdelay $0x4  }
0x5e9: {  	[tilespmem:s11+$0x18450] =	vst v10  }
0x5ea: {  	v10 =	vld.idx.msk [tilespmem:v11+s20+$0x0], $0xffff;
	_ =	sdelay $0x4  }
0x5eb: {  	[tilespmem:s11+$0x18C50] =	vst v10  }
0x5ec: {  	v10 =	vld.idx.msk [tilespmem:v11+s4+$0x0], $0xffff;
	_ =	sdelay $0x4  }
0x5ed: {  	[tilespmem:s11+$0x19450] =	vst v10  }
0x5ee: {  	v10 =	vld.idx.msk [tilespmem:v11+s6+$0x0], $0xffff;
	_ =	sdelay $0x4  }
0x5ef: {  	[tilespmem:s11+$0x19C50] =	vst v10  }
0x5f0: {  	v10 =	vld.idx.msk [tilespmem:v11+s23+$0x0], $0xffff;
	_ =	sdelay $0x3  }
0x5f1: {  	v63 =	vld [tilespmem:s11+$0xC60]  }
0x5f2: {  	[tilespmem:s11+$0x1A450] =	vst v10  }
0x5f3: {  	v10 =	vld.idx.msk [tilespmem:v11+s25+$0x0], $0xffff;
	_ =	sdelay $0x4  }
0x5f4: {  	[tilespmem:s11+$0x1AC50] =	vst v10  }
0x5f5: {  	v10 =	vld.idx.msk [tilespmem:v63+s24+$0x0], $0xffff;
	_ =	sdelay $0x4  }
0x5f6: {  	[tilespmem:s11+$0x17460] =	vst v10  }
0x5f7: {  	v10 =	vld.idx.msk [tilespmem:v63+s2+$0x0], $0xffff;
	_ =	sdelay $0x4  }
0x5f8: {  	[tilespmem:s11+$0x17C60] =	vst v10  }
0x5f9: {  	v10 =	vld.idx.msk [tilespmem:v63+s0+$0x0], $0xffff;
	_ =	sdelay $0x4  }
0x5fa: {  	[tilespmem:s11+$0x18460] =	vst v10  }
0x5fb: {  	v10 =	vld.idx.msk [tilespmem:v63+s20+$0x0], $0xffff;
	_ =	sdelay $0x4  }
0x5fc: {  	[tilespmem:s11+$0x18C60] =	vst v10  }
0x5fd: {  	v10 =	vld.idx.msk [tilespmem:v63+s4+$0x0], $0xffff;
	_ =	sdelay $0x4  }
0x5fe: {  	[tilespmem:s11+$0x19460] =	vst v10  }
0x5ff: {  	v10 =	vld.idx.msk [tilespmem:v63+s6+$0x0], $0xffff;
	_ =	sdelay $0x4  }
0x600: {  	[tilespmem:s11+$0x19C60] =	vst v10  }
0x601: {  	v10 =	vld.idx.msk [tilespmem:v63+s23+$0x0], $0xffff;
	_ =	sdelay $0x4  }
0x602: {  	[tilespmem:s11+$0x1A460] =	vst v10;
	v10 =	vld [tilespmem:s11+$0xC70];
	_ =	sdelay $0x1  }
0x603: {  	v11 =	vld.idx.msk [tilespmem:v63+s25+$0x0], $0xffff;
	_ =	sdelay $0x4  }
0x604: {  	[tilespmem:s11+$0x1AC60] =	vst v11  }
0x605: {  	v11 =	vld.idx.msk [tilespmem:v10+s24+$0x0], $0xffff;
	_ =	sdelay $0x4  }
0x606: {  	[tilespmem:s11+$0x17470] =	vst v11  }
0x607: {  	v11 =	vld.idx.msk [tilespmem:v10+s2+$0x0], $0xffff;
	_ =	sdelay $0x4  }
0x608: {  	[tilespmem:s11+$0x17C70] =	vst v11  }
0x609: {  	v11 =	vld.idx.msk [tilespmem:v10+s0+$0x0], $0xffff;
	_ =	sdelay $0x4  }
0x60a: {  	[tilespmem:s11+$0x18470] =	vst v11  }
0x60b: {  	v11 =	vld.idx.msk [tilespmem:v10+s20+$0x0], $0xffff;
	_ =	sdelay $0x4  }
0x60c: {  	[tilespmem:s11+$0x18C70] =	vst v11  }
0x60d: {  	v11 =	vld.idx.msk [tilespmem:v10+s4+$0x0], $0xffff;
	_ =	sdelay $0x4  }
0x60e: {  	[tilespmem:s11+$0x19470] =	vst v11  }
0x60f: {  	v11 =	vld.idx.msk [tilespmem:v10+s6+$0x0], $0xffff;
	_ =	sdelay $0x4  }
0x610: {  	[tilespmem:s11+$0x19C70] =	vst v11  }
0x611: {  	v11 =	vld.idx.msk [tilespmem:v10+s23+$0x0], $0xffff;
	_ =	sdelay $0x3  }
0x612: {  	s14 =	simm.s32 $0x400;
	s15 =	simm.s32 $0x80  }
.LBB2_15:
0x613: {  	p0 =	sne.s32 s14, $0x1E00;
	v12 =	vld [tilespmem:s15+$0xC00];
	[tilespmem:s11+$0x1A470] =	vst v11  }
0x614: {  	v10 =	vld.idx.msk [tilespmem:v10+s25+$0x0], $0xffff;
	_ =	sdelay $0x5  }
0x615: {  	[tilespmem:s11+$0x1AC70] =	vst v10;
	s11 =	smov.u32 s15  }
0x616: {  	v10 =	vld.idx.msk [tilespmem:v12+s24+$0x0], $0xffff;
	_ =	sdelay $0x5  }
0x617: {  	[tilespmem:s11+$0x17400] =	vst v10  }
0x618: {  	v10 =	vld.idx.msk [tilespmem:v12+s2+$0x0], $0xffff;
	_ =	sdelay $0x5  }
0x619: {  	[tilespmem:s11+$0x17C00] =	vst v10  }
0x61a: {  	v10 =	vld.idx.msk [tilespmem:v12+s0+$0x0], $0xffff;
	_ =	sdelay $0x5  }
0x61b: {  	[tilespmem:s11+$0x18400] =	vst v10  }
0x61c: {  	v10 =	vld.idx.msk [tilespmem:v12+s20+$0x0], $0xffff;
	_ =	sdelay $0x5  }
0x61d: {  	[tilespmem:s11+$0x18C00] =	vst v10  }
0x61e: {  	v10 =	vld.idx.msk [tilespmem:v12+s4+$0x0], $0xffff;
	_ =	sdelay $0x5  }
0x61f: {  	[tilespmem:s11+$0x19400] =	vst v10  }
0x620: {  	v10 =	vld.idx.msk [tilespmem:v12+s6+$0x0], $0xffff;
	_ =	sdelay $0x5  }
0x621: {  	[tilespmem:s11+$0x19C00] =	vst v10  }
0x622: {  	v10 =	vld.idx.msk [tilespmem:v12+s23+$0x0], $0xffff;
	_ =	sdelay $0x5  }
0x623: {  	[tilespmem:s11+$0x1A400] =	vst v10;
	v10 =	vld [tilespmem:s11+$0xC10]  }
0x624: {  	v11 =	vld.idx.msk [tilespmem:v12+s25+$0x0], $0xffff;
	_ =	sdelay $0x5  }
0x625: {  	[tilespmem:s11+$0x1AC00] =	vst v11  }
0x626: {  	v11 =	vld.idx.msk [tilespmem:v10+s24+$0x0], $0xffff;
	_ =	sdelay $0x5  }
0x627: {  	[tilespmem:s11+$0x17410] =	vst v11  }
0x628: {  	v11 =	vld.idx.msk [tilespmem:v10+s2+$0x0], $0xffff;
	_ =	sdelay $0x5  }
0x629: {  	[tilespmem:s11+$0x17C10] =	vst v11  }
0x62a: {  	v11 =	vld.idx.msk [tilespmem:v10+s0+$0x0], $0xffff;
	_ =	sdelay $0x5  }
0x62b: {  	[tilespmem:s11+$0x18410] =	vst v11  }
0x62c: {  	v11 =	vld.idx.msk [tilespmem:v10+s20+$0x0], $0xffff;
	_ =	sdelay $0x5  }
0x62d: {  	[tilespmem:s11+$0x18C10] =	vst v11  }
0x62e: {  	v11 =	vld.idx.msk [tilespmem:v10+s4+$0x0], $0xffff;
	_ =	sdelay $0x5  }
0x62f: {  	[tilespmem:s11+$0x19410] =	vst v11  }
0x630: {  	v11 =	vld.idx.msk [tilespmem:v10+s6+$0x0], $0xffff;
	_ =	sdelay $0x5  }
0x631: {  	[tilespmem:s11+$0x19C10] =	vst v11  }
0x632: {  	v11 =	vld.idx.msk [tilespmem:v10+s23+$0x0], $0xffff;
	_ =	sdelay $0x5  }
0x633: {  	[tilespmem:s11+$0x1A410] =	vst v11;
	v11 =	vld [tilespmem:s11+$0xC20]  }
0x634: {  	v10 =	vld.idx.msk [tilespmem:v10+s25+$0x0], $0xffff;
	_ =	sdelay $0x5  }
0x635: {  	[tilespmem:s11+$0x1AC10] =	vst v10  }
0x636: {  	v10 =	vld.idx.msk [tilespmem:v11+s24+$0x0], $0xffff;
	_ =	sdelay $0x5  }
0x637: {  	[tilespmem:s11+$0x17420] =	vst v10  }
0x638: {  	v10 =	vld.idx.msk [tilespmem:v11+s2+$0x0], $0xffff;
	_ =	sdelay $0x5  }
0x639: {  	[tilespmem:s11+$0x17C20] =	vst v10  }
0x63a: {  	v10 =	vld.idx.msk [tilespmem:v11+s0+$0x0], $0xffff;
	_ =	sdelay $0x5  }
0x63b: {  	[tilespmem:s11+$0x18420] =	vst v10  }
0x63c: {  	v10 =	vld.idx.msk [tilespmem:v11+s20+$0x0], $0xffff;
	_ =	sdelay $0x5  }
0x63d: {  	[tilespmem:s11+$0x18C20] =	vst v10  }
0x63e: {  	v10 =	vld.idx.msk [tilespmem:v11+s4+$0x0], $0xffff;
	_ =	sdelay $0x5  }
0x63f: {  	[tilespmem:s11+$0x19420] =	vst v10  }
0x640: {  	v10 =	vld.idx.msk [tilespmem:v11+s6+$0x0], $0xffff;
	_ =	sdelay $0x5  }
0x641: {  	[tilespmem:s11+$0x19C20] =	vst v10  }
0x642: {  	v10 =	vld.idx.msk [tilespmem:v11+s23+$0x0], $0xffff;
	_ =	sdelay $0x5  }
0x643: {  	[tilespmem:s11+$0x1A420] =	vst v10;
	v10 =	vld [tilespmem:s11+$0xC30]  }
0x644: {  	v11 =	vld.idx.msk [tilespmem:v11+s25+$0x0], $0xffff;
	_ =	sdelay $0x5  }
0x645: {  	[tilespmem:s11+$0x1AC20] =	vst v11  }
0x646: {  	v11 =	vld.idx.msk [tilespmem:v10+s24+$0x0], $0xffff;
	_ =	sdelay $0x5  }
0x647: {  	[tilespmem:s11+$0x17430] =	vst v11  }
0x648: {  	v11 =	vld.idx.msk [tilespmem:v10+s2+$0x0], $0xffff;
	_ =	sdelay $0x5  }
0x649: {  	[tilespmem:s11+$0x17C30] =	vst v11  }
0x64a: {  	v11 =	vld.idx.msk [tilespmem:v10+s0+$0x0], $0xffff;
	_ =	sdelay $0x5  }
0x64b: {  	[tilespmem:s11+$0x18430] =	vst v11  }
0x64c: {  	v11 =	vld.idx.msk [tilespmem:v10+s20+$0x0], $0xffff;
	_ =	sdelay $0x5  }
0x64d: {  	[tilespmem:s11+$0x18C30] =	vst v11  }
0x64e: {  	v11 =	vld.idx.msk [tilespmem:v10+s4+$0x0], $0xffff;
	_ =	sdelay $0x5  }
0x64f: {  	[tilespmem:s11+$0x19430] =	vst v11  }
0x650: {  	v11 =	vld.idx.msk [tilespmem:v10+s6+$0x0], $0xffff;
	_ =	sdelay $0x5  }
0x651: {  	[tilespmem:s11+$0x19C30] =	vst v11  }
0x652: {  	v11 =	vld.idx.msk [tilespmem:v10+s23+$0x0], $0xffff;
	_ =	sdelay $0x5  }
0x653: {  	[tilespmem:s11+$0x1A430] =	vst v11;
	v11 =	vld [tilespmem:s11+$0xC40]  }
0x654: {  	v10 =	vld.idx.msk [tilespmem:v10+s25+$0x0], $0xffff;
	_ =	sdelay $0x5  }
0x655: {  	[tilespmem:s11+$0x1AC30] =	vst v10  }
0x656: {  	v10 =	vld.idx.msk [tilespmem:v11+s24+$0x0], $0xffff;
	_ =	sdelay $0x5  }
0x657: {  	[tilespmem:s11+$0x17440] =	vst v10  }
0x658: {  	v10 =	vld.idx.msk [tilespmem:v11+s2+$0x0], $0xffff;
	_ =	sdelay $0x5  }
0x659: {  	[tilespmem:s11+$0x17C40] =	vst v10  }
0x65a: {  	v10 =	vld.idx.msk [tilespmem:v11+s0+$0x0], $0xffff;
	_ =	sdelay $0x5  }
0x65b: {  	[tilespmem:s11+$0x18440] =	vst v10  }
0x65c: {  	v10 =	vld.idx.msk [tilespmem:v11+s20+$0x0], $0xffff;
	_ =	sdelay $0x5  }
0x65d: {  	[tilespmem:s11+$0x18C40] =	vst v10  }
0x65e: {  	v10 =	vld.idx.msk [tilespmem:v11+s4+$0x0], $0xffff;
	_ =	sdelay $0x5  }
0x65f: {  	[tilespmem:s11+$0x19440] =	vst v10  }
0x660: {  	v10 =	vld.idx.msk [tilespmem:v11+s6+$0x0], $0xffff;
	_ =	sdelay $0x5  }
0x661: {  	[tilespmem:s11+$0x19C40] =	vst v10  }
0x662: {  	v10 =	vld.idx.msk [tilespmem:v11+s23+$0x0], $0xffff;
	_ =	sdelay $0x5  }
0x663: {  	[tilespmem:s11+$0x1A440] =	vst v10;
	v10 =	vld [tilespmem:s11+$0xC50]  }
0x664: {  	v11 =	vld.idx.msk [tilespmem:v11+s25+$0x0], $0xffff;
	_ =	sdelay $0x5  }
0x665: {  	[tilespmem:s11+$0x1AC40] =	vst v11  }
0x666: {  	v11 =	vld.idx.msk [tilespmem:v10+s24+$0x0], $0xffff;
	_ =	sdelay $0x5  }
0x667: {  	[tilespmem:s11+$0x17450] =	vst v11  }
0x668: {  	v11 =	vld.idx.msk [tilespmem:v10+s2+$0x0], $0xffff;
	_ =	sdelay $0x5  }
0x669: {  	[tilespmem:s11+$0x17C50] =	vst v11  }
0x66a: {  	v11 =	vld.idx.msk [tilespmem:v10+s0+$0x0], $0xffff;
	_ =	sdelay $0x5  }
0x66b: {  	[tilespmem:s11+$0x18450] =	vst v11  }
0x66c: {  	v11 =	vld.idx.msk [tilespmem:v10+s20+$0x0], $0xffff;
	_ =	sdelay $0x5  }
0x66d: {  	[tilespmem:s11+$0x18C50] =	vst v11  }
0x66e: {  	v11 =	vld.idx.msk [tilespmem:v10+s4+$0x0], $0xffff;
	_ =	sdelay $0x5  }
0x66f: {  	[tilespmem:s11+$0x19450] =	vst v11  }
0x670: {  	v11 =	vld.idx.msk [tilespmem:v10+s6+$0x0], $0xffff;
	_ =	sdelay $0x5  }
0x671: {  	[tilespmem:s11+$0x19C50] =	vst v11  }
0x672: {  	v11 =	vld.idx.msk [tilespmem:v10+s23+$0x0], $0xffff;
	_ =	sdelay $0x5  }
0x673: {  	[tilespmem:s11+$0x1A450] =	vst v11;
	v11 =	vld [tilespmem:s11+$0xC60]  }
0x674: {  	v10 =	vld.idx.msk [tilespmem:v10+s25+$0x0], $0xffff;
	_ =	sdelay $0x5  }
0x675: {  	[tilespmem:s11+$0x1AC50] =	vst v10  }
0x676: {  	v10 =	vld.idx.msk [tilespmem:v11+s24+$0x0], $0xffff;
	_ =	sdelay $0x5  }
0x677: {  	[tilespmem:s11+$0x17460] =	vst v10  }
0x678: {  	v10 =	vld.idx.msk [tilespmem:v11+s2+$0x0], $0xffff;
	_ =	sdelay $0x5  }
0x679: {  	[tilespmem:s11+$0x17C60] =	vst v10  }
0x67a: {  	v10 =	vld.idx.msk [tilespmem:v11+s0+$0x0], $0xffff;
	_ =	sdelay $0x5  }
0x67b: {  	[tilespmem:s11+$0x18460] =	vst v10  }
0x67c: {  	v10 =	vld.idx.msk [tilespmem:v11+s20+$0x0], $0xffff;
	_ =	sdelay $0x5  }
0x67d: {  	[tilespmem:s11+$0x18C60] =	vst v10  }
0x67e: {  	v10 =	vld.idx.msk [tilespmem:v11+s4+$0x0], $0xffff;
	_ =	sdelay $0x5  }
0x67f: {  	[tilespmem:s11+$0x19460] =	vst v10  }
0x680: {  	v10 =	vld.idx.msk [tilespmem:v11+s6+$0x0], $0xffff;
	_ =	sdelay $0x5  }
0x681: {  	[tilespmem:s11+$0x19C60] =	vst v10  }
0x682: {  	v10 =	vld.idx.msk [tilespmem:v11+s23+$0x0], $0xffff;
	_ =	sdelay $0x5  }
0x683: {  	[tilespmem:s11+$0x1A460] =	vst v10;
	v10 =	vld [tilespmem:s11+$0xC70]  }
0x684: {  	v11 =	vld.idx.msk [tilespmem:v11+s25+$0x0], $0xffff;
	_ =	sdelay $0x5  }
0x685: {  	[tilespmem:s11+$0x1AC60] =	vst v11  }
0x686: {  	v11 =	vld.idx.msk [tilespmem:v10+s24+$0x0], $0xffff;
	_ =	sdelay $0x5  }
0x687: {  	[tilespmem:s11+$0x17470] =	vst v11  }
0x688: {  	v11 =	vld.idx.msk [tilespmem:v10+s2+$0x0], $0xffff;
	_ =	sdelay $0x5  }
0x689: {  	[tilespmem:s11+$0x17C70] =	vst v11  }
0x68a: {  	v11 =	vld.idx.msk [tilespmem:v10+s0+$0x0], $0xffff;
	_ =	sdelay $0x5  }
0x68b: {  	[tilespmem:s11+$0x18470] =	vst v11  }
0x68c: {  	v11 =	vld.idx.msk [tilespmem:v10+s20+$0x0], $0xffff;
	_ =	sdelay $0x5  }
0x68d: {  	[tilespmem:s11+$0x18C70] =	vst v11  }
0x68e: {  	v11 =	vld.idx.msk [tilespmem:v10+s4+$0x0], $0xffff;
	_ =	sdelay $0x5  }
0x68f: {  	[tilespmem:s11+$0x19470] =	vst v11  }
0x690: {  	v11 =	vld.idx.msk [tilespmem:v10+s6+$0x0], $0xffff;
	_ =	sdelay $0x5  }
0x691: {  	[tilespmem:s11+$0x19C70] =	vst v11  }
0x692: {  	v11 =	vld.idx.msk [tilespmem:v10+s23+$0x0], $0xffff  }
.Ltmp6:
0x693: {  	(pc) =	sbr.rel @p0 .LBB2_15-.Ltmp6, $2  }
0x694: {  	_ =	sdelay $0x2  }
0x695: {  	s15 =	sshra.s32 s14, $0x2;
	s14 =	sadd.s32 $0x200, s14  }
0x696: {  	_ =	sdelay $0x1  }
0x697: {  	v12 =	vld [tilespmem:s15+$0xC00]  }
0x698: {  	[tilespmem:s11+$0x1A470] =	vst v11  }
0x699: {  	v10 =	vld.idx.msk [tilespmem:v10+s25+$0x0], $0xffff;
	_ =	sdelay $0x4  }
0x69a: {  	[tilespmem:s11+$0x1AC70] =	vst v10  }
0x69b: {  	v10 =	vld.idx.msk [tilespmem:v12+s24+$0x0], $0xffff;
	_ =	sdelay $0x4  }
0x69c: {  	[tilespmem:s15+$0x17400] =	vst v10  }
0x69d: {  	v10 =	vld.idx.msk [tilespmem:v12+s2+$0x0], $0xffff;
	_ =	sdelay $0x4  }
0x69e: {  	[tilespmem:s15+$0x17C00] =	vst v10  }
0x69f: {  	v10 =	vld.idx.msk [tilespmem:v12+s0+$0x0], $0xffff;
	_ =	sdelay $0x4  }
0x6a0: {  	[tilespmem:s15+$0x18400] =	vst v10  }
0x6a1: {  	v10 =	vld.idx.msk [tilespmem:v12+s20+$0x0], $0xffff;
	_ =	sdelay $0x4  }
0x6a2: {  	[tilespmem:s15+$0x18C00] =	vst v10  }
0x6a3: {  	v10 =	vld.idx.msk [tilespmem:v12+s4+$0x0], $0xffff;
	_ =	sdelay $0x4  }
0x6a4: {  	[tilespmem:s15+$0x19400] =	vst v10  }
0x6a5: {  	v10 =	vld.idx.msk [tilespmem:v12+s6+$0x0], $0xffff;
	_ =	sdelay $0x4  }
0x6a6: {  	[tilespmem:s15+$0x19C00] =	vst v10  }
0x6a7: {  	v10 =	vld.idx.msk [tilespmem:v12+s23+$0x0], $0xffff;
	_ =	sdelay $0x4  }
0x6a8: {  	[tilespmem:s15+$0x1A400] =	vst v10;
	v10 =	vld [tilespmem:s15+$0xC10];
	_ =	sdelay $0x1  }
0x6a9: {  	v11 =	vld.idx.msk [tilespmem:v12+s25+$0x0], $0xffff;
	_ =	sdelay $0x4  }
0x6aa: {  	[tilespmem:s15+$0x1AC00] =	vst v11  }
0x6ab: {  	v11 =	vld.idx.msk [tilespmem:v10+s24+$0x0], $0xffff;
	_ =	sdelay $0x4  }
0x6ac: {  	[tilespmem:s15+$0x17410] =	vst v11  }
0x6ad: {  	v11 =	vld.idx.msk [tilespmem:v10+s2+$0x0], $0xffff;
	_ =	sdelay $0x4  }
0x6ae: {  	[tilespmem:s15+$0x17C10] =	vst v11  }
0x6af: {  	v11 =	vld.idx.msk [tilespmem:v10+s0+$0x0], $0xffff;
	_ =	sdelay $0x4  }
0x6b0: {  	[tilespmem:s15+$0x18410] =	vst v11  }
0x6b1: {  	v11 =	vld.idx.msk [tilespmem:v10+s20+$0x0], $0xffff;
	_ =	sdelay $0x4  }
0x6b2: {  	[tilespmem:s15+$0x18C10] =	vst v11  }
0x6b3: {  	v11 =	vld.idx.msk [tilespmem:v10+s4+$0x0], $0xffff;
	_ =	sdelay $0x4  }
0x6b4: {  	[tilespmem:s15+$0x19410] =	vst v11  }
0x6b5: {  	v11 =	vld.idx.msk [tilespmem:v10+s6+$0x0], $0xffff;
	_ =	sdelay $0x4  }
0x6b6: {  	[tilespmem:s15+$0x19C10] =	vst v11  }
0x6b7: {  	v11 =	vld.idx.msk [tilespmem:v10+s23+$0x0], $0xffff;
	_ =	sdelay $0x4  }
0x6b8: {  	[tilespmem:s15+$0x1A410] =	vst v11;
	v11 =	vld [tilespmem:s15+$0xC20];
	_ =	sdelay $0x1  }
0x6b9: {  	v10 =	vld.idx.msk [tilespmem:v10+s25+$0x0], $0xffff;
	_ =	sdelay $0x4  }
0x6ba: {  	[tilespmem:s15+$0x1AC10] =	vst v10  }
0x6bb: {  	v10 =	vld.idx.msk [tilespmem:v11+s24+$0x0], $0xffff;
	_ =	sdelay $0x4  }
0x6bc: {  	[tilespmem:s15+$0x17420] =	vst v10  }
0x6bd: {  	v10 =	vld.idx.msk [tilespmem:v11+s2+$0x0], $0xffff;
	_ =	sdelay $0x4  }
0x6be: {  	[tilespmem:s15+$0x17C20] =	vst v10  }
0x6bf: {  	v10 =	vld.idx.msk [tilespmem:v11+s0+$0x0], $0xffff;
	_ =	sdelay $0x4  }
0x6c0: {  	[tilespmem:s15+$0x18420] =	vst v10  }
0x6c1: {  	v10 =	vld.idx.msk [tilespmem:v11+s20+$0x0], $0xffff;
	_ =	sdelay $0x4  }
0x6c2: {  	[tilespmem:s15+$0x18C20] =	vst v10  }
0x6c3: {  	v10 =	vld.idx.msk [tilespmem:v11+s4+$0x0], $0xffff;
	_ =	sdelay $0x4  }
0x6c4: {  	[tilespmem:s15+$0x19420] =	vst v10  }
0x6c5: {  	v10 =	vld.idx.msk [tilespmem:v11+s6+$0x0], $0xffff;
	_ =	sdelay $0x4  }
0x6c6: {  	[tilespmem:s15+$0x19C20] =	vst v10  }
0x6c7: {  	v10 =	vld.idx.msk [tilespmem:v11+s23+$0x0], $0xffff;
	_ =	sdelay $0x4  }
0x6c8: {  	[tilespmem:s15+$0x1A420] =	vst v10;
	v10 =	vld [tilespmem:s15+$0xC30];
	_ =	sdelay $0x1  }
0x6c9: {  	v11 =	vld.idx.msk [tilespmem:v11+s25+$0x0], $0xffff;
	_ =	sdelay $0x4  }
0x6ca: {  	[tilespmem:s15+$0x1AC20] =	vst v11  }
0x6cb: {  	v11 =	vld.idx.msk [tilespmem:v10+s24+$0x0], $0xffff;
	_ =	sdelay $0x4  }
0x6cc: {  	[tilespmem:s15+$0x17430] =	vst v11  }
0x6cd: {  	v11 =	vld.idx.msk [tilespmem:v10+s2+$0x0], $0xffff;
	_ =	sdelay $0x4  }
0x6ce: {  	[tilespmem:s15+$0x17C30] =	vst v11  }
0x6cf: {  	v11 =	vld.idx.msk [tilespmem:v10+s0+$0x0], $0xffff;
	_ =	sdelay $0x4  }
0x6d0: {  	[tilespmem:s15+$0x18430] =	vst v11  }
0x6d1: {  	v11 =	vld.idx.msk [tilespmem:v10+s20+$0x0], $0xffff;
	_ =	sdelay $0x4  }
0x6d2: {  	[tilespmem:s15+$0x18C30] =	vst v11  }
0x6d3: {  	v11 =	vld.idx.msk [tilespmem:v10+s4+$0x0], $0xffff;
	_ =	sdelay $0x4  }
0x6d4: {  	[tilespmem:s15+$0x19430] =	vst v11  }
0x6d5: {  	v11 =	vld.idx.msk [tilespmem:v10+s6+$0x0], $0xffff;
	_ =	sdelay $0x4  }
0x6d6: {  	[tilespmem:s15+$0x19C30] =	vst v11  }
0x6d7: {  	v11 =	vld.idx.msk [tilespmem:v10+s23+$0x0], $0xffff;
	_ =	sdelay $0x4  }
0x6d8: {  	[tilespmem:s15+$0x1A430] =	vst v11;
	v11 =	vld [tilespmem:s15+$0xC40];
	_ =	sdelay $0x1  }
0x6d9: {  	v10 =	vld.idx.msk [tilespmem:v10+s25+$0x0], $0xffff;
	_ =	sdelay $0x4  }
0x6da: {  	[tilespmem:s15+$0x1AC30] =	vst v10  }
0x6db: {  	v10 =	vld.idx.msk [tilespmem:v11+s24+$0x0], $0xffff;
	_ =	sdelay $0x4  }
0x6dc: {  	[tilespmem:s15+$0x17440] =	vst v10  }
0x6dd: {  	v10 =	vld.idx.msk [tilespmem:v11+s2+$0x0], $0xffff;
	_ =	sdelay $0x4  }
0x6de: {  	[tilespmem:s15+$0x17C40] =	vst v10  }
0x6df: {  	v10 =	vld.idx.msk [tilespmem:v11+s0+$0x0], $0xffff;
	_ =	sdelay $0x4  }
0x6e0: {  	[tilespmem:s15+$0x18440] =	vst v10  }
0x6e1: {  	v10 =	vld.idx.msk [tilespmem:v11+s20+$0x0], $0xffff;
	_ =	sdelay $0x4  }
0x6e2: {  	[tilespmem:s15+$0x18C40] =	vst v10  }
0x6e3: {  	v10 =	vld.idx.msk [tilespmem:v11+s4+$0x0], $0xffff;
	_ =	sdelay $0x4  }
0x6e4: {  	[tilespmem:s15+$0x19440] =	vst v10  }
0x6e5: {  	v10 =	vld.idx.msk [tilespmem:v11+s6+$0x0], $0xffff;
	_ =	sdelay $0x4  }
0x6e6: {  	[tilespmem:s15+$0x19C40] =	vst v10  }
0x6e7: {  	v10 =	vld.idx.msk [tilespmem:v11+s23+$0x0], $0xffff;
	_ =	sdelay $0x4  }
0x6e8: {  	[tilespmem:s15+$0x1A440] =	vst v10;
	v10 =	vld [tilespmem:s15+$0xC50];
	_ =	sdelay $0x1  }
0x6e9: {  	v11 =	vld.idx.msk [tilespmem:v11+s25+$0x0], $0xffff;
	_ =	sdelay $0x4  }
0x6ea: {  	[tilespmem:s15+$0x1AC40] =	vst v11  }
0x6eb: {  	v11 =	vld.idx.msk [tilespmem:v10+s24+$0x0], $0xffff;
	_ =	sdelay $0x4  }
0x6ec: {  	[tilespmem:s15+$0x17450] =	vst v11  }
0x6ed: {  	v11 =	vld.idx.msk [tilespmem:v10+s2+$0x0], $0xffff;
	_ =	sdelay $0x4  }
0x6ee: {  	[tilespmem:s15+$0x17C50] =	vst v11  }
0x6ef: {  	v11 =	vld.idx.msk [tilespmem:v10+s0+$0x0], $0xffff;
	_ =	sdelay $0x4  }
0x6f0: {  	[tilespmem:s15+$0x18450] =	vst v11  }
0x6f1: {  	v11 =	vld.idx.msk [tilespmem:v10+s20+$0x0], $0xffff;
	_ =	sdelay $0x4  }
0x6f2: {  	[tilespmem:s15+$0x18C50] =	vst v11  }
0x6f3: {  	v11 =	vld.idx.msk [tilespmem:v10+s4+$0x0], $0xffff;
	_ =	sdelay $0x4  }
0x6f4: {  	[tilespmem:s15+$0x19450] =	vst v11  }
0x6f5: {  	v11 =	vld.idx.msk [tilespmem:v10+s6+$0x0], $0xffff;
	_ =	sdelay $0x4  }
0x6f6: {  	[tilespmem:s15+$0x19C50] =	vst v11  }
0x6f7: {  	v11 =	vld.idx.msk [tilespmem:v10+s23+$0x0], $0xffff;
	_ =	sdelay $0x4  }
0x6f8: {  	[tilespmem:s15+$0x1A450] =	vst v11;
	v11 =	vld [tilespmem:s15+$0xC60];
	_ =	sdelay $0x1  }
0x6f9: {  	v10 =	vld.idx.msk [tilespmem:v10+s25+$0x0], $0xffff;
	_ =	sdelay $0x4  }
0x6fa: {  	[tilespmem:s15+$0x1AC50] =	vst v10  }
0x6fb: {  	v10 =	vld.idx.msk [tilespmem:v11+s24+$0x0], $0xffff;
	_ =	sdelay $0x4  }
0x6fc: {  	[tilespmem:s15+$0x17460] =	vst v10  }
0x6fd: {  	v10 =	vld.idx.msk [tilespmem:v11+s2+$0x0], $0xffff;
	_ =	sdelay $0x4  }
0x6fe: {  	[tilespmem:s15+$0x17C60] =	vst v10  }
0x6ff: {  	v10 =	vld.idx.msk [tilespmem:v11+s0+$0x0], $0xffff;
	_ =	sdelay $0x4  }
0x700: {  	[tilespmem:s15+$0x18460] =	vst v10  }
0x701: {  	v10 =	vld.idx.msk [tilespmem:v11+s20+$0x0], $0xffff;
	_ =	sdelay $0x4  }
0x702: {  	[tilespmem:s15+$0x18C60] =	vst v10  }
0x703: {  	v10 =	vld.idx.msk [tilespmem:v11+s4+$0x0], $0xffff;
	_ =	sdelay $0x4  }
0x704: {  	[tilespmem:s15+$0x19460] =	vst v10  }
0x705: {  	v10 =	vld.idx.msk [tilespmem:v11+s6+$0x0], $0xffff;
	_ =	sdelay $0x4  }
0x706: {  	[tilespmem:s15+$0x19C60] =	vst v10  }
0x707: {  	v10 =	vld.idx.msk [tilespmem:v11+s23+$0x0], $0xffff;
	_ =	sdelay $0x4  }
0x708: {  	[tilespmem:s15+$0x1A460] =	vst v10;
	v10 =	vld [tilespmem:s15+$0xC70];
	_ =	sdelay $0x1  }
0x709: {  	v11 =	vld.idx.msk [tilespmem:v11+s25+$0x0], $0xffff;
	_ =	sdelay $0x4  }
0x70a: {  	[tilespmem:s15+$0x1AC60] =	vst v11  }
0x70b: {  	v11 =	vld.idx.msk [tilespmem:v10+s24+$0x0], $0xffff;
	_ =	sdelay $0x4  }
0x70c: {  	[tilespmem:s15+$0x17470] =	vst v11  }
0x70d: {  	v11 =	vld.idx.msk [tilespmem:v10+s2+$0x0], $0xffff;
	_ =	sdelay $0x4  }
0x70e: {  	[tilespmem:s15+$0x17C70] =	vst v11  }
0x70f: {  	v11 =	vld.idx.msk [tilespmem:v10+s0+$0x0], $0xffff;
	_ =	sdelay $0x4  }
0x710: {  	[tilespmem:s15+$0x18470] =	vst v11  }
0x711: {  	v11 =	vld.idx.msk [tilespmem:v10+s20+$0x0], $0xffff;
	_ =	sdelay $0x4  }
0x712: {  	[tilespmem:s15+$0x18C70] =	vst v11  }
0x713: {  	v11 =	vld.idx.msk [tilespmem:v10+s4+$0x0], $0xffff;
	_ =	sdelay $0x4  }
0x714: {  	[tilespmem:s15+$0x19470] =	vst v11  }
0x715: {  	v11 =	vld.idx.msk [tilespmem:v10+s6+$0x0], $0xffff;
	_ =	sdelay $0x4  }
0x716: {  	[tilespmem:s15+$0x19C70] =	vst v11  }
0x717: {  	v11 =	vld.idx.msk [tilespmem:v10+s23+$0x0], $0xffff;
	_ =	sdelay $0x4  }
0x718: {  	[tilespmem:s15+$0x1A470] =	vst v11  }
0x719: {  	v10 =	vld.idx.msk [tilespmem:v10+s25+$0x0], $0xffff;
	_ =	sdelay $0x4  }
0x71a: {  	s1 =	sadd.s32 s10, s17;
	s3 =	simm.s32 $0x17400;
	[tilespmem:s15+$0x1AC70] =	vst v10  }
0x71b: {  	[hbm4b:s1+s31] =	stream.strided.scatter [tilespmem:s3], [sflag:$0x2], $0x800, s28, s31, $0x38;
	[tilespmem:$0x1B400] =	vst v63  }
0x71c: {  	s14 =	sadd.s32 $0x2000, s1;
	s15 =	simm.s32 $0x17C00  }
0x71d: {  	[hbm4b:s14+s31] =	stream.strided.scatter [tilespmem:s15], [sflag:$0x2], $0x800, s28, s31, $0x38;
	[tilespmem:$0x1B400] =	vst v63  }
0x71e: {  	s10 =	sadd.s32 $0x4000, s1;
	s11 =	simm.s32 $0x18400  }
0x71f: {  	[hbm4b:s10+s31] =	stream.strided.scatter [tilespmem:s11], [sflag:$0x2], $0x800, s28, s31, $0x38;
	[tilespmem:$0x1B400] =	vst v63  }
0x720: {  	s14 =	sadd.s32 $0x6000, s1;
	s15 =	simm.s32 $0x18C00  }
0x721: {  	[hbm4b:s14+s31] =	stream.strided.scatter [tilespmem:s15], [sflag:$0x2], $0x800, s28, s31, $0x38;
	[tilespmem:$0x1B400] =	vst v63  }
0x722: {  	s9 =	sadd.s32 $0x1, s9;
	s10 =	sadd.s32 $0x8000, s1;
	s11 =	simm.s32 $0x19400  }
0x723: {  	[hbm4b:s10+s31] =	stream.strided.scatter [tilespmem:s11], [sflag:$0x2], $0x800, s28, s31, $0x38;
	[tilespmem:$0x1B400] =	vst v63  }
0x724: {  	p0 =	sne.s32 s9, $0x10;
	s14 =	sadd.s32 $0xA000, s1;
	s15 =	simm.s32 $0x19C00  }
0x725: {  	[hbm4b:s14+s31] =	stream.strided.scatter [tilespmem:s15], [sflag:$0x2], $0x800, s28, s31, $0x38;
	[tilespmem:$0x1B400] =	vst v63  }
.Ltmp7:
0x726: {  	_ = 	snop;
	(pc) =	sbr.rel @p0 .LBB2_12-.Ltmp7, $4  }
0x727: {  	s11 =	sadd.s32 $0xC000, s1;
	s14 =	simm.s32 $0x1A400  }
0x728: {  	[hbm4b:s11+s31] =	stream.strided.scatter [tilespmem:s14], [sflag:$0x2], $0x800, s28, s31, $0x38;
	[tilespmem:$0x1B400] =	vst v63  }
0x729: {  	s1 =	sadd.s32 $0xE000, s1;
	s15 =	simm.s32 $0x1AC00  }
0x72a: {  	[hbm4b:s1+s31] =	stream.strided.scatter [tilespmem:s15], [sflag:$0x2], $0x800, s28, s31, $0x38;
	[tilespmem:$0x1B400] =	vst v63  }
0x72b: {  	_ =	swait.ge [sflag:s5], $0x4000  }
0x72c: {  	[sflag:s5] =	ssyncset.done $0x0  }
0x72d: {  	[sflag:s5] =	ssyncadd.s32 $0xFFFFC000  }
0x72e: {  	_ =	swait.ge [sflag:s8], $0x4000  }
0x72f: {  	s3 =	rddreg [dreg:$0xf]  }
0x730: {  	s1 =	rddreg [dreg:$0xe];
	s3 =	sadd.s32 $0x1, s3  }
0x731: {  	p0 =	sne.s32 s3, s1  }
.Ltmp8:
0x732: {  	_ = 	snop;
	(pc) =	sbr.rel @p0 .LBB2_1-.Ltmp8, $3  }
0x733: {  	_ =	sdelay $0x1  }
0x734: {  	[sflag:s8] =	ssyncset.done $0x0  }
0x735: {  	[sflag:s8] =	ssyncadd.s32 $0xFFFFC000  }
0x736: {  	_ =	sfence.sel $0x180000  }
0x737: {  	[bflag:$0x0] =	sbarrier.arrive $0xFFFF  }
0x738: {  	_ =	strace $0x90000047  }
0x739: {  	s0 =	stileid.u32;
	[bflag:$0x2] =	sbarrier.arrive $0xFFFF  }
0x73a: {  	p0 =	sne.s32 s0, $0x0;
	s0 =	rddreg [dreg:$0x3]  }
0x73b: {  	s0 =	sadd.s32 @!p0 $0x100000, s0  }
0x73c: {  	[sflag:s0] =	ssyncadd.tile.s32 @!p0 $0x1;
	_ =	shalt  }
.Lfunc_end2:
_tile_overlayer_lowered:
.L_overlay_start_2:
0x73d: {  	(tag) =	ssettag $0x2  }
0x73e: {  	s0 =	rddreg [dreg:$0x0];
	s2 =	stileid.u32  }
0x73f: {  	s1 =	rddreg [dreg:$0x1];
	p0 =	sne.s32 s2, $0x0  }
0x740: {  	s3 =	rddreg [dreg:$0x2];
	[bflag:$0x3] =	sbarrier.arrive $0xFFFF;
	s2 =	simm.s32 @!p0 $0x1C03  }
0x741: {  	[timem:s3], [sflag:s2] =	dma.local @!p0 [hbm:s0], s1  }
0x742: {  	s0 =	simm.s32 @!p0 $0x3  }
0x743: {  	_ =	swait.ge @!p0 [sflag:s0], s1  }
0x744: {  	s1 =	ssub.s32 @!p0 $0x0, s1;
	[sflag:s0] =	ssyncset.done @!p0 $0x0  }
0x745: {  	[sflag:s0] =	ssyncadd.s32 @!p0 s1  }
0x746: {  	[bflag:$0x3] =	sbarrier.arrive $0xFFFF  }
0x747: {  	_ =	shalt  }

</sc_bundles>
